<compile_context>
chip_gen: v7x
topology: tpu7x:2x2x1
jax: 0.10.2.dev20260603
libtpu: 0.0.44.dev20260713+nightly
codegen_flags: <defaults>
</compile_context>

<pallas_src>
import functools

import jax
import jax.numpy as jnp
from jax import lax
from jax.experimental import pallas as pl
from jax.experimental.pallas import tpu as pltpu
from jax.experimental.pallas import tpu_sc as plsc

N = 10000
E = 320000
D = 128
NW = 32
CPW = D // NW
SLICE = CPW * N
CH = 1600
NCHUNK = E // CH



def _sm_group(hbuf, accs, pe, w16):
    s16 = pe & 0x3FFF
    d16 = lax.shift_right_logical(pe, 14)
    vs = []
    for c in range(CPW):
        hv = plsc.load_gather(hbuf, [s16 + c * N])
        vs.append(hv * w16)
    cnt, _ = plsc.scan_count(d16)
    dup = jnp.max(cnt) - jnp.min(cnt)
    for c in range(CPW):
        cur = plsc.load_gather(accs[c], [d16])
        plsc.store_scatter(accs[c], [d16], jnp.maximum(cur, vs[c]))
    return dup, d16, vs


def _sm_repair(accs, d16, vs):
    for c in range(CPW):
        acc = accs[c]
        v = vs[c]

        def _cond(st):
            return st > 0

        def _body(st, _acc=acc, _v=v):
            cur = plsc.load_gather(_acc, [d16])
            pend = _v > cur
            plsc.store_scatter(_acc, [d16], _v, mask=pend)
            chk = plsc.load_gather(_acc, [d16])
            return jnp.max((_v > chk).astype(jnp.int32))

        lax.while_loop(_cond, _body, jnp.int32(1))


def _segmax_body(h_hbm, pe_hbm, ew_hbm, out_hbm,
                 hbuf, c0e, c1e, c2e, c3e, c0o, c1o, c2o, c3o,
                 pebuf0, pebuf1, ewbuf0, ewbuf1,
                 sem0, sem1):
    wid = lax.axis_index("s") * 2 + lax.axis_index("c")
    base = wid * SLICE
    sems = (sem0, sem1)
    pebufs = (pebuf0, pebuf1)
    ewbufs = (ewbuf0, ewbuf1)
    acc_e = (c0e, c1e, c2e, c3e)
    acc_o = (c0o, c1o, c2o, c3o)

    pltpu.sync_copy(h_hbm.at[pl.ds(base, SLICE)], hbuf)

    def _zero(i, carry):
        sl = pl.ds(i * 16, 16)
        z = jnp.zeros((16,), jnp.float32)
        for r in acc_e + acc_o:
            r[sl] = z
        return carry

    lax.fori_loop(0, N // 16, _zero, 0)

    for par in (0, 1):
        pltpu.async_copy(pe_hbm.at[pl.ds(par * CH, CH)], pebufs[par],
                         sems[par])
        pltpu.async_copy(ew_hbm.at[pl.ds(par * CH, CH)], ewbufs[par],
                         sems[par])

    def _chunk(t, carry):
        for par in (0, 1):
            tc = 2 * t + par
            off = tc * CH
            pltpu.make_async_copy(pe_hbm.at[pl.ds(off, CH)], pebufs[par],
                                  sems[par]).wait()
            pltpu.make_async_copy(ew_hbm.at[pl.ds(off, CH)], ewbufs[par],
                                  sems[par]).wait()

            def _pair(g, gcarry):
                pend = gcarry[0]
                d0p, d1p = gcarry[1], gcarry[2]
                vsp = gcarry[3]
                b = g * 32
                pe0 = pebufs[par][pl.ds(b, 16)]
                w0 = ewbufs[par][pl.ds(b, 16)]
                pe1 = pebufs[par][pl.ds(b + 16, 16)]
                w1 = ewbufs[par][pl.ds(b + 16, 16)]
                dup0, d0, vs0 = _sm_group(hbuf, acc_e, pe0, w0)
                dup1, d1, vs1 = _sm_group(hbuf, acc_o, pe1, w1)

                def _slow():
                    _sm_repair(acc_e, d0p, vsp[:4])
                    _sm_repair(acc_o, d1p, vsp[4:])

                lax.cond(pend > 0, _slow, lambda: None)
                return (dup0 + dup1, d0, d1, tuple(vs0) + tuple(vs1))

            zv = jnp.zeros((16,), jnp.float32)
            zi = jnp.zeros((16,), jnp.int32)
            fc = lax.fori_loop(0, CH // 32, _pair,
                               (jnp.int32(0), zi, zi, (zv,) * 8))

            def _slow_tail():
                _sm_repair(acc_e, fc[1], fc[3][:4])
                _sm_repair(acc_o, fc[2], fc[3][4:])

            lax.cond(fc[0] > 0, _slow_tail, lambda: None)

            @pl.when(tc + 2 < NCHUNK)
            def _():
                noff = (tc + 2) * CH
                pltpu.async_copy(pe_hbm.at[pl.ds(noff, CH)], pebufs[par],
                                 sems[par])
                pltpu.async_copy(ew_hbm.at[pl.ds(noff, CH)], ewbufs[par],
                                 sems[par])
        return carry

    lax.fori_loop(0, NCHUNK // 2, _chunk, 0)

    def _merge(i, carry):
        sl = pl.ds(i * 16, 16)
        for e, o in zip(acc_e, acc_o):
            e[sl] = jnp.maximum(e[sl], o[sl])
        return carry

    lax.fori_loop(0, N // 16, _merge, 0)
    for c in range(CPW):
        pltpu.sync_copy(acc_e[c], out_hbm.at[pl.ds(base + c * N, N)])


_segmax = functools.partial(
    pl.kernel,
    mesh=plsc.VectorSubcoreMesh(core_axis_name="c", subcore_axis_name="s"),
    out_type=jax.ShapeDtypeStruct((D * N,), jnp.float32),
    scratch_types=[
        pltpu.VMEM((SLICE,), jnp.float32),
        pltpu.VMEM((N,), jnp.float32),
        pltpu.VMEM((N,), jnp.float32),
        pltpu.VMEM((N,), jnp.float32),
        pltpu.VMEM((N,), jnp.float32),
        pltpu.VMEM((N,), jnp.float32),
        pltpu.VMEM((N,), jnp.float32),
        pltpu.VMEM((N,), jnp.float32),
        pltpu.VMEM((N,), jnp.float32),
        pltpu.VMEM((CH,), jnp.int32),
        pltpu.VMEM((CH,), jnp.int32),
        pltpu.VMEM((CH,), jnp.float32),
        pltpu.VMEM((CH,), jnp.float32),
        pltpu.SemaphoreType.DMA,
        pltpu.SemaphoreType.DMA,
    ],
    compiler_params=pltpu.CompilerParams(needs_layout_passes=False),
)(_segmax_body)


def _pack_body(z_ref, pe_ref):
    pe_ref[...] = z_ref[0:1, :] | lax.shift_left(z_ref[1:2, :], 14)


def _pack_edges(z):
    return pl.pallas_call(
        _pack_body,
        in_specs=[pl.BlockSpec((2, E), lambda: (0, 0))],
        out_specs=pl.BlockSpec((1, E), lambda: (0, 0)),
        out_shape=jax.ShapeDtypeStruct((1, E), jnp.int32),
    )(z).reshape(E)



BN = 1280


def _pre1_body(x_ref, wp_ref, bp_ref, ws_ref, b_ref, h_ref, s_ref):
    x = x_ref[...]
    h = lax.dot_general(wp_ref[...], x, (((0,), (1,)), ((), ())),
                        preferred_element_type=jnp.float32)
    h_ref[...] = jnp.maximum(h + bp_ref[...], 0.0)
    s = lax.dot_general(ws_ref[...], x, (((0,), (1,)), ((), ())),
                        preferred_element_type=jnp.float32)
    s_ref[...] = s + b_ref[...]


def _pre_body(x_ref, wp_ref, bp_ref, ws_ref, b_ref, h_ref, s_ref):
    x = x_ref[...]
    h = lax.dot_general(wp_ref[...], x, (((0,), (0,)), ((), ())),
                        preferred_element_type=jnp.float32)
    h_ref[...] = jnp.maximum(h + bp_ref[...], 0.0)
    s = lax.dot_general(ws_ref[...], x, (((0,), (0,)), ((), ())),
                        preferred_element_type=jnp.float32)
    s_ref[...] = s + b_ref[...]


def _tc_pre(x, wp, bp_col, ws, b_col, first):
    body = _pre1_body if first else _pre_body
    in_spec = (pl.BlockSpec((BN, D), lambda i: (i, 0)) if first
               else pl.BlockSpec((D, BN), lambda i: (0, i)))
    return pl.pallas_call(
        body,
        grid=(-(-N // BN),),
        in_specs=[
            in_spec,
            pl.BlockSpec((D, D), lambda i: (0, 0)),
            pl.BlockSpec((D, 1), lambda i: (0, 0)),
            pl.BlockSpec((D, D), lambda i: (0, 0)),
            pl.BlockSpec((D, 1), lambda i: (0, 0)),
        ],
        out_specs=[
            pl.BlockSpec((D, BN), lambda i: (0, i)),
            pl.BlockSpec((D, BN), lambda i: (0, i)),
        ],
        out_shape=[
            jax.ShapeDtypeStruct((D, N), jnp.float32),
            jax.ShapeDtypeStruct((D, N), jnp.float32),
        ],
    )(x, wp, bp_col, ws, b_col)


def _mid_body(s_ref, n_ref, wn_ref, wp_ref, bp_ref, ws_ref, b_ref,
              h_ref, s2_ref):
    m = lax.dot_general(wn_ref[...], n_ref[...], (((0,), (0,)), ((), ())),
                        preferred_element_type=jnp.float32)
    x = jnp.maximum(s_ref[...] + m, 0.0)
    h = lax.dot_general(wp_ref[...], x, (((0,), (0,)), ((), ())),
                        preferred_element_type=jnp.float32)
    h_ref[...] = jnp.maximum(h + bp_ref[...], 0.0)
    s2 = lax.dot_general(ws_ref[...], x, (((0,), (0,)), ((), ())),
                         preferred_element_type=jnp.float32)
    s2_ref[...] = s2 + b_ref[...]


def _tc_mid(s_t, neigh_t, wn, wp, bp_col, ws, b_col):
    return pl.pallas_call(
        _mid_body,
        grid=(-(-N // BN),),
        in_specs=[
            pl.BlockSpec((D, BN), lambda i: (0, i)),
            pl.BlockSpec((D, BN), lambda i: (0, i)),
            pl.BlockSpec((D, D), lambda i: (0, 0)),
            pl.BlockSpec((D, D), lambda i: (0, 0)),
            pl.BlockSpec((D, 1), lambda i: (0, 0)),
            pl.BlockSpec((D, D), lambda i: (0, 0)),
            pl.BlockSpec((D, 1), lambda i: (0, 0)),
        ],
        out_specs=[
            pl.BlockSpec((D, BN), lambda i: (0, i)),
            pl.BlockSpec((D, BN), lambda i: (0, i)),
        ],
        out_shape=[
            jax.ShapeDtypeStruct((D, N), jnp.float32),
            jax.ShapeDtypeStruct((D, N), jnp.float32),
        ],
    )(s_t, neigh_t, wn, wp, bp_col, ws, b_col)


def _post_body(s_ref, n_ref, wn_ref, o_ref):
    m = lax.dot_general(wn_ref[...], n_ref[...], (((0,), (0,)), ((), ())),
                        preferred_element_type=jnp.float32)
    o_ref[...] = jnp.maximum(s_ref[...] + m, 0.0)


def _tc_post(s_t, neigh_t, wn):
    return pl.pallas_call(
        _post_body,
        grid=(-(-N // BN),),
        in_specs=[
            pl.BlockSpec((D, BN), lambda i: (0, i)),
            pl.BlockSpec((D, BN), lambda i: (0, i)),
            pl.BlockSpec((D, D), lambda i: (0, 0)),
        ],
        out_specs=pl.BlockSpec((D, BN), lambda i: (0, i)),
        out_shape=jax.ShapeDtypeStruct((D, N), jnp.float32),
    )(s_t, neigh_t, wn)


BF = 1280


def _final_body(xi_ref, xj_ref, adj_ref, hd_ref):
    a = xi_ref[...]
    bb = xj_ref[...]
    adj_ref[...] = lax.dot_general(a, bb, (((0,), (0,)), ((), ())),
                                   preferred_element_type=jnp.float32)

    @pl.when(pl.program_id(1) == 0)
    def _():
        hd_ref[...] = a.T


def _tc_final(x_t):
    return pl.pallas_call(
        _final_body,
        grid=(-(-N // BF), -(-N // BF)),
        in_specs=[
            pl.BlockSpec((D, BF), lambda i, j: (0, i)),
            pl.BlockSpec((D, BF), lambda i, j: (0, j)),
        ],
        out_specs=[
            pl.BlockSpec((BF, BF), lambda i, j: (i, j)),
            pl.BlockSpec((BF, D), lambda i, j: (i, 0)),
        ],
        out_shape=[
            jax.ShapeDtypeStruct((N, N), jnp.float32),
            jax.ShapeDtypeStruct((N, D), jnp.float32),
        ],
    )(x_t, x_t)




def kernel(z, feat, edge_weight,
           Wp1, bp1, Ws1, Wn1, b1,
           Wp2, bp2, Ws2, Wn2, b2,
           Wp3, bp3, Ws3, Wn3, b3):
    pe = _pack_edges(z)
    h_t, s_t = _tc_pre(feat, Wp1, bp1.reshape(D, 1), Ws1, b1.reshape(D, 1),
                       first=True)
    n_t = _segmax(h_t.reshape(-1), pe, edge_weight).reshape(D, N)
    for wn, wp, bp, ws, b in ((Wn1, Wp2, bp2, Ws2, b2),
                              (Wn2, Wp3, bp3, Ws3, b3)):
        h_t, s_t = _tc_mid(s_t, n_t, wn, wp, bp.reshape(D, 1), ws,
                           b.reshape(D, 1))
        n_t = _segmax(h_t.reshape(-1), pe, edge_weight).reshape(D, N)
    x = _tc_post(s_t, n_t, Wn3)
    adj, hd = _tc_final(x)
    return (hd, adj)

# --- scband reference (transcript-rebuilt; emitter-appended) ---
"""Pipeline reference for scband-graph-decoder-56659208568899 (READ-ONLY COPY).

The authoritative reference and input builder live on the scoring server;
editing this copy changes nothing except your own understanding.
"""

import jax, jax.numpy as jnp
import numpy as np

N = 10000
E = 320000
D = 128  # in_channels = out_channels = hidden_channels*2 = 128


def _glorot(key, shape):
    return jax.random.normal(key, shape, dtype=jnp.float32) / np.sqrt(shape[0])


def setup_inputs(seed: int = 0) -> dict:
    key = jax.random.key(seed)
    ks = jax.random.split(key, 16)
    inp = {}
    inp["z"] = jax.random.randint(ks[0], (2, E), 0, N, dtype=jnp.int32)
    inp["feat"] = jax.random.normal(ks[1], (N, D), dtype=jnp.float32)
    inp["edge_weight"] = jax.random.uniform(ks[2], (E,), dtype=jnp.float32)
    idx = 3
    for layer in (1, 2, 3):
        inp[f"Wp{layer}"] = _glorot(ks[idx], (D, D)); idx += 1
        inp[f"bp{layer}"] = jnp.zeros((D,), jnp.float32)
        inp[f"Ws{layer}"] = _glorot(ks[idx], (D, D)); idx += 1
        inp[f"Wn{layer}"] = _glorot(ks[idx], (D, D)); idx += 1
        inp[f"b{layer}"] = jnp.zeros((D,), jnp.float32)
    return inp


def _sage_pool(edge_index, x, ew, Wp, bp, Ws, Wn, b):
    # DGL SAGEConv aggregator_type='pool' with edge_weight:
    #   h_src = relu(fc_pool(x));  m_e = h_src[src] * w_e;  neigh = max over in-edges;
    #   out = fc_self(x) + fc_neigh(neigh) + bias
    src = edge_index[0]
    dst = edge_index[1]
    h = jax.nn.relu(x @ Wp + bp)
    m = h[src] * ew[:, None]
    neigh = jax.ops.segment_max(m, dst, num_segments=x.shape[0])
    neigh = jnp.where(jnp.isfinite(neigh), neigh, 0.0)  # isolated nodes -> 0 (DGL semantics)
    return x @ Ws + neigh @ Wn + b


def reference(z, feat, edge_weight,
              Wp1, bp1, Ws1, Wn1, b1,
              Wp2, bp2, Ws2, Wn2, b2,
              Wp3, bp3, Ws3, Wn3, b3):
    hd = jax.nn.relu(_sage_pool(z, feat, edge_weight, Wp1, bp1, Ws1, Wn1, b1))
    hd = jax.nn.relu(_sage_pool(z, hd, edge_weight, Wp2, bp2, Ws2, Wn2, b2))
    hd = jax.nn.relu(_sage_pool(z, hd, edge_weight, Wp3, bp3, Ws3, Wn3, b3))
    adj_rec = hd @ hd.T
    return (hd, adj_rec)

if __name__ == "__main__":
    import jax
    _d = setup_inputs()
    print(jax.jit(kernel)(*tuple(_d.values())))

</pallas_src>

<mosaic_0001>
#map = affine_map<(d0, d1) -> (0)>
module attributes {stable_mosaic.version = 14 : i64} {
  func.func @_segmax_body(%arg0: i32, %arg1: i32, %arg2: memref<1280000xf32, #tpu.memory_space<hbm>>, %arg3: memref<320000xi32, #tpu.memory_space<hbm>>, %arg4: memref<320000xf32, #tpu.memory_space<hbm>>, %arg5: memref<1280000xf32, #tpu.memory_space<hbm>>, %arg6: memref<40000xf32, #tpu.memory_space<vmem>>, %arg7: memref<10000xf32, #tpu.memory_space<vmem>>, %arg8: memref<10000xf32, #tpu.memory_space<vmem>>, %arg9: memref<10000xf32, #tpu.memory_space<vmem>>, %arg10: memref<10000xf32, #tpu.memory_space<vmem>>, %arg11: memref<10000xf32, #tpu.memory_space<vmem>>, %arg12: memref<10000xf32, #tpu.memory_space<vmem>>, %arg13: memref<10000xf32, #tpu.memory_space<vmem>>, %arg14: memref<10000xf32, #tpu.memory_space<vmem>>, %arg15: memref<1600xi32, #tpu.memory_space<vmem>>, %arg16: memref<1600xi32, #tpu.memory_space<vmem>>, %arg17: memref<1600xf32, #tpu.memory_space<vmem>>, %arg18: memref<1600xf32, #tpu.memory_space<vmem>>, %arg19: memref<!tpu.dma_semaphore, #tpu.memory_space<semaphore_mem>>, %arg20: memref<!tpu.dma_semaphore, #tpu.memory_space<semaphore_mem>>) attributes {dimension_semantics = [#tpu.dimension_semantics<core_parallel>, #tpu.dimension_semantics<subcore_parallel>], iteration_bounds = array<i64: 2, 16>, scalar_prefetch = 0 : i64, scratch_operands = 15 : i64, tpu.core_type = #tpu.core_type<sc_vector_subcore>, window_params = [{transform_indices = #map}, {transform_indices = #map}, {transform_indices = #map}, {transform_indices = #map}]} {
    %mul3A = arith.constant 2 : i32
    %mul3A_0 = arith.muli %arg1, %mul3A : i32
    %add3A = arith.addi %mul3A_0, %arg0 : i32
    %mul3A_1 = arith.constant 40000 : i32
    %mul3A_2 = arith.muli %add3A, %mul3A_1 : i32
    "tpu.region"() ({
      %run_scoped3A = tpu.sem_alloc : memref<!tpu.dma_semaphore, #tpu.memory_space<semaphore_mem>>
      %dma_start3A_43 = tpu.memref_slice %arg2[%mul3A_2] : memref<1280000xf32, #tpu.memory_space<hbm>> -> memref<40000xf32, #tpu.memory_space<hbm>>
      %dma_start3A_44 = tpu.memref_slice %arg2[%mul3A_2] : memref<1280000xf32, #tpu.memory_space<hbm>> -> memref<40000xf32, #tpu.memory_space<hbm>>
      tpu.enqueue_dma source(%dma_start3A_44 : memref<40000xf32, #tpu.memory_space<hbm>>) target(%arg6 : memref<40000xf32, #tpu.memory_space<vmem>>) target_semaphore(%run_scoped3A : memref<!tpu.dma_semaphore, #tpu.memory_space<semaphore_mem>>)
      %dma_wait3A = tpu.memref_slice %arg2[%mul3A_2] : memref<1280000xf32, #tpu.memory_space<hbm>> -> memref<40000xf32, #tpu.memory_space<hbm>>
      %dma_wait3A_45 = tpu.memref_slice %arg2[%mul3A_2] : memref<1280000xf32, #tpu.memory_space<hbm>> -> memref<40000xf32, #tpu.memory_space<hbm>>
      tpu.wait_dma2 semaphore(%run_scoped3A : memref<!tpu.dma_semaphore, #tpu.memory_space<semaphore_mem>>) src(%dma_wait3A_45 : memref<40000xf32, #tpu.memory_space<hbm>>) dst(%arg6 : memref<40000xf32, #tpu.memory_space<vmem>>)
      tpu.yield
    }) : () -> ()
    %scan3A = arith.constant 0 : i32
    %scan3A_3 = arith.constant 0 : i32
    %scan3A_4 = arith.constant 625 : i32
    %scan3A_5 = arith.addi %scan3A_3, %scan3A_4 : i32
    %scan3A_6 = arith.constant 1 : i32
    scf.for %scan3A_43 = %scan3A_3 to %scan3A_5 step %scan3A_6  : i32 {
      %mul3A_44 = arith.constant 16 : i32
      %mul3A_45 = arith.muli %scan3A_43, %mul3A_44 : i32
      %broadcast_in_dim3A = arith.constant 0.000000e+00 : f32
      %broadcast_in_dim3A_46 = vector.broadcast %broadcast_in_dim3A : f32 to vector<16xf32>
      %swap3A = arith.index_cast %mul3A_45 : i32 to index
      %swap3A_47 = tpu.vector_load %arg7[%swap3A] {strides = array<i32>} : memref<10000xf32, #tpu.memory_space<vmem>>, vector<16xf32>,
      tpu.vector_store %arg7[%swap3A], %broadcast_in_dim3A_46 {strides = array<i32>} : memref<10000xf32, #tpu.memory_space<vmem>>, vector<16xf32>,
      %swap3A_48 = arith.index_cast %mul3A_45 : i32 to index
      %swap3A_49 = tpu.vector_load %arg8[%swap3A_48] {strides = array<i32>} : memref<10000xf32, #tpu.memory_space<vmem>>, vector<16xf32>,
      tpu.vector_store %arg8[%swap3A_48], %broadcast_in_dim3A_46 {strides = array<i32>} : memref<10000xf32, #tpu.memory_space<vmem>>, vector<16xf32>,
      %swap3A_50 = arith.index_cast %mul3A_45 : i32 to index
      %swap3A_51 = tpu.vector_load %arg9[%swap3A_50] {strides = array<i32>} : memref<10000xf32, #tpu.memory_space<vmem>>, vector<16xf32>,
      tpu.vector_store %arg9[%swap3A_50], %broadcast_in_dim3A_46 {strides = array<i32>} : memref<10000xf32, #tpu.memory_space<vmem>>, vector<16xf32>,
      %swap3A_52 = arith.index_cast %mul3A_45 : i32 to index
      %swap3A_53 = tpu.vector_load %arg10[%swap3A_52] {strides = array<i32>} : memref<10000xf32, #tpu.memory_space<vmem>>, vector<16xf32>,
      tpu.vector_store %arg10[%swap3A_52], %broadcast_in_dim3A_46 {strides = array<i32>} : memref<10000xf32, #tpu.memory_space<vmem>>, vector<16xf32>,
      %swap3A_54 = arith.index_cast %mul3A_45 : i32 to index
      %swap3A_55 = tpu.vector_load %arg11[%swap3A_54] {strides = array<i32>} : memref<10000xf32, #tpu.memory_space<vmem>>, vector<16xf32>,
      tpu.vector_store %arg11[%swap3A_54], %broadcast_in_dim3A_46 {strides = array<i32>} : memref<10000xf32, #tpu.memory_space<vmem>>, vector<16xf32>,
      %swap3A_56 = arith.index_cast %mul3A_45 : i32 to index
      %swap3A_57 = tpu.vector_load %arg12[%swap3A_56] {strides = array<i32>} : memref<10000xf32, #tpu.memory_space<vmem>>, vector<16xf32>,
      tpu.vector_store %arg12[%swap3A_56], %broadcast_in_dim3A_46 {strides = array<i32>} : memref<10000xf32, #tpu.memory_space<vmem>>, vector<16xf32>,
      %swap3A_58 = arith.index_cast %mul3A_45 : i32 to index
      %swap3A_59 = tpu.vector_load %arg13[%swap3A_58] {strides = array<i32>} : memref<10000xf32, #tpu.memory_space<vmem>>, vector<16xf32>,
      tpu.vector_store %arg13[%swap3A_58], %broadcast_in_dim3A_46 {strides = array<i32>} : memref<10000xf32, #tpu.memory_space<vmem>>, vector<16xf32>,
      %swap3A_60 = arith.index_cast %mul3A_45 : i32 to index
      %swap3A_61 = tpu.vector_load %arg14[%swap3A_60] {strides = array<i32>} : memref<10000xf32, #tpu.memory_space<vmem>>, vector<16xf32>,
      tpu.vector_store %arg14[%swap3A_60], %broadcast_in_dim3A_46 {strides = array<i32>} : memref<10000xf32, #tpu.memory_space<vmem>>, vector<16xf32>,
    }
    %scan3A_7 = arith.constant 625 : i32
    %dma_start3A = arith.constant 0 : i32
    %dma_start3A_8 = tpu.memref_slice %arg3[%dma_start3A] : memref<320000xi32, #tpu.memory_space<hbm>> -> memref<1600xi32, #tpu.memory_space<hbm>>
    %dma_start3A_9 = arith.constant 0 : i32
    %dma_start3A_10 = tpu.memref_slice %arg3[%dma_start3A_9] : memref<320000xi32, #tpu.memory_space<hbm>> -> memref<1600xi32, #tpu.memory_space<hbm>>
    tpu.enqueue_dma source(%dma_start3A_10 : memref<1600xi32, #tpu.memory_space<hbm>>) target(%arg15 : memref<1600xi32, #tpu.memory_space<vmem>>) target_semaphore(%arg19 : memref<!tpu.dma_semaphore, #tpu.memory_space<semaphore_mem>>)
    %dma_start3A_11 = arith.constant 0 : i32
    %dma_start3A_12 = tpu.memref_slice %arg4[%dma_start3A_11] : memref<320000xf32, #tpu.memory_space<hbm>> -> memref<1600xf32, #tpu.memory_space<hbm>>
    %dma_start3A_13 = arith.constant 0 : i32
    %dma_start3A_14 = tpu.memref_slice %arg4[%dma_start3A_13] : memref<320000xf32, #tpu.memory_space<hbm>> -> memref<1600xf32, #tpu.memory_space<hbm>>
    tpu.enqueue_dma source(%dma_start3A_14 : memref<1600xf32, #tpu.memory_space<hbm>>) target(%arg17 : memref<1600xf32, #tpu.memory_space<vmem>>) target_semaphore(%arg19 : memref<!tpu.dma_semaphore, #tpu.memory_space<semaphore_mem>>)
    %dma_start3A_15 = arith.constant 1600 : i32
    %dma_start3A_16 = tpu.memref_slice %arg3[%dma_start3A_15] : memref<320000xi32, #tpu.memory_space<hbm>> -> memref<1600xi32, #tpu.memory_space<hbm>>
    %dma_start3A_17 = arith.constant 1600 : i32
    %dma_start3A_18 = tpu.memref_slice %arg3[%dma_start3A_17] : memref<320000xi32, #tpu.memory_space<hbm>> -> memref<1600xi32, #tpu.memory_space<hbm>>
    tpu.enqueue_dma source(%dma_start3A_18 : memref<1600xi32, #tpu.memory_space<hbm>>) target(%arg16 : memref<1600xi32, #tpu.memory_space<vmem>>) target_semaphore(%arg20 : memref<!tpu.dma_semaphore, #tpu.memory_space<semaphore_mem>>)
    %dma_start3A_19 = arith.constant 1600 : i32
    %dma_start3A_20 = tpu.memref_slice %arg4[%dma_start3A_19] : memref<320000xf32, #tpu.memory_space<hbm>> -> memref<1600xf32, #tpu.memory_space<hbm>>
    %dma_start3A_21 = arith.constant 1600 : i32
    %dma_start3A_22 = tpu.memref_slice %arg4[%dma_start3A_21] : memref<320000xf32, #tpu.memory_space<hbm>> -> memref<1600xf32, #tpu.memory_space<hbm>>
    tpu.enqueue_dma source(%dma_start3A_22 : memref<1600xf32, #tpu.memory_space<hbm>>) target(%arg18 : memref<1600xf32, #tpu.memory_space<vmem>>) target_semaphore(%arg20 : memref<!tpu.dma_semaphore, #tpu.memory_space<semaphore_mem>>)
    %scan3A_23 = arith.constant 0 : i32
    %scan3A_24 = arith.constant 0 : i32
    %scan3A_25 = arith.constant 100 : i32
    %scan3A_26 = arith.addi %scan3A_24, %scan3A_25 : i32
    %scan3A_27 = arith.constant 1 : i32
    scf.for %scan3A_43 = %scan3A_24 to %scan3A_26 step %scan3A_27  : i32 {
      %mul3A_44 = arith.constant 2 : i32
      %mul3A_45 = arith.muli %mul3A_44, %scan3A_43 : i32
      %add3A_46 = arith.constant 0 : i32
      %add3A_47 = arith.addi %mul3A_45, %add3A_46 : i32
      %mul3A_48 = arith.constant 1600 : i32
      %mul3A_49 = arith.muli %add3A_47, %mul3A_48 : i32
      %dma_wait3A = tpu.memref_slice %arg3[%mul3A_49] : memref<320000xi32, #tpu.memory_space<hbm>> -> memref<1600xi32, #tpu.memory_space<hbm>>
      %dma_wait3A_50 = tpu.memref_slice %arg3[%mul3A_49] : memref<320000xi32, #tpu.memory_space<hbm>> -> memref<1600xi32, #tpu.memory_space<hbm>>
      tpu.wait_dma2 semaphore(%arg19 : memref<!tpu.dma_semaphore, #tpu.memory_space<semaphore_mem>>) src(%dma_wait3A_50 : memref<1600xi32, #tpu.memory_space<hbm>>) dst(%arg15 : memref<1600xi32, #tpu.memory_space<vmem>>)
      %dma_wait3A_51 = tpu.memref_slice %arg4[%mul3A_49] : memref<320000xf32, #tpu.memory_space<hbm>> -> memref<1600xf32, #tpu.memory_space<hbm>>
      %dma_wait3A_52 = tpu.memref_slice %arg4[%mul3A_49] : memref<320000xf32, #tpu.memory_space<hbm>> -> memref<1600xf32, #tpu.memory_space<hbm>>
      tpu.wait_dma2 semaphore(%arg19 : memref<!tpu.dma_semaphore, #tpu.memory_space<semaphore_mem>>) src(%dma_wait3A_52 : memref<1600xf32, #tpu.memory_space<hbm>>) dst(%arg17 : memref<1600xf32, #tpu.memory_space<vmem>>)
      %broadcast_in_dim3A = arith.constant 0.000000e+00 : f32
      %broadcast_in_dim3A_53 = vector.broadcast %broadcast_in_dim3A : f32 to vector<16xf32>
      %broadcast_in_dim3A_54 = arith.constant 0 : i32
      %broadcast_in_dim3A_55 = vector.broadcast %broadcast_in_dim3A_54 : i32 to vector<16xi32>
      %scan3A_56 = arith.constant 0 : i32
      %scan3A_57 = arith.constant 0 : i32
      %scan3A_58 = arith.constant 50 : i32
      %scan3A_59 = arith.addi %scan3A_57, %scan3A_58 : i32
      %scan3A_60 = arith.constant 1 : i32
      %scan3A_61:11 = scf.for %scan3A_104 = %scan3A_57 to %scan3A_59 step %scan3A_60 iter_args(%scan3A_105 = %scan3A_56, %scan3A_106 = %broadcast_in_dim3A_55, %scan3A_107 = %broadcast_in_dim3A_55, %scan3A_108 = %broadcast_in_dim3A_53, %scan3A_109 = %broadcast_in_dim3A_53, %scan3A_110 = %broadcast_in_dim3A_53, %scan3A_111 = %broadcast_in_dim3A_53, %scan3A_112 = %broadcast_in_dim3A_53, %scan3A_113 = %broadcast_in_dim3A_53, %scan3A_114 = %broadcast_in_dim3A_53, %scan3A_115 = %broadcast_in_dim3A_53) -> (i32, vector<16xi32>, vector<16xi32>, vector<16xf32>, vector<16xf32>, vector<16xf32>, vector<16xf32>, vector<16xf32>, vector<16xf32>, vector<16xf32>, vector<16xf32>)  : i32 {
        %mul3A_116 = arith.constant 32 : i32
        %mul3A_117 = arith.muli %scan3A_104, %mul3A_116 : i32
        %get3A = arith.index_cast %mul3A_117 : i32 to index
        %get3A_118 = tpu.vector_load %arg15[%get3A] {strides = array<i32>} : memref<1600xi32, #tpu.memory_space<vmem>>, vector<16xi32>,
        %get3A_119 = arith.index_cast %mul3A_117 : i32 to index
        %get3A_120 = tpu.vector_load %arg17[%get3A_119] {strides = array<i32>} : memref<1600xf32, #tpu.memory_space<vmem>>, vector<16xf32>,
        %add3A_121 = arith.constant 16 : i32
        %add3A_122 = arith.addi %mul3A_117, %add3A_121 : i32
        %get3A_123 = arith.index_cast %add3A_122 : i32 to index
        %get3A_124 = tpu.vector_load %arg15[%get3A_123] {strides = array<i32>} : memref<1600xi32, #tpu.memory_space<vmem>>, vector<16xi32>,
        %add3A_125 = arith.constant 16 : i32
        %add3A_126 = arith.addi %mul3A_117, %add3A_125 : i32
        %get3A_127 = arith.index_cast %add3A_126 : i32 to index
        %get3A_128 = tpu.vector_load %arg17[%get3A_127] {strides = array<i32>} : memref<1600xf32, #tpu.memory_space<vmem>>, vector<16xf32>,
        %and3A = arith.constant 16383 : i32
        %and3A_129 = vector.broadcast %and3A : i32 to vector<16xi32>
        %and3A_130 = arith.andi %get3A_118, %and3A_129 : vector<16xi32>
        %shift_right_logical3A = arith.constant 14 : i32
        %shift_right_logical3A_131 = vector.broadcast %shift_right_logical3A : i32 to vector<16xi32>
        %shift_right_logical3A_132 = arith.shrui %get3A_118, %shift_right_logical3A_131 : vector<16xi32>
        %add3A_133 = arith.constant 0 : i32
        %add3A_134 = vector.broadcast %add3A_133 : i32 to vector<16xi32>
        %add3A_135 = arith.addi %and3A_130, %add3A_134 : vector<16xi32>
        %gather3A = tpu.vector_load_idx %arg6[%add3A_135] : memref<40000xf32, #tpu.memory_space<vmem>>[vector<16xi32>], vector<16xf32>,
        %mul3A_136 = arith.mulf %gather3A, %get3A_120 : vector<16xf32>
        %add3A_137 = arith.constant 10000 : i32
        %add3A_138 = vector.broadcast %add3A_137 : i32 to vector<16xi32>
        %add3A_139 = arith.addi %and3A_130, %add3A_138 : vector<16xi32>
        %gather3A_140 = tpu.vector_load_idx %arg6[%add3A_139] : memref<40000xf32, #tpu.memory_space<vmem>>[vector<16xi32>], vector<16xf32>,
        %mul3A_141 = arith.mulf %gather3A_140, %get3A_120 : vector<16xf32>
        %add3A_142 = arith.constant 20000 : i32
        %add3A_143 = vector.broadcast %add3A_142 : i32 to vector<16xi32>
        %add3A_144 = arith.addi %and3A_130, %add3A_143 : vector<16xi32>
        %gather3A_145 = tpu.vector_load_idx %arg6[%add3A_144] : memref<40000xf32, #tpu.memory_space<vmem>>[vector<16xi32>], vector<16xf32>,
        %mul3A_146 = arith.mulf %gather3A_145, %get3A_120 : vector<16xf32>
        %add3A_147 = arith.constant 30000 : i32
        %add3A_148 = vector.broadcast %add3A_147 : i32 to vector<16xi32>
        %add3A_149 = arith.addi %and3A_130, %add3A_148 : vector<16xi32>
        %gather3A_150 = tpu.vector_load_idx %arg6[%add3A_149] : memref<40000xf32, #tpu.memory_space<vmem>>[vector<16xi32>], vector<16xf32>,
        %mul3A_151 = arith.mulf %gather3A_150, %get3A_120 : vector<16xf32>
        %broadcast_in_dim3A_152 = arith.constant true
        %broadcast_in_dim3A_153 = vector.broadcast %broadcast_in_dim3A_152 : i1 to vector<16xi1>
        %unique3A, %unique3A_154 = tpu.scan_count mask(%broadcast_in_dim3A_153 : vector<16xi1>) value(%shift_right_logical3A_132 : vector<16xi32>) : vector<16xi1>, vector<16xi32>
        %reduce_max3A = arith.constant true
        %reduce_max3A_155 = vector.broadcast %reduce_max3A : i1 to vector<16xi1>
        %reduce_max3A_156 = arith.constant -2147483648 : i32
        %reduce_max3A_157 = vector.broadcast %reduce_max3A_156 : i32 to vector<16xi32>
        %reduce_max3A_158 = arith.xori %unique3A_154, %reduce_max3A_157 : vector<16xi32>
        %reduce_max3A_159 = tpu.scan <max>, %reduce_max3A_158 masked %reduce_max3A_155 : vector<16xi32>, vector<16xi1> -> vector<16xi32>
        %reduce_max3A_160 = arith.xori %reduce_max3A_159, %reduce_max3A_157 : vector<16xi32>
        %reduce_max3A_161 = vector.extract %reduce_max3A_160[15] : i32 from vector<16xi32>
        %reduce_min3A = arith.constant true
        %reduce_min3A_162 = vector.broadcast %reduce_min3A : i1 to vector<16xi1>
        %reduce_min3A_163 = arith.constant -2147483648 : i32
        %reduce_min3A_164 = vector.broadcast %reduce_min3A_163 : i32 to vector<16xi32>
        %reduce_min3A_165 = arith.xori %unique3A_154, %reduce_min3A_164 : vector<16xi32>
        %reduce_min3A_166 = tpu.scan <min>, %reduce_min3A_165 masked %reduce_min3A_162 : vector<16xi32>, vector<16xi1> -> vector<16xi32>
        %reduce_min3A_167 = arith.xori %reduce_min3A_166, %reduce_min3A_164 : vector<16xi32>
        %reduce_min3A_168 = vector.extract %reduce_min3A_167[15] : i32 from vector<16xi32>
        %sub3A = arith.subi %reduce_max3A_161, %reduce_min3A_168 : i32
        %gather3A_169 = tpu.vector_load_idx %arg7[%shift_right_logical3A_132] : memref<10000xf32, #tpu.memory_space<vmem>>[vector<16xi32>], vector<16xf32>,
        %max3A = arith.maximumf %gather3A_169, %mul3A_136 : vector<16xf32>
        tpu.vector_store_idx %arg7[%shift_right_logical3A_132], %max3A : memref<10000xf32, #tpu.memory_space<vmem>>[vector<16xi32>], vector<16xf32>,
        %gather3A_170 = tpu.vector_load_idx %arg8[%shift_right_logical3A_132] : memref<10000xf32, #tpu.memory_space<vmem>>[vector<16xi32>], vector<16xf32>,
        %max3A_171 = arith.maximumf %gather3A_170, %mul3A_141 : vector<16xf32>
        tpu.vector_store_idx %arg8[%shift_right_logical3A_132], %max3A_171 : memref<10000xf32, #tpu.memory_space<vmem>>[vector<16xi32>], vector<16xf32>,
        %gather3A_172 = tpu.vector_load_idx %arg9[%shift_right_logical3A_132] : memref<10000xf32, #tpu.memory_space<vmem>>[vector<16xi32>], vector<16xf32>,
        %max3A_173 = arith.maximumf %gather3A_172, %mul3A_146 : vector<16xf32>
        tpu.vector_store_idx %arg9[%shift_right_logical3A_132], %max3A_173 : memref<10000xf32, #tpu.memory_space<vmem>>[vector<16xi32>], vector<16xf32>,
        %gather3A_174 = tpu.vector_load_idx %arg10[%shift_right_logical3A_132] : memref<10000xf32, #tpu.memory_space<vmem>>[vector<16xi32>], vector<16xf32>,
        %max3A_175 = arith.maximumf %gather3A_174, %mul3A_151 : vector<16xf32>
        tpu.vector_store_idx %arg10[%shift_right_logical3A_132], %max3A_175 : memref<10000xf32, #tpu.memory_space<vmem>>[vector<16xi32>], vector<16xf32>,
        %and3A_176 = arith.constant 16383 : i32
        %and3A_177 = vector.broadcast %and3A_176 : i32 to vector<16xi32>
        %and3A_178 = arith.andi %get3A_124, %and3A_177 : vector<16xi32>
        %shift_right_logical3A_179 = arith.constant 14 : i32
        %shift_right_logical3A_180 = vector.broadcast %shift_right_logical3A_179 : i32 to vector<16xi32>
        %shift_right_logical3A_181 = arith.shrui %get3A_124, %shift_right_logical3A_180 : vector<16xi32>
        %add3A_182 = arith.constant 0 : i32
        %add3A_183 = vector.broadcast %add3A_182 : i32 to vector<16xi32>
        %add3A_184 = arith.addi %and3A_178, %add3A_183 : vector<16xi32>
        %gather3A_185 = tpu.vector_load_idx %arg6[%add3A_184] : memref<40000xf32, #tpu.memory_space<vmem>>[vector<16xi32>], vector<16xf32>,
        %mul3A_186 = arith.mulf %gather3A_185, %get3A_128 : vector<16xf32>
        %add3A_187 = arith.constant 10000 : i32
        %add3A_188 = vector.broadcast %add3A_187 : i32 to vector<16xi32>
        %add3A_189 = arith.addi %and3A_178, %add3A_188 : vector<16xi32>
        %gather3A_190 = tpu.vector_load_idx %arg6[%add3A_189] : memref<40000xf32, #tpu.memory_space<vmem>>[vector<16xi32>], vector<16xf32>,
        %mul3A_191 = arith.mulf %gather3A_190, %get3A_128 : vector<16xf32>
        %add3A_192 = arith.constant 20000 : i32
        %add3A_193 = vector.broadcast %add3A_192 : i32 to vector<16xi32>
        %add3A_194 = arith.addi %and3A_178, %add3A_193 : vector<16xi32>
        %gather3A_195 = tpu.vector_load_idx %arg6[%add3A_194] : memref<40000xf32, #tpu.memory_space<vmem>>[vector<16xi32>], vector<16xf32>,
        %mul3A_196 = arith.mulf %gather3A_195, %get3A_128 : vector<16xf32>
        %add3A_197 = arith.constant 30000 : i32
        %add3A_198 = vector.broadcast %add3A_197 : i32 to vector<16xi32>
        %add3A_199 = arith.addi %and3A_178, %add3A_198 : vector<16xi32>
        %gather3A_200 = tpu.vector_load_idx %arg6[%add3A_199] : memref<40000xf32, #tpu.memory_space<vmem>>[vector<16xi32>], vector<16xf32>,
        %mul3A_201 = arith.mulf %gather3A_200, %get3A_128 : vector<16xf32>
        %broadcast_in_dim3A_202 = arith.constant true
        %broadcast_in_dim3A_203 = vector.broadcast %broadcast_in_dim3A_202 : i1 to vector<16xi1>
        %unique3A_204, %unique3A_205 = tpu.scan_count mask(%broadcast_in_dim3A_203 : vector<16xi1>) value(%shift_right_logical3A_181 : vector<16xi32>) : vector<16xi1>, vector<16xi32>
        %reduce_max3A_206 = arith.constant true
        %reduce_max3A_207 = vector.broadcast %reduce_max3A_206 : i1 to vector<16xi1>
        %reduce_max3A_208 = arith.constant -2147483648 : i32
        %reduce_max3A_209 = vector.broadcast %reduce_max3A_208 : i32 to vector<16xi32>
        %reduce_max3A_210 = arith.xori %unique3A_205, %reduce_max3A_209 : vector<16xi32>
        %reduce_max3A_211 = tpu.scan <max>, %reduce_max3A_210 masked %reduce_max3A_207 : vector<16xi32>, vector<16xi1> -> vector<16xi32>
        %reduce_max3A_212 = arith.xori %reduce_max3A_211, %reduce_max3A_209 : vector<16xi32>
        %reduce_max3A_213 = vector.extract %reduce_max3A_212[15] : i32 from vector<16xi32>
        %reduce_min3A_214 = arith.constant true
        %reduce_min3A_215 = vector.broadcast %reduce_min3A_214 : i1 to vector<16xi1>
        %reduce_min3A_216 = arith.constant -2147483648 : i32
        %reduce_min3A_217 = vector.broadcast %reduce_min3A_216 : i32 to vector<16xi32>
        %reduce_min3A_218 = arith.xori %unique3A_205, %reduce_min3A_217 : vector<16xi32>
        %reduce_min3A_219 = tpu.scan <min>, %reduce_min3A_218 masked %reduce_min3A_215 : vector<16xi32>, vector<16xi1> -> vector<16xi32>
        %reduce_min3A_220 = arith.xori %reduce_min3A_219, %reduce_min3A_217 : vector<16xi32>
        %reduce_min3A_221 = vector.extract %reduce_min3A_220[15] : i32 from vector<16xi32>
        %sub3A_222 = arith.subi %reduce_max3A_213, %reduce_min3A_221 : i32
        %gather3A_223 = tpu.vector_load_idx %arg11[%shift_right_logical3A_181] : memref<10000xf32, #tpu.memory_space<vmem>>[vector<16xi32>], vector<16xf32>,
        %max3A_224 = arith.maximumf %gather3A_223, %mul3A_186 : vector<16xf32>
        tpu.vector_store_idx %arg11[%shift_right_logical3A_181], %max3A_224 : memref<10000xf32, #tpu.memory_space<vmem>>[vector<16xi32>], vector<16xf32>,
        %gather3A_225 = tpu.vector_load_idx %arg12[%shift_right_logical3A_181] : memref<10000xf32, #tpu.memory_space<vmem>>[vector<16xi32>], vector<16xf32>,
        %max3A_226 = arith.maximumf %gather3A_225, %mul3A_191 : vector<16xf32>
        tpu.vector_store_idx %arg12[%shift_right_logical3A_181], %max3A_226 : memref<10000xf32, #tpu.memory_space<vmem>>[vector<16xi32>], vector<16xf32>,
        %gather3A_227 = tpu.vector_load_idx %arg13[%shift_right_logical3A_181] : memref<10000xf32, #tpu.memory_space<vmem>>[vector<16xi32>], vector<16xf32>,
        %max3A_228 = arith.maximumf %gather3A_227, %mul3A_196 : vector<16xf32>
        tpu.vector_store_idx %arg13[%shift_right_logical3A_181], %max3A_228 : memref<10000xf32, #tpu.memory_space<vmem>>[vector<16xi32>], vector<16xf32>,
        %gather3A_229 = tpu.vector_load_idx %arg14[%shift_right_logical3A_181] : memref<10000xf32, #tpu.memory_space<vmem>>[vector<16xi32>], vector<16xf32>,
        %max3A_230 = arith.maximumf %gather3A_229, %mul3A_201 : vector<16xf32>
        tpu.vector_store_idx %arg14[%shift_right_logical3A_181], %max3A_230 : memref<10000xf32, #tpu.memory_space<vmem>>[vector<16xi32>], vector<16xf32>,
        %gt3A_231 = arith.constant 0 : i32
        %gt3A_232 = arith.cmpi sgt, %scan3A_105, %gt3A_231 : i32
        %convert_element_type3A_233 = arith.extui %gt3A_232 : i1 to i32
        %cond3A_234 = arith.constant 0 : i32
        %cond3A_235 = arith.cmpi ne, %convert_element_type3A_233, %cond3A_234 : i32
        scf.if %cond3A_235 {
          %while3A = arith.constant 1 : i32
          %while3A_237 = scf.while (%while3A_252 = %while3A) : (i32) -> i32 {
            %gt3A_253 = arith.constant 0 : i32
            %gt3A_254 = arith.cmpi sgt, %while3A_252, %gt3A_253 : i32
            scf.condition(%gt3A_254) %while3A_252 : i32
          } do {
          ^bb0(%while3A_252: i32):
            %gather3A_253 = tpu.vector_load_idx %arg7[%scan3A_106] : memref<10000xf32, #tpu.memory_space<vmem>>[vector<16xi32>], vector<16xf32>,
            %gt3A_254 = arith.cmpf ogt, %scan3A_108, %gather3A_253 : vector<16xf32>
            tpu.vector_store_idx %arg7[%scan3A_106], %scan3A_108 masked %gt3A_254 : memref<10000xf32, #tpu.memory_space<vmem>>[vector<16xi32>], vector<16xf32>, vector<16xi1>
            %gather3A_255 = tpu.vector_load_idx %arg7[%scan3A_106] : memref<10000xf32, #tpu.memory_space<vmem>>[vector<16xi32>], vector<16xf32>,
            %gt3A_256 = arith.cmpf ogt, %scan3A_108, %gather3A_255 : vector<16xf32>
            %convert_element_type3A_257 = arith.extui %gt3A_256 : vector<16xi1> to vector<16xi32>
            %reduce_max3A_258 = arith.constant true
            %reduce_max3A_259 = vector.broadcast %reduce_max3A_258 : i1 to vector<16xi1>
            %reduce_max3A_260 = arith.constant -2147483648 : i32
            %reduce_max3A_261 = vector.broadcast %reduce_max3A_260 : i32 to vector<16xi32>
            %reduce_max3A_262 = arith.xori %convert_element_type3A_257, %reduce_max3A_261 : vector<16xi32>
            %reduce_max3A_263 = tpu.scan <max>, %reduce_max3A_262 masked %reduce_max3A_259 : vector<16xi32>, vector<16xi1> -> vector<16xi32>
            %reduce_max3A_264 = arith.xori %reduce_max3A_263, %reduce_max3A_261 : vector<16xi32>
            %reduce_max3A_265 = vector.extract %reduce_max3A_264[15] : i32 from vector<16xi32>
            scf.yield %reduce_max3A_265 : i32
          }
          %while3A_238 = arith.constant 1 : i32
          %while3A_239 = scf.while (%while3A_252 = %while3A_238) : (i32) -> i32 {
            %gt3A_253 = arith.constant 0 : i32
            %gt3A_254 = arith.cmpi sgt, %while3A_252, %gt3A_253 : i32
            scf.condition(%gt3A_254) %while3A_252 : i32
          } do {
          ^bb0(%while3A_252: i32):
            %gather3A_253 = tpu.vector_load_idx %arg8[%scan3A_106] : memref<10000xf32, #tpu.memory_space<vmem>>[vector<16xi32>], vector<16xf32>,
            %gt3A_254 = arith.cmpf ogt, %scan3A_109, %gather3A_253 : vector<16xf32>
            tpu.vector_store_idx %arg8[%scan3A_106], %scan3A_109 masked %gt3A_254 : memref<10000xf32, #tpu.memory_space<vmem>>[vector<16xi32>], vector<16xf32>, vector<16xi1>
            %gather3A_255 = tpu.vector_load_idx %arg8[%scan3A_106] : memref<10000xf32, #tpu.memory_space<vmem>>[vector<16xi32>], vector<16xf32>,
            %gt3A_256 = arith.cmpf ogt, %scan3A_109, %gather3A_255 : vector<16xf32>
            %convert_element_type3A_257 = arith.extui %gt3A_256 : vector<16xi1> to vector<16xi32>
            %reduce_max3A_258 = arith.constant true
            %reduce_max3A_259 = vector.broadcast %reduce_max3A_258 : i1 to vector<16xi1>
            %reduce_max3A_260 = arith.constant -2147483648 : i32
            %reduce_max3A_261 = vector.broadcast %reduce_max3A_260 : i32 to vector<16xi32>
            %reduce_max3A_262 = arith.xori %convert_element_type3A_257, %reduce_max3A_261 : vector<16xi32>
            %reduce_max3A_263 = tpu.scan <max>, %reduce_max3A_262 masked %reduce_max3A_259 : vector<16xi32>, vector<16xi1> -> vector<16xi32>
            %reduce_max3A_264 = arith.xori %reduce_max3A_263, %reduce_max3A_261 : vector<16xi32>
            %reduce_max3A_265 = vector.extract %reduce_max3A_264[15] : i32 from vector<16xi32>
            scf.yield %reduce_max3A_265 : i32
          }
          %while3A_240 = arith.constant 1 : i32
          %while3A_241 = scf.while (%while3A_252 = %while3A_240) : (i32) -> i32 {
            %gt3A_253 = arith.constant 0 : i32
            %gt3A_254 = arith.cmpi sgt, %while3A_252, %gt3A_253 : i32
            scf.condition(%gt3A_254) %while3A_252 : i32
          } do {
          ^bb0(%while3A_252: i32):
            %gather3A_253 = tpu.vector_load_idx %arg9[%scan3A_106] : memref<10000xf32, #tpu.memory_space<vmem>>[vector<16xi32>], vector<16xf32>,
            %gt3A_254 = arith.cmpf ogt, %scan3A_110, %gather3A_253 : vector<16xf32>
            tpu.vector_store_idx %arg9[%scan3A_106], %scan3A_110 masked %gt3A_254 : memref<10000xf32, #tpu.memory_space<vmem>>[vector<16xi32>], vector<16xf32>, vector<16xi1>
            %gather3A_255 = tpu.vector_load_idx %arg9[%scan3A_106] : memref<10000xf32, #tpu.memory_space<vmem>>[vector<16xi32>], vector<16xf32>,
            %gt3A_256 = arith.cmpf ogt, %scan3A_110, %gather3A_255 : vector<16xf32>
            %convert_element_type3A_257 = arith.extui %gt3A_256 : vector<16xi1> to vector<16xi32>
            %reduce_max3A_258 = arith.constant true
            %reduce_max3A_259 = vector.broadcast %reduce_max3A_258 : i1 to vector<16xi1>
            %reduce_max3A_260 = arith.constant -2147483648 : i32
            %reduce_max3A_261 = vector.broadcast %reduce_max3A_260 : i32 to vector<16xi32>
            %reduce_max3A_262 = arith.xori %convert_element_type3A_257, %reduce_max3A_261 : vector<16xi32>
            %reduce_max3A_263 = tpu.scan <max>, %reduce_max3A_262 masked %reduce_max3A_259 : vector<16xi32>, vector<16xi1> -> vector<16xi32>
            %reduce_max3A_264 = arith.xori %reduce_max3A_263, %reduce_max3A_261 : vector<16xi32>
            %reduce_max3A_265 = vector.extract %reduce_max3A_264[15] : i32 from vector<16xi32>
            scf.yield %reduce_max3A_265 : i32
          }
          %while3A_242 = arith.constant 1 : i32
          %while3A_243 = scf.while (%while3A_252 = %while3A_242) : (i32) -> i32 {
            %gt3A_253 = arith.constant 0 : i32
            %gt3A_254 = arith.cmpi sgt, %while3A_252, %gt3A_253 : i32
            scf.condition(%gt3A_254) %while3A_252 : i32
          } do {
          ^bb0(%while3A_252: i32):
            %gather3A_253 = tpu.vector_load_idx %arg10[%scan3A_106] : memref<10000xf32, #tpu.memory_space<vmem>>[vector<16xi32>], vector<16xf32>,
            %gt3A_254 = arith.cmpf ogt, %scan3A_111, %gather3A_253 : vector<16xf32>
            tpu.vector_store_idx %arg10[%scan3A_106], %scan3A_111 masked %gt3A_254 : memref<10000xf32, #tpu.memory_space<vmem>>[vector<16xi32>], vector<16xf32>, vector<16xi1>
            %gather3A_255 = tpu.vector_load_idx %arg10[%scan3A_106] : memref<10000xf32, #tpu.memory_space<vmem>>[vector<16xi32>], vector<16xf32>,
            %gt3A_256 = arith.cmpf ogt, %scan3A_111, %gather3A_255 : vector<16xf32>
            %convert_element_type3A_257 = arith.extui %gt3A_256 : vector<16xi1> to vector<16xi32>
            %reduce_max3A_258 = arith.constant true
            %reduce_max3A_259 = vector.broadcast %reduce_max3A_258 : i1 to vector<16xi1>
            %reduce_max3A_260 = arith.constant -2147483648 : i32
            %reduce_max3A_261 = vector.broadcast %reduce_max3A_260 : i32 to vector<16xi32>
            %reduce_max3A_262 = arith.xori %convert_element_type3A_257, %reduce_max3A_261 : vector<16xi32>
            %reduce_max3A_263 = tpu.scan <max>, %reduce_max3A_262 masked %reduce_max3A_259 : vector<16xi32>, vector<16xi1> -> vector<16xi32>
            %reduce_max3A_264 = arith.xori %reduce_max3A_263, %reduce_max3A_261 : vector<16xi32>
            %reduce_max3A_265 = vector.extract %reduce_max3A_264[15] : i32 from vector<16xi32>
            scf.yield %reduce_max3A_265 : i32
          }
          %while3A_244 = arith.constant 1 : i32
          %while3A_245 = scf.while (%while3A_252 = %while3A_244) : (i32) -> i32 {
            %gt3A_253 = arith.constant 0 : i32
            %gt3A_254 = arith.cmpi sgt, %while3A_252, %gt3A_253 : i32
            scf.condition(%gt3A_254) %while3A_252 : i32
          } do {
          ^bb0(%while3A_252: i32):
            %gather3A_253 = tpu.vector_load_idx %arg11[%scan3A_107] : memref<10000xf32, #tpu.memory_space<vmem>>[vector<16xi32>], vector<16xf32>,
            %gt3A_254 = arith.cmpf ogt, %scan3A_112, %gather3A_253 : vector<16xf32>
            tpu.vector_store_idx %arg11[%scan3A_107], %scan3A_112 masked %gt3A_254 : memref<10000xf32, #tpu.memory_space<vmem>>[vector<16xi32>], vector<16xf32>, vector<16xi1>
            %gather3A_255 = tpu.vector_load_idx %arg11[%scan3A_107] : memref<10000xf32, #tpu.memory_space<vmem>>[vector<16xi32>], vector<16xf32>,
            %gt3A_256 = arith.cmpf ogt, %scan3A_112, %gather3A_255 : vector<16xf32>
            %convert_element_type3A_257 = arith.extui %gt3A_256 : vector<16xi1> to vector<16xi32>
            %reduce_max3A_258 = arith.constant true
            %reduce_max3A_259 = vector.broadcast %reduce_max3A_258 : i1 to vector<16xi1>
            %reduce_max3A_260 = arith.constant -2147483648 : i32
            %reduce_max3A_261 = vector.broadcast %reduce_max3A_260 : i32 to vector<16xi32>
            %reduce_max3A_262 = arith.xori %convert_element_type3A_257, %reduce_max3A_261 : vector<16xi32>
            %reduce_max3A_263 = tpu.scan <max>, %reduce_max3A_262 masked %reduce_max3A_259 : vector<16xi32>, vector<16xi1> -> vector<16xi32>
            %reduce_max3A_264 = arith.xori %reduce_max3A_263, %reduce_max3A_261 : vector<16xi32>
            %reduce_max3A_265 = vector.extract %reduce_max3A_264[15] : i32 from vector<16xi32>
            scf.yield %reduce_max3A_265 : i32
          }
          %while3A_246 = arith.constant 1 : i32
          %while3A_247 = scf.while (%while3A_252 = %while3A_246) : (i32) -> i32 {
            %gt3A_253 = arith.constant 0 : i32
            %gt3A_254 = arith.cmpi sgt, %while3A_252, %gt3A_253 : i32
            scf.condition(%gt3A_254) %while3A_252 : i32
          } do {
          ^bb0(%while3A_252: i32):
            %gather3A_253 = tpu.vector_load_idx %arg12[%scan3A_107] : memref<10000xf32, #tpu.memory_space<vmem>>[vector<16xi32>], vector<16xf32>,
            %gt3A_254 = arith.cmpf ogt, %scan3A_113, %gather3A_253 : vector<16xf32>
            tpu.vector_store_idx %arg12[%scan3A_107], %scan3A_113 masked %gt3A_254 : memref<10000xf32, #tpu.memory_space<vmem>>[vector<16xi32>], vector<16xf32>, vector<16xi1>
            %gather3A_255 = tpu.vector_load_idx %arg12[%scan3A_107] : memref<10000xf32, #tpu.memory_space<vmem>>[vector<16xi32>], vector<16xf32>,
            %gt3A_256 = arith.cmpf ogt, %scan3A_113, %gather3A_255 : vector<16xf32>
            %convert_element_type3A_257 = arith.extui %gt3A_256 : vector<16xi1> to vector<16xi32>
            %reduce_max3A_258 = arith.constant true
            %reduce_max3A_259 = vector.broadcast %reduce_max3A_258 : i1 to vector<16xi1>
            %reduce_max3A_260 = arith.constant -2147483648 : i32
            %reduce_max3A_261 = vector.broadcast %reduce_max3A_260 : i32 to vector<16xi32>
            %reduce_max3A_262 = arith.xori %convert_element_type3A_257, %reduce_max3A_261 : vector<16xi32>
            %reduce_max3A_263 = tpu.scan <max>, %reduce_max3A_262 masked %reduce_max3A_259 : vector<16xi32>, vector<16xi1> -> vector<16xi32>
            %reduce_max3A_264 = arith.xori %reduce_max3A_263, %reduce_max3A_261 : vector<16xi32>
            %reduce_max3A_265 = vector.extract %reduce_max3A_264[15] : i32 from vector<16xi32>
            scf.yield %reduce_max3A_265 : i32
          }
          %while3A_248 = arith.constant 1 : i32
          %while3A_249 = scf.while (%while3A_252 = %while3A_248) : (i32) -> i32 {
            %gt3A_253 = arith.constant 0 : i32
            %gt3A_254 = arith.cmpi sgt, %while3A_252, %gt3A_253 : i32
            scf.condition(%gt3A_254) %while3A_252 : i32
          } do {
          ^bb0(%while3A_252: i32):
            %gather3A_253 = tpu.vector_load_idx %arg13[%scan3A_107] : memref<10000xf32, #tpu.memory_space<vmem>>[vector<16xi32>], vector<16xf32>,
            %gt3A_254 = arith.cmpf ogt, %scan3A_114, %gather3A_253 : vector<16xf32>
            tpu.vector_store_idx %arg13[%scan3A_107], %scan3A_114 masked %gt3A_254 : memref<10000xf32, #tpu.memory_space<vmem>>[vector<16xi32>], vector<16xf32>, vector<16xi1>
            %gather3A_255 = tpu.vector_load_idx %arg13[%scan3A_107] : memref<10000xf32, #tpu.memory_space<vmem>>[vector<16xi32>], vector<16xf32>,
            %gt3A_256 = arith.cmpf ogt, %scan3A_114, %gather3A_255 : vector<16xf32>
            %convert_element_type3A_257 = arith.extui %gt3A_256 : vector<16xi1> to vector<16xi32>
            %reduce_max3A_258 = arith.constant true
            %reduce_max3A_259 = vector.broadcast %reduce_max3A_258 : i1 to vector<16xi1>
            %reduce_max3A_260 = arith.constant -2147483648 : i32
            %reduce_max3A_261 = vector.broadcast %reduce_max3A_260 : i32 to vector<16xi32>
            %reduce_max3A_262 = arith.xori %convert_element_type3A_257, %reduce_max3A_261 : vector<16xi32>
            %reduce_max3A_263 = tpu.scan <max>, %reduce_max3A_262 masked %reduce_max3A_259 : vector<16xi32>, vector<16xi1> -> vector<16xi32>
            %reduce_max3A_264 = arith.xori %reduce_max3A_263, %reduce_max3A_261 : vector<16xi32>
            %reduce_max3A_265 = vector.extract %reduce_max3A_264[15] : i32 from vector<16xi32>
            scf.yield %reduce_max3A_265 : i32
          }
          %while3A_250 = arith.constant 1 : i32
          %while3A_251 = scf.while (%while3A_252 = %while3A_250) : (i32) -> i32 {
            %gt3A_253 = arith.constant 0 : i32
            %gt3A_254 = arith.cmpi sgt, %while3A_252, %gt3A_253 : i32
            scf.condition(%gt3A_254) %while3A_252 : i32
          } do {
          ^bb0(%while3A_252: i32):
            %gather3A_253 = tpu.vector_load_idx %arg14[%scan3A_107] : memref<10000xf32, #tpu.memory_space<vmem>>[vector<16xi32>], vector<16xf32>,
            %gt3A_254 = arith.cmpf ogt, %scan3A_115, %gather3A_253 : vector<16xf32>
            tpu.vector_store_idx %arg14[%scan3A_107], %scan3A_115 masked %gt3A_254 : memref<10000xf32, #tpu.memory_space<vmem>>[vector<16xi32>], vector<16xf32>, vector<16xi1>
            %gather3A_255 = tpu.vector_load_idx %arg14[%scan3A_107] : memref<10000xf32, #tpu.memory_space<vmem>>[vector<16xi32>], vector<16xf32>,
            %gt3A_256 = arith.cmpf ogt, %scan3A_115, %gather3A_255 : vector<16xf32>
            %convert_element_type3A_257 = arith.extui %gt3A_256 : vector<16xi1> to vector<16xi32>
            %reduce_max3A_258 = arith.constant true
            %reduce_max3A_259 = vector.broadcast %reduce_max3A_258 : i1 to vector<16xi1>
            %reduce_max3A_260 = arith.constant -2147483648 : i32
            %reduce_max3A_261 = vector.broadcast %reduce_max3A_260 : i32 to vector<16xi32>
            %reduce_max3A_262 = arith.xori %convert_element_type3A_257, %reduce_max3A_261 : vector<16xi32>
            %reduce_max3A_263 = tpu.scan <max>, %reduce_max3A_262 masked %reduce_max3A_259 : vector<16xi32>, vector<16xi1> -> vector<16xi32>
            %reduce_max3A_264 = arith.xori %reduce_max3A_263, %reduce_max3A_261 : vector<16xi32>
            %reduce_max3A_265 = vector.extract %reduce_max3A_264[15] : i32 from vector<16xi32>
            scf.yield %reduce_max3A_265 : i32
          }
        } else {
        }
        %add3A_236 = arith.addi %sub3A, %sub3A_222 : i32
        scf.yield %add3A_236, %shift_right_logical3A_132, %shift_right_logical3A_181, %mul3A_136, %mul3A_141, %mul3A_146, %mul3A_151, %mul3A_186, %mul3A_191, %mul3A_196, %mul3A_201 : i32, vector<16xi32>, vector<16xi32>, vector<16xf32>, vector<16xf32>, vector<16xf32>, vector<16xf32>, vector<16xf32>, vector<16xf32>, vector<16xf32>, vector<16xf32>
      }
      %scan3A_62 = arith.constant 50 : i32
      %gt3A = arith.constant 0 : i32
      %gt3A_63 = arith.cmpi sgt, %scan3A_61#0, %gt3A : i32
      %convert_element_type3A = arith.extui %gt3A_63 : i1 to i32
      %cond3A = arith.constant 0 : i32
      %cond3A_64 = arith.cmpi ne, %convert_element_type3A, %cond3A : i32
      scf.if %cond3A_64 {
        %while3A = arith.constant 1 : i32
        %while3A_104 = scf.while (%while3A_119 = %while3A) : (i32) -> i32 {
          %gt3A_120 = arith.constant 0 : i32
          %gt3A_121 = arith.cmpi sgt, %while3A_119, %gt3A_120 : i32
          scf.condition(%gt3A_121) %while3A_119 : i32
        } do {
        ^bb0(%while3A_119: i32):
          %gather3A = tpu.vector_load_idx %arg7[%scan3A_61#1] : memref<10000xf32, #tpu.memory_space<vmem>>[vector<16xi32>], vector<16xf32>,
          %gt3A_120 = arith.cmpf ogt, %scan3A_61#3, %gather3A : vector<16xf32>
          tpu.vector_store_idx %arg7[%scan3A_61#1], %scan3A_61#3 masked %gt3A_120 : memref<10000xf32, #tpu.memory_space<vmem>>[vector<16xi32>], vector<16xf32>, vector<16xi1>
          %gather3A_121 = tpu.vector_load_idx %arg7[%scan3A_61#1] : memref<10000xf32, #tpu.memory_space<vmem>>[vector<16xi32>], vector<16xf32>,
          %gt3A_122 = arith.cmpf ogt, %scan3A_61#3, %gather3A_121 : vector<16xf32>
          %convert_element_type3A_123 = arith.extui %gt3A_122 : vector<16xi1> to vector<16xi32>
          %reduce_max3A = arith.constant true
          %reduce_max3A_124 = vector.broadcast %reduce_max3A : i1 to vector<16xi1>
          %reduce_max3A_125 = arith.constant -2147483648 : i32
          %reduce_max3A_126 = vector.broadcast %reduce_max3A_125 : i32 to vector<16xi32>
          %reduce_max3A_127 = arith.xori %convert_element_type3A_123, %reduce_max3A_126 : vector<16xi32>
          %reduce_max3A_128 = tpu.scan <max>, %reduce_max3A_127 masked %reduce_max3A_124 : vector<16xi32>, vector<16xi1> -> vector<16xi32>
          %reduce_max3A_129 = arith.xori %reduce_max3A_128, %reduce_max3A_126 : vector<16xi32>
          %reduce_max3A_130 = vector.extract %reduce_max3A_129[15] : i32 from vector<16xi32>
          scf.yield %reduce_max3A_130 : i32
        }
        %while3A_105 = arith.constant 1 : i32
        %while3A_106 = scf.while (%while3A_119 = %while3A_105) : (i32) -> i32 {
          %gt3A_120 = arith.constant 0 : i32
          %gt3A_121 = arith.cmpi sgt, %while3A_119, %gt3A_120 : i32
          scf.condition(%gt3A_121) %while3A_119 : i32
        } do {
        ^bb0(%while3A_119: i32):
          %gather3A = tpu.vector_load_idx %arg8[%scan3A_61#1] : memref<10000xf32, #tpu.memory_space<vmem>>[vector<16xi32>], vector<16xf32>,
          %gt3A_120 = arith.cmpf ogt, %scan3A_61#4, %gather3A : vector<16xf32>
          tpu.vector_store_idx %arg8[%scan3A_61#1], %scan3A_61#4 masked %gt3A_120 : memref<10000xf32, #tpu.memory_space<vmem>>[vector<16xi32>], vector<16xf32>, vector<16xi1>
          %gather3A_121 = tpu.vector_load_idx %arg8[%scan3A_61#1] : memref<10000xf32, #tpu.memory_space<vmem>>[vector<16xi32>], vector<16xf32>,
          %gt3A_122 = arith.cmpf ogt, %scan3A_61#4, %gather3A_121 : vector<16xf32>
          %convert_element_type3A_123 = arith.extui %gt3A_122 : vector<16xi1> to vector<16xi32>
          %reduce_max3A = arith.constant true
          %reduce_max3A_124 = vector.broadcast %reduce_max3A : i1 to vector<16xi1>
          %reduce_max3A_125 = arith.constant -2147483648 : i32
          %reduce_max3A_126 = vector.broadcast %reduce_max3A_125 : i32 to vector<16xi32>
          %reduce_max3A_127 = arith.xori %convert_element_type3A_123, %reduce_max3A_126 : vector<16xi32>
          %reduce_max3A_128 = tpu.scan <max>, %reduce_max3A_127 masked %reduce_max3A_124 : vector<16xi32>, vector<16xi1> -> vector<16xi32>
          %reduce_max3A_129 = arith.xori %reduce_max3A_128, %reduce_max3A_126 : vector<16xi32>
          %reduce_max3A_130 = vector.extract %reduce_max3A_129[15] : i32 from vector<16xi32>
          scf.yield %reduce_max3A_130 : i32
        }
        %while3A_107 = arith.constant 1 : i32
        %while3A_108 = scf.while (%while3A_119 = %while3A_107) : (i32) -> i32 {
          %gt3A_120 = arith.constant 0 : i32
          %gt3A_121 = arith.cmpi sgt, %while3A_119, %gt3A_120 : i32
          scf.condition(%gt3A_121) %while3A_119 : i32
        } do {
        ^bb0(%while3A_119: i32):
          %gather3A = tpu.vector_load_idx %arg9[%scan3A_61#1] : memref<10000xf32, #tpu.memory_space<vmem>>[vector<16xi32>], vector<16xf32>,
          %gt3A_120 = arith.cmpf ogt, %scan3A_61#5, %gather3A : vector<16xf32>
          tpu.vector_store_idx %arg9[%scan3A_61#1], %scan3A_61#5 masked %gt3A_120 : memref<10000xf32, #tpu.memory_space<vmem>>[vector<16xi32>], vector<16xf32>, vector<16xi1>
          %gather3A_121 = tpu.vector_load_idx %arg9[%scan3A_61#1] : memref<10000xf32, #tpu.memory_space<vmem>>[vector<16xi32>], vector<16xf32>,
          %gt3A_122 = arith.cmpf ogt, %scan3A_61#5, %gather3A_121 : vector<16xf32>
          %convert_element_type3A_123 = arith.extui %gt3A_122 : vector<16xi1> to vector<16xi32>
          %reduce_max3A = arith.constant true
          %reduce_max3A_124 = vector.broadcast %reduce_max3A : i1 to vector<16xi1>
          %reduce_max3A_125 = arith.constant -2147483648 : i32
          %reduce_max3A_126 = vector.broadcast %reduce_max3A_125 : i32 to vector<16xi32>
          %reduce_max3A_127 = arith.xori %convert_element_type3A_123, %reduce_max3A_126 : vector<16xi32>
          %reduce_max3A_128 = tpu.scan <max>, %reduce_max3A_127 masked %reduce_max3A_124 : vector<16xi32>, vector<16xi1> -> vector<16xi32>
          %reduce_max3A_129 = arith.xori %reduce_max3A_128, %reduce_max3A_126 : vector<16xi32>
          %reduce_max3A_130 = vector.extract %reduce_max3A_129[15] : i32 from vector<16xi32>
          scf.yield %reduce_max3A_130 : i32
        }
        %while3A_109 = arith.constant 1 : i32
        %while3A_110 = scf.while (%while3A_119 = %while3A_109) : (i32) -> i32 {
          %gt3A_120 = arith.constant 0 : i32
          %gt3A_121 = arith.cmpi sgt, %while3A_119, %gt3A_120 : i32
          scf.condition(%gt3A_121) %while3A_119 : i32
        } do {
        ^bb0(%while3A_119: i32):
          %gather3A = tpu.vector_load_idx %arg10[%scan3A_61#1] : memref<10000xf32, #tpu.memory_space<vmem>>[vector<16xi32>], vector<16xf32>,
          %gt3A_120 = arith.cmpf ogt, %scan3A_61#6, %gather3A : vector<16xf32>
          tpu.vector_store_idx %arg10[%scan3A_61#1], %scan3A_61#6 masked %gt3A_120 : memref<10000xf32, #tpu.memory_space<vmem>>[vector<16xi32>], vector<16xf32>, vector<16xi1>
          %gather3A_121 = tpu.vector_load_idx %arg10[%scan3A_61#1] : memref<10000xf32, #tpu.memory_space<vmem>>[vector<16xi32>], vector<16xf32>,
          %gt3A_122 = arith.cmpf ogt, %scan3A_61#6, %gather3A_121 : vector<16xf32>
          %convert_element_type3A_123 = arith.extui %gt3A_122 : vector<16xi1> to vector<16xi32>
          %reduce_max3A = arith.constant true
          %reduce_max3A_124 = vector.broadcast %reduce_max3A : i1 to vector<16xi1>
          %reduce_max3A_125 = arith.constant -2147483648 : i32
          %reduce_max3A_126 = vector.broadcast %reduce_max3A_125 : i32 to vector<16xi32>
          %reduce_max3A_127 = arith.xori %convert_element_type3A_123, %reduce_max3A_126 : vector<16xi32>
          %reduce_max3A_128 = tpu.scan <max>, %reduce_max3A_127 masked %reduce_max3A_124 : vector<16xi32>, vector<16xi1> -> vector<16xi32>
          %reduce_max3A_129 = arith.xori %reduce_max3A_128, %reduce_max3A_126 : vector<16xi32>
          %reduce_max3A_130 = vector.extract %reduce_max3A_129[15] : i32 from vector<16xi32>
          scf.yield %reduce_max3A_130 : i32
        }
        %while3A_111 = arith.constant 1 : i32
        %while3A_112 = scf.while (%while3A_119 = %while3A_111) : (i32) -> i32 {
          %gt3A_120 = arith.constant 0 : i32
          %gt3A_121 = arith.cmpi sgt, %while3A_119, %gt3A_120 : i32
          scf.condition(%gt3A_121) %while3A_119 : i32
        } do {
        ^bb0(%while3A_119: i32):
          %gather3A = tpu.vector_load_idx %arg11[%scan3A_61#2] : memref<10000xf32, #tpu.memory_space<vmem>>[vector<16xi32>], vector<16xf32>,
          %gt3A_120 = arith.cmpf ogt, %scan3A_61#7, %gather3A : vector<16xf32>
          tpu.vector_store_idx %arg11[%scan3A_61#2], %scan3A_61#7 masked %gt3A_120 : memref<10000xf32, #tpu.memory_space<vmem>>[vector<16xi32>], vector<16xf32>, vector<16xi1>
          %gather3A_121 = tpu.vector_load_idx %arg11[%scan3A_61#2] : memref<10000xf32, #tpu.memory_space<vmem>>[vector<16xi32>], vector<16xf32>,
          %gt3A_122 = arith.cmpf ogt, %scan3A_61#7, %gather3A_121 : vector<16xf32>
          %convert_element_type3A_123 = arith.extui %gt3A_122 : vector<16xi1> to vector<16xi32>
          %reduce_max3A = arith.constant true
          %reduce_max3A_124 = vector.broadcast %reduce_max3A : i1 to vector<16xi1>
          %reduce_max3A_125 = arith.constant -2147483648 : i32
          %reduce_max3A_126 = vector.broadcast %reduce_max3A_125 : i32 to vector<16xi32>
          %reduce_max3A_127 = arith.xori %convert_element_type3A_123, %reduce_max3A_126 : vector<16xi32>
          %reduce_max3A_128 = tpu.scan <max>, %reduce_max3A_127 masked %reduce_max3A_124 : vector<16xi32>, vector<16xi1> -> vector<16xi32>
          %reduce_max3A_129 = arith.xori %reduce_max3A_128, %reduce_max3A_126 : vector<16xi32>
          %reduce_max3A_130 = vector.extract %reduce_max3A_129[15] : i32 from vector<16xi32>
          scf.yield %reduce_max3A_130 : i32
        }
        %while3A_113 = arith.constant 1 : i32
        %while3A_114 = scf.while (%while3A_119 = %while3A_113) : (i32) -> i32 {
          %gt3A_120 = arith.constant 0 : i32
          %gt3A_121 = arith.cmpi sgt, %while3A_119, %gt3A_120 : i32
          scf.condition(%gt3A_121) %while3A_119 : i32
        } do {
        ^bb0(%while3A_119: i32):
          %gather3A = tpu.vector_load_idx %arg12[%scan3A_61#2] : memref<10000xf32, #tpu.memory_space<vmem>>[vector<16xi32>], vector<16xf32>,
          %gt3A_120 = arith.cmpf ogt, %scan3A_61#8, %gather3A : vector<16xf32>
          tpu.vector_store_idx %arg12[%scan3A_61#2], %scan3A_61#8 masked %gt3A_120 : memref<10000xf32, #tpu.memory_space<vmem>>[vector<16xi32>], vector<16xf32>, vector<16xi1>
          %gather3A_121 = tpu.vector_load_idx %arg12[%scan3A_61#2] : memref<10000xf32, #tpu.memory_space<vmem>>[vector<16xi32>], vector<16xf32>,
          %gt3A_122 = arith.cmpf ogt, %scan3A_61#8, %gather3A_121 : vector<16xf32>
          %convert_element_type3A_123 = arith.extui %gt3A_122 : vector<16xi1> to vector<16xi32>
          %reduce_max3A = arith.constant true
          %reduce_max3A_124 = vector.broadcast %reduce_max3A : i1 to vector<16xi1>
          %reduce_max3A_125 = arith.constant -2147483648 : i32
          %reduce_max3A_126 = vector.broadcast %reduce_max3A_125 : i32 to vector<16xi32>
          %reduce_max3A_127 = arith.xori %convert_element_type3A_123, %reduce_max3A_126 : vector<16xi32>
          %reduce_max3A_128 = tpu.scan <max>, %reduce_max3A_127 masked %reduce_max3A_124 : vector<16xi32>, vector<16xi1> -> vector<16xi32>
          %reduce_max3A_129 = arith.xori %reduce_max3A_128, %reduce_max3A_126 : vector<16xi32>
          %reduce_max3A_130 = vector.extract %reduce_max3A_129[15] : i32 from vector<16xi32>
          scf.yield %reduce_max3A_130 : i32
        }
        %while3A_115 = arith.constant 1 : i32
        %while3A_116 = scf.while (%while3A_119 = %while3A_115) : (i32) -> i32 {
          %gt3A_120 = arith.constant 0 : i32
          %gt3A_121 = arith.cmpi sgt, %while3A_119, %gt3A_120 : i32
          scf.condition(%gt3A_121) %while3A_119 : i32
        } do {
        ^bb0(%while3A_119: i32):
          %gather3A = tpu.vector_load_idx %arg13[%scan3A_61#2] : memref<10000xf32, #tpu.memory_space<vmem>>[vector<16xi32>], vector<16xf32>,
          %gt3A_120 = arith.cmpf ogt, %scan3A_61#9, %gather3A : vector<16xf32>
          tpu.vector_store_idx %arg13[%scan3A_61#2], %scan3A_61#9 masked %gt3A_120 : memref<10000xf32, #tpu.memory_space<vmem>>[vector<16xi32>], vector<16xf32>, vector<16xi1>
          %gather3A_121 = tpu.vector_load_idx %arg13[%scan3A_61#2] : memref<10000xf32, #tpu.memory_space<vmem>>[vector<16xi32>], vector<16xf32>,
          %gt3A_122 = arith.cmpf ogt, %scan3A_61#9, %gather3A_121 : vector<16xf32>
          %convert_element_type3A_123 = arith.extui %gt3A_122 : vector<16xi1> to vector<16xi32>
          %reduce_max3A = arith.constant true
          %reduce_max3A_124 = vector.broadcast %reduce_max3A : i1 to vector<16xi1>
          %reduce_max3A_125 = arith.constant -2147483648 : i32
          %reduce_max3A_126 = vector.broadcast %reduce_max3A_125 : i32 to vector<16xi32>
          %reduce_max3A_127 = arith.xori %convert_element_type3A_123, %reduce_max3A_126 : vector<16xi32>
          %reduce_max3A_128 = tpu.scan <max>, %reduce_max3A_127 masked %reduce_max3A_124 : vector<16xi32>, vector<16xi1> -> vector<16xi32>
          %reduce_max3A_129 = arith.xori %reduce_max3A_128, %reduce_max3A_126 : vector<16xi32>
          %reduce_max3A_130 = vector.extract %reduce_max3A_129[15] : i32 from vector<16xi32>
          scf.yield %reduce_max3A_130 : i32
        }
        %while3A_117 = arith.constant 1 : i32
        %while3A_118 = scf.while (%while3A_119 = %while3A_117) : (i32) -> i32 {
          %gt3A_120 = arith.constant 0 : i32
          %gt3A_121 = arith.cmpi sgt, %while3A_119, %gt3A_120 : i32
          scf.condition(%gt3A_121) %while3A_119 : i32
        } do {
        ^bb0(%while3A_119: i32):
          %gather3A = tpu.vector_load_idx %arg14[%scan3A_61#2] : memref<10000xf32, #tpu.memory_space<vmem>>[vector<16xi32>], vector<16xf32>,
          %gt3A_120 = arith.cmpf ogt, %scan3A_61#10, %gather3A : vector<16xf32>
          tpu.vector_store_idx %arg14[%scan3A_61#2], %scan3A_61#10 masked %gt3A_120 : memref<10000xf32, #tpu.memory_space<vmem>>[vector<16xi32>], vector<16xf32>, vector<16xi1>
          %gather3A_121 = tpu.vector_load_idx %arg14[%scan3A_61#2] : memref<10000xf32, #tpu.memory_space<vmem>>[vector<16xi32>], vector<16xf32>,
          %gt3A_122 = arith.cmpf ogt, %scan3A_61#10, %gather3A_121 : vector<16xf32>
          %convert_element_type3A_123 = arith.extui %gt3A_122 : vector<16xi1> to vector<16xi32>
          %reduce_max3A = arith.constant true
          %reduce_max3A_124 = vector.broadcast %reduce_max3A : i1 to vector<16xi1>
          %reduce_max3A_125 = arith.constant -2147483648 : i32
          %reduce_max3A_126 = vector.broadcast %reduce_max3A_125 : i32 to vector<16xi32>
          %reduce_max3A_127 = arith.xori %convert_element_type3A_123, %reduce_max3A_126 : vector<16xi32>
          %reduce_max3A_128 = tpu.scan <max>, %reduce_max3A_127 masked %reduce_max3A_124 : vector<16xi32>, vector<16xi1> -> vector<16xi32>
          %reduce_max3A_129 = arith.xori %reduce_max3A_128, %reduce_max3A_126 : vector<16xi32>
          %reduce_max3A_130 = vector.extract %reduce_max3A_129[15] : i32 from vector<16xi32>
          scf.yield %reduce_max3A_130 : i32
        }
      } else {
      }
      %add3A_65 = arith.constant 2 : i32
      %add3A_66 = arith.addi %add3A_47, %add3A_65 : i32
      %lt3A = arith.constant 200 : i32
      %lt3A_67 = arith.cmpi slt, %add3A_66, %lt3A : i32
      %convert_element_type3A_68 = arith.extui %lt3A_67 : i1 to i32
      %cond3A_69 = arith.constant 0 : i32
      %cond3A_70 = arith.cmpi ne, %convert_element_type3A_68, %cond3A_69 : i32
      scf.if %cond3A_70 {
        %add3A_104 = arith.constant 2 : i32
        %add3A_105 = arith.addi %add3A_47, %add3A_104 : i32
        %mul3A_106 = arith.constant 1600 : i32
        %mul3A_107 = arith.muli %add3A_105, %mul3A_106 : i32
        %dma_start3A_108 = tpu.memref_slice %arg3[%mul3A_107] : memref<320000xi32, #tpu.memory_space<hbm>> -> memref<1600xi32, #tpu.memory_space<hbm>>
        %dma_start3A_109 = tpu.memref_slice %arg3[%mul3A_107] : memref<320000xi32, #tpu.memory_space<hbm>> -> memref<1600xi32, #tpu.memory_space<hbm>>
        tpu.enqueue_dma source(%dma_start3A_109 : memref<1600xi32, #tpu.memory_space<hbm>>) target(%arg15 : memref<1600xi32, #tpu.memory_space<vmem>>) target_semaphore(%arg19 : memref<!tpu.dma_semaphore, #tpu.memory_space<semaphore_mem>>)
        %dma_start3A_110 = tpu.memref_slice %arg4[%mul3A_107] : memref<320000xf32, #tpu.memory_space<hbm>> -> memref<1600xf32, #tpu.memory_space<hbm>>
        %dma_start3A_111 = tpu.memref_slice %arg4[%mul3A_107] : memref<320000xf32, #tpu.memory_space<hbm>> -> memref<1600xf32, #tpu.memory_space<hbm>>
        tpu.enqueue_dma source(%dma_start3A_111 : memref<1600xf32, #tpu.memory_space<hbm>>) target(%arg17 : memref<1600xf32, #tpu.memory_space<vmem>>) target_semaphore(%arg19 : memref<!tpu.dma_semaphore, #tpu.memory_space<semaphore_mem>>)
      } else {
      }
      %mul3A_71 = arith.constant 2 : i32
      %mul3A_72 = arith.muli %mul3A_71, %scan3A_43 : i32
      %add3A_73 = arith.constant 1 : i32
      %add3A_74 = arith.addi %mul3A_72, %add3A_73 : i32
      %mul3A_75 = arith.constant 1600 : i32
      %mul3A_76 = arith.muli %add3A_74, %mul3A_75 : i32
      %dma_wait3A_77 = tpu.memref_slice %arg3[%mul3A_76] : memref<320000xi32, #tpu.memory_space<hbm>> -> memref<1600xi32, #tpu.memory_space<hbm>>
      %dma_wait3A_78 = tpu.memref_slice %arg3[%mul3A_76] : memref<320000xi32, #tpu.memory_space<hbm>> -> memref<1600xi32, #tpu.memory_space<hbm>>
      tpu.wait_dma2 semaphore(%arg20 : memref<!tpu.dma_semaphore, #tpu.memory_space<semaphore_mem>>) src(%dma_wait3A_78 : memref<1600xi32, #tpu.memory_space<hbm>>) dst(%arg16 : memref<1600xi32, #tpu.memory_space<vmem>>)
      %dma_wait3A_79 = tpu.memref_slice %arg4[%mul3A_76] : memref<320000xf32, #tpu.memory_space<hbm>> -> memref<1600xf32, #tpu.memory_space<hbm>>
      %dma_wait3A_80 = tpu.memref_slice %arg4[%mul3A_76] : memref<320000xf32, #tpu.memory_space<hbm>> -> memref<1600xf32, #tpu.memory_space<hbm>>
      tpu.wait_dma2 semaphore(%arg20 : memref<!tpu.dma_semaphore, #tpu.memory_space<semaphore_mem>>) src(%dma_wait3A_80 : memref<1600xf32, #tpu.memory_space<hbm>>) dst(%arg18 : memref<1600xf32, #tpu.memory_space<vmem>>)
      %broadcast_in_dim3A_81 = arith.constant 0.000000e+00 : f32
      %broadcast_in_dim3A_82 = vector.broadcast %broadcast_in_dim3A_81 : f32 to vector<16xf32>
      %broadcast_in_dim3A_83 = arith.constant 0 : i32
      %broadcast_in_dim3A_84 = vector.broadcast %broadcast_in_dim3A_83 : i32 to vector<16xi32>
      %scan3A_85 = arith.constant 0 : i32
      %scan3A_86 = arith.constant 0 : i32
      %scan3A_87 = arith.constant 50 : i32
      %scan3A_88 = arith.addi %scan3A_86, %scan3A_87 : i32
      %scan3A_89 = arith.constant 1 : i32
      %scan3A_90:11 = scf.for %scan3A_104 = %scan3A_86 to %scan3A_88 step %scan3A_89 iter_args(%scan3A_105 = %scan3A_85, %scan3A_106 = %broadcast_in_dim3A_84, %scan3A_107 = %broadcast_in_dim3A_84, %scan3A_108 = %broadcast_in_dim3A_82, %scan3A_109 = %broadcast_in_dim3A_82, %scan3A_110 = %broadcast_in_dim3A_82, %scan3A_111 = %broadcast_in_dim3A_82, %scan3A_112 = %broadcast_in_dim3A_82, %scan3A_113 = %broadcast_in_dim3A_82, %scan3A_114 = %broadcast_in_dim3A_82, %scan3A_115 = %broadcast_in_dim3A_82) -> (i32, vector<16xi32>, vector<16xi32>, vector<16xf32>, vector<16xf32>, vector<16xf32>, vector<16xf32>, vector<16xf32>, vector<16xf32>, vector<16xf32>, vector<16xf32>)  : i32 {
        %mul3A_116 = arith.constant 32 : i32
        %mul3A_117 = arith.muli %scan3A_104, %mul3A_116 : i32
        %get3A = arith.index_cast %mul3A_117 : i32 to index
        %get3A_118 = tpu.vector_load %arg16[%get3A] {strides = array<i32>} : memref<1600xi32, #tpu.memory_space<vmem>>, vector<16xi32>,
        %get3A_119 = arith.index_cast %mul3A_117 : i32 to index
        %get3A_120 = tpu.vector_load %arg18[%get3A_119] {strides = array<i32>} : memref<1600xf32, #tpu.memory_space<vmem>>, vector<16xf32>,
        %add3A_121 = arith.constant 16 : i32
        %add3A_122 = arith.addi %mul3A_117, %add3A_121 : i32
        %get3A_123 = arith.index_cast %add3A_122 : i32 to index
        %get3A_124 = tpu.vector_load %arg16[%get3A_123] {strides = array<i32>} : memref<1600xi32, #tpu.memory_space<vmem>>, vector<16xi32>,
        %add3A_125 = arith.constant 16 : i32
        %add3A_126 = arith.addi %mul3A_117, %add3A_125 : i32
        %get3A_127 = arith.index_cast %add3A_126 : i32 to index
        %get3A_128 = tpu.vector_load %arg18[%get3A_127] {strides = array<i32>} : memref<1600xf32, #tpu.memory_space<vmem>>, vector<16xf32>,
        %and3A = arith.constant 16383 : i32
        %and3A_129 = vector.broadcast %and3A : i32 to vector<16xi32>
        %and3A_130 = arith.andi %get3A_118, %and3A_129 : vector<16xi32>
        %shift_right_logical3A = arith.constant 14 : i32
        %shift_right_logical3A_131 = vector.broadcast %shift_right_logical3A : i32 to vector<16xi32>
        %shift_right_logical3A_132 = arith.shrui %get3A_118, %shift_right_logical3A_131 : vector<16xi32>
        %add3A_133 = arith.constant 0 : i32
        %add3A_134 = vector.broadcast %add3A_133 : i32 to vector<16xi32>
        %add3A_135 = arith.addi %and3A_130, %add3A_134 : vector<16xi32>
        %gather3A = tpu.vector_load_idx %arg6[%add3A_135] : memref<40000xf32, #tpu.memory_space<vmem>>[vector<16xi32>], vector<16xf32>,
        %mul3A_136 = arith.mulf %gather3A, %get3A_120 : vector<16xf32>
        %add3A_137 = arith.constant 10000 : i32
        %add3A_138 = vector.broadcast %add3A_137 : i32 to vector<16xi32>
        %add3A_139 = arith.addi %and3A_130, %add3A_138 : vector<16xi32>
        %gather3A_140 = tpu.vector_load_idx %arg6[%add3A_139] : memref<40000xf32, #tpu.memory_space<vmem>>[vector<16xi32>], vector<16xf32>,
        %mul3A_141 = arith.mulf %gather3A_140, %get3A_120 : vector<16xf32>
        %add3A_142 = arith.constant 20000 : i32
        %add3A_143 = vector.broadcast %add3A_142 : i32 to vector<16xi32>
        %add3A_144 = arith.addi %and3A_130, %add3A_143 : vector<16xi32>
        %gather3A_145 = tpu.vector_load_idx %arg6[%add3A_144] : memref<40000xf32, #tpu.memory_space<vmem>>[vector<16xi32>], vector<16xf32>,
        %mul3A_146 = arith.mulf %gather3A_145, %get3A_120 : vector<16xf32>
        %add3A_147 = arith.constant 30000 : i32
        %add3A_148 = vector.broadcast %add3A_147 : i32 to vector<16xi32>
        %add3A_149 = arith.addi %and3A_130, %add3A_148 : vector<16xi32>
        %gather3A_150 = tpu.vector_load_idx %arg6[%add3A_149] : memref<40000xf32, #tpu.memory_space<vmem>>[vector<16xi32>], vector<16xf32>,
        %mul3A_151 = arith.mulf %gather3A_150, %get3A_120 : vector<16xf32>
        %broadcast_in_dim3A_152 = arith.constant true
        %broadcast_in_dim3A_153 = vector.broadcast %broadcast_in_dim3A_152 : i1 to vector<16xi1>
        %unique3A, %unique3A_154 = tpu.scan_count mask(%broadcast_in_dim3A_153 : vector<16xi1>) value(%shift_right_logical3A_132 : vector<16xi32>) : vector<16xi1>, vector<16xi32>
        %reduce_max3A = arith.constant true
        %reduce_max3A_155 = vector.broadcast %reduce_max3A : i1 to vector<16xi1>
        %reduce_max3A_156 = arith.constant -2147483648 : i32
        %reduce_max3A_157 = vector.broadcast %reduce_max3A_156 : i32 to vector<16xi32>
        %reduce_max3A_158 = arith.xori %unique3A_154, %reduce_max3A_157 : vector<16xi32>
        %reduce_max3A_159 = tpu.scan <max>, %reduce_max3A_158 masked %reduce_max3A_155 : vector<16xi32>, vector<16xi1> -> vector<16xi32>
        %reduce_max3A_160 = arith.xori %reduce_max3A_159, %reduce_max3A_157 : vector<16xi32>
        %reduce_max3A_161 = vector.extract %reduce_max3A_160[15] : i32 from vector<16xi32>
        %reduce_min3A = arith.constant true
        %reduce_min3A_162 = vector.broadcast %reduce_min3A : i1 to vector<16xi1>
        %reduce_min3A_163 = arith.constant -2147483648 : i32
        %reduce_min3A_164 = vector.broadcast %reduce_min3A_163 : i32 to vector<16xi32>
        %reduce_min3A_165 = arith.xori %unique3A_154, %reduce_min3A_164 : vector<16xi32>
        %reduce_min3A_166 = tpu.scan <min>, %reduce_min3A_165 masked %reduce_min3A_162 : vector<16xi32>, vector<16xi1> -> vector<16xi32>
        %reduce_min3A_167 = arith.xori %reduce_min3A_166, %reduce_min3A_164 : vector<16xi32>
        %reduce_min3A_168 = vector.extract %reduce_min3A_167[15] : i32 from vector<16xi32>
        %sub3A = arith.subi %reduce_max3A_161, %reduce_min3A_168 : i32
        %gather3A_169 = tpu.vector_load_idx %arg7[%shift_right_logical3A_132] : memref<10000xf32, #tpu.memory_space<vmem>>[vector<16xi32>], vector<16xf32>,
        %max3A = arith.maximumf %gather3A_169, %mul3A_136 : vector<16xf32>
        tpu.vector_store_idx %arg7[%shift_right_logical3A_132], %max3A : memref<10000xf32, #tpu.memory_space<vmem>>[vector<16xi32>], vector<16xf32>,
        %gather3A_170 = tpu.vector_load_idx %arg8[%shift_right_logical3A_132] : memref<10000xf32, #tpu.memory_space<vmem>>[vector<16xi32>], vector<16xf32>,
        %max3A_171 = arith.maximumf %gather3A_170, %mul3A_141 : vector<16xf32>
        tpu.vector_store_idx %arg8[%shift_right_logical3A_132], %max3A_171 : memref<10000xf32, #tpu.memory_space<vmem>>[vector<16xi32>], vector<16xf32>,
        %gather3A_172 = tpu.vector_load_idx %arg9[%shift_right_logical3A_132] : memref<10000xf32, #tpu.memory_space<vmem>>[vector<16xi32>], vector<16xf32>,
        %max3A_173 = arith.maximumf %gather3A_172, %mul3A_146 : vector<16xf32>
        tpu.vector_store_idx %arg9[%shift_right_logical3A_132], %max3A_173 : memref<10000xf32, #tpu.memory_space<vmem>>[vector<16xi32>], vector<16xf32>,
        %gather3A_174 = tpu.vector_load_idx %arg10[%shift_right_logical3A_132] : memref<10000xf32, #tpu.memory_space<vmem>>[vector<16xi32>], vector<16xf32>,
        %max3A_175 = arith.maximumf %gather3A_174, %mul3A_151 : vector<16xf32>
        tpu.vector_store_idx %arg10[%shift_right_logical3A_132], %max3A_175 : memref<10000xf32, #tpu.memory_space<vmem>>[vector<16xi32>], vector<16xf32>,
        %and3A_176 = arith.constant 16383 : i32
        %and3A_177 = vector.broadcast %and3A_176 : i32 to vector<16xi32>
        %and3A_178 = arith.andi %get3A_124, %and3A_177 : vector<16xi32>
        %shift_right_logical3A_179 = arith.constant 14 : i32
        %shift_right_logical3A_180 = vector.broadcast %shift_right_logical3A_179 : i32 to vector<16xi32>
        %shift_right_logical3A_181 = arith.shrui %get3A_124, %shift_right_logical3A_180 : vector<16xi32>
        %add3A_182 = arith.constant 0 : i32
        %add3A_183 = vector.broadcast %add3A_182 : i32 to vector<16xi32>
        %add3A_184 = arith.addi %and3A_178, %add3A_183 : vector<16xi32>
        %gather3A_185 = tpu.vector_load_idx %arg6[%add3A_184] : memref<40000xf32, #tpu.memory_space<vmem>>[vector<16xi32>], vector<16xf32>,
        %mul3A_186 = arith.mulf %gather3A_185, %get3A_128 : vector<16xf32>
        %add3A_187 = arith.constant 10000 : i32
        %add3A_188 = vector.broadcast %add3A_187 : i32 to vector<16xi32>
        %add3A_189 = arith.addi %and3A_178, %add3A_188 : vector<16xi32>
        %gather3A_190 = tpu.vector_load_idx %arg6[%add3A_189] : memref<40000xf32, #tpu.memory_space<vmem>>[vector<16xi32>], vector<16xf32>,
        %mul3A_191 = arith.mulf %gather3A_190, %get3A_128 : vector<16xf32>
        %add3A_192 = arith.constant 20000 : i32
        %add3A_193 = vector.broadcast %add3A_192 : i32 to vector<16xi32>
        %add3A_194 = arith.addi %and3A_178, %add3A_193 : vector<16xi32>
        %gather3A_195 = tpu.vector_load_idx %arg6[%add3A_194] : memref<40000xf32, #tpu.memory_space<vmem>>[vector<16xi32>], vector<16xf32>,
        %mul3A_196 = arith.mulf %gather3A_195, %get3A_128 : vector<16xf32>
        %add3A_197 = arith.constant 30000 : i32
        %add3A_198 = vector.broadcast %add3A_197 : i32 to vector<16xi32>
        %add3A_199 = arith.addi %and3A_178, %add3A_198 : vector<16xi32>
        %gather3A_200 = tpu.vector_load_idx %arg6[%add3A_199] : memref<40000xf32, #tpu.memory_space<vmem>>[vector<16xi32>], vector<16xf32>,
        %mul3A_201 = arith.mulf %gather3A_200, %get3A_128 : vector<16xf32>
        %broadcast_in_dim3A_202 = arith.constant true
        %broadcast_in_dim3A_203 = vector.broadcast %broadcast_in_dim3A_202 : i1 to vector<16xi1>
        %unique3A_204, %unique3A_205 = tpu.scan_count mask(%broadcast_in_dim3A_203 : vector<16xi1>) value(%shift_right_logical3A_181 : vector<16xi32>) : vector<16xi1>, vector<16xi32>
        %reduce_max3A_206 = arith.constant true
        %reduce_max3A_207 = vector.broadcast %reduce_max3A_206 : i1 to vector<16xi1>
        %reduce_max3A_208 = arith.constant -2147483648 : i32
        %reduce_max3A_209 = vector.broadcast %reduce_max3A_208 : i32 to vector<16xi32>
        %reduce_max3A_210 = arith.xori %unique3A_205, %reduce_max3A_209 : vector<16xi32>
        %reduce_max3A_211 = tpu.scan <max>, %reduce_max3A_210 masked %reduce_max3A_207 : vector<16xi32>, vector<16xi1> -> vector<16xi32>
        %reduce_max3A_212 = arith.xori %reduce_max3A_211, %reduce_max3A_209 : vector<16xi32>
        %reduce_max3A_213 = vector.extract %reduce_max3A_212[15] : i32 from vector<16xi32>
        %reduce_min3A_214 = arith.constant true
        %reduce_min3A_215 = vector.broadcast %reduce_min3A_214 : i1 to vector<16xi1>
        %reduce_min3A_216 = arith.constant -2147483648 : i32
        %reduce_min3A_217 = vector.broadcast %reduce_min3A_216 : i32 to vector<16xi32>
        %reduce_min3A_218 = arith.xori %unique3A_205, %reduce_min3A_217 : vector<16xi32>
        %reduce_min3A_219 = tpu.scan <min>, %reduce_min3A_218 masked %reduce_min3A_215 : vector<16xi32>, vector<16xi1> -> vector<16xi32>
        %reduce_min3A_220 = arith.xori %reduce_min3A_219, %reduce_min3A_217 : vector<16xi32>
        %reduce_min3A_221 = vector.extract %reduce_min3A_220[15] : i32 from vector<16xi32>
        %sub3A_222 = arith.subi %reduce_max3A_213, %reduce_min3A_221 : i32
        %gather3A_223 = tpu.vector_load_idx %arg11[%shift_right_logical3A_181] : memref<10000xf32, #tpu.memory_space<vmem>>[vector<16xi32>], vector<16xf32>,
        %max3A_224 = arith.maximumf %gather3A_223, %mul3A_186 : vector<16xf32>
        tpu.vector_store_idx %arg11[%shift_right_logical3A_181], %max3A_224 : memref<10000xf32, #tpu.memory_space<vmem>>[vector<16xi32>], vector<16xf32>,
        %gather3A_225 = tpu.vector_load_idx %arg12[%shift_right_logical3A_181] : memref<10000xf32, #tpu.memory_space<vmem>>[vector<16xi32>], vector<16xf32>,
        %max3A_226 = arith.maximumf %gather3A_225, %mul3A_191 : vector<16xf32>
        tpu.vector_store_idx %arg12[%shift_right_logical3A_181], %max3A_226 : memref<10000xf32, #tpu.memory_space<vmem>>[vector<16xi32>], vector<16xf32>,
        %gather3A_227 = tpu.vector_load_idx %arg13[%shift_right_logical3A_181] : memref<10000xf32, #tpu.memory_space<vmem>>[vector<16xi32>], vector<16xf32>,
        %max3A_228 = arith.maximumf %gather3A_227, %mul3A_196 : vector<16xf32>
        tpu.vector_store_idx %arg13[%shift_right_logical3A_181], %max3A_228 : memref<10000xf32, #tpu.memory_space<vmem>>[vector<16xi32>], vector<16xf32>,
        %gather3A_229 = tpu.vector_load_idx %arg14[%shift_right_logical3A_181] : memref<10000xf32, #tpu.memory_space<vmem>>[vector<16xi32>], vector<16xf32>,
        %max3A_230 = arith.maximumf %gather3A_229, %mul3A_201 : vector<16xf32>
        tpu.vector_store_idx %arg14[%shift_right_logical3A_181], %max3A_230 : memref<10000xf32, #tpu.memory_space<vmem>>[vector<16xi32>], vector<16xf32>,
        %gt3A_231 = arith.constant 0 : i32
        %gt3A_232 = arith.cmpi sgt, %scan3A_105, %gt3A_231 : i32
        %convert_element_type3A_233 = arith.extui %gt3A_232 : i1 to i32
        %cond3A_234 = arith.constant 0 : i32
        %cond3A_235 = arith.cmpi ne, %convert_element_type3A_233, %cond3A_234 : i32
        scf.if %cond3A_235 {
          %while3A = arith.constant 1 : i32
          %while3A_237 = scf.while (%while3A_252 = %while3A) : (i32) -> i32 {
            %gt3A_253 = arith.constant 0 : i32
            %gt3A_254 = arith.cmpi sgt, %while3A_252, %gt3A_253 : i32
            scf.condition(%gt3A_254) %while3A_252 : i32
          } do {
          ^bb0(%while3A_252: i32):
            %gather3A_253 = tpu.vector_load_idx %arg7[%scan3A_106] : memref<10000xf32, #tpu.memory_space<vmem>>[vector<16xi32>], vector<16xf32>,
            %gt3A_254 = arith.cmpf ogt, %scan3A_108, %gather3A_253 : vector<16xf32>
            tpu.vector_store_idx %arg7[%scan3A_106], %scan3A_108 masked %gt3A_254 : memref<10000xf32, #tpu.memory_space<vmem>>[vector<16xi32>], vector<16xf32>, vector<16xi1>
            %gather3A_255 = tpu.vector_load_idx %arg7[%scan3A_106] : memref<10000xf32, #tpu.memory_space<vmem>>[vector<16xi32>], vector<16xf32>,
            %gt3A_256 = arith.cmpf ogt, %scan3A_108, %gather3A_255 : vector<16xf32>
            %convert_element_type3A_257 = arith.extui %gt3A_256 : vector<16xi1> to vector<16xi32>
            %reduce_max3A_258 = arith.constant true
            %reduce_max3A_259 = vector.broadcast %reduce_max3A_258 : i1 to vector<16xi1>
            %reduce_max3A_260 = arith.constant -2147483648 : i32
            %reduce_max3A_261 = vector.broadcast %reduce_max3A_260 : i32 to vector<16xi32>
            %reduce_max3A_262 = arith.xori %convert_element_type3A_257, %reduce_max3A_261 : vector<16xi32>
            %reduce_max3A_263 = tpu.scan <max>, %reduce_max3A_262 masked %reduce_max3A_259 : vector<16xi32>, vector<16xi1> -> vector<16xi32>
            %reduce_max3A_264 = arith.xori %reduce_max3A_263, %reduce_max3A_261 : vector<16xi32>
            %reduce_max3A_265 = vector.extract %reduce_max3A_264[15] : i32 from vector<16xi32>
            scf.yield %reduce_max3A_265 : i32
          }
          %while3A_238 = arith.constant 1 : i32
          %while3A_239 = scf.while (%while3A_252 = %while3A_238) : (i32) -> i32 {
            %gt3A_253 = arith.constant 0 : i32
            %gt3A_254 = arith.cmpi sgt, %while3A_252, %gt3A_253 : i32
            scf.condition(%gt3A_254) %while3A_252 : i32
          } do {
          ^bb0(%while3A_252: i32):
            %gather3A_253 = tpu.vector_load_idx %arg8[%scan3A_106] : memref<10000xf32, #tpu.memory_space<vmem>>[vector<16xi32>], vector<16xf32>,
            %gt3A_254 = arith.cmpf ogt, %scan3A_109, %gather3A_253 : vector<16xf32>
            tpu.vector_store_idx %arg8[%scan3A_106], %scan3A_109 masked %gt3A_254 : memref<10000xf32, #tpu.memory_space<vmem>>[vector<16xi32>], vector<16xf32>, vector<16xi1>
            %gather3A_255 = tpu.vector_load_idx %arg8[%scan3A_106] : memref<10000xf32, #tpu.memory_space<vmem>>[vector<16xi32>], vector<16xf32>,
            %gt3A_256 = arith.cmpf ogt, %scan3A_109, %gather3A_255 : vector<16xf32>
            %convert_element_type3A_257 = arith.extui %gt3A_256 : vector<16xi1> to vector<16xi32>
            %reduce_max3A_258 = arith.constant true
            %reduce_max3A_259 = vector.broadcast %reduce_max3A_258 : i1 to vector<16xi1>
            %reduce_max3A_260 = arith.constant -2147483648 : i32
            %reduce_max3A_261 = vector.broadcast %reduce_max3A_260 : i32 to vector<16xi32>
            %reduce_max3A_262 = arith.xori %convert_element_type3A_257, %reduce_max3A_261 : vector<16xi32>
            %reduce_max3A_263 = tpu.scan <max>, %reduce_max3A_262 masked %reduce_max3A_259 : vector<16xi32>, vector<16xi1> -> vector<16xi32>
            %reduce_max3A_264 = arith.xori %reduce_max3A_263, %reduce_max3A_261 : vector<16xi32>
            %reduce_max3A_265 = vector.extract %reduce_max3A_264[15] : i32 from vector<16xi32>
            scf.yield %reduce_max3A_265 : i32
          }
          %while3A_240 = arith.constant 1 : i32
          %while3A_241 = scf.while (%while3A_252 = %while3A_240) : (i32) -> i32 {
            %gt3A_253 = arith.constant 0 : i32
            %gt3A_254 = arith.cmpi sgt, %while3A_252, %gt3A_253 : i32
            scf.condition(%gt3A_254) %while3A_252 : i32
          } do {
          ^bb0(%while3A_252: i32):
            %gather3A_253 = tpu.vector_load_idx %arg9[%scan3A_106] : memref<10000xf32, #tpu.memory_space<vmem>>[vector<16xi32>], vector<16xf32>,
            %gt3A_254 = arith.cmpf ogt, %scan3A_110, %gather3A_253 : vector<16xf32>
            tpu.vector_store_idx %arg9[%scan3A_106], %scan3A_110 masked %gt3A_254 : memref<10000xf32, #tpu.memory_space<vmem>>[vector<16xi32>], vector<16xf32>, vector<16xi1>
            %gather3A_255 = tpu.vector_load_idx %arg9[%scan3A_106] : memref<10000xf32, #tpu.memory_space<vmem>>[vector<16xi32>], vector<16xf32>,
            %gt3A_256 = arith.cmpf ogt, %scan3A_110, %gather3A_255 : vector<16xf32>
            %convert_element_type3A_257 = arith.extui %gt3A_256 : vector<16xi1> to vector<16xi32>
            %reduce_max3A_258 = arith.constant true
            %reduce_max3A_259 = vector.broadcast %reduce_max3A_258 : i1 to vector<16xi1>
            %reduce_max3A_260 = arith.constant -2147483648 : i32
            %reduce_max3A_261 = vector.broadcast %reduce_max3A_260 : i32 to vector<16xi32>
            %reduce_max3A_262 = arith.xori %convert_element_type3A_257, %reduce_max3A_261 : vector<16xi32>
            %reduce_max3A_263 = tpu.scan <max>, %reduce_max3A_262 masked %reduce_max3A_259 : vector<16xi32>, vector<16xi1> -> vector<16xi32>
            %reduce_max3A_264 = arith.xori %reduce_max3A_263, %reduce_max3A_261 : vector<16xi32>
            %reduce_max3A_265 = vector.extract %reduce_max3A_264[15] : i32 from vector<16xi32>
            scf.yield %reduce_max3A_265 : i32
          }
          %while3A_242 = arith.constant 1 : i32
          %while3A_243 = scf.while (%while3A_252 = %while3A_242) : (i32) -> i32 {
            %gt3A_253 = arith.constant 0 : i32
            %gt3A_254 = arith.cmpi sgt, %while3A_252, %gt3A_253 : i32
            scf.condition(%gt3A_254) %while3A_252 : i32
          } do {
          ^bb0(%while3A_252: i32):
            %gather3A_253 = tpu.vector_load_idx %arg10[%scan3A_106] : memref<10000xf32, #tpu.memory_space<vmem>>[vector<16xi32>], vector<16xf32>,
            %gt3A_254 = arith.cmpf ogt, %scan3A_111, %gather3A_253 : vector<16xf32>
            tpu.vector_store_idx %arg10[%scan3A_106], %scan3A_111 masked %gt3A_254 : memref<10000xf32, #tpu.memory_space<vmem>>[vector<16xi32>], vector<16xf32>, vector<16xi1>
            %gather3A_255 = tpu.vector_load_idx %arg10[%scan3A_106] : memref<10000xf32, #tpu.memory_space<vmem>>[vector<16xi32>], vector<16xf32>,
            %gt3A_256 = arith.cmpf ogt, %scan3A_111, %gather3A_255 : vector<16xf32>
            %convert_element_type3A_257 = arith.extui %gt3A_256 : vector<16xi1> to vector<16xi32>
            %reduce_max3A_258 = arith.constant true
            %reduce_max3A_259 = vector.broadcast %reduce_max3A_258 : i1 to vector<16xi1>
            %reduce_max3A_260 = arith.constant -2147483648 : i32
            %reduce_max3A_261 = vector.broadcast %reduce_max3A_260 : i32 to vector<16xi32>
            %reduce_max3A_262 = arith.xori %convert_element_type3A_257, %reduce_max3A_261 : vector<16xi32>
            %reduce_max3A_263 = tpu.scan <max>, %reduce_max3A_262 masked %reduce_max3A_259 : vector<16xi32>, vector<16xi1> -> vector<16xi32>
            %reduce_max3A_264 = arith.xori %reduce_max3A_263, %reduce_max3A_261 : vector<16xi32>
            %reduce_max3A_265 = vector.extract %reduce_max3A_264[15] : i32 from vector<16xi32>
            scf.yield %reduce_max3A_265 : i32
          }
          %while3A_244 = arith.constant 1 : i32
          %while3A_245 = scf.while (%while3A_252 = %while3A_244) : (i32) -> i32 {
            %gt3A_253 = arith.constant 0 : i32
            %gt3A_254 = arith.cmpi sgt, %while3A_252, %gt3A_253 : i32
            scf.condition(%gt3A_254) %while3A_252 : i32
          } do {
          ^bb0(%while3A_252: i32):
            %gather3A_253 = tpu.vector_load_idx %arg11[%scan3A_107] : memref<10000xf32, #tpu.memory_space<vmem>>[vector<16xi32>], vector<16xf32>,
            %gt3A_254 = arith.cmpf ogt, %scan3A_112, %gather3A_253 : vector<16xf32>
            tpu.vector_store_idx %arg11[%scan3A_107], %scan3A_112 masked %gt3A_254 : memref<10000xf32, #tpu.memory_space<vmem>>[vector<16xi32>], vector<16xf32>, vector<16xi1>
            %gather3A_255 = tpu.vector_load_idx %arg11[%scan3A_107] : memref<10000xf32, #tpu.memory_space<vmem>>[vector<16xi32>], vector<16xf32>,
            %gt3A_256 = arith.cmpf ogt, %scan3A_112, %gather3A_255 : vector<16xf32>
            %convert_element_type3A_257 = arith.extui %gt3A_256 : vector<16xi1> to vector<16xi32>
            %reduce_max3A_258 = arith.constant true
            %reduce_max3A_259 = vector.broadcast %reduce_max3A_258 : i1 to vector<16xi1>
            %reduce_max3A_260 = arith.constant -2147483648 : i32
            %reduce_max3A_261 = vector.broadcast %reduce_max3A_260 : i32 to vector<16xi32>
            %reduce_max3A_262 = arith.xori %convert_element_type3A_257, %reduce_max3A_261 : vector<16xi32>
            %reduce_max3A_263 = tpu.scan <max>, %reduce_max3A_262 masked %reduce_max3A_259 : vector<16xi32>, vector<16xi1> -> vector<16xi32>
            %reduce_max3A_264 = arith.xori %reduce_max3A_263, %reduce_max3A_261 : vector<16xi32>
            %reduce_max3A_265 = vector.extract %reduce_max3A_264[15] : i32 from vector<16xi32>
            scf.yield %reduce_max3A_265 : i32
          }
          %while3A_246 = arith.constant 1 : i32
          %while3A_247 = scf.while (%while3A_252 = %while3A_246) : (i32) -> i32 {
            %gt3A_253 = arith.constant 0 : i32
            %gt3A_254 = arith.cmpi sgt, %while3A_252, %gt3A_253 : i32
            scf.condition(%gt3A_254) %while3A_252 : i32
          } do {
          ^bb0(%while3A_252: i32):
            %gather3A_253 = tpu.vector_load_idx %arg12[%scan3A_107] : memref<10000xf32, #tpu.memory_space<vmem>>[vector<16xi32>], vector<16xf32>,
            %gt3A_254 = arith.cmpf ogt, %scan3A_113, %gather3A_253 : vector<16xf32>
            tpu.vector_store_idx %arg12[%scan3A_107], %scan3A_113 masked %gt3A_254 : memref<10000xf32, #tpu.memory_space<vmem>>[vector<16xi32>], vector<16xf32>, vector<16xi1>
            %gather3A_255 = tpu.vector_load_idx %arg12[%scan3A_107] : memref<10000xf32, #tpu.memory_space<vmem>>[vector<16xi32>], vector<16xf32>,
            %gt3A_256 = arith.cmpf ogt, %scan3A_113, %gather3A_255 : vector<16xf32>
            %convert_element_type3A_257 = arith.extui %gt3A_256 : vector<16xi1> to vector<16xi32>
            %reduce_max3A_258 = arith.constant true
            %reduce_max3A_259 = vector.broadcast %reduce_max3A_258 : i1 to vector<16xi1>
            %reduce_max3A_260 = arith.constant -2147483648 : i32
            %reduce_max3A_261 = vector.broadcast %reduce_max3A_260 : i32 to vector<16xi32>
            %reduce_max3A_262 = arith.xori %convert_element_type3A_257, %reduce_max3A_261 : vector<16xi32>
            %reduce_max3A_263 = tpu.scan <max>, %reduce_max3A_262 masked %reduce_max3A_259 : vector<16xi32>, vector<16xi1> -> vector<16xi32>
            %reduce_max3A_264 = arith.xori %reduce_max3A_263, %reduce_max3A_261 : vector<16xi32>
            %reduce_max3A_265 = vector.extract %reduce_max3A_264[15] : i32 from vector<16xi32>
            scf.yield %reduce_max3A_265 : i32
          }
          %while3A_248 = arith.constant 1 : i32
          %while3A_249 = scf.while (%while3A_252 = %while3A_248) : (i32) -> i32 {
            %gt3A_253 = arith.constant 0 : i32
            %gt3A_254 = arith.cmpi sgt, %while3A_252, %gt3A_253 : i32
            scf.condition(%gt3A_254) %while3A_252 : i32
          } do {
          ^bb0(%while3A_252: i32):
            %gather3A_253 = tpu.vector_load_idx %arg13[%scan3A_107] : memref<10000xf32, #tpu.memory_space<vmem>>[vector<16xi32>], vector<16xf32>,
            %gt3A_254 = arith.cmpf ogt, %scan3A_114, %gather3A_253 : vector<16xf32>
            tpu.vector_store_idx %arg13[%scan3A_107], %scan3A_114 masked %gt3A_254 : memref<10000xf32, #tpu.memory_space<vmem>>[vector<16xi32>], vector<16xf32>, vector<16xi1>
            %gather3A_255 = tpu.vector_load_idx %arg13[%scan3A_107] : memref<10000xf32, #tpu.memory_space<vmem>>[vector<16xi32>], vector<16xf32>,
            %gt3A_256 = arith.cmpf ogt, %scan3A_114, %gather3A_255 : vector<16xf32>
            %convert_element_type3A_257 = arith.extui %gt3A_256 : vector<16xi1> to vector<16xi32>
            %reduce_max3A_258 = arith.constant true
            %reduce_max3A_259 = vector.broadcast %reduce_max3A_258 : i1 to vector<16xi1>
            %reduce_max3A_260 = arith.constant -2147483648 : i32
            %reduce_max3A_261 = vector.broadcast %reduce_max3A_260 : i32 to vector<16xi32>
            %reduce_max3A_262 = arith.xori %convert_element_type3A_257, %reduce_max3A_261 : vector<16xi32>
            %reduce_max3A_263 = tpu.scan <max>, %reduce_max3A_262 masked %reduce_max3A_259 : vector<16xi32>, vector<16xi1> -> vector<16xi32>
            %reduce_max3A_264 = arith.xori %reduce_max3A_263, %reduce_max3A_261 : vector<16xi32>
            %reduce_max3A_265 = vector.extract %reduce_max3A_264[15] : i32 from vector<16xi32>
            scf.yield %reduce_max3A_265 : i32
          }
          %while3A_250 = arith.constant 1 : i32
          %while3A_251 = scf.while (%while3A_252 = %while3A_250) : (i32) -> i32 {
            %gt3A_253 = arith.constant 0 : i32
            %gt3A_254 = arith.cmpi sgt, %while3A_252, %gt3A_253 : i32
            scf.condition(%gt3A_254) %while3A_252 : i32
          } do {
          ^bb0(%while3A_252: i32):
            %gather3A_253 = tpu.vector_load_idx %arg14[%scan3A_107] : memref<10000xf32, #tpu.memory_space<vmem>>[vector<16xi32>], vector<16xf32>,
            %gt3A_254 = arith.cmpf ogt, %scan3A_115, %gather3A_253 : vector<16xf32>
            tpu.vector_store_idx %arg14[%scan3A_107], %scan3A_115 masked %gt3A_254 : memref<10000xf32, #tpu.memory_space<vmem>>[vector<16xi32>], vector<16xf32>, vector<16xi1>
            %gather3A_255 = tpu.vector_load_idx %arg14[%scan3A_107] : memref<10000xf32, #tpu.memory_space<vmem>>[vector<16xi32>], vector<16xf32>,
            %gt3A_256 = arith.cmpf ogt, %scan3A_115, %gather3A_255 : vector<16xf32>
            %convert_element_type3A_257 = arith.extui %gt3A_256 : vector<16xi1> to vector<16xi32>
            %reduce_max3A_258 = arith.constant true
            %reduce_max3A_259 = vector.broadcast %reduce_max3A_258 : i1 to vector<16xi1>
            %reduce_max3A_260 = arith.constant -2147483648 : i32
            %reduce_max3A_261 = vector.broadcast %reduce_max3A_260 : i32 to vector<16xi32>
            %reduce_max3A_262 = arith.xori %convert_element_type3A_257, %reduce_max3A_261 : vector<16xi32>
            %reduce_max3A_263 = tpu.scan <max>, %reduce_max3A_262 masked %reduce_max3A_259 : vector<16xi32>, vector<16xi1> -> vector<16xi32>
            %reduce_max3A_264 = arith.xori %reduce_max3A_263, %reduce_max3A_261 : vector<16xi32>
            %reduce_max3A_265 = vector.extract %reduce_max3A_264[15] : i32 from vector<16xi32>
            scf.yield %reduce_max3A_265 : i32
          }
        } else {
        }
        %add3A_236 = arith.addi %sub3A, %sub3A_222 : i32
        scf.yield %add3A_236, %shift_right_logical3A_132, %shift_right_logical3A_181, %mul3A_136, %mul3A_141, %mul3A_146, %mul3A_151, %mul3A_186, %mul3A_191, %mul3A_196, %mul3A_201 : i32, vector<16xi32>, vector<16xi32>, vector<16xf32>, vector<16xf32>, vector<16xf32>, vector<16xf32>, vector<16xf32>, vector<16xf32>, vector<16xf32>, vector<16xf32>
      }
      %scan3A_91 = arith.constant 50 : i32
      %gt3A_92 = arith.constant 0 : i32
      %gt3A_93 = arith.cmpi sgt, %scan3A_90#0, %gt3A_92 : i32
      %convert_element_type3A_94 = arith.extui %gt3A_93 : i1 to i32
      %cond3A_95 = arith.constant 0 : i32
      %cond3A_96 = arith.cmpi ne, %convert_element_type3A_94, %cond3A_95 : i32
      scf.if %cond3A_96 {
        %while3A = arith.constant 1 : i32
        %while3A_104 = scf.while (%while3A_119 = %while3A) : (i32) -> i32 {
          %gt3A_120 = arith.constant 0 : i32
          %gt3A_121 = arith.cmpi sgt, %while3A_119, %gt3A_120 : i32
          scf.condition(%gt3A_121) %while3A_119 : i32
        } do {
        ^bb0(%while3A_119: i32):
          %gather3A = tpu.vector_load_idx %arg7[%scan3A_90#1] : memref<10000xf32, #tpu.memory_space<vmem>>[vector<16xi32>], vector<16xf32>,
          %gt3A_120 = arith.cmpf ogt, %scan3A_90#3, %gather3A : vector<16xf32>
          tpu.vector_store_idx %arg7[%scan3A_90#1], %scan3A_90#3 masked %gt3A_120 : memref<10000xf32, #tpu.memory_space<vmem>>[vector<16xi32>], vector<16xf32>, vector<16xi1>
          %gather3A_121 = tpu.vector_load_idx %arg7[%scan3A_90#1] : memref<10000xf32, #tpu.memory_space<vmem>>[vector<16xi32>], vector<16xf32>,
          %gt3A_122 = arith.cmpf ogt, %scan3A_90#3, %gather3A_121 : vector<16xf32>
          %convert_element_type3A_123 = arith.extui %gt3A_122 : vector<16xi1> to vector<16xi32>
          %reduce_max3A = arith.constant true
          %reduce_max3A_124 = vector.broadcast %reduce_max3A : i1 to vector<16xi1>
          %reduce_max3A_125 = arith.constant -2147483648 : i32
          %reduce_max3A_126 = vector.broadcast %reduce_max3A_125 : i32 to vector<16xi32>
          %reduce_max3A_127 = arith.xori %convert_element_type3A_123, %reduce_max3A_126 : vector<16xi32>
          %reduce_max3A_128 = tpu.scan <max>, %reduce_max3A_127 masked %reduce_max3A_124 : vector<16xi32>, vector<16xi1> -> vector<16xi32>
          %reduce_max3A_129 = arith.xori %reduce_max3A_128, %reduce_max3A_126 : vector<16xi32>
          %reduce_max3A_130 = vector.extract %reduce_max3A_129[15] : i32 from vector<16xi32>
          scf.yield %reduce_max3A_130 : i32
        }
        %while3A_105 = arith.constant 1 : i32
        %while3A_106 = scf.while (%while3A_119 = %while3A_105) : (i32) -> i32 {
          %gt3A_120 = arith.constant 0 : i32
          %gt3A_121 = arith.cmpi sgt, %while3A_119, %gt3A_120 : i32
          scf.condition(%gt3A_121) %while3A_119 : i32
        } do {
        ^bb0(%while3A_119: i32):
          %gather3A = tpu.vector_load_idx %arg8[%scan3A_90#1] : memref<10000xf32, #tpu.memory_space<vmem>>[vector<16xi32>], vector<16xf32>,
          %gt3A_120 = arith.cmpf ogt, %scan3A_90#4, %gather3A : vector<16xf32>
          tpu.vector_store_idx %arg8[%scan3A_90#1], %scan3A_90#4 masked %gt3A_120 : memref<10000xf32, #tpu.memory_space<vmem>>[vector<16xi32>], vector<16xf32>, vector<16xi1>
          %gather3A_121 = tpu.vector_load_idx %arg8[%scan3A_90#1] : memref<10000xf32, #tpu.memory_space<vmem>>[vector<16xi32>], vector<16xf32>,
          %gt3A_122 = arith.cmpf ogt, %scan3A_90#4, %gather3A_121 : vector<16xf32>
          %convert_element_type3A_123 = arith.extui %gt3A_122 : vector<16xi1> to vector<16xi32>
          %reduce_max3A = arith.constant true
          %reduce_max3A_124 = vector.broadcast %reduce_max3A : i1 to vector<16xi1>
          %reduce_max3A_125 = arith.constant -2147483648 : i32
          %reduce_max3A_126 = vector.broadcast %reduce_max3A_125 : i32 to vector<16xi32>
          %reduce_max3A_127 = arith.xori %convert_element_type3A_123, %reduce_max3A_126 : vector<16xi32>
          %reduce_max3A_128 = tpu.scan <max>, %reduce_max3A_127 masked %reduce_max3A_124 : vector<16xi32>, vector<16xi1> -> vector<16xi32>
          %reduce_max3A_129 = arith.xori %reduce_max3A_128, %reduce_max3A_126 : vector<16xi32>
          %reduce_max3A_130 = vector.extract %reduce_max3A_129[15] : i32 from vector<16xi32>
          scf.yield %reduce_max3A_130 : i32
        }
        %while3A_107 = arith.constant 1 : i32
        %while3A_108 = scf.while (%while3A_119 = %while3A_107) : (i32) -> i32 {
          %gt3A_120 = arith.constant 0 : i32
          %gt3A_121 = arith.cmpi sgt, %while3A_119, %gt3A_120 : i32
          scf.condition(%gt3A_121) %while3A_119 : i32
        } do {
        ^bb0(%while3A_119: i32):
          %gather3A = tpu.vector_load_idx %arg9[%scan3A_90#1] : memref<10000xf32, #tpu.memory_space<vmem>>[vector<16xi32>], vector<16xf32>,
          %gt3A_120 = arith.cmpf ogt, %scan3A_90#5, %gather3A : vector<16xf32>
          tpu.vector_store_idx %arg9[%scan3A_90#1], %scan3A_90#5 masked %gt3A_120 : memref<10000xf32, #tpu.memory_space<vmem>>[vector<16xi32>], vector<16xf32>, vector<16xi1>
          %gather3A_121 = tpu.vector_load_idx %arg9[%scan3A_90#1] : memref<10000xf32, #tpu.memory_space<vmem>>[vector<16xi32>], vector<16xf32>,
          %gt3A_122 = arith.cmpf ogt, %scan3A_90#5, %gather3A_121 : vector<16xf32>
          %convert_element_type3A_123 = arith.extui %gt3A_122 : vector<16xi1> to vector<16xi32>
          %reduce_max3A = arith.constant true
          %reduce_max3A_124 = vector.broadcast %reduce_max3A : i1 to vector<16xi1>
          %reduce_max3A_125 = arith.constant -2147483648 : i32
          %reduce_max3A_126 = vector.broadcast %reduce_max3A_125 : i32 to vector<16xi32>
          %reduce_max3A_127 = arith.xori %convert_element_type3A_123, %reduce_max3A_126 : vector<16xi32>
          %reduce_max3A_128 = tpu.scan <max>, %reduce_max3A_127 masked %reduce_max3A_124 : vector<16xi32>, vector<16xi1> -> vector<16xi32>
          %reduce_max3A_129 = arith.xori %reduce_max3A_128, %reduce_max3A_126 : vector<16xi32>
          %reduce_max3A_130 = vector.extract %reduce_max3A_129[15] : i32 from vector<16xi32>
          scf.yield %reduce_max3A_130 : i32
        }
        %while3A_109 = arith.constant 1 : i32
        %while3A_110 = scf.while (%while3A_119 = %while3A_109) : (i32) -> i32 {
          %gt3A_120 = arith.constant 0 : i32
          %gt3A_121 = arith.cmpi sgt, %while3A_119, %gt3A_120 : i32
          scf.condition(%gt3A_121) %while3A_119 : i32
        } do {
        ^bb0(%while3A_119: i32):
          %gather3A = tpu.vector_load_idx %arg10[%scan3A_90#1] : memref<10000xf32, #tpu.memory_space<vmem>>[vector<16xi32>], vector<16xf32>,
          %gt3A_120 = arith.cmpf ogt, %scan3A_90#6, %gather3A : vector<16xf32>
          tpu.vector_store_idx %arg10[%scan3A_90#1], %scan3A_90#6 masked %gt3A_120 : memref<10000xf32, #tpu.memory_space<vmem>>[vector<16xi32>], vector<16xf32>, vector<16xi1>
          %gather3A_121 = tpu.vector_load_idx %arg10[%scan3A_90#1] : memref<10000xf32, #tpu.memory_space<vmem>>[vector<16xi32>], vector<16xf32>,
          %gt3A_122 = arith.cmpf ogt, %scan3A_90#6, %gather3A_121 : vector<16xf32>
          %convert_element_type3A_123 = arith.extui %gt3A_122 : vector<16xi1> to vector<16xi32>
          %reduce_max3A = arith.constant true
          %reduce_max3A_124 = vector.broadcast %reduce_max3A : i1 to vector<16xi1>
          %reduce_max3A_125 = arith.constant -2147483648 : i32
          %reduce_max3A_126 = vector.broadcast %reduce_max3A_125 : i32 to vector<16xi32>
          %reduce_max3A_127 = arith.xori %convert_element_type3A_123, %reduce_max3A_126 : vector<16xi32>
          %reduce_max3A_128 = tpu.scan <max>, %reduce_max3A_127 masked %reduce_max3A_124 : vector<16xi32>, vector<16xi1> -> vector<16xi32>
          %reduce_max3A_129 = arith.xori %reduce_max3A_128, %reduce_max3A_126 : vector<16xi32>
          %reduce_max3A_130 = vector.extract %reduce_max3A_129[15] : i32 from vector<16xi32>
          scf.yield %reduce_max3A_130 : i32
        }
        %while3A_111 = arith.constant 1 : i32
        %while3A_112 = scf.while (%while3A_119 = %while3A_111) : (i32) -> i32 {
          %gt3A_120 = arith.constant 0 : i32
          %gt3A_121 = arith.cmpi sgt, %while3A_119, %gt3A_120 : i32
          scf.condition(%gt3A_121) %while3A_119 : i32
        } do {
        ^bb0(%while3A_119: i32):
          %gather3A = tpu.vector_load_idx %arg11[%scan3A_90#2] : memref<10000xf32, #tpu.memory_space<vmem>>[vector<16xi32>], vector<16xf32>,
          %gt3A_120 = arith.cmpf ogt, %scan3A_90#7, %gather3A : vector<16xf32>
          tpu.vector_store_idx %arg11[%scan3A_90#2], %scan3A_90#7 masked %gt3A_120 : memref<10000xf32, #tpu.memory_space<vmem>>[vector<16xi32>], vector<16xf32>, vector<16xi1>
          %gather3A_121 = tpu.vector_load_idx %arg11[%scan3A_90#2] : memref<10000xf32, #tpu.memory_space<vmem>>[vector<16xi32>], vector<16xf32>,
          %gt3A_122 = arith.cmpf ogt, %scan3A_90#7, %gather3A_121 : vector<16xf32>
          %convert_element_type3A_123 = arith.extui %gt3A_122 : vector<16xi1> to vector<16xi32>
          %reduce_max3A = arith.constant true
          %reduce_max3A_124 = vector.broadcast %reduce_max3A : i1 to vector<16xi1>
          %reduce_max3A_125 = arith.constant -2147483648 : i32
          %reduce_max3A_126 = vector.broadcast %reduce_max3A_125 : i32 to vector<16xi32>
          %reduce_max3A_127 = arith.xori %convert_element_type3A_123, %reduce_max3A_126 : vector<16xi32>
          %reduce_max3A_128 = tpu.scan <max>, %reduce_max3A_127 masked %reduce_max3A_124 : vector<16xi32>, vector<16xi1> -> vector<16xi32>
          %reduce_max3A_129 = arith.xori %reduce_max3A_128, %reduce_max3A_126 : vector<16xi32>
          %reduce_max3A_130 = vector.extract %reduce_max3A_129[15] : i32 from vector<16xi32>
          scf.yield %reduce_max3A_130 : i32
        }
        %while3A_113 = arith.constant 1 : i32
        %while3A_114 = scf.while (%while3A_119 = %while3A_113) : (i32) -> i32 {
          %gt3A_120 = arith.constant 0 : i32
          %gt3A_121 = arith.cmpi sgt, %while3A_119, %gt3A_120 : i32
          scf.condition(%gt3A_121) %while3A_119 : i32
        } do {
        ^bb0(%while3A_119: i32):
          %gather3A = tpu.vector_load_idx %arg12[%scan3A_90#2] : memref<10000xf32, #tpu.memory_space<vmem>>[vector<16xi32>], vector<16xf32>,
          %gt3A_120 = arith.cmpf ogt, %scan3A_90#8, %gather3A : vector<16xf32>
          tpu.vector_store_idx %arg12[%scan3A_90#2], %scan3A_90#8 masked %gt3A_120 : memref<10000xf32, #tpu.memory_space<vmem>>[vector<16xi32>], vector<16xf32>, vector<16xi1>
          %gather3A_121 = tpu.vector_load_idx %arg12[%scan3A_90#2] : memref<10000xf32, #tpu.memory_space<vmem>>[vector<16xi32>], vector<16xf32>,
          %gt3A_122 = arith.cmpf ogt, %scan3A_90#8, %gather3A_121 : vector<16xf32>
          %convert_element_type3A_123 = arith.extui %gt3A_122 : vector<16xi1> to vector<16xi32>
          %reduce_max3A = arith.constant true
          %reduce_max3A_124 = vector.broadcast %reduce_max3A : i1 to vector<16xi1>
          %reduce_max3A_125 = arith.constant -2147483648 : i32
          %reduce_max3A_126 = vector.broadcast %reduce_max3A_125 : i32 to vector<16xi32>
          %reduce_max3A_127 = arith.xori %convert_element_type3A_123, %reduce_max3A_126 : vector<16xi32>
          %reduce_max3A_128 = tpu.scan <max>, %reduce_max3A_127 masked %reduce_max3A_124 : vector<16xi32>, vector<16xi1> -> vector<16xi32>
          %reduce_max3A_129 = arith.xori %reduce_max3A_128, %reduce_max3A_126 : vector<16xi32>
          %reduce_max3A_130 = vector.extract %reduce_max3A_129[15] : i32 from vector<16xi32>
          scf.yield %reduce_max3A_130 : i32
        }
        %while3A_115 = arith.constant 1 : i32
        %while3A_116 = scf.while (%while3A_119 = %while3A_115) : (i32) -> i32 {
          %gt3A_120 = arith.constant 0 : i32
          %gt3A_121 = arith.cmpi sgt, %while3A_119, %gt3A_120 : i32
          scf.condition(%gt3A_121) %while3A_119 : i32
        } do {
        ^bb0(%while3A_119: i32):
          %gather3A = tpu.vector_load_idx %arg13[%scan3A_90#2] : memref<10000xf32, #tpu.memory_space<vmem>>[vector<16xi32>], vector<16xf32>,
          %gt3A_120 = arith.cmpf ogt, %scan3A_90#9, %gather3A : vector<16xf32>
          tpu.vector_store_idx %arg13[%scan3A_90#2], %scan3A_90#9 masked %gt3A_120 : memref<10000xf32, #tpu.memory_space<vmem>>[vector<16xi32>], vector<16xf32>, vector<16xi1>
          %gather3A_121 = tpu.vector_load_idx %arg13[%scan3A_90#2] : memref<10000xf32, #tpu.memory_space<vmem>>[vector<16xi32>], vector<16xf32>,
          %gt3A_122 = arith.cmpf ogt, %scan3A_90#9, %gather3A_121 : vector<16xf32>
          %convert_element_type3A_123 = arith.extui %gt3A_122 : vector<16xi1> to vector<16xi32>
          %reduce_max3A = arith.constant true
          %reduce_max3A_124 = vector.broadcast %reduce_max3A : i1 to vector<16xi1>
          %reduce_max3A_125 = arith.constant -2147483648 : i32
          %reduce_max3A_126 = vector.broadcast %reduce_max3A_125 : i32 to vector<16xi32>
          %reduce_max3A_127 = arith.xori %convert_element_type3A_123, %reduce_max3A_126 : vector<16xi32>
          %reduce_max3A_128 = tpu.scan <max>, %reduce_max3A_127 masked %reduce_max3A_124 : vector<16xi32>, vector<16xi1> -> vector<16xi32>
          %reduce_max3A_129 = arith.xori %reduce_max3A_128, %reduce_max3A_126 : vector<16xi32>
          %reduce_max3A_130 = vector.extract %reduce_max3A_129[15] : i32 from vector<16xi32>
          scf.yield %reduce_max3A_130 : i32
        }
        %while3A_117 = arith.constant 1 : i32
        %while3A_118 = scf.while (%while3A_119 = %while3A_117) : (i32) -> i32 {
          %gt3A_120 = arith.constant 0 : i32
          %gt3A_121 = arith.cmpi sgt, %while3A_119, %gt3A_120 : i32
          scf.condition(%gt3A_121) %while3A_119 : i32
        } do {
        ^bb0(%while3A_119: i32):
          %gather3A = tpu.vector_load_idx %arg14[%scan3A_90#2] : memref<10000xf32, #tpu.memory_space<vmem>>[vector<16xi32>], vector<16xf32>,
          %gt3A_120 = arith.cmpf ogt, %scan3A_90#10, %gather3A : vector<16xf32>
          tpu.vector_store_idx %arg14[%scan3A_90#2], %scan3A_90#10 masked %gt3A_120 : memref<10000xf32, #tpu.memory_space<vmem>>[vector<16xi32>], vector<16xf32>, vector<16xi1>
          %gather3A_121 = tpu.vector_load_idx %arg14[%scan3A_90#2] : memref<10000xf32, #tpu.memory_space<vmem>>[vector<16xi32>], vector<16xf32>,
          %gt3A_122 = arith.cmpf ogt, %scan3A_90#10, %gather3A_121 : vector<16xf32>
          %convert_element_type3A_123 = arith.extui %gt3A_122 : vector<16xi1> to vector<16xi32>
          %reduce_max3A = arith.constant true
          %reduce_max3A_124 = vector.broadcast %reduce_max3A : i1 to vector<16xi1>
          %reduce_max3A_125 = arith.constant -2147483648 : i32
          %reduce_max3A_126 = vector.broadcast %reduce_max3A_125 : i32 to vector<16xi32>
          %reduce_max3A_127 = arith.xori %convert_element_type3A_123, %reduce_max3A_126 : vector<16xi32>
          %reduce_max3A_128 = tpu.scan <max>, %reduce_max3A_127 masked %reduce_max3A_124 : vector<16xi32>, vector<16xi1> -> vector<16xi32>
          %reduce_max3A_129 = arith.xori %reduce_max3A_128, %reduce_max3A_126 : vector<16xi32>
          %reduce_max3A_130 = vector.extract %reduce_max3A_129[15] : i32 from vector<16xi32>
          scf.yield %reduce_max3A_130 : i32
        }
      } else {
      }
      %add3A_97 = arith.constant 2 : i32
      %add3A_98 = arith.addi %add3A_74, %add3A_97 : i32
      %lt3A_99 = arith.constant 200 : i32
      %lt3A_100 = arith.cmpi slt, %add3A_98, %lt3A_99 : i32
      %convert_element_type3A_101 = arith.extui %lt3A_100 : i1 to i32
      %cond3A_102 = arith.constant 0 : i32
      %cond3A_103 = arith.cmpi ne, %convert_element_type3A_101, %cond3A_102 : i32
      scf.if %cond3A_103 {
        %add3A_104 = arith.constant 2 : i32
        %add3A_105 = arith.addi %add3A_74, %add3A_104 : i32
        %mul3A_106 = arith.constant 1600 : i32
        %mul3A_107 = arith.muli %add3A_105, %mul3A_106 : i32
        %dma_start3A_108 = tpu.memref_slice %arg3[%mul3A_107] : memref<320000xi32, #tpu.memory_space<hbm>> -> memref<1600xi32, #tpu.memory_space<hbm>>
        %dma_start3A_109 = tpu.memref_slice %arg3[%mul3A_107] : memref<320000xi32, #tpu.memory_space<hbm>> -> memref<1600xi32, #tpu.memory_space<hbm>>
        tpu.enqueue_dma source(%dma_start3A_109 : memref<1600xi32, #tpu.memory_space<hbm>>) target(%arg16 : memref<1600xi32, #tpu.memory_space<vmem>>) target_semaphore(%arg20 : memref<!tpu.dma_semaphore, #tpu.memory_space<semaphore_mem>>)
        %dma_start3A_110 = tpu.memref_slice %arg4[%mul3A_107] : memref<320000xf32, #tpu.memory_space<hbm>> -> memref<1600xf32, #tpu.memory_space<hbm>>
        %dma_start3A_111 = tpu.memref_slice %arg4[%mul3A_107] : memref<320000xf32, #tpu.memory_space<hbm>> -> memref<1600xf32, #tpu.memory_space<hbm>>
        tpu.enqueue_dma source(%dma_start3A_111 : memref<1600xf32, #tpu.memory_space<hbm>>) target(%arg18 : memref<1600xf32, #tpu.memory_space<vmem>>) target_semaphore(%arg20 : memref<!tpu.dma_semaphore, #tpu.memory_space<semaphore_mem>>)
      } else {
      }
    }
    %scan3A_28 = arith.constant 100 : i32
    %scan3A_29 = arith.constant 0 : i32
    %scan3A_30 = arith.constant 0 : i32
    %scan3A_31 = arith.constant 625 : i32
    %scan3A_32 = arith.addi %scan3A_30, %scan3A_31 : i32
    %scan3A_33 = arith.constant 1 : i32
    scf.for %scan3A_43 = %scan3A_30 to %scan3A_32 step %scan3A_33  : i32 {
      %mul3A_44 = arith.constant 16 : i32
      %mul3A_45 = arith.muli %scan3A_43, %mul3A_44 : i32
      %get3A = arith.index_cast %mul3A_45 : i32 to index
      %get3A_46 = tpu.vector_load %arg7[%get3A] {strides = array<i32>} : memref<10000xf32, #tpu.memory_space<vmem>>, vector<16xf32>,
      %get3A_47 = arith.index_cast %mul3A_45 : i32 to index
      %get3A_48 = tpu.vector_load %arg11[%get3A_47] {strides = array<i32>} : memref<10000xf32, #tpu.memory_space<vmem>>, vector<16xf32>,
      %max3A = arith.maximumf %get3A_46, %get3A_48 : vector<16xf32>
      %swap3A = arith.index_cast %mul3A_45 : i32 to index
      %swap3A_49 = tpu.vector_load %arg7[%swap3A] {strides = array<i32>} : memref<10000xf32, #tpu.memory_space<vmem>>, vector<16xf32>,
      tpu.vector_store %arg7[%swap3A], %max3A {strides = array<i32>} : memref<10000xf32, #tpu.memory_space<vmem>>, vector<16xf32>,
      %get3A_50 = arith.index_cast %mul3A_45 : i32 to index
      %get3A_51 = tpu.vector_load %arg8[%get3A_50] {strides = array<i32>} : memref<10000xf32, #tpu.memory_space<vmem>>, vector<16xf32>,
      %get3A_52 = arith.index_cast %mul3A_45 : i32 to index
      %get3A_53 = tpu.vector_load %arg12[%get3A_52] {strides = array<i32>} : memref<10000xf32, #tpu.memory_space<vmem>>, vector<16xf32>,
      %max3A_54 = arith.maximumf %get3A_51, %get3A_53 : vector<16xf32>
      %swap3A_55 = arith.index_cast %mul3A_45 : i32 to index
      %swap3A_56 = tpu.vector_load %arg8[%swap3A_55] {strides = array<i32>} : memref<10000xf32, #tpu.memory_space<vmem>>, vector<16xf32>,
      tpu.vector_store %arg8[%swap3A_55], %max3A_54 {strides = array<i32>} : memref<10000xf32, #tpu.memory_space<vmem>>, vector<16xf32>,
      %get3A_57 = arith.index_cast %mul3A_45 : i32 to index
      %get3A_58 = tpu.vector_load %arg9[%get3A_57] {strides = array<i32>} : memref<10000xf32, #tpu.memory_space<vmem>>, vector<16xf32>,
      %get3A_59 = arith.index_cast %mul3A_45 : i32 to index
      %get3A_60 = tpu.vector_load %arg13[%get3A_59] {strides = array<i32>} : memref<10000xf32, #tpu.memory_space<vmem>>, vector<16xf32>,
      %max3A_61 = arith.maximumf %get3A_58, %get3A_60 : vector<16xf32>
      %swap3A_62 = arith.index_cast %mul3A_45 : i32 to index
      %swap3A_63 = tpu.vector_load %arg9[%swap3A_62] {strides = array<i32>} : memref<10000xf32, #tpu.memory_space<vmem>>, vector<16xf32>,
      tpu.vector_store %arg9[%swap3A_62], %max3A_61 {strides = array<i32>} : memref<10000xf32, #tpu.memory_space<vmem>>, vector<16xf32>,
      %get3A_64 = arith.index_cast %mul3A_45 : i32 to index
      %get3A_65 = tpu.vector_load %arg10[%get3A_64] {strides = array<i32>} : memref<10000xf32, #tpu.memory_space<vmem>>, vector<16xf32>,
      %get3A_66 = arith.index_cast %mul3A_45 : i32 to index
      %get3A_67 = tpu.vector_load %arg14[%get3A_66] {strides = array<i32>} : memref<10000xf32, #tpu.memory_space<vmem>>, vector<16xf32>,
      %max3A_68 = arith.maximumf %get3A_65, %get3A_67 : vector<16xf32>
      %swap3A_69 = arith.index_cast %mul3A_45 : i32 to index
      %swap3A_70 = tpu.vector_load %arg10[%swap3A_69] {strides = array<i32>} : memref<10000xf32, #tpu.memory_space<vmem>>, vector<16xf32>,
      tpu.vector_store %arg10[%swap3A_69], %max3A_68 {strides = array<i32>} : memref<10000xf32, #tpu.memory_space<vmem>>, vector<16xf32>,
    }
    %scan3A_34 = arith.constant 625 : i32
    %add3A_35 = arith.constant 0 : i32
    %add3A_36 = arith.addi %mul3A_2, %add3A_35 : i32
    "tpu.region"() ({
      %run_scoped3A = tpu.sem_alloc : memref<!tpu.dma_semaphore, #tpu.memory_space<semaphore_mem>>
      %dma_start3A_43 = tpu.memref_slice %arg5[%add3A_36] : memref<1280000xf32, #tpu.memory_space<hbm>> -> memref<10000xf32, #tpu.memory_space<hbm>>
      %dma_start3A_44 = tpu.memref_slice %arg5[%add3A_36] : memref<1280000xf32, #tpu.memory_space<hbm>> -> memref<10000xf32, #tpu.memory_space<hbm>>
      tpu.enqueue_dma source(%arg7 : memref<10000xf32, #tpu.memory_space<vmem>>) target(%dma_start3A_44 : memref<10000xf32, #tpu.memory_space<hbm>>) target_semaphore(%run_scoped3A : memref<!tpu.dma_semaphore, #tpu.memory_space<semaphore_mem>>)
      %dma_wait3A = tpu.memref_slice %arg5[%add3A_36] : memref<1280000xf32, #tpu.memory_space<hbm>> -> memref<10000xf32, #tpu.memory_space<hbm>>
      %dma_wait3A_45 = tpu.memref_slice %arg5[%add3A_36] : memref<1280000xf32, #tpu.memory_space<hbm>> -> memref<10000xf32, #tpu.memory_space<hbm>>
      tpu.wait_dma2 semaphore(%run_scoped3A : memref<!tpu.dma_semaphore, #tpu.memory_space<semaphore_mem>>) src(%arg7 : memref<10000xf32, #tpu.memory_space<vmem>>) dst(%dma_wait3A_45 : memref<10000xf32, #tpu.memory_space<hbm>>)
      tpu.yield
    }) : () -> ()
    %add3A_37 = arith.constant 10000 : i32
    %add3A_38 = arith.addi %mul3A_2, %add3A_37 : i32
    "tpu.region"() ({
      %run_scoped3A = tpu.sem_alloc : memref<!tpu.dma_semaphore, #tpu.memory_space<semaphore_mem>>
      %dma_start3A_43 = tpu.memref_slice %arg5[%add3A_38] : memref<1280000xf32, #tpu.memory_space<hbm>> -> memref<10000xf32, #tpu.memory_space<hbm>>
      %dma_start3A_44 = tpu.memref_slice %arg5[%add3A_38] : memref<1280000xf32, #tpu.memory_space<hbm>> -> memref<10000xf32, #tpu.memory_space<hbm>>
      tpu.enqueue_dma source(%arg8 : memref<10000xf32, #tpu.memory_space<vmem>>) target(%dma_start3A_44 : memref<10000xf32, #tpu.memory_space<hbm>>) target_semaphore(%run_scoped3A : memref<!tpu.dma_semaphore, #tpu.memory_space<semaphore_mem>>)
      %dma_wait3A = tpu.memref_slice %arg5[%add3A_38] : memref<1280000xf32, #tpu.memory_space<hbm>> -> memref<10000xf32, #tpu.memory_space<hbm>>
      %dma_wait3A_45 = tpu.memref_slice %arg5[%add3A_38] : memref<1280000xf32, #tpu.memory_space<hbm>> -> memref<10000xf32, #tpu.memory_space<hbm>>
      tpu.wait_dma2 semaphore(%run_scoped3A : memref<!tpu.dma_semaphore, #tpu.memory_space<semaphore_mem>>) src(%arg8 : memref<10000xf32, #tpu.memory_space<vmem>>) dst(%dma_wait3A_45 : memref<10000xf32, #tpu.memory_space<hbm>>)
      tpu.yield
    }) : () -> ()
    %add3A_39 = arith.constant 20000 : i32
    %add3A_40 = arith.addi %mul3A_2, %add3A_39 : i32
    "tpu.region"() ({
      %run_scoped3A = tpu.sem_alloc : memref<!tpu.dma_semaphore, #tpu.memory_space<semaphore_mem>>
      %dma_start3A_43 = tpu.memref_slice %arg5[%add3A_40] : memref<1280000xf32, #tpu.memory_space<hbm>> -> memref<10000xf32, #tpu.memory_space<hbm>>
      %dma_start3A_44 = tpu.memref_slice %arg5[%add3A_40] : memref<1280000xf32, #tpu.memory_space<hbm>> -> memref<10000xf32, #tpu.memory_space<hbm>>
      tpu.enqueue_dma source(%arg9 : memref<10000xf32, #tpu.memory_space<vmem>>) target(%dma_start3A_44 : memref<10000xf32, #tpu.memory_space<hbm>>) target_semaphore(%run_scoped3A : memref<!tpu.dma_semaphore, #tpu.memory_space<semaphore_mem>>)
      %dma_wait3A = tpu.memref_slice %arg5[%add3A_40] : memref<1280000xf32, #tpu.memory_space<hbm>> -> memref<10000xf32, #tpu.memory_space<hbm>>
      %dma_wait3A_45 = tpu.memref_slice %arg5[%add3A_40] : memref<1280000xf32, #tpu.memory_space<hbm>> -> memref<10000xf32, #tpu.memory_space<hbm>>
      tpu.wait_dma2 semaphore(%run_scoped3A : memref<!tpu.dma_semaphore, #tpu.memory_space<semaphore_mem>>) src(%arg9 : memref<10000xf32, #tpu.memory_space<vmem>>) dst(%dma_wait3A_45 : memref<10000xf32, #tpu.memory_space<hbm>>)
      tpu.yield
    }) : () -> ()
    %add3A_41 = arith.constant 30000 : i32
    %add3A_42 = arith.addi %mul3A_2, %add3A_41 : i32
    "tpu.region"() ({
      %run_scoped3A = tpu.sem_alloc : memref<!tpu.dma_semaphore, #tpu.memory_space<semaphore_mem>>
      %dma_start3A_43 = tpu.memref_slice %arg5[%add3A_42] : memref<1280000xf32, #tpu.memory_space<hbm>> -> memref<10000xf32, #tpu.memory_space<hbm>>
      %dma_start3A_44 = tpu.memref_slice %arg5[%add3A_42] : memref<1280000xf32, #tpu.memory_space<hbm>> -> memref<10000xf32, #tpu.memory_space<hbm>>
      tpu.enqueue_dma source(%arg10 : memref<10000xf32, #tpu.memory_space<vmem>>) target(%dma_start3A_44 : memref<10000xf32, #tpu.memory_space<hbm>>) target_semaphore(%run_scoped3A : memref<!tpu.dma_semaphore, #tpu.memory_space<semaphore_mem>>)
      %dma_wait3A = tpu.memref_slice %arg5[%add3A_42] : memref<1280000xf32, #tpu.memory_space<hbm>> -> memref<10000xf32, #tpu.memory_space<hbm>>
      %dma_wait3A_45 = tpu.memref_slice %arg5[%add3A_42] : memref<1280000xf32, #tpu.memory_space<hbm>> -> memref<10000xf32, #tpu.memory_space<hbm>>
      tpu.wait_dma2 semaphore(%run_scoped3A : memref<!tpu.dma_semaphore, #tpu.memory_space<semaphore_mem>>) src(%arg10 : memref<10000xf32, #tpu.memory_space<vmem>>) dst(%dma_wait3A_45 : memref<10000xf32, #tpu.memory_space<hbm>>)
      tpu.yield
    }) : () -> ()
    return
  }
}

#map = affine_map<(d0, d1) -> (0)>
module attributes {stable_mosaic.version = 14 : i64} {
  func.func @_segmax_body(%arg0: i32, %arg1: i32, %arg2: memref<1280000xf32, #tpu.memory_space<hbm>>, %arg3: memref<320000xi32, #tpu.memory_space<hbm>>, %arg4: memref<320000xf32, #tpu.memory_space<hbm>>, %arg5: memref<1280000xf32, #tpu.memory_space<hbm>>, %arg6: memref<40000xf32, #tpu.memory_space<vmem>>, %arg7: memref<10000xf32, #tpu.memory_space<vmem>>, %arg8: memref<10000xf32, #tpu.memory_space<vmem>>, %arg9: memref<10000xf32, #tpu.memory_space<vmem>>, %arg10: memref<10000xf32, #tpu.memory_space<vmem>>, %arg11: memref<10000xf32, #tpu.memory_space<vmem>>, %arg12: memref<10000xf32, #tpu.memory_space<vmem>>, %arg13: memref<10000xf32, #tpu.memory_space<vmem>>, %arg14: memref<10000xf32, #tpu.memory_space<vmem>>, %arg15: memref<1600xi32, #tpu.memory_space<vmem>>, %arg16: memref<1600xi32, #tpu.memory_space<vmem>>, %arg17: memref<1600xf32, #tpu.memory_space<vmem>>, %arg18: memref<1600xf32, #tpu.memory_space<vmem>>, %arg19: memref<!tpu.dma_semaphore, #tpu.memory_space<semaphore_mem>>, %arg20: memref<!tpu.dma_semaphore, #tpu.memory_space<semaphore_mem>>) attributes {dimension_semantics = [#tpu.dimension_semantics<core_parallel>, #tpu.dimension_semantics<subcore_parallel>], iteration_bounds = array<i64: 2, 16>, scalar_prefetch = 0 : i64, scratch_operands = 15 : i64, tpu.core_type = #tpu.core_type<sc_vector_subcore>, window_params = [{transform_indices = #map}, {transform_indices = #map}, {transform_indices = #map}, {transform_indices = #map}]} {
    %mul3A = arith.constant 2 : i32
    %mul3A_0 = arith.muli %arg1, %mul3A : i32
    %add3A = arith.addi %mul3A_0, %arg0 : i32
    %mul3A_1 = arith.constant 40000 : i32
    %mul3A_2 = arith.muli %add3A, %mul3A_1 : i32
    "tpu.region"() ({
      %run_scoped3A = tpu.sem_alloc : memref<!tpu.dma_semaphore, #tpu.memory_space<semaphore_mem>>
      %dma_start3A_43 = tpu.memref_slice %arg2[%mul3A_2] : memref<1280000xf32, #tpu.memory_space<hbm>> -> memref<40000xf32, #tpu.memory_space<hbm>>
      %dma_start3A_44 = tpu.memref_slice %arg2[%mul3A_2] : memref<1280000xf32, #tpu.memory_space<hbm>> -> memref<40000xf32, #tpu.memory_space<hbm>>
      tpu.enqueue_dma source(%dma_start3A_44 : memref<40000xf32, #tpu.memory_space<hbm>>) target(%arg6 : memref<40000xf32, #tpu.memory_space<vmem>>) target_semaphore(%run_scoped3A : memref<!tpu.dma_semaphore, #tpu.memory_space<semaphore_mem>>)
      %dma_wait3A = tpu.memref_slice %arg2[%mul3A_2] : memref<1280000xf32, #tpu.memory_space<hbm>> -> memref<40000xf32, #tpu.memory_space<hbm>>
      %dma_wait3A_45 = tpu.memref_slice %arg2[%mul3A_2] : memref<1280000xf32, #tpu.memory_space<hbm>> -> memref<40000xf32, #tpu.memory_space<hbm>>
      tpu.wait_dma2 semaphore(%run_scoped3A : memref<!tpu.dma_semaphore, #tpu.memory_space<semaphore_mem>>) src(%dma_wait3A_45 : memref<40000xf32, #tpu.memory_space<hbm>>) dst(%arg6 : memref<40000xf32, #tpu.memory_space<vmem>>)
      tpu.yield
    }) : () -> ()
    %scan3A = arith.constant 0 : i32
    %scan3A_3 = arith.constant 0 : i32
    %scan3A_4 = arith.constant 625 : i32
    %scan3A_5 = arith.addi %scan3A_3, %scan3A_4 : i32
    %scan3A_6 = arith.constant 1 : i32
    scf.for %scan3A_43 = %scan3A_3 to %scan3A_5 step %scan3A_6  : i32 {
      %mul3A_44 = arith.constant 16 : i32
      %mul3A_45 = arith.muli %scan3A_43, %mul3A_44 : i32
      %broadcast_in_dim3A = arith.constant 0.000000e+00 : f32
      %broadcast_in_dim3A_46 = vector.broadcast %broadcast_in_dim3A : f32 to vector<16xf32>
      %swap3A = arith.index_cast %mul3A_45 : i32 to index
      %swap3A_47 = tpu.vector_load %arg7[%swap3A] {strides = array<i32>} : memref<10000xf32, #tpu.memory_space<vmem>>, vector<16xf32>,
      tpu.vector_store %arg7[%swap3A], %broadcast_in_dim3A_46 {strides = array<i32>} : memref<10000xf32, #tpu.memory_space<vmem>>, vector<16xf32>,
      %swap3A_48 = arith.index_cast %mul3A_45 : i32 to index
      %swap3A_49 = tpu.vector_load %arg8[%swap3A_48] {strides = array<i32>} : memref<10000xf32, #tpu.memory_space<vmem>>, vector<16xf32>,
      tpu.vector_store %arg8[%swap3A_48], %broadcast_in_dim3A_46 {strides = array<i32>} : memref<10000xf32, #tpu.memory_space<vmem>>, vector<16xf32>,
      %swap3A_50 = arith.index_cast %mul3A_45 : i32 to index
      %swap3A_51 = tpu.vector_load %arg9[%swap3A_50] {strides = array<i32>} : memref<10000xf32, #tpu.memory_space<vmem>>, vector<16xf32>,
      tpu.vector_store %arg9[%swap3A_50], %broadcast_in_dim3A_46 {strides = array<i32>} : memref<10000xf32, #tpu.memory_space<vmem>>, vector<16xf32>,
      %swap3A_52 = arith.index_cast %mul3A_45 : i32 to index
      %swap3A_53 = tpu.vector_load %arg10[%swap3A_52] {strides = array<i32>} : memref<10000xf32, #tpu.memory_space<vmem>>, vector<16xf32>,
      tpu.vector_store %arg10[%swap3A_52], %broadcast_in_dim3A_46 {strides = array<i32>} : memref<10000xf32, #tpu.memory_space<vmem>>, vector<16xf32>,
      %swap3A_54 = arith.index_cast %mul3A_45 : i32 to index
      %swap3A_55 = tpu.vector_load %arg11[%swap3A_54] {strides = array<i32>} : memref<10000xf32, #tpu.memory_space<vmem>>, vector<16xf32>,
      tpu.vector_store %arg11[%swap3A_54], %broadcast_in_dim3A_46 {strides = array<i32>} : memref<10000xf32, #tpu.memory_space<vmem>>, vector<16xf32>,
      %swap3A_56 = arith.index_cast %mul3A_45 : i32 to index
      %swap3A_57 = tpu.vector_load %arg12[%swap3A_56] {strides = array<i32>} : memref<10000xf32, #tpu.memory_space<vmem>>, vector<16xf32>,
      tpu.vector_store %arg12[%swap3A_56], %broadcast_in_dim3A_46 {strides = array<i32>} : memref<10000xf32, #tpu.memory_space<vmem>>, vector<16xf32>,
      %swap3A_58 = arith.index_cast %mul3A_45 : i32 to index
      %swap3A_59 = tpu.vector_load %arg13[%swap3A_58] {strides = array<i32>} : memref<10000xf32, #tpu.memory_space<vmem>>, vector<16xf32>,
      tpu.vector_store %arg13[%swap3A_58], %broadcast_in_dim3A_46 {strides = array<i32>} : memref<10000xf32, #tpu.memory_space<vmem>>, vector<16xf32>,
      %swap3A_60 = arith.index_cast %mul3A_45 : i32 to index
      %swap3A_61 = tpu.vector_load %arg14[%swap3A_60] {strides = array<i32>} : memref<10000xf32, #tpu.memory_space<vmem>>, vector<16xf32>,
      tpu.vector_store %arg14[%swap3A_60], %broadcast_in_dim3A_46 {strides = array<i32>} : memref<10000xf32, #tpu.memory_space<vmem>>, vector<16xf32>,
    }
    %scan3A_7 = arith.constant 625 : i32
    %dma_start3A = arith.constant 0 : i32
    %dma_start3A_8 = tpu.memref_slice %arg3[%dma_start3A] : memref<320000xi32, #tpu.memory_space<hbm>> -> memref<1600xi32, #tpu.memory_space<hbm>>
    %dma_start3A_9 = arith.constant 0 : i32
    %dma_start3A_10 = tpu.memref_slice %arg3[%dma_start3A_9] : memref<320000xi32, #tpu.memory_space<hbm>> -> memref<1600xi32, #tpu.memory_space<hbm>>
    tpu.enqueue_dma source(%dma_start3A_10 : memref<1600xi32, #tpu.memory_space<hbm>>) target(%arg15 : memref<1600xi32, #tpu.memory_space<vmem>>) target_semaphore(%arg19 : memref<!tpu.dma_semaphore, #tpu.memory_space<semaphore_mem>>)
    %dma_start3A_11 = arith.constant 0 : i32
    %dma_start3A_12 = tpu.memref_slice %arg4[%dma_start3A_11] : memref<320000xf32, #tpu.memory_space<hbm>> -> memref<1600xf32, #tpu.memory_space<hbm>>
    %dma_start3A_13 = arith.constant 0 : i32
    %dma_start3A_14 = tpu.memref_slice %arg4[%dma_start3A_13] : memref<320000xf32, #tpu.memory_space<hbm>> -> memref<1600xf32, #tpu.memory_space<hbm>>
    tpu.enqueue_dma source(%dma_start3A_14 : memref<1600xf32, #tpu.memory_space<hbm>>) target(%arg17 : memref<1600xf32, #tpu.memory_space<vmem>>) target_semaphore(%arg19 : memref<!tpu.dma_semaphore, #tpu.memory_space<semaphore_mem>>)
    %dma_start3A_15 = arith.constant 1600 : i32
    %dma_start3A_16 = tpu.memref_slice %arg3[%dma_start3A_15] : memref<320000xi32, #tpu.memory_space<hbm>> -> memref<1600xi32, #tpu.memory_space<hbm>>
    %dma_start3A_17 = arith.constant 1600 : i32
    %dma_start3A_18 = tpu.memref_slice %arg3[%dma_start3A_17] : memref<320000xi32, #tpu.memory_space<hbm>> -> memref<1600xi32, #tpu.memory_space<hbm>>
    tpu.enqueue_dma source(%dma_start3A_18 : memref<1600xi32, #tpu.memory_space<hbm>>) target(%arg16 : memref<1600xi32, #tpu.memory_space<vmem>>) target_semaphore(%arg20 : memref<!tpu.dma_semaphore, #tpu.memory_space<semaphore_mem>>)
    %dma_start3A_19 = arith.constant 1600 : i32
    %dma_start3A_20 = tpu.memref_slice %arg4[%dma_start3A_19] : memref<320000xf32, #tpu.memory_space<hbm>> -> memref<1600xf32, #tpu.memory_space<hbm>>
    %dma_start3A_21 = arith.constant 1600 : i32
    %dma_start3A_22 = tpu.memref_slice %arg4[%dma_start3A_21] : memref<320000xf32, #tpu.memory_space<hbm>> -> memref<1600xf32, #tpu.memory_space<hbm>>
    tpu.enqueue_dma source(%dma_start3A_22 : memref<1600xf32, #tpu.memory_space<hbm>>) target(%arg18 : memref<1600xf32, #tpu.memory_space<vmem>>) target_semaphore(%arg20 : memref<!tpu.dma_semaphore, #tpu.memory_space<semaphore_mem>>)
    %scan3A_23 = arith.constant 0 : i32
    %scan3A_24 = arith.constant 0 : i32
    %scan3A_25 = arith.constant 100 : i32
    %scan3A_26 = arith.addi %scan3A_24, %scan3A_25 : i32
    %scan3A_27 = arith.constant 1 : i32
    scf.for %scan3A_43 = %scan3A_24 to %scan3A_26 step %scan3A_27  : i32 {
      %mul3A_44 = arith.constant 2 : i32
      %mul3A_45 = arith.muli %mul3A_44, %scan3A_43 : i32
      %add3A_46 = arith.constant 0 : i32
      %add3A_47 = arith.addi %mul3A_45, %add3A_46 : i32
      %mul3A_48 = arith.constant 1600 : i32
      %mul3A_49 = arith.muli %add3A_47, %mul3A_48 : i32
      %dma_wait3A = tpu.memref_slice %arg3[%mul3A_49] : memref<320000xi32, #tpu.memory_space<hbm>> -> memref<1600xi32, #tpu.memory_space<hbm>>
      %dma_wait3A_50 = tpu.memref_slice %arg3[%mul3A_49] : memref<320000xi32, #tpu.memory_space<hbm>> -> memref<1600xi32, #tpu.memory_space<hbm>>
      tpu.wait_dma2 semaphore(%arg19 : memref<!tpu.dma_semaphore, #tpu.memory_space<semaphore_mem>>) src(%dma_wait3A_50 : memref<1600xi32, #tpu.memory_space<hbm>>) dst(%arg15 : memref<1600xi32, #tpu.memory_space<vmem>>)
      %dma_wait3A_51 = tpu.memref_slice %arg4[%mul3A_49] : memref<320000xf32, #tpu.memory_space<hbm>> -> memref<1600xf32, #tpu.memory_space<hbm>>
      %dma_wait3A_52 = tpu.memref_slice %arg4[%mul3A_49] : memref<320000xf32, #tpu.memory_space<hbm>> -> memref<1600xf32, #tpu.memory_space<hbm>>
      tpu.wait_dma2 semaphore(%arg19 : memref<!tpu.dma_semaphore, #tpu.memory_space<semaphore_mem>>) src(%dma_wait3A_52 : memref<1600xf32, #tpu.memory_space<hbm>>) dst(%arg17 : memref<1600xf32, #tpu.memory_space<vmem>>)
      %broadcast_in_dim3A = arith.constant 0.000000e+00 : f32
      %broadcast_in_dim3A_53 = vector.broadcast %broadcast_in_dim3A : f32 to vector<16xf32>
      %broadcast_in_dim3A_54 = arith.constant 0 : i32
      %broadcast_in_dim3A_55 = vector.broadcast %broadcast_in_dim3A_54 : i32 to vector<16xi32>
      %scan3A_56 = arith.constant 0 : i32
      %scan3A_57 = arith.constant 0 : i32
      %scan3A_58 = arith.constant 50 : i32
      %scan3A_59 = arith.addi %scan3A_57, %scan3A_58 : i32
      %scan3A_60 = arith.constant 1 : i32
      %scan3A_61:11 = scf.for %scan3A_104 = %scan3A_57 to %scan3A_59 step %scan3A_60 iter_args(%scan3A_105 = %scan3A_56, %scan3A_106 = %broadcast_in_dim3A_55, %scan3A_107 = %broadcast_in_dim3A_55, %scan3A_108 = %broadcast_in_dim3A_53, %scan3A_109 = %broadcast_in_dim3A_53, %scan3A_110 = %broadcast_in_dim3A_53, %scan3A_111 = %broadcast_in_dim3A_53, %scan3A_112 = %broadcast_in_dim3A_53, %scan3A_113 = %broadcast_in_dim3A_53, %scan3A_114 = %broadcast_in_dim3A_53, %scan3A_115 = %broadcast_in_dim3A_53) -> (i32, vector<16xi32>, vector<16xi32>, vector<16xf32>, vector<16xf32>, vector<16xf32>, vector<16xf32>, vector<16xf32>, vector<16xf32>, vector<16xf32>, vector<16xf32>)  : i32 {
        %mul3A_116 = arith.constant 32 : i32
        %mul3A_117 = arith.muli %scan3A_104, %mul3A_116 : i32
        %get3A = arith.index_cast %mul3A_117 : i32 to index
        %get3A_118 = tpu.vector_load %arg15[%get3A] {strides = array<i32>} : memref<1600xi32, #tpu.memory_space<vmem>>, vector<16xi32>,
        %get3A_119 = arith.index_cast %mul3A_117 : i32 to index
        %get3A_120 = tpu.vector_load %arg17[%get3A_119] {strides = array<i32>} : memref<1600xf32, #tpu.memory_space<vmem>>, vector<16xf32>,
        %add3A_121 = arith.constant 16 : i32
        %add3A_122 = arith.addi %mul3A_117, %add3A_121 : i32
        %get3A_123 = arith.index_cast %add3A_122 : i32 to index
        %get3A_124 = tpu.vector_load %arg15[%get3A_123] {strides = array<i32>} : memref<1600xi32, #tpu.memory_space<vmem>>, vector<16xi32>,
        %add3A_125 = arith.constant 16 : i32
        %add3A_126 = arith.addi %mul3A_117, %add3A_125 : i32
        %get3A_127 = arith.index_cast %add3A_126 : i32 to index
        %get3A_128 = tpu.vector_load %arg17[%get3A_127] {strides = array<i32>} : memref<1600xf32, #tpu.memory_space<vmem>>, vector<16xf32>,
        %and3A = arith.constant 16383 : i32
        %and3A_129 = vector.broadcast %and3A : i32 to vector<16xi32>
        %and3A_130 = arith.andi %get3A_118, %and3A_129 : vector<16xi32>
        %shift_right_logical3A = arith.constant 14 : i32
        %shift_right_logical3A_131 = vector.broadcast %shift_right_logical3A : i32 to vector<16xi32>
        %shift_right_logical3A_132 = arith.shrui %get3A_118, %shift_right_logical3A_131 : vector<16xi32>
        %add3A_133 = arith.constant 0 : i32
        %add3A_134 = vector.broadcast %add3A_133 : i32 to vector<16xi32>
        %add3A_135 = arith.addi %and3A_130, %add3A_134 : vector<16xi32>
        %gather3A = tpu.vector_load_idx %arg6[%add3A_135] : memref<40000xf32, #tpu.memory_space<vmem>>[vector<16xi32>], vector<16xf32>,
        %mul3A_136 = arith.mulf %gather3A, %get3A_120 : vector<16xf32>
        %add3A_137 = arith.constant 10000 : i32
        %add3A_138 = vector.broadcast %add3A_137 : i32 to vector<16xi32>
        %add3A_139 = arith.addi %and3A_130, %add3A_138 : vector<16xi32>
        %gather3A_140 = tpu.vector_load_idx %arg6[%add3A_139] : memref<40000xf32, #tpu.memory_space<vmem>>[vector<16xi32>], vector<16xf32>,
        %mul3A_141 = arith.mulf %gather3A_140, %get3A_120 : vector<16xf32>
        %add3A_142 = arith.constant 20000 : i32
        %add3A_143 = vector.broadcast %add3A_142 : i32 to vector<16xi32>
        %add3A_144 = arith.addi %and3A_130, %add3A_143 : vector<16xi32>
        %gather3A_145 = tpu.vector_load_idx %arg6[%add3A_144] : memref<40000xf32, #tpu.memory_space<vmem>>[vector<16xi32>], vector<16xf32>,
        %mul3A_146 = arith.mulf %gather3A_145, %get3A_120 : vector<16xf32>
        %add3A_147 = arith.constant 30000 : i32
        %add3A_148 = vector.broadcast %add3A_147 : i32 to vector<16xi32>
        %add3A_149 = arith.addi %and3A_130, %add3A_148 : vector<16xi32>
        %gather3A_150 = tpu.vector_load_idx %arg6[%add3A_149] : memref<40000xf32, #tpu.memory_space<vmem>>[vector<16xi32>], vector<16xf32>,
        %mul3A_151 = arith.mulf %gather3A_150, %get3A_120 : vector<16xf32>
        %broadcast_in_dim3A_152 = arith.constant true
        %broadcast_in_dim3A_153 = vector.broadcast %broadcast_in_dim3A_152 : i1 to vector<16xi1>
        %unique3A, %unique3A_154 = tpu.scan_count mask(%broadcast_in_dim3A_153 : vector<16xi1>) value(%shift_right_logical3A_132 : vector<16xi32>) : vector<16xi1>, vector<16xi32>
        %reduce_max3A = arith.constant true
        %reduce_max3A_155 = vector.broadcast %reduce_max3A : i1 to vector<16xi1>
        %reduce_max3A_156 = arith.constant -2147483648 : i32
        %reduce_max3A_157 = vector.broadcast %reduce_max3A_156 : i32 to vector<16xi32>
        %reduce_max3A_158 = arith.xori %unique3A_154, %reduce_max3A_157 : vector<16xi32>
        %reduce_max3A_159 = tpu.scan <max>, %reduce_max3A_158 masked %reduce_max3A_155 : vector<16xi32>, vector<16xi1> -> vector<16xi32>
        %reduce_max3A_160 = arith.xori %reduce_max3A_159, %reduce_max3A_157 : vector<16xi32>
        %reduce_max3A_161 = vector.extract %reduce_max3A_160[15] : i32 from vector<16xi32>
        %reduce_min3A = arith.constant true
        %reduce_min3A_162 = vector.broadcast %reduce_min3A : i1 to vector<16xi1>
        %reduce_min3A_163 = arith.constant -2147483648 : i32
        %reduce_min3A_164 = vector.broadcast %reduce_min3A_163 : i32 to vector<16xi32>
        %reduce_min3A_165 = arith.xori %unique3A_154, %reduce_min3A_164 : vector<16xi32>
        %reduce_min3A_166 = tpu.scan <min>, %reduce_min3A_165 masked %reduce_min3A_162 : vector<16xi32>, vector<16xi1> -> vector<16xi32>
        %reduce_min3A_167 = arith.xori %reduce_min3A_166, %reduce_min3A_164 : vector<16xi32>
        %reduce_min3A_168 = vector.extract %reduce_min3A_167[15] : i32 from vector<16xi32>
        %sub3A = arith.subi %reduce_max3A_161, %reduce_min3A_168 : i32
        %gather3A_169 = tpu.vector_load_idx %arg7[%shift_right_logical3A_132] : memref<10000xf32, #tpu.memory_space<vmem>>[vector<16xi32>], vector<16xf32>,
        %max3A = arith.maximumf %gather3A_169, %mul3A_136 : vector<16xf32>
        tpu.vector_store_idx %arg7[%shift_right_logical3A_132], %max3A : memref<10000xf32, #tpu.memory_space<vmem>>[vector<16xi32>], vector<16xf32>,
        %gather3A_170 = tpu.vector_load_idx %arg8[%shift_right_logical3A_132] : memref<10000xf32, #tpu.memory_space<vmem>>[vector<16xi32>], vector<16xf32>,
        %max3A_171 = arith.maximumf %gather3A_170, %mul3A_141 : vector<16xf32>
        tpu.vector_store_idx %arg8[%shift_right_logical3A_132], %max3A_171 : memref<10000xf32, #tpu.memory_space<vmem>>[vector<16xi32>], vector<16xf32>,
        %gather3A_172 = tpu.vector_load_idx %arg9[%shift_right_logical3A_132] : memref<10000xf32, #tpu.memory_space<vmem>>[vector<16xi32>], vector<16xf32>,
        %max3A_173 = arith.maximumf %gather3A_172, %mul3A_146 : vector<16xf32>
        tpu.vector_store_idx %arg9[%shift_right_logical3A_132], %max3A_173 : memref<10000xf32, #tpu.memory_space<vmem>>[vector<16xi32>], vector<16xf32>,
        %gather3A_174 = tpu.vector_load_idx %arg10[%shift_right_logical3A_132] : memref<10000xf32, #tpu.memory_space<vmem>>[vector<16xi32>], vector<16xf32>,
        %max3A_175 = arith.maximumf %gather3A_174, %mul3A_151 : vector<16xf32>
        tpu.vector_store_idx %arg10[%shift_right_logical3A_132], %max3A_175 : memref<10000xf32, #tpu.memory_space<vmem>>[vector<16xi32>], vector<16xf32>,
        %and3A_176 = arith.constant 16383 : i32
        %and3A_177 = vector.broadcast %and3A_176 : i32 to vector<16xi32>
        %and3A_178 = arith.andi %get3A_124, %and3A_177 : vector<16xi32>
        %shift_right_logical3A_179 = arith.constant 14 : i32
        %shift_right_logical3A_180 = vector.broadcast %shift_right_logical3A_179 : i32 to vector<16xi32>
        %shift_right_logical3A_181 = arith.shrui %get3A_124, %shift_right_logical3A_180 : vector<16xi32>
        %add3A_182 = arith.constant 0 : i32
        %add3A_183 = vector.broadcast %add3A_182 : i32 to vector<16xi32>
        %add3A_184 = arith.addi %and3A_178, %add3A_183 : vector<16xi32>
        %gather3A_185 = tpu.vector_load_idx %arg6[%add3A_184] : memref<40000xf32, #tpu.memory_space<vmem>>[vector<16xi32>], vector<16xf32>,
        %mul3A_186 = arith.mulf %gather3A_185, %get3A_128 : vector<16xf32>
        %add3A_187 = arith.constant 10000 : i32
        %add3A_188 = vector.broadcast %add3A_187 : i32 to vector<16xi32>
        %add3A_189 = arith.addi %and3A_178, %add3A_188 : vector<16xi32>
        %gather3A_190 = tpu.vector_load_idx %arg6[%add3A_189] : memref<40000xf32, #tpu.memory_space<vmem>>[vector<16xi32>], vector<16xf32>,
        %mul3A_191 = arith.mulf %gather3A_190, %get3A_128 : vector<16xf32>
        %add3A_192 = arith.constant 20000 : i32
        %add3A_193 = vector.broadcast %add3A_192 : i32 to vector<16xi32>
        %add3A_194 = arith.addi %and3A_178, %add3A_193 : vector<16xi32>
        %gather3A_195 = tpu.vector_load_idx %arg6[%add3A_194] : memref<40000xf32, #tpu.memory_space<vmem>>[vector<16xi32>], vector<16xf32>,
        %mul3A_196 = arith.mulf %gather3A_195, %get3A_128 : vector<16xf32>
        %add3A_197 = arith.constant 30000 : i32
        %add3A_198 = vector.broadcast %add3A_197 : i32 to vector<16xi32>
        %add3A_199 = arith.addi %and3A_178, %add3A_198 : vector<16xi32>
        %gather3A_200 = tpu.vector_load_idx %arg6[%add3A_199] : memref<40000xf32, #tpu.memory_space<vmem>>[vector<16xi32>], vector<16xf32>,
        %mul3A_201 = arith.mulf %gather3A_200, %get3A_128 : vector<16xf32>
        %broadcast_in_dim3A_202 = arith.constant true
        %broadcast_in_dim3A_203 = vector.broadcast %broadcast_in_dim3A_202 : i1 to vector<16xi1>
        %unique3A_204, %unique3A_205 = tpu.scan_count mask(%broadcast_in_dim3A_203 : vector<16xi1>) value(%shift_right_logical3A_181 : vector<16xi32>) : vector<16xi1>, vector<16xi32>
        %reduce_max3A_206 = arith.constant true
        %reduce_max3A_207 = vector.broadcast %reduce_max3A_206 : i1 to vector<16xi1>
        %reduce_max3A_208 = arith.constant -2147483648 : i32
        %reduce_max3A_209 = vector.broadcast %reduce_max3A_208 : i32 to vector<16xi32>
        %reduce_max3A_210 = arith.xori %unique3A_205, %reduce_max3A_209 : vector<16xi32>
        %reduce_max3A_211 = tpu.scan <max>, %reduce_max3A_210 masked %reduce_max3A_207 : vector<16xi32>, vector<16xi1> -> vector<16xi32>
        %reduce_max3A_212 = arith.xori %reduce_max3A_211, %reduce_max3A_209 : vector<16xi32>
        %reduce_max3A_213 = vector.extract %reduce_max3A_212[15] : i32 from vector<16xi32>
        %reduce_min3A_214 = arith.constant true
        %reduce_min3A_215 = vector.broadcast %reduce_min3A_214 : i1 to vector<16xi1>
        %reduce_min3A_216 = arith.constant -2147483648 : i32
        %reduce_min3A_217 = vector.broadcast %reduce_min3A_216 : i32 to vector<16xi32>
        %reduce_min3A_218 = arith.xori %unique3A_205, %reduce_min3A_217 : vector<16xi32>
        %reduce_min3A_219 = tpu.scan <min>, %reduce_min3A_218 masked %reduce_min3A_215 : vector<16xi32>, vector<16xi1> -> vector<16xi32>
        %reduce_min3A_220 = arith.xori %reduce_min3A_219, %reduce_min3A_217 : vector<16xi32>
        %reduce_min3A_221 = vector.extract %reduce_min3A_220[15] : i32 from vector<16xi32>
        %sub3A_222 = arith.subi %reduce_max3A_213, %reduce_min3A_221 : i32
        %gather3A_223 = tpu.vector_load_idx %arg11[%shift_right_logical3A_181] : memref<10000xf32, #tpu.memory_space<vmem>>[vector<16xi32>], vector<16xf32>,
        %max3A_224 = arith.maximumf %gather3A_223, %mul3A_186 : vector<16xf32>
        tpu.vector_store_idx %arg11[%shift_right_logical3A_181], %max3A_224 : memref<10000xf32, #tpu.memory_space<vmem>>[vector<16xi32>], vector<16xf32>,
        %gather3A_225 = tpu.vector_load_idx %arg12[%shift_right_logical3A_181] : memref<10000xf32, #tpu.memory_space<vmem>>[vector<16xi32>], vector<16xf32>,
        %max3A_226 = arith.maximumf %gather3A_225, %mul3A_191 : vector<16xf32>
        tpu.vector_store_idx %arg12[%shift_right_logical3A_181], %max3A_226 : memref<10000xf32, #tpu.memory_space<vmem>>[vector<16xi32>], vector<16xf32>,
        %gather3A_227 = tpu.vector_load_idx %arg13[%shift_right_logical3A_181] : memref<10000xf32, #tpu.memory_space<vmem>>[vector<16xi32>], vector<16xf32>,
        %max3A_228 = arith.maximumf %gather3A_227, %mul3A_196 : vector<16xf32>
        tpu.vector_store_idx %arg13[%shift_right_logical3A_181], %max3A_228 : memref<10000xf32, #tpu.memory_space<vmem>>[vector<16xi32>], vector<16xf32>,
        %gather3A_229 = tpu.vector_load_idx %arg14[%shift_right_logical3A_181] : memref<10000xf32, #tpu.memory_space<vmem>>[vector<16xi32>], vector<16xf32>,
        %max3A_230 = arith.maximumf %gather3A_229, %mul3A_201 : vector<16xf32>
        tpu.vector_store_idx %arg14[%shift_right_logical3A_181], %max3A_230 : memref<10000xf32, #tpu.memory_space<vmem>>[vector<16xi32>], vector<16xf32>,
        %gt3A_231 = arith.constant 0 : i32
        %gt3A_232 = arith.cmpi sgt, %scan3A_105, %gt3A_231 : i32
        %convert_element_type3A_233 = arith.extui %gt3A_232 : i1 to i32
        %cond3A_234 = arith.constant 0 : i32
        %cond3A_235 = arith.cmpi ne, %convert_element_type3A_233, %cond3A_234 : i32
        scf.if %cond3A_235 {
          %while3A = arith.constant 1 : i32
          %while3A_237 = scf.while (%while3A_252 = %while3A) : (i32) -> i32 {
            %gt3A_253 = arith.constant 0 : i32
            %gt3A_254 = arith.cmpi sgt, %while3A_252, %gt3A_253 : i32
            scf.condition(%gt3A_254) %while3A_252 : i32
          } do {
          ^bb0(%while3A_252: i32):
            %gather3A_253 = tpu.vector_load_idx %arg7[%scan3A_106] : memref<10000xf32, #tpu.memory_space<vmem>>[vector<16xi32>], vector<16xf32>,
            %gt3A_254 = arith.cmpf ogt, %scan3A_108, %gather3A_253 : vector<16xf32>
            tpu.vector_store_idx %arg7[%scan3A_106], %scan3A_108 masked %gt3A_254 : memref<10000xf32, #tpu.memory_space<vmem>>[vector<16xi32>], vector<16xf32>, vector<16xi1>
            %gather3A_255 = tpu.vector_load_idx %arg7[%scan3A_106] : memref<10000xf32, #tpu.memory_space<vmem>>[vector<16xi32>], vector<16xf32>,
            %gt3A_256 = arith.cmpf ogt, %scan3A_108, %gather3A_255 : vector<16xf32>
            %convert_element_type3A_257 = arith.extui %gt3A_256 : vector<16xi1> to vector<16xi32>
            %reduce_max3A_258 = arith.constant true
            %reduce_max3A_259 = vector.broadcast %reduce_max3A_258 : i1 to vector<16xi1>
            %reduce_max3A_260 = arith.constant -2147483648 : i32
            %reduce_max3A_261 = vector.broadcast %reduce_max3A_260 : i32 to vector<16xi32>
            %reduce_max3A_262 = arith.xori %convert_element_type3A_257, %reduce_max3A_261 : vector<16xi32>
            %reduce_max3A_263 = tpu.scan <max>, %reduce_max3A_262 masked %reduce_max3A_259 : vector<16xi32>, vector<16xi1> -> vector<16xi32>
            %reduce_max3A_264 = arith.xori %reduce_max3A_263, %reduce_max3A_261 : vector<16xi32>
            %reduce_max3A_265 = vector.extract %reduce_max3A_264[15] : i32 from vector<16xi32>
            scf.yield %reduce_max3A_265 : i32
          }
          %while3A_238 = arith.constant 1 : i32
          %while3A_239 = scf.while (%while3A_252 = %while3A_238) : (i32) -> i32 {
            %gt3A_253 = arith.constant 0 : i32
            %gt3A_254 = arith.cmpi sgt, %while3A_252, %gt3A_253 : i32
            scf.condition(%gt3A_254) %while3A_252 : i32
          } do {
          ^bb0(%while3A_252: i32):
            %gather3A_253 = tpu.vector_load_idx %arg8[%scan3A_106] : memref<10000xf32, #tpu.memory_space<vmem>>[vector<16xi32>], vector<16xf32>,
            %gt3A_254 = arith.cmpf ogt, %scan3A_109, %gather3A_253 : vector<16xf32>
            tpu.vector_store_idx %arg8[%scan3A_106], %scan3A_109 masked %gt3A_254 : memref<10000xf32, #tpu.memory_space<vmem>>[vector<16xi32>], vector<16xf32>, vector<16xi1>
            %gather3A_255 = tpu.vector_load_idx %arg8[%scan3A_106] : memref<10000xf32, #tpu.memory_space<vmem>>[vector<16xi32>], vector<16xf32>,
            %gt3A_256 = arith.cmpf ogt, %scan3A_109, %gather3A_255 : vector<16xf32>
            %convert_element_type3A_257 = arith.extui %gt3A_256 : vector<16xi1> to vector<16xi32>
            %reduce_max3A_258 = arith.constant true
            %reduce_max3A_259 = vector.broadcast %reduce_max3A_258 : i1 to vector<16xi1>
            %reduce_max3A_260 = arith.constant -2147483648 : i32
            %reduce_max3A_261 = vector.broadcast %reduce_max3A_260 : i32 to vector<16xi32>
            %reduce_max3A_262 = arith.xori %convert_element_type3A_257, %reduce_max3A_261 : vector<16xi32>
            %reduce_max3A_263 = tpu.scan <max>, %reduce_max3A_262 masked %reduce_max3A_259 : vector<16xi32>, vector<16xi1> -> vector<16xi32>
            %reduce_max3A_264 = arith.xori %reduce_max3A_263, %reduce_max3A_261 : vector<16xi32>
            %reduce_max3A_265 = vector.extract %reduce_max3A_264[15] : i32 from vector<16xi32>
            scf.yield %reduce_max3A_265 : i32
          }
          %while3A_240 = arith.constant 1 : i32
          %while3A_241 = scf.while (%while3A_252 = %while3A_240) : (i32) -> i32 {
            %gt3A_253 = arith.constant 0 : i32
            %gt3A_254 = arith.cmpi sgt, %while3A_252, %gt3A_253 : i32
            scf.condition(%gt3A_254) %while3A_252 : i32
          } do {
          ^bb0(%while3A_252: i32):
            %gather3A_253 = tpu.vector_load_idx %arg9[%scan3A_106] : memref<10000xf32, #tpu.memory_space<vmem>>[vector<16xi32>], vector<16xf32>,
            %gt3A_254 = arith.cmpf ogt, %scan3A_110, %gather3A_253 : vector<16xf32>
            tpu.vector_store_idx %arg9[%scan3A_106], %scan3A_110 masked %gt3A_254 : memref<10000xf32, #tpu.memory_space<vmem>>[vector<16xi32>], vector<16xf32>, vector<16xi1>
            %gather3A_255 = tpu.vector_load_idx %arg9[%scan3A_106] : memref<10000xf32, #tpu.memory_space<vmem>>[vector<16xi32>], vector<16xf32>,
            %gt3A_256 = arith.cmpf ogt, %scan3A_110, %gather3A_255 : vector<16xf32>
            %convert_element_type3A_257 = arith.extui %gt3A_256 : vector<16xi1> to vector<16xi32>
            %reduce_max3A_258 = arith.constant true
            %reduce_max3A_259 = vector.broadcast %reduce_max3A_258 : i1 to vector<16xi1>
            %reduce_max3A_260 = arith.constant -2147483648 : i32
            %reduce_max3A_261 = vector.broadcast %reduce_max3A_260 : i32 to vector<16xi32>
            %reduce_max3A_262 = arith.xori %convert_element_type3A_257, %reduce_max3A_261 : vector<16xi32>
            %reduce_max3A_263 = tpu.scan <max>, %reduce_max3A_262 masked %reduce_max3A_259 : vector<16xi32>, vector<16xi1> -> vector<16xi32>
            %reduce_max3A_264 = arith.xori %reduce_max3A_263, %reduce_max3A_261 : vector<16xi32>
            %reduce_max3A_265 = vector.extract %reduce_max3A_264[15] : i32 from vector<16xi32>
            scf.yield %reduce_max3A_265 : i32
          }
          %while3A_242 = arith.constant 1 : i32
          %while3A_243 = scf.while (%while3A_252 = %while3A_242) : (i32) -> i32 {
            %gt3A_253 = arith.constant 0 : i32
            %gt3A_254 = arith.cmpi sgt, %while3A_252, %gt3A_253 : i32
            scf.condition(%gt3A_254) %while3A_252 : i32
          } do {
          ^bb0(%while3A_252: i32):
            %gather3A_253 = tpu.vector_load_idx %arg10[%scan3A_106] : memref<10000xf32, #tpu.memory_space<vmem>>[vector<16xi32>], vector<16xf32>,
            %gt3A_254 = arith.cmpf ogt, %scan3A_111, %gather3A_253 : vector<16xf32>
            tpu.vector_store_idx %arg10[%scan3A_106], %scan3A_111 masked %gt3A_254 : memref<10000xf32, #tpu.memory_space<vmem>>[vector<16xi32>], vector<16xf32>, vector<16xi1>
            %gather3A_255 = tpu.vector_load_idx %arg10[%scan3A_106] : memref<10000xf32, #tpu.memory_space<vmem>>[vector<16xi32>], vector<16xf32>,
            %gt3A_256 = arith.cmpf ogt, %scan3A_111, %gather3A_255 : vector<16xf32>
            %convert_element_type3A_257 = arith.extui %gt3A_256 : vector<16xi1> to vector<16xi32>
            %reduce_max3A_258 = arith.constant true
            %reduce_max3A_259 = vector.broadcast %reduce_max3A_258 : i1 to vector<16xi1>
            %reduce_max3A_260 = arith.constant -2147483648 : i32
            %reduce_max3A_261 = vector.broadcast %reduce_max3A_260 : i32 to vector<16xi32>
            %reduce_max3A_262 = arith.xori %convert_element_type3A_257, %reduce_max3A_261 : vector<16xi32>
            %reduce_max3A_263 = tpu.scan <max>, %reduce_max3A_262 masked %reduce_max3A_259 : vector<16xi32>, vector<16xi1> -> vector<16xi32>
            %reduce_max3A_264 = arith.xori %reduce_max3A_263, %reduce_max3A_261 : vector<16xi32>
            %reduce_max3A_265 = vector.extract %reduce_max3A_264[15] : i32 from vector<16xi32>
            scf.yield %reduce_max3A_265 : i32
          }
          %while3A_244 = arith.constant 1 : i32
          %while3A_245 = scf.while (%while3A_252 = %while3A_244) : (i32) -> i32 {
            %gt3A_253 = arith.constant 0 : i32
            %gt3A_254 = arith.cmpi sgt, %while3A_252, %gt3A_253 : i32
            scf.condition(%gt3A_254) %while3A_252 : i32
          } do {
          ^bb0(%while3A_252: i32):
            %gather3A_253 = tpu.vector_load_idx %arg11[%scan3A_107] : memref<10000xf32, #tpu.memory_space<vmem>>[vector<16xi32>], vector<16xf32>,
            %gt3A_254 = arith.cmpf ogt, %scan3A_112, %gather3A_253 : vector<16xf32>
            tpu.vector_store_idx %arg11[%scan3A_107], %scan3A_112 masked %gt3A_254 : memref<10000xf32, #tpu.memory_space<vmem>>[vector<16xi32>], vector<16xf32>, vector<16xi1>
            %gather3A_255 = tpu.vector_load_idx %arg11[%scan3A_107] : memref<10000xf32, #tpu.memory_space<vmem>>[vector<16xi32>], vector<16xf32>,
            %gt3A_256 = arith.cmpf ogt, %scan3A_112, %gather3A_255 : vector<16xf32>
            %convert_element_type3A_257 = arith.extui %gt3A_256 : vector<16xi1> to vector<16xi32>
            %reduce_max3A_258 = arith.constant true
            %reduce_max3A_259 = vector.broadcast %reduce_max3A_258 : i1 to vector<16xi1>
            %reduce_max3A_260 = arith.constant -2147483648 : i32
            %reduce_max3A_261 = vector.broadcast %reduce_max3A_260 : i32 to vector<16xi32>
            %reduce_max3A_262 = arith.xori %convert_element_type3A_257, %reduce_max3A_261 : vector<16xi32>
            %reduce_max3A_263 = tpu.scan <max>, %reduce_max3A_262 masked %reduce_max3A_259 : vector<16xi32>, vector<16xi1> -> vector<16xi32>
            %reduce_max3A_264 = arith.xori %reduce_max3A_263, %reduce_max3A_261 : vector<16xi32>
            %reduce_max3A_265 = vector.extract %reduce_max3A_264[15] : i32 from vector<16xi32>
            scf.yield %reduce_max3A_265 : i32
          }
          %while3A_246 = arith.constant 1 : i32
          %while3A_247 = scf.while (%while3A_252 = %while3A_246) : (i32) -> i32 {
            %gt3A_253 = arith.constant 0 : i32
            %gt3A_254 = arith.cmpi sgt, %while3A_252, %gt3A_253 : i32
            scf.condition(%gt3A_254) %while3A_252 : i32
          } do {
          ^bb0(%while3A_252: i32):
            %gather3A_253 = tpu.vector_load_idx %arg12[%scan3A_107] : memref<10000xf32, #tpu.memory_space<vmem>>[vector<16xi32>], vector<16xf32>,
            %gt3A_254 = arith.cmpf ogt, %scan3A_113, %gather3A_253 : vector<16xf32>
            tpu.vector_store_idx %arg12[%scan3A_107], %scan3A_113 masked %gt3A_254 : memref<10000xf32, #tpu.memory_space<vmem>>[vector<16xi32>], vector<16xf32>, vector<16xi1>
            %gather3A_255 = tpu.vector_load_idx %arg12[%scan3A_107] : memref<10000xf32, #tpu.memory_space<vmem>>[vector<16xi32>], vector<16xf32>,
            %gt3A_256 = arith.cmpf ogt, %scan3A_113, %gather3A_255 : vector<16xf32>
            %convert_element_type3A_257 = arith.extui %gt3A_256 : vector<16xi1> to vector<16xi32>
            %reduce_max3A_258 = arith.constant true
            %reduce_max3A_259 = vector.broadcast %reduce_max3A_258 : i1 to vector<16xi1>
            %reduce_max3A_260 = arith.constant -2147483648 : i32
            %reduce_max3A_261 = vector.broadcast %reduce_max3A_260 : i32 to vector<16xi32>
            %reduce_max3A_262 = arith.xori %convert_element_type3A_257, %reduce_max3A_261 : vector<16xi32>
            %reduce_max3A_263 = tpu.scan <max>, %reduce_max3A_262 masked %reduce_max3A_259 : vector<16xi32>, vector<16xi1> -> vector<16xi32>
            %reduce_max3A_264 = arith.xori %reduce_max3A_263, %reduce_max3A_261 : vector<16xi32>
            %reduce_max3A_265 = vector.extract %reduce_max3A_264[15] : i32 from vector<16xi32>
            scf.yield %reduce_max3A_265 : i32
          }
          %while3A_248 = arith.constant 1 : i32
          %while3A_249 = scf.while (%while3A_252 = %while3A_248) : (i32) -> i32 {
            %gt3A_253 = arith.constant 0 : i32
            %gt3A_254 = arith.cmpi sgt, %while3A_252, %gt3A_253 : i32
            scf.condition(%gt3A_254) %while3A_252 : i32
          } do {
          ^bb0(%while3A_252: i32):
            %gather3A_253 = tpu.vector_load_idx %arg13[%scan3A_107] : memref<10000xf32, #tpu.memory_space<vmem>>[vector<16xi32>], vector<16xf32>,
            %gt3A_254 = arith.cmpf ogt, %scan3A_114, %gather3A_253 : vector<16xf32>
            tpu.vector_store_idx %arg13[%scan3A_107], %scan3A_114 masked %gt3A_254 : memref<10000xf32, #tpu.memory_space<vmem>>[vector<16xi32>], vector<16xf32>, vector<16xi1>
            %gather3A_255 = tpu.vector_load_idx %arg13[%scan3A_107] : memref<10000xf32, #tpu.memory_space<vmem>>[vector<16xi32>], vector<16xf32>,
            %gt3A_256 = arith.cmpf ogt, %scan3A_114, %gather3A_255 : vector<16xf32>
            %convert_element_type3A_257 = arith.extui %gt3A_256 : vector<16xi1> to vector<16xi32>
            %reduce_max3A_258 = arith.constant true
            %reduce_max3A_259 = vector.broadcast %reduce_max3A_258 : i1 to vector<16xi1>
            %reduce_max3A_260 = arith.constant -2147483648 : i32
            %reduce_max3A_261 = vector.broadcast %reduce_max3A_260 : i32 to vector<16xi32>
            %reduce_max3A_262 = arith.xori %convert_element_type3A_257, %reduce_max3A_261 : vector<16xi32>
            %reduce_max3A_263 = tpu.scan <max>, %reduce_max3A_262 masked %reduce_max3A_259 : vector<16xi32>, vector<16xi1> -> vector<16xi32>
            %reduce_max3A_264 = arith.xori %reduce_max3A_263, %reduce_max3A_261 : vector<16xi32>
            %reduce_max3A_265 = vector.extract %reduce_max3A_264[15] : i32 from vector<16xi32>
            scf.yield %reduce_max3A_265 : i32
          }
          %while3A_250 = arith.constant 1 : i32
          %while3A_251 = scf.while (%while3A_252 = %while3A_250) : (i32) -> i32 {
            %gt3A_253 = arith.constant 0 : i32
            %gt3A_254 = arith.cmpi sgt, %while3A_252, %gt3A_253 : i32
            scf.condition(%gt3A_254) %while3A_252 : i32
          } do {
          ^bb0(%while3A_252: i32):
            %gather3A_253 = tpu.vector_load_idx %arg14[%scan3A_107] : memref<10000xf32, #tpu.memory_space<vmem>>[vector<16xi32>], vector<16xf32>,
            %gt3A_254 = arith.cmpf ogt, %scan3A_115, %gather3A_253 : vector<16xf32>
            tpu.vector_store_idx %arg14[%scan3A_107], %scan3A_115 masked %gt3A_254 : memref<10000xf32, #tpu.memory_space<vmem>>[vector<16xi32>], vector<16xf32>, vector<16xi1>
            %gather3A_255 = tpu.vector_load_idx %arg14[%scan3A_107] : memref<10000xf32, #tpu.memory_space<vmem>>[vector<16xi32>], vector<16xf32>,
            %gt3A_256 = arith.cmpf ogt, %scan3A_115, %gather3A_255 : vector<16xf32>
            %convert_element_type3A_257 = arith.extui %gt3A_256 : vector<16xi1> to vector<16xi32>
            %reduce_max3A_258 = arith.constant true
            %reduce_max3A_259 = vector.broadcast %reduce_max3A_258 : i1 to vector<16xi1>
            %reduce_max3A_260 = arith.constant -2147483648 : i32
            %reduce_max3A_261 = vector.broadcast %reduce_max3A_260 : i32 to vector<16xi32>
            %reduce_max3A_262 = arith.xori %convert_element_type3A_257, %reduce_max3A_261 : vector<16xi32>
            %reduce_max3A_263 = tpu.scan <max>, %reduce_max3A_262 masked %reduce_max3A_259 : vector<16xi32>, vector<16xi1> -> vector<16xi32>
            %reduce_max3A_264 = arith.xori %reduce_max3A_263, %reduce_max3A_261 : vector<16xi32>
            %reduce_max3A_265 = vector.extract %reduce_max3A_264[15] : i32 from vector<16xi32>
            scf.yield %reduce_max3A_265 : i32
          }
        } else {
        }
        %add3A_236 = arith.addi %sub3A, %sub3A_222 : i32
        scf.yield %add3A_236, %shift_right_logical3A_132, %shift_right_logical3A_181, %mul3A_136, %mul3A_141, %mul3A_146, %mul3A_151, %mul3A_186, %mul3A_191, %mul3A_196, %mul3A_201 : i32, vector<16xi32>, vector<16xi32>, vector<16xf32>, vector<16xf32>, vector<16xf32>, vector<16xf32>, vector<16xf32>, vector<16xf32>, vector<16xf32>, vector<16xf32>
      }
      %scan3A_62 = arith.constant 50 : i32
      %gt3A = arith.constant 0 : i32
      %gt3A_63 = arith.cmpi sgt, %scan3A_61#0, %gt3A : i32
      %convert_element_type3A = arith.extui %gt3A_63 : i1 to i32
      %cond3A = arith.constant 0 : i32
      %cond3A_64 = arith.cmpi ne, %convert_element_type3A, %cond3A : i32
      scf.if %cond3A_64 {
        %while3A = arith.constant 1 : i32
        %while3A_104 = scf.while (%while3A_119 = %while3A) : (i32) -> i32 {
          %gt3A_120 = arith.constant 0 : i32
          %gt3A_121 = arith.cmpi sgt, %while3A_119, %gt3A_120 : i32
          scf.condition(%gt3A_121) %while3A_119 : i32
        } do {
        ^bb0(%while3A_119: i32):
          %gather3A = tpu.vector_load_idx %arg7[%scan3A_61#1] : memref<10000xf32, #tpu.memory_space<vmem>>[vector<16xi32>], vector<16xf32>,
          %gt3A_120 = arith.cmpf ogt, %scan3A_61#3, %gather3A : vector<16xf32>
          tpu.vector_store_idx %arg7[%scan3A_61#1], %scan3A_61#3 masked %gt3A_120 : memref<10000xf32, #tpu.memory_space<vmem>>[vector<16xi32>], vector<16xf32>, vector<16xi1>
          %gather3A_121 = tpu.vector_load_idx %arg7[%scan3A_61#1] : memref<10000xf32, #tpu.memory_space<vmem>>[vector<16xi32>], vector<16xf32>,
          %gt3A_122 = arith.cmpf ogt, %scan3A_61#3, %gather3A_121 : vector<16xf32>
          %convert_element_type3A_123 = arith.extui %gt3A_122 : vector<16xi1> to vector<16xi32>
          %reduce_max3A = arith.constant true
          %reduce_max3A_124 = vector.broadcast %reduce_max3A : i1 to vector<16xi1>
          %reduce_max3A_125 = arith.constant -2147483648 : i32
          %reduce_max3A_126 = vector.broadcast %reduce_max3A_125 : i32 to vector<16xi32>
          %reduce_max3A_127 = arith.xori %convert_element_type3A_123, %reduce_max3A_126 : vector<16xi32>
          %reduce_max3A_128 = tpu.scan <max>, %reduce_max3A_127 masked %reduce_max3A_124 : vector<16xi32>, vector<16xi1> -> vector<16xi32>
          %reduce_max3A_129 = arith.xori %reduce_max3A_128, %reduce_max3A_126 : vector<16xi32>
          %reduce_max3A_130 = vector.extract %reduce_max3A_129[15] : i32 from vector<16xi32>
          scf.yield %reduce_max3A_130 : i32
        }
        %while3A_105 = arith.constant 1 : i32
        %while3A_106 = scf.while (%while3A_119 = %while3A_105) : (i32) -> i32 {
          %gt3A_120 = arith.constant 0 : i32
          %gt3A_121 = arith.cmpi sgt, %while3A_119, %gt3A_120 : i32
          scf.condition(%gt3A_121) %while3A_119 : i32
        } do {
        ^bb0(%while3A_119: i32):
          %gather3A = tpu.vector_load_idx %arg8[%scan3A_61#1] : memref<10000xf32, #tpu.memory_space<vmem>>[vector<16xi32>], vector<16xf32>,
          %gt3A_120 = arith.cmpf ogt, %scan3A_61#4, %gather3A : vector<16xf32>
          tpu.vector_store_idx %arg8[%scan3A_61#1], %scan3A_61#4 masked %gt3A_120 : memref<10000xf32, #tpu.memory_space<vmem>>[vector<16xi32>], vector<16xf32>, vector<16xi1>
          %gather3A_121 = tpu.vector_load_idx %arg8[%scan3A_61#1] : memref<10000xf32, #tpu.memory_space<vmem>>[vector<16xi32>], vector<16xf32>,
          %gt3A_122 = arith.cmpf ogt, %scan3A_61#4, %gather3A_121 : vector<16xf32>
          %convert_element_type3A_123 = arith.extui %gt3A_122 : vector<16xi1> to vector<16xi32>
          %reduce_max3A = arith.constant true
          %reduce_max3A_124 = vector.broadcast %reduce_max3A : i1 to vector<16xi1>
          %reduce_max3A_125 = arith.constant -2147483648 : i32
          %reduce_max3A_126 = vector.broadcast %reduce_max3A_125 : i32 to vector<16xi32>
          %reduce_max3A_127 = arith.xori %convert_element_type3A_123, %reduce_max3A_126 : vector<16xi32>
          %reduce_max3A_128 = tpu.scan <max>, %reduce_max3A_127 masked %reduce_max3A_124 : vector<16xi32>, vector<16xi1> -> vector<16xi32>
          %reduce_max3A_129 = arith.xori %reduce_max3A_128, %reduce_max3A_126 : vector<16xi32>
          %reduce_max3A_130 = vector.extract %reduce_max3A_129[15] : i32 from vector<16xi32>
          scf.yield %reduce_max3A_130 : i32
        }
        %while3A_107 = arith.constant 1 : i32
        %while3A_108 = scf.while (%while3A_119 = %while3A_107) : (i32) -> i32 {
          %gt3A_120 = arith.constant 0 : i32
          %gt3A_121 = arith.cmpi sgt, %while3A_119, %gt3A_120 : i32
          scf.condition(%gt3A_121) %while3A_119 : i32
        } do {
        ^bb0(%while3A_119: i32):
          %gather3A = tpu.vector_load_idx %arg9[%scan3A_61#1] : memref<10000xf32, #tpu.memory_space<vmem>>[vector<16xi32>], vector<16xf32>,
          %gt3A_120 = arith.cmpf ogt, %scan3A_61#5, %gather3A : vector<16xf32>
          tpu.vector_store_idx %arg9[%scan3A_61#1], %scan3A_61#5 masked %gt3A_120 : memref<10000xf32, #tpu.memory_space<vmem>>[vector<16xi32>], vector<16xf32>, vector<16xi1>
          %gather3A_121 = tpu.vector_load_idx %arg9[%scan3A_61#1] : memref<10000xf32, #tpu.memory_space<vmem>>[vector<16xi32>], vector<16xf32>,
          %gt3A_122 = arith.cmpf ogt, %scan3A_61#5, %gather3A_121 : vector<16xf32>
          %convert_element_type3A_123 = arith.extui %gt3A_122 : vector<16xi1> to vector<16xi32>
          %reduce_max3A = arith.constant true
          %reduce_max3A_124 = vector.broadcast %reduce_max3A : i1 to vector<16xi1>
          %reduce_max3A_125 = arith.constant -2147483648 : i32
          %reduce_max3A_126 = vector.broadcast %reduce_max3A_125 : i32 to vector<16xi32>
          %reduce_max3A_127 = arith.xori %convert_element_type3A_123, %reduce_max3A_126 : vector<16xi32>
          %reduce_max3A_128 = tpu.scan <max>, %reduce_max3A_127 masked %reduce_max3A_124 : vector<16xi32>, vector<16xi1> -> vector<16xi32>
          %reduce_max3A_129 = arith.xori %reduce_max3A_128, %reduce_max3A_126 : vector<16xi32>
          %reduce_max3A_130 = vector.extract %reduce_max3A_129[15] : i32 from vector<16xi32>
          scf.yield %reduce_max3A_130 : i32
        }
        %while3A_109 = arith.constant 1 : i32
        %while3A_110 = scf.while (%while3A_119 = %while3A_109) : (i32) -> i32 {
          %gt3A_120 = arith.constant 0 : i32
          %gt3A_121 = arith.cmpi sgt, %while3A_119, %gt3A_120 : i32
          scf.condition(%gt3A_121) %while3A_119 : i32
        } do {
        ^bb0(%while3A_119: i32):
          %gather3A = tpu.vector_load_idx %arg10[%scan3A_61#1] : memref<10000xf32, #tpu.memory_space<vmem>>[vector<16xi32>], vector<16xf32>,
          %gt3A_120 = arith.cmpf ogt, %scan3A_61#6, %gather3A : vector<16xf32>
          tpu.vector_store_idx %arg10[%scan3A_61#1], %scan3A_61#6 masked %gt3A_120 : memref<10000xf32, #tpu.memory_space<vmem>>[vector<16xi32>], vector<16xf32>, vector<16xi1>
          %gather3A_121 = tpu.vector_load_idx %arg10[%scan3A_61#1] : memref<10000xf32, #tpu.memory_space<vmem>>[vector<16xi32>], vector<16xf32>,
          %gt3A_122 = arith.cmpf ogt, %scan3A_61#6, %gather3A_121 : vector<16xf32>
          %convert_element_type3A_123 = arith.extui %gt3A_122 : vector<16xi1> to vector<16xi32>
          %reduce_max3A = arith.constant true
          %reduce_max3A_124 = vector.broadcast %reduce_max3A : i1 to vector<16xi1>
          %reduce_max3A_125 = arith.constant -2147483648 : i32
          %reduce_max3A_126 = vector.broadcast %reduce_max3A_125 : i32 to vector<16xi32>
          %reduce_max3A_127 = arith.xori %convert_element_type3A_123, %reduce_max3A_126 : vector<16xi32>
          %reduce_max3A_128 = tpu.scan <max>, %reduce_max3A_127 masked %reduce_max3A_124 : vector<16xi32>, vector<16xi1> -> vector<16xi32>
          %reduce_max3A_129 = arith.xori %reduce_max3A_128, %reduce_max3A_126 : vector<16xi32>
          %reduce_max3A_130 = vector.extract %reduce_max3A_129[15] : i32 from vector<16xi32>
          scf.yield %reduce_max3A_130 : i32
        }
        %while3A_111 = arith.constant 1 : i32
        %while3A_112 = scf.while (%while3A_119 = %while3A_111) : (i32) -> i32 {
          %gt3A_120 = arith.constant 0 : i32
          %gt3A_121 = arith.cmpi sgt, %while3A_119, %gt3A_120 : i32
          scf.condition(%gt3A_121) %while3A_119 : i32
        } do {
        ^bb0(%while3A_119: i32):
          %gather3A = tpu.vector_load_idx %arg11[%scan3A_61#2] : memref<10000xf32, #tpu.memory_space<vmem>>[vector<16xi32>], vector<16xf32>,
          %gt3A_120 = arith.cmpf ogt, %scan3A_61#7, %gather3A : vector<16xf32>
          tpu.vector_store_idx %arg11[%scan3A_61#2], %scan3A_61#7 masked %gt3A_120 : memref<10000xf32, #tpu.memory_space<vmem>>[vector<16xi32>], vector<16xf32>, vector<16xi1>
          %gather3A_121 = tpu.vector_load_idx %arg11[%scan3A_61#2] : memref<10000xf32, #tpu.memory_space<vmem>>[vector<16xi32>], vector<16xf32>,
          %gt3A_122 = arith.cmpf ogt, %scan3A_61#7, %gather3A_121 : vector<16xf32>
          %convert_element_type3A_123 = arith.extui %gt3A_122 : vector<16xi1> to vector<16xi32>
          %reduce_max3A = arith.constant true
          %reduce_max3A_124 = vector.broadcast %reduce_max3A : i1 to vector<16xi1>
          %reduce_max3A_125 = arith.constant -2147483648 : i32
          %reduce_max3A_126 = vector.broadcast %reduce_max3A_125 : i32 to vector<16xi32>
          %reduce_max3A_127 = arith.xori %convert_element_type3A_123, %reduce_max3A_126 : vector<16xi32>
          %reduce_max3A_128 = tpu.scan <max>, %reduce_max3A_127 masked %reduce_max3A_124 : vector<16xi32>, vector<16xi1> -> vector<16xi32>
          %reduce_max3A_129 = arith.xori %reduce_max3A_128, %reduce_max3A_126 : vector<16xi32>
          %reduce_max3A_130 = vector.extract %reduce_max3A_129[15] : i32 from vector<16xi32>
          scf.yield %reduce_max3A_130 : i32
        }
        %while3A_113 = arith.constant 1 : i32
        %while3A_114 = scf.while (%while3A_119 = %while3A_113) : (i32) -> i32 {
          %gt3A_120 = arith.constant 0 : i32
          %gt3A_121 = arith.cmpi sgt, %while3A_119, %gt3A_120 : i32
          scf.condition(%gt3A_121) %while3A_119 : i32
        } do {
        ^bb0(%while3A_119: i32):
          %gather3A = tpu.vector_load_idx %arg12[%scan3A_61#2] : memref<10000xf32, #tpu.memory_space<vmem>>[vector<16xi32>], vector<16xf32>,
          %gt3A_120 = arith.cmpf ogt, %scan3A_61#8, %gather3A : vector<16xf32>
          tpu.vector_store_idx %arg12[%scan3A_61#2], %scan3A_61#8 masked %gt3A_120 : memref<10000xf32, #tpu.memory_space<vmem>>[vector<16xi32>], vector<16xf32>, vector<16xi1>
          %gather3A_121 = tpu.vector_load_idx %arg12[%scan3A_61#2] : memref<10000xf32, #tpu.memory_space<vmem>>[vector<16xi32>], vector<16xf32>,
          %gt3A_122 = arith.cmpf ogt, %scan3A_61#8, %gather3A_121 : vector<16xf32>
          %convert_element_type3A_123 = arith.extui %gt3A_122 : vector<16xi1> to vector<16xi32>
          %reduce_max3A = arith.constant true
          %reduce_max3A_124 = vector.broadcast %reduce_max3A : i1 to vector<16xi1>
          %reduce_max3A_125 = arith.constant -2147483648 : i32
          %reduce_max3A_126 = vector.broadcast %reduce_max3A_125 : i32 to vector<16xi32>
          %reduce_max3A_127 = arith.xori %convert_element_type3A_123, %reduce_max3A_126 : vector<16xi32>
          %reduce_max3A_128 = tpu.scan <max>, %reduce_max3A_127 masked %reduce_max3A_124 : vector<16xi32>, vector<16xi1> -> vector<16xi32>
          %reduce_max3A_129 = arith.xori %reduce_max3A_128, %reduce_max3A_126 : vector<16xi32>
          %reduce_max3A_130 = vector.extract %reduce_max3A_129[15] : i32 from vector<16xi32>
          scf.yield %reduce_max3A_130 : i32
        }
        %while3A_115 = arith.constant 1 : i32
        %while3A_116 = scf.while (%while3A_119 = %while3A_115) : (i32) -> i32 {
          %gt3A_120 = arith.constant 0 : i32
          %gt3A_121 = arith.cmpi sgt, %while3A_119, %gt3A_120 : i32
          scf.condition(%gt3A_121) %while3A_119 : i32
        } do {
        ^bb0(%while3A_119: i32):
          %gather3A = tpu.vector_load_idx %arg13[%scan3A_61#2] : memref<10000xf32, #tpu.memory_space<vmem>>[vector<16xi32>], vector<16xf32>,
          %gt3A_120 = arith.cmpf ogt, %scan3A_61#9, %gather3A : vector<16xf32>
          tpu.vector_store_idx %arg13[%scan3A_61#2], %scan3A_61#9 masked %gt3A_120 : memref<10000xf32, #tpu.memory_space<vmem>>[vector<16xi32>], vector<16xf32>, vector<16xi1>
          %gather3A_121 = tpu.vector_load_idx %arg13[%scan3A_61#2] : memref<10000xf32, #tpu.memory_space<vmem>>[vector<16xi32>], vector<16xf32>,
          %gt3A_122 = arith.cmpf ogt, %scan3A_61#9, %gather3A_121 : vector<16xf32>
          %convert_element_type3A_123 = arith.extui %gt3A_122 : vector<16xi1> to vector<16xi32>
          %reduce_max3A = arith.constant true
          %reduce_max3A_124 = vector.broadcast %reduce_max3A : i1 to vector<16xi1>
          %reduce_max3A_125 = arith.constant -2147483648 : i32
          %reduce_max3A_126 = vector.broadcast %reduce_max3A_125 : i32 to vector<16xi32>
          %reduce_max3A_127 = arith.xori %convert_element_type3A_123, %reduce_max3A_126 : vector<16xi32>
          %reduce_max3A_128 = tpu.scan <max>, %reduce_max3A_127 masked %reduce_max3A_124 : vector<16xi32>, vector<16xi1> -> vector<16xi32>
          %reduce_max3A_129 = arith.xori %reduce_max3A_128, %reduce_max3A_126 : vector<16xi32>
          %reduce_max3A_130 = vector.extract %reduce_max3A_129[15] : i32 from vector<16xi32>
          scf.yield %reduce_max3A_130 : i32
        }
        %while3A_117 = arith.constant 1 : i32
        %while3A_118 = scf.while (%while3A_119 = %while3A_117) : (i32) -> i32 {
          %gt3A_120 = arith.constant 0 : i32
          %gt3A_121 = arith.cmpi sgt, %while3A_119, %gt3A_120 : i32
          scf.condition(%gt3A_121) %while3A_119 : i32
        } do {
        ^bb0(%while3A_119: i32):
          %gather3A = tpu.vector_load_idx %arg14[%scan3A_61#2] : memref<10000xf32, #tpu.memory_space<vmem>>[vector<16xi32>], vector<16xf32>,
          %gt3A_120 = arith.cmpf ogt, %scan3A_61#10, %gather3A : vector<16xf32>
          tpu.vector_store_idx %arg14[%scan3A_61#2], %scan3A_61#10 masked %gt3A_120 : memref<10000xf32, #tpu.memory_space<vmem>>[vector<16xi32>], vector<16xf32>, vector<16xi1>
          %gather3A_121 = tpu.vector_load_idx %arg14[%scan3A_61#2] : memref<10000xf32, #tpu.memory_space<vmem>>[vector<16xi32>], vector<16xf32>,
          %gt3A_122 = arith.cmpf ogt, %scan3A_61#10, %gather3A_121 : vector<16xf32>
          %convert_element_type3A_123 = arith.extui %gt3A_122 : vector<16xi1> to vector<16xi32>
          %reduce_max3A = arith.constant true
          %reduce_max3A_124 = vector.broadcast %reduce_max3A : i1 to vector<16xi1>
          %reduce_max3A_125 = arith.constant -2147483648 : i32
          %reduce_max3A_126 = vector.broadcast %reduce_max3A_125 : i32 to vector<16xi32>
          %reduce_max3A_127 = arith.xori %convert_element_type3A_123, %reduce_max3A_126 : vector<16xi32>
          %reduce_max3A_128 = tpu.scan <max>, %reduce_max3A_127 masked %reduce_max3A_124 : vector<16xi32>, vector<16xi1> -> vector<16xi32>
          %reduce_max3A_129 = arith.xori %reduce_max3A_128, %reduce_max3A_126 : vector<16xi32>
          %reduce_max3A_130 = vector.extract %reduce_max3A_129[15] : i32 from vector<16xi32>
          scf.yield %reduce_max3A_130 : i32
        }
      } else {
      }
      %add3A_65 = arith.constant 2 : i32
      %add3A_66 = arith.addi %add3A_47, %add3A_65 : i32
      %lt3A = arith.constant 200 : i32
      %lt3A_67 = arith.cmpi slt, %add3A_66, %lt3A : i32
      %convert_element_type3A_68 = arith.extui %lt3A_67 : i1 to i32
      %cond3A_69 = arith.constant 0 : i32
      %cond3A_70 = arith.cmpi ne, %convert_element_type3A_68, %cond3A_69 : i32
      scf.if %cond3A_70 {
        %add3A_104 = arith.constant 2 : i32
        %add3A_105 = arith.addi %add3A_47, %add3A_104 : i32
        %mul3A_106 = arith.constant 1600 : i32
        %mul3A_107 = arith.muli %add3A_105, %mul3A_106 : i32
        %dma_start3A_108 = tpu.memref_slice %arg3[%mul3A_107] : memref<320000xi32, #tpu.memory_space<hbm>> -> memref<1600xi32, #tpu.memory_space<hbm>>
        %dma_start3A_109 = tpu.memref_slice %arg3[%mul3A_107] : memref<320000xi32, #tpu.memory_space<hbm>> -> memref<1600xi32, #tpu.memory_space<hbm>>
        tpu.enqueue_dma source(%dma_start3A_109 : memref<1600xi32, #tpu.memory_space<hbm>>) target(%arg15 : memref<1600xi32, #tpu.memory_space<vmem>>) target_semaphore(%arg19 : memref<!tpu.dma_semaphore, #tpu.memory_space<semaphore_mem>>)
        %dma_start3A_110 = tpu.memref_slice %arg4[%mul3A_107] : memref<320000xf32, #tpu.memory_space<hbm>> -> memref<1600xf32, #tpu.memory_space<hbm>>
        %dma_start3A_111 = tpu.memref_slice %arg4[%mul3A_107] : memref<320000xf32, #tpu.memory_space<hbm>> -> memref<1600xf32, #tpu.memory_space<hbm>>
        tpu.enqueue_dma source(%dma_start3A_111 : memref<1600xf32, #tpu.memory_space<hbm>>) target(%arg17 : memref<1600xf32, #tpu.memory_space<vmem>>) target_semaphore(%arg19 : memref<!tpu.dma_semaphore, #tpu.memory_space<semaphore_mem>>)
      } else {
      }
      %mul3A_71 = arith.constant 2 : i32
      %mul3A_72 = arith.muli %mul3A_71, %scan3A_43 : i32
      %add3A_73 = arith.constant 1 : i32
      %add3A_74 = arith.addi %mul3A_72, %add3A_73 : i32
      %mul3A_75 = arith.constant 1600 : i32
      %mul3A_76 = arith.muli %add3A_74, %mul3A_75 : i32
      %dma_wait3A_77 = tpu.memref_slice %arg3[%mul3A_76] : memref<320000xi32, #tpu.memory_space<hbm>> -> memref<1600xi32, #tpu.memory_space<hbm>>
      %dma_wait3A_78 = tpu.memref_slice %arg3[%mul3A_76] : memref<320000xi32, #tpu.memory_space<hbm>> -> memref<1600xi32, #tpu.memory_space<hbm>>
      tpu.wait_dma2 semaphore(%arg20 : memref<!tpu.dma_semaphore, #tpu.memory_space<semaphore_mem>>) src(%dma_wait3A_78 : memref<1600xi32, #tpu.memory_space<hbm>>) dst(%arg16 : memref<1600xi32, #tpu.memory_space<vmem>>)
      %dma_wait3A_79 = tpu.memref_slice %arg4[%mul3A_76] : memref<320000xf32, #tpu.memory_space<hbm>> -> memref<1600xf32, #tpu.memory_space<hbm>>
      %dma_wait3A_80 = tpu.memref_slice %arg4[%mul3A_76] : memref<320000xf32, #tpu.memory_space<hbm>> -> memref<1600xf32, #tpu.memory_space<hbm>>
      tpu.wait_dma2 semaphore(%arg20 : memref<!tpu.dma_semaphore, #tpu.memory_space<semaphore_mem>>) src(%dma_wait3A_80 : memref<1600xf32, #tpu.memory_space<hbm>>) dst(%arg18 : memref<1600xf32, #tpu.memory_space<vmem>>)
      %broadcast_in_dim3A_81 = arith.constant 0.000000e+00 : f32
      %broadcast_in_dim3A_82 = vector.broadcast %broadcast_in_dim3A_81 : f32 to vector<16xf32>
      %broadcast_in_dim3A_83 = arith.constant 0 : i32
      %broadcast_in_dim3A_84 = vector.broadcast %broadcast_in_dim3A_83 : i32 to vector<16xi32>
      %scan3A_85 = arith.constant 0 : i32
      %scan3A_86 = arith.constant 0 : i32
      %scan3A_87 = arith.constant 50 : i32
      %scan3A_88 = arith.addi %scan3A_86, %scan3A_87 : i32
      %scan3A_89 = arith.constant 1 : i32
      %scan3A_90:11 = scf.for %scan3A_104 = %scan3A_86 to %scan3A_88 step %scan3A_89 iter_args(%scan3A_105 = %scan3A_85, %scan3A_106 = %broadcast_in_dim3A_84, %scan3A_107 = %broadcast_in_dim3A_84, %scan3A_108 = %broadcast_in_dim3A_82, %scan3A_109 = %broadcast_in_dim3A_82, %scan3A_110 = %broadcast_in_dim3A_82, %scan3A_111 = %broadcast_in_dim3A_82, %scan3A_112 = %broadcast_in_dim3A_82, %scan3A_113 = %broadcast_in_dim3A_82, %scan3A_114 = %broadcast_in_dim3A_82, %scan3A_115 = %broadcast_in_dim3A_82) -> (i32, vector<16xi32>, vector<16xi32>, vector<16xf32>, vector<16xf32>, vector<16xf32>, vector<16xf32>, vector<16xf32>, vector<16xf32>, vector<16xf32>, vector<16xf32>)  : i32 {
        %mul3A_116 = arith.constant 32 : i32
        %mul3A_117 = arith.muli %scan3A_104, %mul3A_116 : i32
        %get3A = arith.index_cast %mul3A_117 : i32 to index
        %get3A_118 = tpu.vector_load %arg16[%get3A] {strides = array<i32>} : memref<1600xi32, #tpu.memory_space<vmem>>, vector<16xi32>,
        %get3A_119 = arith.index_cast %mul3A_117 : i32 to index
        %get3A_120 = tpu.vector_load %arg18[%get3A_119] {strides = array<i32>} : memref<1600xf32, #tpu.memory_space<vmem>>, vector<16xf32>,
        %add3A_121 = arith.constant 16 : i32
        %add3A_122 = arith.addi %mul3A_117, %add3A_121 : i32
        %get3A_123 = arith.index_cast %add3A_122 : i32 to index
        %get3A_124 = tpu.vector_load %arg16[%get3A_123] {strides = array<i32>} : memref<1600xi32, #tpu.memory_space<vmem>>, vector<16xi32>,
        %add3A_125 = arith.constant 16 : i32
        %add3A_126 = arith.addi %mul3A_117, %add3A_125 : i32
        %get3A_127 = arith.index_cast %add3A_126 : i32 to index
        %get3A_128 = tpu.vector_load %arg18[%get3A_127] {strides = array<i32>} : memref<1600xf32, #tpu.memory_space<vmem>>, vector<16xf32>,
        %and3A = arith.constant 16383 : i32
        %and3A_129 = vector.broadcast %and3A : i32 to vector<16xi32>
        %and3A_130 = arith.andi %get3A_118, %and3A_129 : vector<16xi32>
        %shift_right_logical3A = arith.constant 14 : i32
        %shift_right_logical3A_131 = vector.broadcast %shift_right_logical3A : i32 to vector<16xi32>
        %shift_right_logical3A_132 = arith.shrui %get3A_118, %shift_right_logical3A_131 : vector<16xi32>
        %add3A_133 = arith.constant 0 : i32
        %add3A_134 = vector.broadcast %add3A_133 : i32 to vector<16xi32>
        %add3A_135 = arith.addi %and3A_130, %add3A_134 : vector<16xi32>
        %gather3A = tpu.vector_load_idx %arg6[%add3A_135] : memref<40000xf32, #tpu.memory_space<vmem>>[vector<16xi32>], vector<16xf32>,
        %mul3A_136 = arith.mulf %gather3A, %get3A_120 : vector<16xf32>
        %add3A_137 = arith.constant 10000 : i32
        %add3A_138 = vector.broadcast %add3A_137 : i32 to vector<16xi32>
        %add3A_139 = arith.addi %and3A_130, %add3A_138 : vector<16xi32>
        %gather3A_140 = tpu.vector_load_idx %arg6[%add3A_139] : memref<40000xf32, #tpu.memory_space<vmem>>[vector<16xi32>], vector<16xf32>,
        %mul3A_141 = arith.mulf %gather3A_140, %get3A_120 : vector<16xf32>
        %add3A_142 = arith.constant 20000 : i32
        %add3A_143 = vector.broadcast %add3A_142 : i32 to vector<16xi32>
        %add3A_144 = arith.addi %and3A_130, %add3A_143 : vector<16xi32>
        %gather3A_145 = tpu.vector_load_idx %arg6[%add3A_144] : memref<40000xf32, #tpu.memory_space<vmem>>[vector<16xi32>], vector<16xf32>,
        %mul3A_146 = arith.mulf %gather3A_145, %get3A_120 : vector<16xf32>
        %add3A_147 = arith.constant 30000 : i32
        %add3A_148 = vector.broadcast %add3A_147 : i32 to vector<16xi32>
        %add3A_149 = arith.addi %and3A_130, %add3A_148 : vector<16xi32>
        %gather3A_150 = tpu.vector_load_idx %arg6[%add3A_149] : memref<40000xf32, #tpu.memory_space<vmem>>[vector<16xi32>], vector<16xf32>,
        %mul3A_151 = arith.mulf %gather3A_150, %get3A_120 : vector<16xf32>
        %broadcast_in_dim3A_152 = arith.constant true
        %broadcast_in_dim3A_153 = vector.broadcast %broadcast_in_dim3A_152 : i1 to vector<16xi1>
        %unique3A, %unique3A_154 = tpu.scan_count mask(%broadcast_in_dim3A_153 : vector<16xi1>) value(%shift_right_logical3A_132 : vector<16xi32>) : vector<16xi1>, vector<16xi32>
        %reduce_max3A = arith.constant true
        %reduce_max3A_155 = vector.broadcast %reduce_max3A : i1 to vector<16xi1>
        %reduce_max3A_156 = arith.constant -2147483648 : i32
        %reduce_max3A_157 = vector.broadcast %reduce_max3A_156 : i32 to vector<16xi32>
        %reduce_max3A_158 = arith.xori %unique3A_154, %reduce_max3A_157 : vector<16xi32>
        %reduce_max3A_159 = tpu.scan <max>, %reduce_max3A_158 masked %reduce_max3A_155 : vector<16xi32>, vector<16xi1> -> vector<16xi32>
        %reduce_max3A_160 = arith.xori %reduce_max3A_159, %reduce_max3A_157 : vector<16xi32>
        %reduce_max3A_161 = vector.extract %reduce_max3A_160[15] : i32 from vector<16xi32>
        %reduce_min3A = arith.constant true
        %reduce_min3A_162 = vector.broadcast %reduce_min3A : i1 to vector<16xi1>
        %reduce_min3A_163 = arith.constant -2147483648 : i32
        %reduce_min3A_164 = vector.broadcast %reduce_min3A_163 : i32 to vector<16xi32>
        %reduce_min3A_165 = arith.xori %unique3A_154, %reduce_min3A_164 : vector<16xi32>
        %reduce_min3A_166 = tpu.scan <min>, %reduce_min3A_165 masked %reduce_min3A_162 : vector<16xi32>, vector<16xi1> -> vector<16xi32>
        %reduce_min3A_167 = arith.xori %reduce_min3A_166, %reduce_min3A_164 : vector<16xi32>
        %reduce_min3A_168 = vector.extract %reduce_min3A_167[15] : i32 from vector<16xi32>
        %sub3A = arith.subi %reduce_max3A_161, %reduce_min3A_168 : i32
        %gather3A_169 = tpu.vector_load_idx %arg7[%shift_right_logical3A_132] : memref<10000xf32, #tpu.memory_space<vmem>>[vector<16xi32>], vector<16xf32>,
        %max3A = arith.maximumf %gather3A_169, %mul3A_136 : vector<16xf32>
        tpu.vector_store_idx %arg7[%shift_right_logical3A_132], %max3A : memref<10000xf32, #tpu.memory_space<vmem>>[vector<16xi32>], vector<16xf32>,
        %gather3A_170 = tpu.vector_load_idx %arg8[%shift_right_logical3A_132] : memref<10000xf32, #tpu.memory_space<vmem>>[vector<16xi32>], vector<16xf32>,
        %max3A_171 = arith.maximumf %gather3A_170, %mul3A_141 : vector<16xf32>
        tpu.vector_store_idx %arg8[%shift_right_logical3A_132], %max3A_171 : memref<10000xf32, #tpu.memory_space<vmem>>[vector<16xi32>], vector<16xf32>,
        %gather3A_172 = tpu.vector_load_idx %arg9[%shift_right_logical3A_132] : memref<10000xf32, #tpu.memory_space<vmem>>[vector<16xi32>], vector<16xf32>,
        %max3A_173 = arith.maximumf %gather3A_172, %mul3A_146 : vector<16xf32>
        tpu.vector_store_idx %arg9[%shift_right_logical3A_132], %max3A_173 : memref<10000xf32, #tpu.memory_space<vmem>>[vector<16xi32>], vector<16xf32>,
        %gather3A_174 = tpu.vector_load_idx %arg10[%shift_right_logical3A_132] : memref<10000xf32, #tpu.memory_space<vmem>>[vector<16xi32>], vector<16xf32>,
        %max3A_175 = arith.maximumf %gather3A_174, %mul3A_151 : vector<16xf32>
        tpu.vector_store_idx %arg10[%shift_right_logical3A_132], %max3A_175 : memref<10000xf32, #tpu.memory_space<vmem>>[vector<16xi32>], vector<16xf32>,
        %and3A_176 = arith.constant 16383 : i32
        %and3A_177 = vector.broadcast %and3A_176 : i32 to vector<16xi32>
        %and3A_178 = arith.andi %get3A_124, %and3A_177 : vector<16xi32>
        %shift_right_logical3A_179 = arith.constant 14 : i32
        %shift_right_logical3A_180 = vector.broadcast %shift_right_logical3A_179 : i32 to vector<16xi32>
        %shift_right_logical3A_181 = arith.shrui %get3A_124, %shift_right_logical3A_180 : vector<16xi32>
        %add3A_182 = arith.constant 0 : i32
        %add3A_183 = vector.broadcast %add3A_182 : i32 to vector<16xi32>
        %add3A_184 = arith.addi %and3A_178, %add3A_183 : vector<16xi32>
        %gather3A_185 = tpu.vector_load_idx %arg6[%add3A_184] : memref<40000xf32, #tpu.memory_space<vmem>>[vector<16xi32>], vector<16xf32>,
        %mul3A_186 = arith.mulf %gather3A_185, %get3A_128 : vector<16xf32>
        %add3A_187 = arith.constant 10000 : i32
        %add3A_188 = vector.broadcast %add3A_187 : i32 to vector<16xi32>
        %add3A_189 = arith.addi %and3A_178, %add3A_188 : vector<16xi32>
        %gather3A_190 = tpu.vector_load_idx %arg6[%add3A_189] : memref<40000xf32, #tpu.memory_space<vmem>>[vector<16xi32>], vector<16xf32>,
        %mul3A_191 = arith.mulf %gather3A_190, %get3A_128 : vector<16xf32>
        %add3A_192 = arith.constant 20000 : i32
        %add3A_193 = vector.broadcast %add3A_192 : i32 to vector<16xi32>
        %add3A_194 = arith.addi %and3A_178, %add3A_193 : vector<16xi32>
        %gather3A_195 = tpu.vector_load_idx %arg6[%add3A_194] : memref<40000xf32, #tpu.memory_space<vmem>>[vector<16xi32>], vector<16xf32>,
        %mul3A_196 = arith.mulf %gather3A_195, %get3A_128 : vector<16xf32>
        %add3A_197 = arith.constant 30000 : i32
        %add3A_198 = vector.broadcast %add3A_197 : i32 to vector<16xi32>
        %add3A_199 = arith.addi %and3A_178, %add3A_198 : vector<16xi32>
        %gather3A_200 = tpu.vector_load_idx %arg6[%add3A_199] : memref<40000xf32, #tpu.memory_space<vmem>>[vector<16xi32>], vector<16xf32>,
        %mul3A_201 = arith.mulf %gather3A_200, %get3A_128 : vector<16xf32>
        %broadcast_in_dim3A_202 = arith.constant true
        %broadcast_in_dim3A_203 = vector.broadcast %broadcast_in_dim3A_202 : i1 to vector<16xi1>
        %unique3A_204, %unique3A_205 = tpu.scan_count mask(%broadcast_in_dim3A_203 : vector<16xi1>) value(%shift_right_logical3A_181 : vector<16xi32>) : vector<16xi1>, vector<16xi32>
        %reduce_max3A_206 = arith.constant true
        %reduce_max3A_207 = vector.broadcast %reduce_max3A_206 : i1 to vector<16xi1>
        %reduce_max3A_208 = arith.constant -2147483648 : i32
        %reduce_max3A_209 = vector.broadcast %reduce_max3A_208 : i32 to vector<16xi32>
        %reduce_max3A_210 = arith.xori %unique3A_205, %reduce_max3A_209 : vector<16xi32>
        %reduce_max3A_211 = tpu.scan <max>, %reduce_max3A_210 masked %reduce_max3A_207 : vector<16xi32>, vector<16xi1> -> vector<16xi32>
        %reduce_max3A_212 = arith.xori %reduce_max3A_211, %reduce_max3A_209 : vector<16xi32>
        %reduce_max3A_213 = vector.extract %reduce_max3A_212[15] : i32 from vector<16xi32>
        %reduce_min3A_214 = arith.constant true
        %reduce_min3A_215 = vector.broadcast %reduce_min3A_214 : i1 to vector<16xi1>
        %reduce_min3A_216 = arith.constant -2147483648 : i32
        %reduce_min3A_217 = vector.broadcast %reduce_min3A_216 : i32 to vector<16xi32>
        %reduce_min3A_218 = arith.xori %unique3A_205, %reduce_min3A_217 : vector<16xi32>
        %reduce_min3A_219 = tpu.scan <min>, %reduce_min3A_218 masked %reduce_min3A_215 : vector<16xi32>, vector<16xi1> -> vector<16xi32>
        %reduce_min3A_220 = arith.xori %reduce_min3A_219, %reduce_min3A_217 : vector<16xi32>
        %reduce_min3A_221 = vector.extract %reduce_min3A_220[15] : i32 from vector<16xi32>
        %sub3A_222 = arith.subi %reduce_max3A_213, %reduce_min3A_221 : i32
        %gather3A_223 = tpu.vector_load_idx %arg11[%shift_right_logical3A_181] : memref<10000xf32, #tpu.memory_space<vmem>>[vector<16xi32>], vector<16xf32>,
        %max3A_224 = arith.maximumf %gather3A_223, %mul3A_186 : vector<16xf32>
        tpu.vector_store_idx %arg11[%shift_right_logical3A_181], %max3A_224 : memref<10000xf32, #tpu.memory_space<vmem>>[vector<16xi32>], vector<16xf32>,
        %gather3A_225 = tpu.vector_load_idx %arg12[%shift_right_logical3A_181] : memref<10000xf32, #tpu.memory_space<vmem>>[vector<16xi32>], vector<16xf32>,
        %max3A_226 = arith.maximumf %gather3A_225, %mul3A_191 : vector<16xf32>
        tpu.vector_store_idx %arg12[%shift_right_logical3A_181], %max3A_226 : memref<10000xf32, #tpu.memory_space<vmem>>[vector<16xi32>], vector<16xf32>,
        %gather3A_227 = tpu.vector_load_idx %arg13[%shift_right_logical3A_181] : memref<10000xf32, #tpu.memory_space<vmem>>[vector<16xi32>], vector<16xf32>,
        %max3A_228 = arith.maximumf %gather3A_227, %mul3A_196 : vector<16xf32>
        tpu.vector_store_idx %arg13[%shift_right_logical3A_181], %max3A_228 : memref<10000xf32, #tpu.memory_space<vmem>>[vector<16xi32>], vector<16xf32>,
        %gather3A_229 = tpu.vector_load_idx %arg14[%shift_right_logical3A_181] : memref<10000xf32, #tpu.memory_space<vmem>>[vector<16xi32>], vector<16xf32>,
        %max3A_230 = arith.maximumf %gather3A_229, %mul3A_201 : vector<16xf32>
        tpu.vector_store_idx %arg14[%shift_right_logical3A_181], %max3A_230 : memref<10000xf32, #tpu.memory_space<vmem>>[vector<16xi32>], vector<16xf32>,
        %gt3A_231 = arith.constant 0 : i32
        %gt3A_232 = arith.cmpi sgt, %scan3A_105, %gt3A_231 : i32
        %convert_element_type3A_233 = arith.extui %gt3A_232 : i1 to i32
        %cond3A_234 = arith.constant 0 : i32
        %cond3A_235 = arith.cmpi ne, %convert_element_type3A_233, %cond3A_234 : i32
        scf.if %cond3A_235 {
          %while3A = arith.constant 1 : i32
          %while3A_237 = scf.while (%while3A_252 = %while3A) : (i32) -> i32 {
            %gt3A_253 = arith.constant 0 : i32
            %gt3A_254 = arith.cmpi sgt, %while3A_252, %gt3A_253 : i32
            scf.condition(%gt3A_254) %while3A_252 : i32
          } do {
          ^bb0(%while3A_252: i32):
            %gather3A_253 = tpu.vector_load_idx %arg7[%scan3A_106] : memref<10000xf32, #tpu.memory_space<vmem>>[vector<16xi32>], vector<16xf32>,
            %gt3A_254 = arith.cmpf ogt, %scan3A_108, %gather3A_253 : vector<16xf32>
            tpu.vector_store_idx %arg7[%scan3A_106], %scan3A_108 masked %gt3A_254 : memref<10000xf32, #tpu.memory_space<vmem>>[vector<16xi32>], vector<16xf32>, vector<16xi1>
            %gather3A_255 = tpu.vector_load_idx %arg7[%scan3A_106] : memref<10000xf32, #tpu.memory_space<vmem>>[vector<16xi32>], vector<16xf32>,
            %gt3A_256 = arith.cmpf ogt, %scan3A_108, %gather3A_255 : vector<16xf32>
            %convert_element_type3A_257 = arith.extui %gt3A_256 : vector<16xi1> to vector<16xi32>
            %reduce_max3A_258 = arith.constant true
            %reduce_max3A_259 = vector.broadcast %reduce_max3A_258 : i1 to vector<16xi1>
            %reduce_max3A_260 = arith.constant -2147483648 : i32
            %reduce_max3A_261 = vector.broadcast %reduce_max3A_260 : i32 to vector<16xi32>
            %reduce_max3A_262 = arith.xori %convert_element_type3A_257, %reduce_max3A_261 : vector<16xi32>
            %reduce_max3A_263 = tpu.scan <max>, %reduce_max3A_262 masked %reduce_max3A_259 : vector<16xi32>, vector<16xi1> -> vector<16xi32>
            %reduce_max3A_264 = arith.xori %reduce_max3A_263, %reduce_max3A_261 : vector<16xi32>
            %reduce_max3A_265 = vector.extract %reduce_max3A_264[15] : i32 from vector<16xi32>
            scf.yield %reduce_max3A_265 : i32
          }
          %while3A_238 = arith.constant 1 : i32
          %while3A_239 = scf.while (%while3A_252 = %while3A_238) : (i32) -> i32 {
            %gt3A_253 = arith.constant 0 : i32
            %gt3A_254 = arith.cmpi sgt, %while3A_252, %gt3A_253 : i32
            scf.condition(%gt3A_254) %while3A_252 : i32
          } do {
          ^bb0(%while3A_252: i32):
            %gather3A_253 = tpu.vector_load_idx %arg8[%scan3A_106] : memref<10000xf32, #tpu.memory_space<vmem>>[vector<16xi32>], vector<16xf32>,
            %gt3A_254 = arith.cmpf ogt, %scan3A_109, %gather3A_253 : vector<16xf32>
            tpu.vector_store_idx %arg8[%scan3A_106], %scan3A_109 masked %gt3A_254 : memref<10000xf32, #tpu.memory_space<vmem>>[vector<16xi32>], vector<16xf32>, vector<16xi1>
            %gather3A_255 = tpu.vector_load_idx %arg8[%scan3A_106] : memref<10000xf32, #tpu.memory_space<vmem>>[vector<16xi32>], vector<16xf32>,
            %gt3A_256 = arith.cmpf ogt, %scan3A_109, %gather3A_255 : vector<16xf32>
            %convert_element_type3A_257 = arith.extui %gt3A_256 : vector<16xi1> to vector<16xi32>
            %reduce_max3A_258 = arith.constant true
            %reduce_max3A_259 = vector.broadcast %reduce_max3A_258 : i1 to vector<16xi1>
            %reduce_max3A_260 = arith.constant -2147483648 : i32
            %reduce_max3A_261 = vector.broadcast %reduce_max3A_260 : i32 to vector<16xi32>
            %reduce_max3A_262 = arith.xori %convert_element_type3A_257, %reduce_max3A_261 : vector<16xi32>
            %reduce_max3A_263 = tpu.scan <max>, %reduce_max3A_262 masked %reduce_max3A_259 : vector<16xi32>, vector<16xi1> -> vector<16xi32>
            %reduce_max3A_264 = arith.xori %reduce_max3A_263, %reduce_max3A_261 : vector<16xi32>
            %reduce_max3A_265 = vector.extract %reduce_max3A_264[15] : i32 from vector<16xi32>
            scf.yield %reduce_max3A_265 : i32
          }
          %while3A_240 = arith.constant 1 : i32
          %while3A_241 = scf.while (%while3A_252 = %while3A_240) : (i32) -> i32 {
            %gt3A_253 = arith.constant 0 : i32
            %gt3A_254 = arith.cmpi sgt, %while3A_252, %gt3A_253 : i32
            scf.condition(%gt3A_254) %while3A_252 : i32
          } do {
          ^bb0(%while3A_252: i32):
            %gather3A_253 = tpu.vector_load_idx %arg9[%scan3A_106] : memref<10000xf32, #tpu.memory_space<vmem>>[vector<16xi32>], vector<16xf32>,
            %gt3A_254 = arith.cmpf ogt, %scan3A_110, %gather3A_253 : vector<16xf32>
            tpu.vector_store_idx %arg9[%scan3A_106], %scan3A_110 masked %gt3A_254 : memref<10000xf32, #tpu.memory_space<vmem>>[vector<16xi32>], vector<16xf32>, vector<16xi1>
            %gather3A_255 = tpu.vector_load_idx %arg9[%scan3A_106] : memref<10000xf32, #tpu.memory_space<vmem>>[vector<16xi32>], vector<16xf32>,
            %gt3A_256 = arith.cmpf ogt, %scan3A_110, %gather3A_255 : vector<16xf32>
            %convert_element_type3A_257 = arith.extui %gt3A_256 : vector<16xi1> to vector<16xi32>
            %reduce_max3A_258 = arith.constant true
            %reduce_max3A_259 = vector.broadcast %reduce_max3A_258 : i1 to vector<16xi1>
            %reduce_max3A_260 = arith.constant -2147483648 : i32
            %reduce_max3A_261 = vector.broadcast %reduce_max3A_260 : i32 to vector<16xi32>
            %reduce_max3A_262 = arith.xori %convert_element_type3A_257, %reduce_max3A_261 : vector<16xi32>
            %reduce_max3A_263 = tpu.scan <max>, %reduce_max3A_262 masked %reduce_max3A_259 : vector<16xi32>, vector<16xi1> -> vector<16xi32>
            %reduce_max3A_264 = arith.xori %reduce_max3A_263, %reduce_max3A_261 : vector<16xi32>
            %reduce_max3A_265 = vector.extract %reduce_max3A_264[15] : i32 from vector<16xi32>
            scf.yield %reduce_max3A_265 : i32
          }
          %while3A_242 = arith.constant 1 : i32
          %while3A_243 = scf.while (%while3A_252 = %while3A_242) : (i32) -> i32 {
            %gt3A_253 = arith.constant 0 : i32
            %gt3A_254 = arith.cmpi sgt, %while3A_252, %gt3A_253 : i32
            scf.condition(%gt3A_254) %while3A_252 : i32
          } do {
          ^bb0(%while3A_252: i32):
            %gather3A_253 = tpu.vector_load_idx %arg10[%scan3A_106] : memref<10000xf32, #tpu.memory_space<vmem>>[vector<16xi32>], vector<16xf32>,
            %gt3A_254 = arith.cmpf ogt, %scan3A_111, %gather3A_253 : vector<16xf32>
            tpu.vector_store_idx %arg10[%scan3A_106], %scan3A_111 masked %gt3A_254 : memref<10000xf32, #tpu.memory_space<vmem>>[vector<16xi32>], vector<16xf32>, vector<16xi1>
            %gather3A_255 = tpu.vector_load_idx %arg10[%scan3A_106] : memref<10000xf32, #tpu.memory_space<vmem>>[vector<16xi32>], vector<16xf32>,
            %gt3A_256 = arith.cmpf ogt, %scan3A_111, %gather3A_255 : vector<16xf32>
            %convert_element_type3A_257 = arith.extui %gt3A_256 : vector<16xi1> to vector<16xi32>
            %reduce_max3A_258 = arith.constant true
            %reduce_max3A_259 = vector.broadcast %reduce_max3A_258 : i1 to vector<16xi1>
            %reduce_max3A_260 = arith.constant -2147483648 : i32
            %reduce_max3A_261 = vector.broadcast %reduce_max3A_260 : i32 to vector<16xi32>
            %reduce_max3A_262 = arith.xori %convert_element_type3A_257, %reduce_max3A_261 : vector<16xi32>
            %reduce_max3A_263 = tpu.scan <max>, %reduce_max3A_262 masked %reduce_max3A_259 : vector<16xi32>, vector<16xi1> -> vector<16xi32>
            %reduce_max3A_264 = arith.xori %reduce_max3A_263, %reduce_max3A_261 : vector<16xi32>
            %reduce_max3A_265 = vector.extract %reduce_max3A_264[15] : i32 from vector<16xi32>
            scf.yield %reduce_max3A_265 : i32
          }
          %while3A_244 = arith.constant 1 : i32
          %while3A_245 = scf.while (%while3A_252 = %while3A_244) : (i32) -> i32 {
            %gt3A_253 = arith.constant 0 : i32
            %gt3A_254 = arith.cmpi sgt, %while3A_252, %gt3A_253 : i32
            scf.condition(%gt3A_254) %while3A_252 : i32
          } do {
          ^bb0(%while3A_252: i32):
            %gather3A_253 = tpu.vector_load_idx %arg11[%scan3A_107] : memref<10000xf32, #tpu.memory_space<vmem>>[vector<16xi32>], vector<16xf32>,
            %gt3A_254 = arith.cmpf ogt, %scan3A_112, %gather3A_253 : vector<16xf32>
            tpu.vector_store_idx %arg11[%scan3A_107], %scan3A_112 masked %gt3A_254 : memref<10000xf32, #tpu.memory_space<vmem>>[vector<16xi32>], vector<16xf32>, vector<16xi1>
            %gather3A_255 = tpu.vector_load_idx %arg11[%scan3A_107] : memref<10000xf32, #tpu.memory_space<vmem>>[vector<16xi32>], vector<16xf32>,
            %gt3A_256 = arith.cmpf ogt, %scan3A_112, %gather3A_255 : vector<16xf32>
            %convert_element_type3A_257 = arith.extui %gt3A_256 : vector<16xi1> to vector<16xi32>
            %reduce_max3A_258 = arith.constant true
            %reduce_max3A_259 = vector.broadcast %reduce_max3A_258 : i1 to vector<16xi1>
            %reduce_max3A_260 = arith.constant -2147483648 : i32
            %reduce_max3A_261 = vector.broadcast %reduce_max3A_260 : i32 to vector<16xi32>
            %reduce_max3A_262 = arith.xori %convert_element_type3A_257, %reduce_max3A_261 : vector<16xi32>
            %reduce_max3A_263 = tpu.scan <max>, %reduce_max3A_262 masked %reduce_max3A_259 : vector<16xi32>, vector<16xi1> -> vector<16xi32>
            %reduce_max3A_264 = arith.xori %reduce_max3A_263, %reduce_max3A_261 : vector<16xi32>
            %reduce_max3A_265 = vector.extract %reduce_max3A_264[15] : i32 from vector<16xi32>
            scf.yield %reduce_max3A_265 : i32
          }
          %while3A_246 = arith.constant 1 : i32
          %while3A_247 = scf.while (%while3A_252 = %while3A_246) : (i32) -> i32 {
            %gt3A_253 = arith.constant 0 : i32
            %gt3A_254 = arith.cmpi sgt, %while3A_252, %gt3A_253 : i32
            scf.condition(%gt3A_254) %while3A_252 : i32
          } do {
          ^bb0(%while3A_252: i32):
            %gather3A_253 = tpu.vector_load_idx %arg12[%scan3A_107] : memref<10000xf32, #tpu.memory_space<vmem>>[vector<16xi32>], vector<16xf32>,
            %gt3A_254 = arith.cmpf ogt, %scan3A_113, %gather3A_253 : vector<16xf32>
            tpu.vector_store_idx %arg12[%scan3A_107], %scan3A_113 masked %gt3A_254 : memref<10000xf32, #tpu.memory_space<vmem>>[vector<16xi32>], vector<16xf32>, vector<16xi1>
            %gather3A_255 = tpu.vector_load_idx %arg12[%scan3A_107] : memref<10000xf32, #tpu.memory_space<vmem>>[vector<16xi32>], vector<16xf32>,
            %gt3A_256 = arith.cmpf ogt, %scan3A_113, %gather3A_255 : vector<16xf32>
            %convert_element_type3A_257 = arith.extui %gt3A_256 : vector<16xi1> to vector<16xi32>
            %reduce_max3A_258 = arith.constant true
            %reduce_max3A_259 = vector.broadcast %reduce_max3A_258 : i1 to vector<16xi1>
            %reduce_max3A_260 = arith.constant -2147483648 : i32
            %reduce_max3A_261 = vector.broadcast %reduce_max3A_260 : i32 to vector<16xi32>
            %reduce_max3A_262 = arith.xori %convert_element_type3A_257, %reduce_max3A_261 : vector<16xi32>
            %reduce_max3A_263 = tpu.scan <max>, %reduce_max3A_262 masked %reduce_max3A_259 : vector<16xi32>, vector<16xi1> -> vector<16xi32>
            %reduce_max3A_264 = arith.xori %reduce_max3A_263, %reduce_max3A_261 : vector<16xi32>
            %reduce_max3A_265 = vector.extract %reduce_max3A_264[15] : i32 from vector<16xi32>
            scf.yield %reduce_max3A_265 : i32
          }
          %while3A_248 = arith.constant 1 : i32
          %while3A_249 = scf.while (%while3A_252 = %while3A_248) : (i32) -> i32 {
            %gt3A_253 = arith.constant 0 : i32
            %gt3A_254 = arith.cmpi sgt, %while3A_252, %gt3A_253 : i32
            scf.condition(%gt3A_254) %while3A_252 : i32
          } do {
          ^bb0(%while3A_252: i32):
            %gather3A_253 = tpu.vector_load_idx %arg13[%scan3A_107] : memref<10000xf32, #tpu.memory_space<vmem>>[vector<16xi32>], vector<16xf32>,
            %gt3A_254 = arith.cmpf ogt, %scan3A_114, %gather3A_253 : vector<16xf32>
            tpu.vector_store_idx %arg13[%scan3A_107], %scan3A_114 masked %gt3A_254 : memref<10000xf32, #tpu.memory_space<vmem>>[vector<16xi32>], vector<16xf32>, vector<16xi1>
            %gather3A_255 = tpu.vector_load_idx %arg13[%scan3A_107] : memref<10000xf32, #tpu.memory_space<vmem>>[vector<16xi32>], vector<16xf32>,
            %gt3A_256 = arith.cmpf ogt, %scan3A_114, %gather3A_255 : vector<16xf32>
            %convert_element_type3A_257 = arith.extui %gt3A_256 : vector<16xi1> to vector<16xi32>
            %reduce_max3A_258 = arith.constant true
            %reduce_max3A_259 = vector.broadcast %reduce_max3A_258 : i1 to vector<16xi1>
            %reduce_max3A_260 = arith.constant -2147483648 : i32
            %reduce_max3A_261 = vector.broadcast %reduce_max3A_260 : i32 to vector<16xi32>
            %reduce_max3A_262 = arith.xori %convert_element_type3A_257, %reduce_max3A_261 : vector<16xi32>
            %reduce_max3A_263 = tpu.scan <max>, %reduce_max3A_262 masked %reduce_max3A_259 : vector<16xi32>, vector<16xi1> -> vector<16xi32>
            %reduce_max3A_264 = arith.xori %reduce_max3A_263, %reduce_max3A_261 : vector<16xi32>
            %reduce_max3A_265 = vector.extract %reduce_max3A_264[15] : i32 from vector<16xi32>
            scf.yield %reduce_max3A_265 : i32
          }
          %while3A_250 = arith.constant 1 : i32
          %while3A_251 = scf.while (%while3A_252 = %while3A_250) : (i32) -> i32 {
            %gt3A_253 = arith.constant 0 : i32
            %gt3A_254 = arith.cmpi sgt, %while3A_252, %gt3A_253 : i32
            scf.condition(%gt3A_254) %while3A_252 : i32
          } do {
          ^bb0(%while3A_252: i32):
            %gather3A_253 = tpu.vector_load_idx %arg14[%scan3A_107] : memref<10000xf32, #tpu.memory_space<vmem>>[vector<16xi32>], vector<16xf32>,
            %gt3A_254 = arith.cmpf ogt, %scan3A_115, %gather3A_253 : vector<16xf32>
            tpu.vector_store_idx %arg14[%scan3A_107], %scan3A_115 masked %gt3A_254 : memref<10000xf32, #tpu.memory_space<vmem>>[vector<16xi32>], vector<16xf32>, vector<16xi1>
            %gather3A_255 = tpu.vector_load_idx %arg14[%scan3A_107] : memref<10000xf32, #tpu.memory_space<vmem>>[vector<16xi32>], vector<16xf32>,
            %gt3A_256 = arith.cmpf ogt, %scan3A_115, %gather3A_255 : vector<16xf32>
            %convert_element_type3A_257 = arith.extui %gt3A_256 : vector<16xi1> to vector<16xi32>
            %reduce_max3A_258 = arith.constant true
            %reduce_max3A_259 = vector.broadcast %reduce_max3A_258 : i1 to vector<16xi1>
            %reduce_max3A_260 = arith.constant -2147483648 : i32
            %reduce_max3A_261 = vector.broadcast %reduce_max3A_260 : i32 to vector<16xi32>
            %reduce_max3A_262 = arith.xori %convert_element_type3A_257, %reduce_max3A_261 : vector<16xi32>
            %reduce_max3A_263 = tpu.scan <max>, %reduce_max3A_262 masked %reduce_max3A_259 : vector<16xi32>, vector<16xi1> -> vector<16xi32>
            %reduce_max3A_264 = arith.xori %reduce_max3A_263, %reduce_max3A_261 : vector<16xi32>
            %reduce_max3A_265 = vector.extract %reduce_max3A_264[15] : i32 from vector<16xi32>
            scf.yield %reduce_max3A_265 : i32
          }
        } else {
        }
        %add3A_236 = arith.addi %sub3A, %sub3A_222 : i32
        scf.yield %add3A_236, %shift_right_logical3A_132, %shift_right_logical3A_181, %mul3A_136, %mul3A_141, %mul3A_146, %mul3A_151, %mul3A_186, %mul3A_191, %mul3A_196, %mul3A_201 : i32, vector<16xi32>, vector<16xi32>, vector<16xf32>, vector<16xf32>, vector<16xf32>, vector<16xf32>, vector<16xf32>, vector<16xf32>, vector<16xf32>, vector<16xf32>
      }
      %scan3A_91 = arith.constant 50 : i32
      %gt3A_92 = arith.constant 0 : i32
      %gt3A_93 = arith.cmpi sgt, %scan3A_90#0, %gt3A_92 : i32
      %convert_element_type3A_94 = arith.extui %gt3A_93 : i1 to i32
      %cond3A_95 = arith.constant 0 : i32
      %cond3A_96 = arith.cmpi ne, %convert_element_type3A_94, %cond3A_95 : i32
      scf.if %cond3A_96 {
        %while3A = arith.constant 1 : i32
        %while3A_104 = scf.while (%while3A_119 = %while3A) : (i32) -> i32 {
          %gt3A_120 = arith.constant 0 : i32
          %gt3A_121 = arith.cmpi sgt, %while3A_119, %gt3A_120 : i32
          scf.condition(%gt3A_121) %while3A_119 : i32
        } do {
        ^bb0(%while3A_119: i32):
          %gather3A = tpu.vector_load_idx %arg7[%scan3A_90#1] : memref<10000xf32, #tpu.memory_space<vmem>>[vector<16xi32>], vector<16xf32>,
          %gt3A_120 = arith.cmpf ogt, %scan3A_90#3, %gather3A : vector<16xf32>
          tpu.vector_store_idx %arg7[%scan3A_90#1], %scan3A_90#3 masked %gt3A_120 : memref<10000xf32, #tpu.memory_space<vmem>>[vector<16xi32>], vector<16xf32>, vector<16xi1>
          %gather3A_121 = tpu.vector_load_idx %arg7[%scan3A_90#1] : memref<10000xf32, #tpu.memory_space<vmem>>[vector<16xi32>], vector<16xf32>,
          %gt3A_122 = arith.cmpf ogt, %scan3A_90#3, %gather3A_121 : vector<16xf32>
          %convert_element_type3A_123 = arith.extui %gt3A_122 : vector<16xi1> to vector<16xi32>
          %reduce_max3A = arith.constant true
          %reduce_max3A_124 = vector.broadcast %reduce_max3A : i1 to vector<16xi1>
          %reduce_max3A_125 = arith.constant -2147483648 : i32
          %reduce_max3A_126 = vector.broadcast %reduce_max3A_125 : i32 to vector<16xi32>
          %reduce_max3A_127 = arith.xori %convert_element_type3A_123, %reduce_max3A_126 : vector<16xi32>
          %reduce_max3A_128 = tpu.scan <max>, %reduce_max3A_127 masked %reduce_max3A_124 : vector<16xi32>, vector<16xi1> -> vector<16xi32>
          %reduce_max3A_129 = arith.xori %reduce_max3A_128, %reduce_max3A_126 : vector<16xi32>
          %reduce_max3A_130 = vector.extract %reduce_max3A_129[15] : i32 from vector<16xi32>
          scf.yield %reduce_max3A_130 : i32
        }
        %while3A_105 = arith.constant 1 : i32
        %while3A_106 = scf.while (%while3A_119 = %while3A_105) : (i32) -> i32 {
          %gt3A_120 = arith.constant 0 : i32
          %gt3A_121 = arith.cmpi sgt, %while3A_119, %gt3A_120 : i32
          scf.condition(%gt3A_121) %while3A_119 : i32
        } do {
        ^bb0(%while3A_119: i32):
          %gather3A = tpu.vector_load_idx %arg8[%scan3A_90#1] : memref<10000xf32, #tpu.memory_space<vmem>>[vector<16xi32>], vector<16xf32>,
          %gt3A_120 = arith.cmpf ogt, %scan3A_90#4, %gather3A : vector<16xf32>
          tpu.vector_store_idx %arg8[%scan3A_90#1], %scan3A_90#4 masked %gt3A_120 : memref<10000xf32, #tpu.memory_space<vmem>>[vector<16xi32>], vector<16xf32>, vector<16xi1>
          %gather3A_121 = tpu.vector_load_idx %arg8[%scan3A_90#1] : memref<10000xf32, #tpu.memory_space<vmem>>[vector<16xi32>], vector<16xf32>,
          %gt3A_122 = arith.cmpf ogt, %scan3A_90#4, %gather3A_121 : vector<16xf32>
          %convert_element_type3A_123 = arith.extui %gt3A_122 : vector<16xi1> to vector<16xi32>
          %reduce_max3A = arith.constant true
          %reduce_max3A_124 = vector.broadcast %reduce_max3A : i1 to vector<16xi1>
          %reduce_max3A_125 = arith.constant -2147483648 : i32
          %reduce_max3A_126 = vector.broadcast %reduce_max3A_125 : i32 to vector<16xi32>
          %reduce_max3A_127 = arith.xori %convert_element_type3A_123, %reduce_max3A_126 : vector<16xi32>
          %reduce_max3A_128 = tpu.scan <max>, %reduce_max3A_127 masked %reduce_max3A_124 : vector<16xi32>, vector<16xi1> -> vector<16xi32>
          %reduce_max3A_129 = arith.xori %reduce_max3A_128, %reduce_max3A_126 : vector<16xi32>
          %reduce_max3A_130 = vector.extract %reduce_max3A_129[15] : i32 from vector<16xi32>
          scf.yield %reduce_max3A_130 : i32
        }
        %while3A_107 = arith.constant 1 : i32
        %while3A_108 = scf.while (%while3A_119 = %while3A_107) : (i32) -> i32 {
          %gt3A_120 = arith.constant 0 : i32
          %gt3A_121 = arith.cmpi sgt, %while3A_119, %gt3A_120 : i32
          scf.condition(%gt3A_121) %while3A_119 : i32
        } do {
        ^bb0(%while3A_119: i32):
          %gather3A = tpu.vector_load_idx %arg9[%scan3A_90#1] : memref<10000xf32, #tpu.memory_space<vmem>>[vector<16xi32>], vector<16xf32>,
          %gt3A_120 = arith.cmpf ogt, %scan3A_90#5, %gather3A : vector<16xf32>
          tpu.vector_store_idx %arg9[%scan3A_90#1], %scan3A_90#5 masked %gt3A_120 : memref<10000xf32, #tpu.memory_space<vmem>>[vector<16xi32>], vector<16xf32>, vector<16xi1>
          %gather3A_121 = tpu.vector_load_idx %arg9[%scan3A_90#1] : memref<10000xf32, #tpu.memory_space<vmem>>[vector<16xi32>], vector<16xf32>,
          %gt3A_122 = arith.cmpf ogt, %scan3A_90#5, %gather3A_121 : vector<16xf32>
          %convert_element_type3A_123 = arith.extui %gt3A_122 : vector<16xi1> to vector<16xi32>
          %reduce_max3A = arith.constant true
          %reduce_max3A_124 = vector.broadcast %reduce_max3A : i1 to vector<16xi1>
          %reduce_max3A_125 = arith.constant -2147483648 : i32
          %reduce_max3A_126 = vector.broadcast %reduce_max3A_125 : i32 to vector<16xi32>
          %reduce_max3A_127 = arith.xori %convert_element_type3A_123, %reduce_max3A_126 : vector<16xi32>
          %reduce_max3A_128 = tpu.scan <max>, %reduce_max3A_127 masked %reduce_max3A_124 : vector<16xi32>, vector<16xi1> -> vector<16xi32>
          %reduce_max3A_129 = arith.xori %reduce_max3A_128, %reduce_max3A_126 : vector<16xi32>
          %reduce_max3A_130 = vector.extract %reduce_max3A_129[15] : i32 from vector<16xi32>
          scf.yield %reduce_max3A_130 : i32
        }
        %while3A_109 = arith.constant 1 : i32
        %while3A_110 = scf.while (%while3A_119 = %while3A_109) : (i32) -> i32 {
          %gt3A_120 = arith.constant 0 : i32
          %gt3A_121 = arith.cmpi sgt, %while3A_119, %gt3A_120 : i32
          scf.condition(%gt3A_121) %while3A_119 : i32
        } do {
        ^bb0(%while3A_119: i32):
          %gather3A = tpu.vector_load_idx %arg10[%scan3A_90#1] : memref<10000xf32, #tpu.memory_space<vmem>>[vector<16xi32>], vector<16xf32>,
          %gt3A_120 = arith.cmpf ogt, %scan3A_90#6, %gather3A : vector<16xf32>
          tpu.vector_store_idx %arg10[%scan3A_90#1], %scan3A_90#6 masked %gt3A_120 : memref<10000xf32, #tpu.memory_space<vmem>>[vector<16xi32>], vector<16xf32>, vector<16xi1>
          %gather3A_121 = tpu.vector_load_idx %arg10[%scan3A_90#1] : memref<10000xf32, #tpu.memory_space<vmem>>[vector<16xi32>], vector<16xf32>,
          %gt3A_122 = arith.cmpf ogt, %scan3A_90#6, %gather3A_121 : vector<16xf32>
          %convert_element_type3A_123 = arith.extui %gt3A_122 : vector<16xi1> to vector<16xi32>
          %reduce_max3A = arith.constant true
          %reduce_max3A_124 = vector.broadcast %reduce_max3A : i1 to vector<16xi1>
          %reduce_max3A_125 = arith.constant -2147483648 : i32
          %reduce_max3A_126 = vector.broadcast %reduce_max3A_125 : i32 to vector<16xi32>
          %reduce_max3A_127 = arith.xori %convert_element_type3A_123, %reduce_max3A_126 : vector<16xi32>
          %reduce_max3A_128 = tpu.scan <max>, %reduce_max3A_127 masked %reduce_max3A_124 : vector<16xi32>, vector<16xi1> -> vector<16xi32>
          %reduce_max3A_129 = arith.xori %reduce_max3A_128, %reduce_max3A_126 : vector<16xi32>
          %reduce_max3A_130 = vector.extract %reduce_max3A_129[15] : i32 from vector<16xi32>
          scf.yield %reduce_max3A_130 : i32
        }
        %while3A_111 = arith.constant 1 : i32
        %while3A_112 = scf.while (%while3A_119 = %while3A_111) : (i32) -> i32 {
          %gt3A_120 = arith.constant 0 : i32
          %gt3A_121 = arith.cmpi sgt, %while3A_119, %gt3A_120 : i32
          scf.condition(%gt3A_121) %while3A_119 : i32
        } do {
        ^bb0(%while3A_119: i32):
          %gather3A = tpu.vector_load_idx %arg11[%scan3A_90#2] : memref<10000xf32, #tpu.memory_space<vmem>>[vector<16xi32>], vector<16xf32>,
          %gt3A_120 = arith.cmpf ogt, %scan3A_90#7, %gather3A : vector<16xf32>
          tpu.vector_store_idx %arg11[%scan3A_90#2], %scan3A_90#7 masked %gt3A_120 : memref<10000xf32, #tpu.memory_space<vmem>>[vector<16xi32>], vector<16xf32>, vector<16xi1>
          %gather3A_121 = tpu.vector_load_idx %arg11[%scan3A_90#2] : memref<10000xf32, #tpu.memory_space<vmem>>[vector<16xi32>], vector<16xf32>,
          %gt3A_122 = arith.cmpf ogt, %scan3A_90#7, %gather3A_121 : vector<16xf32>
          %convert_element_type3A_123 = arith.extui %gt3A_122 : vector<16xi1> to vector<16xi32>
          %reduce_max3A = arith.constant true
          %reduce_max3A_124 = vector.broadcast %reduce_max3A : i1 to vector<16xi1>
          %reduce_max3A_125 = arith.constant -2147483648 : i32
          %reduce_max3A_126 = vector.broadcast %reduce_max3A_125 : i32 to vector<16xi32>
          %reduce_max3A_127 = arith.xori %convert_element_type3A_123, %reduce_max3A_126 : vector<16xi32>
          %reduce_max3A_128 = tpu.scan <max>, %reduce_max3A_127 masked %reduce_max3A_124 : vector<16xi32>, vector<16xi1> -> vector<16xi32>
          %reduce_max3A_129 = arith.xori %reduce_max3A_128, %reduce_max3A_126 : vector<16xi32>
          %reduce_max3A_130 = vector.extract %reduce_max3A_129[15] : i32 from vector<16xi32>
          scf.yield %reduce_max3A_130 : i32
        }
        %while3A_113 = arith.constant 1 : i32
        %while3A_114 = scf.while (%while3A_119 = %while3A_113) : (i32) -> i32 {
          %gt3A_120 = arith.constant 0 : i32
          %gt3A_121 = arith.cmpi sgt, %while3A_119, %gt3A_120 : i32
          scf.condition(%gt3A_121) %while3A_119 : i32
        } do {
        ^bb0(%while3A_119: i32):
          %gather3A = tpu.vector_load_idx %arg12[%scan3A_90#2] : memref<10000xf32, #tpu.memory_space<vmem>>[vector<16xi32>], vector<16xf32>,
          %gt3A_120 = arith.cmpf ogt, %scan3A_90#8, %gather3A : vector<16xf32>
          tpu.vector_store_idx %arg12[%scan3A_90#2], %scan3A_90#8 masked %gt3A_120 : memref<10000xf32, #tpu.memory_space<vmem>>[vector<16xi32>], vector<16xf32>, vector<16xi1>
          %gather3A_121 = tpu.vector_load_idx %arg12[%scan3A_90#2] : memref<10000xf32, #tpu.memory_space<vmem>>[vector<16xi32>], vector<16xf32>,
          %gt3A_122 = arith.cmpf ogt, %scan3A_90#8, %gather3A_121 : vector<16xf32>
          %convert_element_type3A_123 = arith.extui %gt3A_122 : vector<16xi1> to vector<16xi32>
          %reduce_max3A = arith.constant true
          %reduce_max3A_124 = vector.broadcast %reduce_max3A : i1 to vector<16xi1>
          %reduce_max3A_125 = arith.constant -2147483648 : i32
          %reduce_max3A_126 = vector.broadcast %reduce_max3A_125 : i32 to vector<16xi32>
          %reduce_max3A_127 = arith.xori %convert_element_type3A_123, %reduce_max3A_126 : vector<16xi32>
          %reduce_max3A_128 = tpu.scan <max>, %reduce_max3A_127 masked %reduce_max3A_124 : vector<16xi32>, vector<16xi1> -> vector<16xi32>
          %reduce_max3A_129 = arith.xori %reduce_max3A_128, %reduce_max3A_126 : vector<16xi32>
          %reduce_max3A_130 = vector.extract %reduce_max3A_129[15] : i32 from vector<16xi32>
          scf.yield %reduce_max3A_130 : i32
        }
        %while3A_115 = arith.constant 1 : i32
        %while3A_116 = scf.while (%while3A_119 = %while3A_115) : (i32) -> i32 {
          %gt3A_120 = arith.constant 0 : i32
          %gt3A_121 = arith.cmpi sgt, %while3A_119, %gt3A_120 : i32
          scf.condition(%gt3A_121) %while3A_119 : i32
        } do {
        ^bb0(%while3A_119: i32):
          %gather3A = tpu.vector_load_idx %arg13[%scan3A_90#2] : memref<10000xf32, #tpu.memory_space<vmem>>[vector<16xi32>], vector<16xf32>,
          %gt3A_120 = arith.cmpf ogt, %scan3A_90#9, %gather3A : vector<16xf32>
          tpu.vector_store_idx %arg13[%scan3A_90#2], %scan3A_90#9 masked %gt3A_120 : memref<10000xf32, #tpu.memory_space<vmem>>[vector<16xi32>], vector<16xf32>, vector<16xi1>
          %gather3A_121 = tpu.vector_load_idx %arg13[%scan3A_90#2] : memref<10000xf32, #tpu.memory_space<vmem>>[vector<16xi32>], vector<16xf32>,
          %gt3A_122 = arith.cmpf ogt, %scan3A_90#9, %gather3A_121 : vector<16xf32>
          %convert_element_type3A_123 = arith.extui %gt3A_122 : vector<16xi1> to vector<16xi32>
          %reduce_max3A = arith.constant true
          %reduce_max3A_124 = vector.broadcast %reduce_max3A : i1 to vector<16xi1>
          %reduce_max3A_125 = arith.constant -2147483648 : i32
          %reduce_max3A_126 = vector.broadcast %reduce_max3A_125 : i32 to vector<16xi32>
          %reduce_max3A_127 = arith.xori %convert_element_type3A_123, %reduce_max3A_126 : vector<16xi32>
          %reduce_max3A_128 = tpu.scan <max>, %reduce_max3A_127 masked %reduce_max3A_124 : vector<16xi32>, vector<16xi1> -> vector<16xi32>
          %reduce_max3A_129 = arith.xori %reduce_max3A_128, %reduce_max3A_126 : vector<16xi32>
          %reduce_max3A_130 = vector.extract %reduce_max3A_129[15] : i32 from vector<16xi32>
          scf.yield %reduce_max3A_130 : i32
        }
        %while3A_117 = arith.constant 1 : i32
        %while3A_118 = scf.while (%while3A_119 = %while3A_117) : (i32) -> i32 {
          %gt3A_120 = arith.constant 0 : i32
          %gt3A_121 = arith.cmpi sgt, %while3A_119, %gt3A_120 : i32
          scf.condition(%gt3A_121) %while3A_119 : i32
        } do {
        ^bb0(%while3A_119: i32):
          %gather3A = tpu.vector_load_idx %arg14[%scan3A_90#2] : memref<10000xf32, #tpu.memory_space<vmem>>[vector<16xi32>], vector<16xf32>,
          %gt3A_120 = arith.cmpf ogt, %scan3A_90#10, %gather3A : vector<16xf32>
          tpu.vector_store_idx %arg14[%scan3A_90#2], %scan3A_90#10 masked %gt3A_120 : memref<10000xf32, #tpu.memory_space<vmem>>[vector<16xi32>], vector<16xf32>, vector<16xi1>
          %gather3A_121 = tpu.vector_load_idx %arg14[%scan3A_90#2] : memref<10000xf32, #tpu.memory_space<vmem>>[vector<16xi32>], vector<16xf32>,
          %gt3A_122 = arith.cmpf ogt, %scan3A_90#10, %gather3A_121 : vector<16xf32>
          %convert_element_type3A_123 = arith.extui %gt3A_122 : vector<16xi1> to vector<16xi32>
          %reduce_max3A = arith.constant true
          %reduce_max3A_124 = vector.broadcast %reduce_max3A : i1 to vector<16xi1>
          %reduce_max3A_125 = arith.constant -2147483648 : i32
          %reduce_max3A_126 = vector.broadcast %reduce_max3A_125 : i32 to vector<16xi32>
          %reduce_max3A_127 = arith.xori %convert_element_type3A_123, %reduce_max3A_126 : vector<16xi32>
          %reduce_max3A_128 = tpu.scan <max>, %reduce_max3A_127 masked %reduce_max3A_124 : vector<16xi32>, vector<16xi1> -> vector<16xi32>
          %reduce_max3A_129 = arith.xori %reduce_max3A_128, %reduce_max3A_126 : vector<16xi32>
          %reduce_max3A_130 = vector.extract %reduce_max3A_129[15] : i32 from vector<16xi32>
          scf.yield %reduce_max3A_130 : i32
        }
      } else {
      }
      %add3A_97 = arith.constant 2 : i32
      %add3A_98 = arith.addi %add3A_74, %add3A_97 : i32
      %lt3A_99 = arith.constant 200 : i32
      %lt3A_100 = arith.cmpi slt, %add3A_98, %lt3A_99 : i32
      %convert_element_type3A_101 = arith.extui %lt3A_100 : i1 to i32
      %cond3A_102 = arith.constant 0 : i32
      %cond3A_103 = arith.cmpi ne, %convert_element_type3A_101, %cond3A_102 : i32
      scf.if %cond3A_103 {
        %add3A_104 = arith.constant 2 : i32
        %add3A_105 = arith.addi %add3A_74, %add3A_104 : i32
        %mul3A_106 = arith.constant 1600 : i32
        %mul3A_107 = arith.muli %add3A_105, %mul3A_106 : i32
        %dma_start3A_108 = tpu.memref_slice %arg3[%mul3A_107] : memref<320000xi32, #tpu.memory_space<hbm>> -> memref<1600xi32, #tpu.memory_space<hbm>>
        %dma_start3A_109 = tpu.memref_slice %arg3[%mul3A_107] : memref<320000xi32, #tpu.memory_space<hbm>> -> memref<1600xi32, #tpu.memory_space<hbm>>
        tpu.enqueue_dma source(%dma_start3A_109 : memref<1600xi32, #tpu.memory_space<hbm>>) target(%arg16 : memref<1600xi32, #tpu.memory_space<vmem>>) target_semaphore(%arg20 : memref<!tpu.dma_semaphore, #tpu.memory_space<semaphore_mem>>)
        %dma_start3A_110 = tpu.memref_slice %arg4[%mul3A_107] : memref<320000xf32, #tpu.memory_space<hbm>> -> memref<1600xf32, #tpu.memory_space<hbm>>
        %dma_start3A_111 = tpu.memref_slice %arg4[%mul3A_107] : memref<320000xf32, #tpu.memory_space<hbm>> -> memref<1600xf32, #tpu.memory_space<hbm>>
        tpu.enqueue_dma source(%dma_start3A_111 : memref<1600xf32, #tpu.memory_space<hbm>>) target(%arg18 : memref<1600xf32, #tpu.memory_space<vmem>>) target_semaphore(%arg20 : memref<!tpu.dma_semaphore, #tpu.memory_space<semaphore_mem>>)
      } else {
      }
    }
    %scan3A_28 = arith.constant 100 : i32
    %scan3A_29 = arith.constant 0 : i32
    %scan3A_30 = arith.constant 0 : i32
    %scan3A_31 = arith.constant 625 : i32
    %scan3A_32 = arith.addi %scan3A_30, %scan3A_31 : i32
    %scan3A_33 = arith.constant 1 : i32
    scf.for %scan3A_43 = %scan3A_30 to %scan3A_32 step %scan3A_33  : i32 {
      %mul3A_44 = arith.constant 16 : i32
      %mul3A_45 = arith.muli %scan3A_43, %mul3A_44 : i32
      %get3A = arith.index_cast %mul3A_45 : i32 to index
      %get3A_46 = tpu.vector_load %arg7[%get3A] {strides = array<i32>} : memref<10000xf32, #tpu.memory_space<vmem>>, vector<16xf32>,
      %get3A_47 = arith.index_cast %mul3A_45 : i32 to index
      %get3A_48 = tpu.vector_load %arg11[%get3A_47] {strides = array<i32>} : memref<10000xf32, #tpu.memory_space<vmem>>, vector<16xf32>,
      %max3A = arith.maximumf %get3A_46, %get3A_48 : vector<16xf32>
      %swap3A = arith.index_cast %mul3A_45 : i32 to index
      %swap3A_49 = tpu.vector_load %arg7[%swap3A] {strides = array<i32>} : memref<10000xf32, #tpu.memory_space<vmem>>, vector<16xf32>,
      tpu.vector_store %arg7[%swap3A], %max3A {strides = array<i32>} : memref<10000xf32, #tpu.memory_space<vmem>>, vector<16xf32>,
      %get3A_50 = arith.index_cast %mul3A_45 : i32 to index
      %get3A_51 = tpu.vector_load %arg8[%get3A_50] {strides = array<i32>} : memref<10000xf32, #tpu.memory_space<vmem>>, vector<16xf32>,
      %get3A_52 = arith.index_cast %mul3A_45 : i32 to index
      %get3A_53 = tpu.vector_load %arg12[%get3A_52] {strides = array<i32>} : memref<10000xf32, #tpu.memory_space<vmem>>, vector<16xf32>,
      %max3A_54 = arith.maximumf %get3A_51, %get3A_53 : vector<16xf32>
      %swap3A_55 = arith.index_cast %mul3A_45 : i32 to index
      %swap3A_56 = tpu.vector_load %arg8[%swap3A_55] {strides = array<i32>} : memref<10000xf32, #tpu.memory_space<vmem>>, vector<16xf32>,
      tpu.vector_store %arg8[%swap3A_55], %max3A_54 {strides = array<i32>} : memref<10000xf32, #tpu.memory_space<vmem>>, vector<16xf32>,
      %get3A_57 = arith.index_cast %mul3A_45 : i32 to index
      %get3A_58 = tpu.vector_load %arg9[%get3A_57] {strides = array<i32>} : memref<10000xf32, #tpu.memory_space<vmem>>, vector<16xf32>,
      %get3A_59 = arith.index_cast %mul3A_45 : i32 to index
      %get3A_60 = tpu.vector_load %arg13[%get3A_59] {strides = array<i32>} : memref<10000xf32, #tpu.memory_space<vmem>>, vector<16xf32>,
      %max3A_61 = arith.maximumf %get3A_58, %get3A_60 : vector<16xf32>
      %swap3A_62 = arith.index_cast %mul3A_45 : i32 to index
      %swap3A_63 = tpu.vector_load %arg9[%swap3A_62] {strides = array<i32>} : memref<10000xf32, #tpu.memory_space<vmem>>, vector<16xf32>,
      tpu.vector_store %arg9[%swap3A_62], %max3A_61 {strides = array<i32>} : memref<10000xf32, #tpu.memory_space<vmem>>, vector<16xf32>,
      %get3A_64 = arith.index_cast %mul3A_45 : i32 to index
      %get3A_65 = tpu.vector_load %arg10[%get3A_64] {strides = array<i32>} : memref<10000xf32, #tpu.memory_space<vmem>>, vector<16xf32>,
      %get3A_66 = arith.index_cast %mul3A_45 : i32 to index
      %get3A_67 = tpu.vector_load %arg14[%get3A_66] {strides = array<i32>} : memref<10000xf32, #tpu.memory_space<vmem>>, vector<16xf32>,
      %max3A_68 = arith.maximumf %get3A_65, %get3A_67 : vector<16xf32>
      %swap3A_69 = arith.index_cast %mul3A_45 : i32 to index
      %swap3A_70 = tpu.vector_load %arg10[%swap3A_69] {strides = array<i32>} : memref<10000xf32, #tpu.memory_space<vmem>>, vector<16xf32>,
      tpu.vector_store %arg10[%swap3A_69], %max3A_68 {strides = array<i32>} : memref<10000xf32, #tpu.memory_space<vmem>>, vector<16xf32>,
    }
    %scan3A_34 = arith.constant 625 : i32
    %add3A_35 = arith.constant 0 : i32
    %add3A_36 = arith.addi %mul3A_2, %add3A_35 : i32
    "tpu.region"() ({
      %run_scoped3A = tpu.sem_alloc : memref<!tpu.dma_semaphore, #tpu.memory_space<semaphore_mem>>
      %dma_start3A_43 = tpu.memref_slice %arg5[%add3A_36] : memref<1280000xf32, #tpu.memory_space<hbm>> -> memref<10000xf32, #tpu.memory_space<hbm>>
      %dma_start3A_44 = tpu.memref_slice %arg5[%add3A_36] : memref<1280000xf32, #tpu.memory_space<hbm>> -> memref<10000xf32, #tpu.memory_space<hbm>>
      tpu.enqueue_dma source(%arg7 : memref<10000xf32, #tpu.memory_space<vmem>>) target(%dma_start3A_44 : memref<10000xf32, #tpu.memory_space<hbm>>) target_semaphore(%run_scoped3A : memref<!tpu.dma_semaphore, #tpu.memory_space<semaphore_mem>>)
      %dma_wait3A = tpu.memref_slice %arg5[%add3A_36] : memref<1280000xf32, #tpu.memory_space<hbm>> -> memref<10000xf32, #tpu.memory_space<hbm>>
      %dma_wait3A_45 = tpu.memref_slice %arg5[%add3A_36] : memref<1280000xf32, #tpu.memory_space<hbm>> -> memref<10000xf32, #tpu.memory_space<hbm>>
      tpu.wait_dma2 semaphore(%run_scoped3A : memref<!tpu.dma_semaphore, #tpu.memory_space<semaphore_mem>>) src(%arg7 : memref<10000xf32, #tpu.memory_space<vmem>>) dst(%dma_wait3A_45 : memref<10000xf32, #tpu.memory_space<hbm>>)
      tpu.yield
    }) : () -> ()
    %add3A_37 = arith.constant 10000 : i32
    %add3A_38 = arith.addi %mul3A_2, %add3A_37 : i32
    "tpu.region"() ({
      %run_scoped3A = tpu.sem_alloc : memref<!tpu.dma_semaphore, #tpu.memory_space<semaphore_mem>>
      %dma_start3A_43 = tpu.memref_slice %arg5[%add3A_38] : memref<1280000xf32, #tpu.memory_space<hbm>> -> memref<10000xf32, #tpu.memory_space<hbm>>
      %dma_start3A_44 = tpu.memref_slice %arg5[%add3A_38] : memref<1280000xf32, #tpu.memory_space<hbm>> -> memref<10000xf32, #tpu.memory_space<hbm>>
      tpu.enqueue_dma source(%arg8 : memref<10000xf32, #tpu.memory_space<vmem>>) target(%dma_start3A_44 : memref<10000xf32, #tpu.memory_space<hbm>>) target_semaphore(%run_scoped3A : memref<!tpu.dma_semaphore, #tpu.memory_space<semaphore_mem>>)
      %dma_wait3A = tpu.memref_slice %arg5[%add3A_38] : memref<1280000xf32, #tpu.memory_space<hbm>> -> memref<10000xf32, #tpu.memory_space<hbm>>
      %dma_wait3A_45 = tpu.memref_slice %arg5[%add3A_38] : memref<1280000xf32, #tpu.memory_space<hbm>> -> memref<10000xf32, #tpu.memory_space<hbm>>
      tpu.wait_dma2 semaphore(%run_scoped3A : memref<!tpu.dma_semaphore, #tpu.memory_space<semaphore_mem>>) src(%arg8 : memref<10000xf32, #tpu.memory_space<vmem>>) dst(%dma_wait3A_45 : memref<10000xf32, #tpu.memory_space<hbm>>)
      tpu.yield
    }) : () -> ()
    %add3A_39 = arith.constant 20000 : i32
    %add3A_40 = arith.addi %mul3A_2, %add3A_39 : i32
    "tpu.region"() ({
      %run_scoped3A = tpu.sem_alloc : memref<!tpu.dma_semaphore, #tpu.memory_space<semaphore_mem>>
      %dma_start3A_43 = tpu.memref_slice %arg5[%add3A_40] : memref<1280000xf32, #tpu.memory_space<hbm>> -> memref<10000xf32, #tpu.memory_space<hbm>>
      %dma_start3A_44 = tpu.memref_slice %arg5[%add3A_40] : memref<1280000xf32, #tpu.memory_space<hbm>> -> memref<10000xf32, #tpu.memory_space<hbm>>
      tpu.enqueue_dma source(%arg9 : memref<10000xf32, #tpu.memory_space<vmem>>) target(%dma_start3A_44 : memref<10000xf32, #tpu.memory_space<hbm>>) target_semaphore(%run_scoped3A : memref<!tpu.dma_semaphore, #tpu.memory_space<semaphore_mem>>)
      %dma_wait3A = tpu.memref_slice %arg5[%add3A_40] : memref<1280000xf32, #tpu.memory_space<hbm>> -> memref<10000xf32, #tpu.memory_space<hbm>>
      %dma_wait3A_45 = tpu.memref_slice %arg5[%add3A_40] : memref<1280000xf32, #tpu.memory_space<hbm>> -> memref<10000xf32, #tpu.memory_space<hbm>>
      tpu.wait_dma2 semaphore(%run_scoped3A : memref<!tpu.dma_semaphore, #tpu.memory_space<semaphore_mem>>) src(%arg9 : memref<10000xf32, #tpu.memory_space<vmem>>) dst(%dma_wait3A_45 : memref<10000xf32, #tpu.memory_space<hbm>>)
      tpu.yield
    }) : () -> ()
    %add3A_41 = arith.constant 30000 : i32
    %add3A_42 = arith.addi %mul3A_2, %add3A_41 : i32
    "tpu.region"() ({
      %run_scoped3A = tpu.sem_alloc : memref<!tpu.dma_semaphore, #tpu.memory_space<semaphore_mem>>
      %dma_start3A_43 = tpu.memref_slice %arg5[%add3A_42] : memref<1280000xf32, #tpu.memory_space<hbm>> -> memref<10000xf32, #tpu.memory_space<hbm>>
      %dma_start3A_44 = tpu.memref_slice %arg5[%add3A_42] : memref<1280000xf32, #tpu.memory_space<hbm>> -> memref<10000xf32, #tpu.memory_space<hbm>>
      tpu.enqueue_dma source(%arg10 : memref<10000xf32, #tpu.memory_space<vmem>>) target(%dma_start3A_44 : memref<10000xf32, #tpu.memory_space<hbm>>) target_semaphore(%run_scoped3A : memref<!tpu.dma_semaphore, #tpu.memory_space<semaphore_mem>>)
      %dma_wait3A = tpu.memref_slice %arg5[%add3A_42] : memref<1280000xf32, #tpu.memory_space<hbm>> -> memref<10000xf32, #tpu.memory_space<hbm>>
      %dma_wait3A_45 = tpu.memref_slice %arg5[%add3A_42] : memref<1280000xf32, #tpu.memory_space<hbm>> -> memref<10000xf32, #tpu.memory_space<hbm>>
      tpu.wait_dma2 semaphore(%run_scoped3A : memref<!tpu.dma_semaphore, #tpu.memory_space<semaphore_mem>>) src(%arg10 : memref<10000xf32, #tpu.memory_space<vmem>>) dst(%dma_wait3A_45 : memref<10000xf32, #tpu.memory_space<hbm>>)
      tpu.yield
    }) : () -> ()
    return
  }
}

#map = affine_map<(d0, d1) -> (0)>
module attributes {stable_mosaic.version = 14 : i64} {
  func.func @_segmax_body(%arg0: i32, %arg1: i32, %arg2: memref<1280000xf32, #tpu.memory_space<hbm>>, %arg3: memref<320000xi32, #tpu.memory_space<hbm>>, %arg4: memref<320000xf32, #tpu.memory_space<hbm>>, %arg5: memref<1280000xf32, #tpu.memory_space<hbm>>, %arg6: memref<40000xf32, #tpu.memory_space<vmem>>, %arg7: memref<10000xf32, #tpu.memory_space<vmem>>, %arg8: memref<10000xf32, #tpu.memory_space<vmem>>, %arg9: memref<10000xf32, #tpu.memory_space<vmem>>, %arg10: memref<10000xf32, #tpu.memory_space<vmem>>, %arg11: memref<10000xf32, #tpu.memory_space<vmem>>, %arg12: memref<10000xf32, #tpu.memory_space<vmem>>, %arg13: memref<10000xf32, #tpu.memory_space<vmem>>, %arg14: memref<10000xf32, #tpu.memory_space<vmem>>, %arg15: memref<1600xi32, #tpu.memory_space<vmem>>, %arg16: memref<1600xi32, #tpu.memory_space<vmem>>, %arg17: memref<1600xf32, #tpu.memory_space<vmem>>, %arg18: memref<1600xf32, #tpu.memory_space<vmem>>, %arg19: memref<!tpu.dma_semaphore, #tpu.memory_space<semaphore_mem>>, %arg20: memref<!tpu.dma_semaphore, #tpu.memory_space<semaphore_mem>>) attributes {dimension_semantics = [#tpu.dimension_semantics<core_parallel>, #tpu.dimension_semantics<subcore_parallel>], iteration_bounds = array<i64: 2, 16>, scalar_prefetch = 0 : i64, scratch_operands = 15 : i64, tpu.core_type = #tpu.core_type<sc_vector_subcore>, window_params = [{transform_indices = #map}, {transform_indices = #map}, {transform_indices = #map}, {transform_indices = #map}]} {
    %mul3A = arith.constant 2 : i32
    %mul3A_0 = arith.muli %arg1, %mul3A : i32
    %add3A = arith.addi %mul3A_0, %arg0 : i32
    %mul3A_1 = arith.constant 40000 : i32
    %mul3A_2 = arith.muli %add3A, %mul3A_1 : i32
    "tpu.region"() ({
      %run_scoped3A = tpu.sem_alloc : memref<!tpu.dma_semaphore, #tpu.memory_space<semaphore_mem>>
      %dma_start3A_43 = tpu.memref_slice %arg2[%mul3A_2] : memref<1280000xf32, #tpu.memory_space<hbm>> -> memref<40000xf32, #tpu.memory_space<hbm>>
      %dma_start3A_44 = tpu.memref_slice %arg2[%mul3A_2] : memref<1280000xf32, #tpu.memory_space<hbm>> -> memref<40000xf32, #tpu.memory_space<hbm>>
      tpu.enqueue_dma source(%dma_start3A_44 : memref<40000xf32, #tpu.memory_space<hbm>>) target(%arg6 : memref<40000xf32, #tpu.memory_space<vmem>>) target_semaphore(%run_scoped3A : memref<!tpu.dma_semaphore, #tpu.memory_space<semaphore_mem>>)
      %dma_wait3A = tpu.memref_slice %arg2[%mul3A_2] : memref<1280000xf32, #tpu.memory_space<hbm>> -> memref<40000xf32, #tpu.memory_space<hbm>>
      %dma_wait3A_45 = tpu.memref_slice %arg2[%mul3A_2] : memref<1280000xf32, #tpu.memory_space<hbm>> -> memref<40000xf32, #tpu.memory_space<hbm>>
      tpu.wait_dma2 semaphore(%run_scoped3A : memref<!tpu.dma_semaphore, #tpu.memory_space<semaphore_mem>>) src(%dma_wait3A_45 : memref<40000xf32, #tpu.memory_space<hbm>>) dst(%arg6 : memref<40000xf32, #tpu.memory_space<vmem>>)
      tpu.yield
    }) : () -> ()
    %scan3A = arith.constant 0 : i32
    %scan3A_3 = arith.constant 0 : i32
    %scan3A_4 = arith.constant 625 : i32
    %scan3A_5 = arith.addi %scan3A_3, %scan3A_4 : i32
    %scan3A_6 = arith.constant 1 : i32
    scf.for %scan3A_43 = %scan3A_3 to %scan3A_5 step %scan3A_6  : i32 {
      %mul3A_44 = arith.constant 16 : i32
      %mul3A_45 = arith.muli %scan3A_43, %mul3A_44 : i32
      %broadcast_in_dim3A = arith.constant 0.000000e+00 : f32
      %broadcast_in_dim3A_46 = vector.broadcast %broadcast_in_dim3A : f32 to vector<16xf32>
      %swap3A = arith.index_cast %mul3A_45 : i32 to index
      %swap3A_47 = tpu.vector_load %arg7[%swap3A] {strides = array<i32>} : memref<10000xf32, #tpu.memory_space<vmem>>, vector<16xf32>,
      tpu.vector_store %arg7[%swap3A], %broadcast_in_dim3A_46 {strides = array<i32>} : memref<10000xf32, #tpu.memory_space<vmem>>, vector<16xf32>,
      %swap3A_48 = arith.index_cast %mul3A_45 : i32 to index
      %swap3A_49 = tpu.vector_load %arg8[%swap3A_48] {strides = array<i32>} : memref<10000xf32, #tpu.memory_space<vmem>>, vector<16xf32>,
      tpu.vector_store %arg8[%swap3A_48], %broadcast_in_dim3A_46 {strides = array<i32>} : memref<10000xf32, #tpu.memory_space<vmem>>, vector<16xf32>,
      %swap3A_50 = arith.index_cast %mul3A_45 : i32 to index
      %swap3A_51 = tpu.vector_load %arg9[%swap3A_50] {strides = array<i32>} : memref<10000xf32, #tpu.memory_space<vmem>>, vector<16xf32>,
      tpu.vector_store %arg9[%swap3A_50], %broadcast_in_dim3A_46 {strides = array<i32>} : memref<10000xf32, #tpu.memory_space<vmem>>, vector<16xf32>,
      %swap3A_52 = arith.index_cast %mul3A_45 : i32 to index
      %swap3A_53 = tpu.vector_load %arg10[%swap3A_52] {strides = array<i32>} : memref<10000xf32, #tpu.memory_space<vmem>>, vector<16xf32>,
      tpu.vector_store %arg10[%swap3A_52], %broadcast_in_dim3A_46 {strides = array<i32>} : memref<10000xf32, #tpu.memory_space<vmem>>, vector<16xf32>,
      %swap3A_54 = arith.index_cast %mul3A_45 : i32 to index
      %swap3A_55 = tpu.vector_load %arg11[%swap3A_54] {strides = array<i32>} : memref<10000xf32, #tpu.memory_space<vmem>>, vector<16xf32>,
      tpu.vector_store %arg11[%swap3A_54], %broadcast_in_dim3A_46 {strides = array<i32>} : memref<10000xf32, #tpu.memory_space<vmem>>, vector<16xf32>,
      %swap3A_56 = arith.index_cast %mul3A_45 : i32 to index
      %swap3A_57 = tpu.vector_load %arg12[%swap3A_56] {strides = array<i32>} : memref<10000xf32, #tpu.memory_space<vmem>>, vector<16xf32>,
      tpu.vector_store %arg12[%swap3A_56], %broadcast_in_dim3A_46 {strides = array<i32>} : memref<10000xf32, #tpu.memory_space<vmem>>, vector<16xf32>,
      %swap3A_58 = arith.index_cast %mul3A_45 : i32 to index
      %swap3A_59 = tpu.vector_load %arg13[%swap3A_58] {strides = array<i32>} : memref<10000xf32, #tpu.memory_space<vmem>>, vector<16xf32>,
      tpu.vector_store %arg13[%swap3A_58], %broadcast_in_dim3A_46 {strides = array<i32>} : memref<10000xf32, #tpu.memory_space<vmem>>, vector<16xf32>,
      %swap3A_60 = arith.index_cast %mul3A_45 : i32 to index
      %swap3A_61 = tpu.vector_load %arg14[%swap3A_60] {strides = array<i32>} : memref<10000xf32, #tpu.memory_space<vmem>>, vector<16xf32>,
      tpu.vector_store %arg14[%swap3A_60], %broadcast_in_dim3A_46 {strides = array<i32>} : memref<10000xf32, #tpu.memory_space<vmem>>, vector<16xf32>,
    }
    %scan3A_7 = arith.constant 625 : i32
    %dma_start3A = arith.constant 0 : i32
    %dma_start3A_8 = tpu.memref_slice %arg3[%dma_start3A] : memref<320000xi32, #tpu.memory_space<hbm>> -> memref<1600xi32, #tpu.memory_space<hbm>>
    %dma_start3A_9 = arith.constant 0 : i32
    %dma_start3A_10 = tpu.memref_slice %arg3[%dma_start3A_9] : memref<320000xi32, #tpu.memory_space<hbm>> -> memref<1600xi32, #tpu.memory_space<hbm>>
    tpu.enqueue_dma source(%dma_start3A_10 : memref<1600xi32, #tpu.memory_space<hbm>>) target(%arg15 : memref<1600xi32, #tpu.memory_space<vmem>>) target_semaphore(%arg19 : memref<!tpu.dma_semaphore, #tpu.memory_space<semaphore_mem>>)
    %dma_start3A_11 = arith.constant 0 : i32
    %dma_start3A_12 = tpu.memref_slice %arg4[%dma_start3A_11] : memref<320000xf32, #tpu.memory_space<hbm>> -> memref<1600xf32, #tpu.memory_space<hbm>>
    %dma_start3A_13 = arith.constant 0 : i32
    %dma_start3A_14 = tpu.memref_slice %arg4[%dma_start3A_13] : memref<320000xf32, #tpu.memory_space<hbm>> -> memref<1600xf32, #tpu.memory_space<hbm>>
    tpu.enqueue_dma source(%dma_start3A_14 : memref<1600xf32, #tpu.memory_space<hbm>>) target(%arg17 : memref<1600xf32, #tpu.memory_space<vmem>>) target_semaphore(%arg19 : memref<!tpu.dma_semaphore, #tpu.memory_space<semaphore_mem>>)
    %dma_start3A_15 = arith.constant 1600 : i32
    %dma_start3A_16 = tpu.memref_slice %arg3[%dma_start3A_15] : memref<320000xi32, #tpu.memory_space<hbm>> -> memref<1600xi32, #tpu.memory_space<hbm>>
    %dma_start3A_17 = arith.constant 1600 : i32
    %dma_start3A_18 = tpu.memref_slice %arg3[%dma_start3A_17] : memref<320000xi32, #tpu.memory_space<hbm>> -> memref<1600xi32, #tpu.memory_space<hbm>>
    tpu.enqueue_dma source(%dma_start3A_18 : memref<1600xi32, #tpu.memory_space<hbm>>) target(%arg16 : memref<1600xi32, #tpu.memory_space<vmem>>) target_semaphore(%arg20 : memref<!tpu.dma_semaphore, #tpu.memory_space<semaphore_mem>>)
    %dma_start3A_19 = arith.constant 1600 : i32
    %dma_start3A_20 = tpu.memref_slice %arg4[%dma_start3A_19] : memref<320000xf32, #tpu.memory_space<hbm>> -> memref<1600xf32, #tpu.memory_space<hbm>>
    %dma_start3A_21 = arith.constant 1600 : i32
    %dma_start3A_22 = tpu.memref_slice %arg4[%dma_start3A_21] : memref<320000xf32, #tpu.memory_space<hbm>> -> memref<1600xf32, #tpu.memory_space<hbm>>
    tpu.enqueue_dma source(%dma_start3A_22 : memref<1600xf32, #tpu.memory_space<hbm>>) target(%arg18 : memref<1600xf32, #tpu.memory_space<vmem>>) target_semaphore(%arg20 : memref<!tpu.dma_semaphore, #tpu.memory_space<semaphore_mem>>)
    %scan3A_23 = arith.constant 0 : i32
    %scan3A_24 = arith.constant 0 : i32
    %scan3A_25 = arith.constant 100 : i32
    %scan3A_26 = arith.addi %scan3A_24, %scan3A_25 : i32
    %scan3A_27 = arith.constant 1 : i32
    scf.for %scan3A_43 = %scan3A_24 to %scan3A_26 step %scan3A_27  : i32 {
      %mul3A_44 = arith.constant 2 : i32
      %mul3A_45 = arith.muli %mul3A_44, %scan3A_43 : i32
      %add3A_46 = arith.constant 0 : i32
      %add3A_47 = arith.addi %mul3A_45, %add3A_46 : i32
      %mul3A_48 = arith.constant 1600 : i32
      %mul3A_49 = arith.muli %add3A_47, %mul3A_48 : i32
      %dma_wait3A = tpu.memref_slice %arg3[%mul3A_49] : memref<320000xi32, #tpu.memory_space<hbm>> -> memref<1600xi32, #tpu.memory_space<hbm>>
      %dma_wait3A_50 = tpu.memref_slice %arg3[%mul3A_49] : memref<320000xi32, #tpu.memory_space<hbm>> -> memref<1600xi32, #tpu.memory_space<hbm>>
      tpu.wait_dma2 semaphore(%arg19 : memref<!tpu.dma_semaphore, #tpu.memory_space<semaphore_mem>>) src(%dma_wait3A_50 : memref<1600xi32, #tpu.memory_space<hbm>>) dst(%arg15 : memref<1600xi32, #tpu.memory_space<vmem>>)
      %dma_wait3A_51 = tpu.memref_slice %arg4[%mul3A_49] : memref<320000xf32, #tpu.memory_space<hbm>> -> memref<1600xf32, #tpu.memory_space<hbm>>
      %dma_wait3A_52 = tpu.memref_slice %arg4[%mul3A_49] : memref<320000xf32, #tpu.memory_space<hbm>> -> memref<1600xf32, #tpu.memory_space<hbm>>
      tpu.wait_dma2 semaphore(%arg19 : memref<!tpu.dma_semaphore, #tpu.memory_space<semaphore_mem>>) src(%dma_wait3A_52 : memref<1600xf32, #tpu.memory_space<hbm>>) dst(%arg17 : memref<1600xf32, #tpu.memory_space<vmem>>)
      %broadcast_in_dim3A = arith.constant 0.000000e+00 : f32
      %broadcast_in_dim3A_53 = vector.broadcast %broadcast_in_dim3A : f32 to vector<16xf32>
      %broadcast_in_dim3A_54 = arith.constant 0 : i32
      %broadcast_in_dim3A_55 = vector.broadcast %broadcast_in_dim3A_54 : i32 to vector<16xi32>
      %scan3A_56 = arith.constant 0 : i32
      %scan3A_57 = arith.constant 0 : i32
      %scan3A_58 = arith.constant 50 : i32
      %scan3A_59 = arith.addi %scan3A_57, %scan3A_58 : i32
      %scan3A_60 = arith.constant 1 : i32
      %scan3A_61:11 = scf.for %scan3A_104 = %scan3A_57 to %scan3A_59 step %scan3A_60 iter_args(%scan3A_105 = %scan3A_56, %scan3A_106 = %broadcast_in_dim3A_55, %scan3A_107 = %broadcast_in_dim3A_55, %scan3A_108 = %broadcast_in_dim3A_53, %scan3A_109 = %broadcast_in_dim3A_53, %scan3A_110 = %broadcast_in_dim3A_53, %scan3A_111 = %broadcast_in_dim3A_53, %scan3A_112 = %broadcast_in_dim3A_53, %scan3A_113 = %broadcast_in_dim3A_53, %scan3A_114 = %broadcast_in_dim3A_53, %scan3A_115 = %broadcast_in_dim3A_53) -> (i32, vector<16xi32>, vector<16xi32>, vector<16xf32>, vector<16xf32>, vector<16xf32>, vector<16xf32>, vector<16xf32>, vector<16xf32>, vector<16xf32>, vector<16xf32>)  : i32 {
        %mul3A_116 = arith.constant 32 : i32
        %mul3A_117 = arith.muli %scan3A_104, %mul3A_116 : i32
        %get3A = arith.index_cast %mul3A_117 : i32 to index
        %get3A_118 = tpu.vector_load %arg15[%get3A] {strides = array<i32>} : memref<1600xi32, #tpu.memory_space<vmem>>, vector<16xi32>,
        %get3A_119 = arith.index_cast %mul3A_117 : i32 to index
        %get3A_120 = tpu.vector_load %arg17[%get3A_119] {strides = array<i32>} : memref<1600xf32, #tpu.memory_space<vmem>>, vector<16xf32>,
        %add3A_121 = arith.constant 16 : i32
        %add3A_122 = arith.addi %mul3A_117, %add3A_121 : i32
        %get3A_123 = arith.index_cast %add3A_122 : i32 to index
        %get3A_124 = tpu.vector_load %arg15[%get3A_123] {strides = array<i32>} : memref<1600xi32, #tpu.memory_space<vmem>>, vector<16xi32>,
        %add3A_125 = arith.constant 16 : i32
        %add3A_126 = arith.addi %mul3A_117, %add3A_125 : i32
        %get3A_127 = arith.index_cast %add3A_126 : i32 to index
        %get3A_128 = tpu.vector_load %arg17[%get3A_127] {strides = array<i32>} : memref<1600xf32, #tpu.memory_space<vmem>>, vector<16xf32>,
        %and3A = arith.constant 16383 : i32
        %and3A_129 = vector.broadcast %and3A : i32 to vector<16xi32>
        %and3A_130 = arith.andi %get3A_118, %and3A_129 : vector<16xi32>
        %shift_right_logical3A = arith.constant 14 : i32
        %shift_right_logical3A_131 = vector.broadcast %shift_right_logical3A : i32 to vector<16xi32>
        %shift_right_logical3A_132 = arith.shrui %get3A_118, %shift_right_logical3A_131 : vector<16xi32>
        %add3A_133 = arith.constant 0 : i32
        %add3A_134 = vector.broadcast %add3A_133 : i32 to vector<16xi32>
        %add3A_135 = arith.addi %and3A_130, %add3A_134 : vector<16xi32>
        %gather3A = tpu.vector_load_idx %arg6[%add3A_135] : memref<40000xf32, #tpu.memory_space<vmem>>[vector<16xi32>], vector<16xf32>,
        %mul3A_136 = arith.mulf %gather3A, %get3A_120 : vector<16xf32>
        %add3A_137 = arith.constant 10000 : i32
        %add3A_138 = vector.broadcast %add3A_137 : i32 to vector<16xi32>
        %add3A_139 = arith.addi %and3A_130, %add3A_138 : vector<16xi32>
        %gather3A_140 = tpu.vector_load_idx %arg6[%add3A_139] : memref<40000xf32, #tpu.memory_space<vmem>>[vector<16xi32>], vector<16xf32>,
        %mul3A_141 = arith.mulf %gather3A_140, %get3A_120 : vector<16xf32>
        %add3A_142 = arith.constant 20000 : i32
        %add3A_143 = vector.broadcast %add3A_142 : i32 to vector<16xi32>
        %add3A_144 = arith.addi %and3A_130, %add3A_143 : vector<16xi32>
        %gather3A_145 = tpu.vector_load_idx %arg6[%add3A_144] : memref<40000xf32, #tpu.memory_space<vmem>>[vector<16xi32>], vector<16xf32>,
        %mul3A_146 = arith.mulf %gather3A_145, %get3A_120 : vector<16xf32>
        %add3A_147 = arith.constant 30000 : i32
        %add3A_148 = vector.broadcast %add3A_147 : i32 to vector<16xi32>
        %add3A_149 = arith.addi %and3A_130, %add3A_148 : vector<16xi32>
        %gather3A_150 = tpu.vector_load_idx %arg6[%add3A_149] : memref<40000xf32, #tpu.memory_space<vmem>>[vector<16xi32>], vector<16xf32>,
        %mul3A_151 = arith.mulf %gather3A_150, %get3A_120 : vector<16xf32>
        %broadcast_in_dim3A_152 = arith.constant true
        %broadcast_in_dim3A_153 = vector.broadcast %broadcast_in_dim3A_152 : i1 to vector<16xi1>
        %unique3A, %unique3A_154 = tpu.scan_count mask(%broadcast_in_dim3A_153 : vector<16xi1>) value(%shift_right_logical3A_132 : vector<16xi32>) : vector<16xi1>, vector<16xi32>
        %reduce_max3A = arith.constant true
        %reduce_max3A_155 = vector.broadcast %reduce_max3A : i1 to vector<16xi1>
        %reduce_max3A_156 = arith.constant -2147483648 : i32
        %reduce_max3A_157 = vector.broadcast %reduce_max3A_156 : i32 to vector<16xi32>
        %reduce_max3A_158 = arith.xori %unique3A_154, %reduce_max3A_157 : vector<16xi32>
        %reduce_max3A_159 = tpu.scan <max>, %reduce_max3A_158 masked %reduce_max3A_155 : vector<16xi32>, vector<16xi1> -> vector<16xi32>
        %reduce_max3A_160 = arith.xori %reduce_max3A_159, %reduce_max3A_157 : vector<16xi32>
        %reduce_max3A_161 = vector.extract %reduce_max3A_160[15] : i32 from vector<16xi32>
        %reduce_min3A = arith.constant true
        %reduce_min3A_162 = vector.broadcast %reduce_min3A : i1 to vector<16xi1>
        %reduce_min3A_163 = arith.constant -2147483648 : i32
        %reduce_min3A_164 = vector.broadcast %reduce_min3A_163 : i32 to vector<16xi32>
        %reduce_min3A_165 = arith.xori %unique3A_154, %reduce_min3A_164 : vector<16xi32>
        %reduce_min3A_166 = tpu.scan <min>, %reduce_min3A_165 masked %reduce_min3A_162 : vector<16xi32>, vector<16xi1> -> vector<16xi32>
        %reduce_min3A_167 = arith.xori %reduce_min3A_166, %reduce_min3A_164 : vector<16xi32>
        %reduce_min3A_168 = vector.extract %reduce_min3A_167[15] : i32 from vector<16xi32>
        %sub3A = arith.subi %reduce_max3A_161, %reduce_min3A_168 : i32
        %gather3A_169 = tpu.vector_load_idx %arg7[%shift_right_logical3A_132] : memref<10000xf32, #tpu.memory_space<vmem>>[vector<16xi32>], vector<16xf32>,
        %max3A = arith.maximumf %gather3A_169, %mul3A_136 : vector<16xf32>
        tpu.vector_store_idx %arg7[%shift_right_logical3A_132], %max3A : memref<10000xf32, #tpu.memory_space<vmem>>[vector<16xi32>], vector<16xf32>,
        %gather3A_170 = tpu.vector_load_idx %arg8[%shift_right_logical3A_132] : memref<10000xf32, #tpu.memory_space<vmem>>[vector<16xi32>], vector<16xf32>,
        %max3A_171 = arith.maximumf %gather3A_170, %mul3A_141 : vector<16xf32>
        tpu.vector_store_idx %arg8[%shift_right_logical3A_132], %max3A_171 : memref<10000xf32, #tpu.memory_space<vmem>>[vector<16xi32>], vector<16xf32>,
        %gather3A_172 = tpu.vector_load_idx %arg9[%shift_right_logical3A_132] : memref<10000xf32, #tpu.memory_space<vmem>>[vector<16xi32>], vector<16xf32>,
        %max3A_173 = arith.maximumf %gather3A_172, %mul3A_146 : vector<16xf32>
        tpu.vector_store_idx %arg9[%shift_right_logical3A_132], %max3A_173 : memref<10000xf32, #tpu.memory_space<vmem>>[vector<16xi32>], vector<16xf32>,
        %gather3A_174 = tpu.vector_load_idx %arg10[%shift_right_logical3A_132] : memref<10000xf32, #tpu.memory_space<vmem>>[vector<16xi32>], vector<16xf32>,
        %max3A_175 = arith.maximumf %gather3A_174, %mul3A_151 : vector<16xf32>
        tpu.vector_store_idx %arg10[%shift_right_logical3A_132], %max3A_175 : memref<10000xf32, #tpu.memory_space<vmem>>[vector<16xi32>], vector<16xf32>,
        %and3A_176 = arith.constant 16383 : i32
        %and3A_177 = vector.broadcast %and3A_176 : i32 to vector<16xi32>
        %and3A_178 = arith.andi %get3A_124, %and3A_177 : vector<16xi32>
        %shift_right_logical3A_179 = arith.constant 14 : i32
        %shift_right_logical3A_180 = vector.broadcast %shift_right_logical3A_179 : i32 to vector<16xi32>
        %shift_right_logical3A_181 = arith.shrui %get3A_124, %shift_right_logical3A_180 : vector<16xi32>
        %add3A_182 = arith.constant 0 : i32
        %add3A_183 = vector.broadcast %add3A_182 : i32 to vector<16xi32>
        %add3A_184 = arith.addi %and3A_178, %add3A_183 : vector<16xi32>
        %gather3A_185 = tpu.vector_load_idx %arg6[%add3A_184] : memref<40000xf32, #tpu.memory_space<vmem>>[vector<16xi32>], vector<16xf32>,
        %mul3A_186 = arith.mulf %gather3A_185, %get3A_128 : vector<16xf32>
        %add3A_187 = arith.constant 10000 : i32
        %add3A_188 = vector.broadcast %add3A_187 : i32 to vector<16xi32>
        %add3A_189 = arith.addi %and3A_178, %add3A_188 : vector<16xi32>
        %gather3A_190 = tpu.vector_load_idx %arg6[%add3A_189] : memref<40000xf32, #tpu.memory_space<vmem>>[vector<16xi32>], vector<16xf32>,
        %mul3A_191 = arith.mulf %gather3A_190, %get3A_128 : vector<16xf32>
        %add3A_192 = arith.constant 20000 : i32
        %add3A_193 = vector.broadcast %add3A_192 : i32 to vector<16xi32>
        %add3A_194 = arith.addi %and3A_178, %add3A_193 : vector<16xi32>
        %gather3A_195 = tpu.vector_load_idx %arg6[%add3A_194] : memref<40000xf32, #tpu.memory_space<vmem>>[vector<16xi32>], vector<16xf32>,
        %mul3A_196 = arith.mulf %gather3A_195, %get3A_128 : vector<16xf32>
        %add3A_197 = arith.constant 30000 : i32
        %add3A_198 = vector.broadcast %add3A_197 : i32 to vector<16xi32>
        %add3A_199 = arith.addi %and3A_178, %add3A_198 : vector<16xi32>
        %gather3A_200 = tpu.vector_load_idx %arg6[%add3A_199] : memref<40000xf32, #tpu.memory_space<vmem>>[vector<16xi32>], vector<16xf32>,
        %mul3A_201 = arith.mulf %gather3A_200, %get3A_128 : vector<16xf32>
        %broadcast_in_dim3A_202 = arith.constant true
        %broadcast_in_dim3A_203 = vector.broadcast %broadcast_in_dim3A_202 : i1 to vector<16xi1>
        %unique3A_204, %unique3A_205 = tpu.scan_count mask(%broadcast_in_dim3A_203 : vector<16xi1>) value(%shift_right_logical3A_181 : vector<16xi32>) : vector<16xi1>, vector<16xi32>
        %reduce_max3A_206 = arith.constant true
        %reduce_max3A_207 = vector.broadcast %reduce_max3A_206 : i1 to vector<16xi1>
        %reduce_max3A_208 = arith.constant -2147483648 : i32
        %reduce_max3A_209 = vector.broadcast %reduce_max3A_208 : i32 to vector<16xi32>
        %reduce_max3A_210 = arith.xori %unique3A_205, %reduce_max3A_209 : vector<16xi32>
        %reduce_max3A_211 = tpu.scan <max>, %reduce_max3A_210 masked %reduce_max3A_207 : vector<16xi32>, vector<16xi1> -> vector<16xi32>
        %reduce_max3A_212 = arith.xori %reduce_max3A_211, %reduce_max3A_209 : vector<16xi32>
        %reduce_max3A_213 = vector.extract %reduce_max3A_212[15] : i32 from vector<16xi32>
        %reduce_min3A_214 = arith.constant true
        %reduce_min3A_215 = vector.broadcast %reduce_min3A_214 : i1 to vector<16xi1>
        %reduce_min3A_216 = arith.constant -2147483648 : i32
        %reduce_min3A_217 = vector.broadcast %reduce_min3A_216 : i32 to vector<16xi32>
        %reduce_min3A_218 = arith.xori %unique3A_205, %reduce_min3A_217 : vector<16xi32>
        %reduce_min3A_219 = tpu.scan <min>, %reduce_min3A_218 masked %reduce_min3A_215 : vector<16xi32>, vector<16xi1> -> vector<16xi32>
        %reduce_min3A_220 = arith.xori %reduce_min3A_219, %reduce_min3A_217 : vector<16xi32>
        %reduce_min3A_221 = vector.extract %reduce_min3A_220[15] : i32 from vector<16xi32>
        %sub3A_222 = arith.subi %reduce_max3A_213, %reduce_min3A_221 : i32
        %gather3A_223 = tpu.vector_load_idx %arg11[%shift_right_logical3A_181] : memref<10000xf32, #tpu.memory_space<vmem>>[vector<16xi32>], vector<16xf32>,
        %max3A_224 = arith.maximumf %gather3A_223, %mul3A_186 : vector<16xf32>
        tpu.vector_store_idx %arg11[%shift_right_logical3A_181], %max3A_224 : memref<10000xf32, #tpu.memory_space<vmem>>[vector<16xi32>], vector<16xf32>,
        %gather3A_225 = tpu.vector_load_idx %arg12[%shift_right_logical3A_181] : memref<10000xf32, #tpu.memory_space<vmem>>[vector<16xi32>], vector<16xf32>,
        %max3A_226 = arith.maximumf %gather3A_225, %mul3A_191 : vector<16xf32>
        tpu.vector_store_idx %arg12[%shift_right_logical3A_181], %max3A_226 : memref<10000xf32, #tpu.memory_space<vmem>>[vector<16xi32>], vector<16xf32>,
        %gather3A_227 = tpu.vector_load_idx %arg13[%shift_right_logical3A_181] : memref<10000xf32, #tpu.memory_space<vmem>>[vector<16xi32>], vector<16xf32>,
        %max3A_228 = arith.maximumf %gather3A_227, %mul3A_196 : vector<16xf32>
        tpu.vector_store_idx %arg13[%shift_right_logical3A_181], %max3A_228 : memref<10000xf32, #tpu.memory_space<vmem>>[vector<16xi32>], vector<16xf32>,
        %gather3A_229 = tpu.vector_load_idx %arg14[%shift_right_logical3A_181] : memref<10000xf32, #tpu.memory_space<vmem>>[vector<16xi32>], vector<16xf32>,
        %max3A_230 = arith.maximumf %gather3A_229, %mul3A_201 : vector<16xf32>
        tpu.vector_store_idx %arg14[%shift_right_logical3A_181], %max3A_230 : memref<10000xf32, #tpu.memory_space<vmem>>[vector<16xi32>], vector<16xf32>,
        %gt3A_231 = arith.constant 0 : i32
        %gt3A_232 = arith.cmpi sgt, %scan3A_105, %gt3A_231 : i32
        %convert_element_type3A_233 = arith.extui %gt3A_232 : i1 to i32
        %cond3A_234 = arith.constant 0 : i32
        %cond3A_235 = arith.cmpi ne, %convert_element_type3A_233, %cond3A_234 : i32
        scf.if %cond3A_235 {
          %while3A = arith.constant 1 : i32
          %while3A_237 = scf.while (%while3A_252 = %while3A) : (i32) -> i32 {
            %gt3A_253 = arith.constant 0 : i32
            %gt3A_254 = arith.cmpi sgt, %while3A_252, %gt3A_253 : i32
            scf.condition(%gt3A_254) %while3A_252 : i32
          } do {
          ^bb0(%while3A_252: i32):
            %gather3A_253 = tpu.vector_load_idx %arg7[%scan3A_106] : memref<10000xf32, #tpu.memory_space<vmem>>[vector<16xi32>], vector<16xf32>,
            %gt3A_254 = arith.cmpf ogt, %scan3A_108, %gather3A_253 : vector<16xf32>
            tpu.vector_store_idx %arg7[%scan3A_106], %scan3A_108 masked %gt3A_254 : memref<10000xf32, #tpu.memory_space<vmem>>[vector<16xi32>], vector<16xf32>, vector<16xi1>
            %gather3A_255 = tpu.vector_load_idx %arg7[%scan3A_106] : memref<10000xf32, #tpu.memory_space<vmem>>[vector<16xi32>], vector<16xf32>,
            %gt3A_256 = arith.cmpf ogt, %scan3A_108, %gather3A_255 : vector<16xf32>
            %convert_element_type3A_257 = arith.extui %gt3A_256 : vector<16xi1> to vector<16xi32>
            %reduce_max3A_258 = arith.constant true
            %reduce_max3A_259 = vector.broadcast %reduce_max3A_258 : i1 to vector<16xi1>
            %reduce_max3A_260 = arith.constant -2147483648 : i32
            %reduce_max3A_261 = vector.broadcast %reduce_max3A_260 : i32 to vector<16xi32>
            %reduce_max3A_262 = arith.xori %convert_element_type3A_257, %reduce_max3A_261 : vector<16xi32>
            %reduce_max3A_263 = tpu.scan <max>, %reduce_max3A_262 masked %reduce_max3A_259 : vector<16xi32>, vector<16xi1> -> vector<16xi32>
            %reduce_max3A_264 = arith.xori %reduce_max3A_263, %reduce_max3A_261 : vector<16xi32>
            %reduce_max3A_265 = vector.extract %reduce_max3A_264[15] : i32 from vector<16xi32>
            scf.yield %reduce_max3A_265 : i32
          }
          %while3A_238 = arith.constant 1 : i32
          %while3A_239 = scf.while (%while3A_252 = %while3A_238) : (i32) -> i32 {
            %gt3A_253 = arith.constant 0 : i32
            %gt3A_254 = arith.cmpi sgt, %while3A_252, %gt3A_253 : i32
            scf.condition(%gt3A_254) %while3A_252 : i32
          } do {
          ^bb0(%while3A_252: i32):
            %gather3A_253 = tpu.vector_load_idx %arg8[%scan3A_106] : memref<10000xf32, #tpu.memory_space<vmem>>[vector<16xi32>], vector<16xf32>,
            %gt3A_254 = arith.cmpf ogt, %scan3A_109, %gather3A_253 : vector<16xf32>
            tpu.vector_store_idx %arg8[%scan3A_106], %scan3A_109 masked %gt3A_254 : memref<10000xf32, #tpu.memory_space<vmem>>[vector<16xi32>], vector<16xf32>, vector<16xi1>
            %gather3A_255 = tpu.vector_load_idx %arg8[%scan3A_106] : memref<10000xf32, #tpu.memory_space<vmem>>[vector<16xi32>], vector<16xf32>,
            %gt3A_256 = arith.cmpf ogt, %scan3A_109, %gather3A_255 : vector<16xf32>
            %convert_element_type3A_257 = arith.extui %gt3A_256 : vector<16xi1> to vector<16xi32>
            %reduce_max3A_258 = arith.constant true
            %reduce_max3A_259 = vector.broadcast %reduce_max3A_258 : i1 to vector<16xi1>
            %reduce_max3A_260 = arith.constant -2147483648 : i32
            %reduce_max3A_261 = vector.broadcast %reduce_max3A_260 : i32 to vector<16xi32>
            %reduce_max3A_262 = arith.xori %convert_element_type3A_257, %reduce_max3A_261 : vector<16xi32>
            %reduce_max3A_263 = tpu.scan <max>, %reduce_max3A_262 masked %reduce_max3A_259 : vector<16xi32>, vector<16xi1> -> vector<16xi32>
            %reduce_max3A_264 = arith.xori %reduce_max3A_263, %reduce_max3A_261 : vector<16xi32>
            %reduce_max3A_265 = vector.extract %reduce_max3A_264[15] : i32 from vector<16xi32>
            scf.yield %reduce_max3A_265 : i32
          }
          %while3A_240 = arith.constant 1 : i32
          %while3A_241 = scf.while (%while3A_252 = %while3A_240) : (i32) -> i32 {
            %gt3A_253 = arith.constant 0 : i32
            %gt3A_254 = arith.cmpi sgt, %while3A_252, %gt3A_253 : i32
            scf.condition(%gt3A_254) %while3A_252 : i32
          } do {
          ^bb0(%while3A_252: i32):
            %gather3A_253 = tpu.vector_load_idx %arg9[%scan3A_106] : memref<10000xf32, #tpu.memory_space<vmem>>[vector<16xi32>], vector<16xf32>,
            %gt3A_254 = arith.cmpf ogt, %scan3A_110, %gather3A_253 : vector<16xf32>
            tpu.vector_store_idx %arg9[%scan3A_106], %scan3A_110 masked %gt3A_254 : memref<10000xf32, #tpu.memory_space<vmem>>[vector<16xi32>], vector<16xf32>, vector<16xi1>
            %gather3A_255 = tpu.vector_load_idx %arg9[%scan3A_106] : memref<10000xf32, #tpu.memory_space<vmem>>[vector<16xi32>], vector<16xf32>,
            %gt3A_256 = arith.cmpf ogt, %scan3A_110, %gather3A_255 : vector<16xf32>
            %convert_element_type3A_257 = arith.extui %gt3A_256 : vector<16xi1> to vector<16xi32>
            %reduce_max3A_258 = arith.constant true
            %reduce_max3A_259 = vector.broadcast %reduce_max3A_258 : i1 to vector<16xi1>
            %reduce_max3A_260 = arith.constant -2147483648 : i32
            %reduce_max3A_261 = vector.broadcast %reduce_max3A_260 : i32 to vector<16xi32>
            %reduce_max3A_262 = arith.xori %convert_element_type3A_257, %reduce_max3A_261 : vector<16xi32>
            %reduce_max3A_263 = tpu.scan <max>, %reduce_max3A_262 masked %reduce_max3A_259 : vector<16xi32>, vector<16xi1> -> vector<16xi32>
            %reduce_max3A_264 = arith.xori %reduce_max3A_263, %reduce_max3A_261 : vector<16xi32>
            %reduce_max3A_265 = vector.extract %reduce_max3A_264[15] : i32 from vector<16xi32>
            scf.yield %reduce_max3A_265 : i32
          }
          %while3A_242 = arith.constant 1 : i32
          %while3A_243 = scf.while (%while3A_252 = %while3A_242) : (i32) -> i32 {
            %gt3A_253 = arith.constant 0 : i32
            %gt3A_254 = arith.cmpi sgt, %while3A_252, %gt3A_253 : i32
            scf.condition(%gt3A_254) %while3A_252 : i32
          } do {
          ^bb0(%while3A_252: i32):
            %gather3A_253 = tpu.vector_load_idx %arg10[%scan3A_106] : memref<10000xf32, #tpu.memory_space<vmem>>[vector<16xi32>], vector<16xf32>,
            %gt3A_254 = arith.cmpf ogt, %scan3A_111, %gather3A_253 : vector<16xf32>
            tpu.vector_store_idx %arg10[%scan3A_106], %scan3A_111 masked %gt3A_254 : memref<10000xf32, #tpu.memory_space<vmem>>[vector<16xi32>], vector<16xf32>, vector<16xi1>
            %gather3A_255 = tpu.vector_load_idx %arg10[%scan3A_106] : memref<10000xf32, #tpu.memory_space<vmem>>[vector<16xi32>], vector<16xf32>,
            %gt3A_256 = arith.cmpf ogt, %scan3A_111, %gather3A_255 : vector<16xf32>
            %convert_element_type3A_257 = arith.extui %gt3A_256 : vector<16xi1> to vector<16xi32>
            %reduce_max3A_258 = arith.constant true
            %reduce_max3A_259 = vector.broadcast %reduce_max3A_258 : i1 to vector<16xi1>
            %reduce_max3A_260 = arith.constant -2147483648 : i32
            %reduce_max3A_261 = vector.broadcast %reduce_max3A_260 : i32 to vector<16xi32>
            %reduce_max3A_262 = arith.xori %convert_element_type3A_257, %reduce_max3A_261 : vector<16xi32>
            %reduce_max3A_263 = tpu.scan <max>, %reduce_max3A_262 masked %reduce_max3A_259 : vector<16xi32>, vector<16xi1> -> vector<16xi32>
            %reduce_max3A_264 = arith.xori %reduce_max3A_263, %reduce_max3A_261 : vector<16xi32>
            %reduce_max3A_265 = vector.extract %reduce_max3A_264[15] : i32 from vector<16xi32>
            scf.yield %reduce_max3A_265 : i32
          }
          %while3A_244 = arith.constant 1 : i32
          %while3A_245 = scf.while (%while3A_252 = %while3A_244) : (i32) -> i32 {
            %gt3A_253 = arith.constant 0 : i32
            %gt3A_254 = arith.cmpi sgt, %while3A_252, %gt3A_253 : i32
            scf.condition(%gt3A_254) %while3A_252 : i32
          } do {
          ^bb0(%while3A_252: i32):
            %gather3A_253 = tpu.vector_load_idx %arg11[%scan3A_107] : memref<10000xf32, #tpu.memory_space<vmem>>[vector<16xi32>], vector<16xf32>,
            %gt3A_254 = arith.cmpf ogt, %scan3A_112, %gather3A_253 : vector<16xf32>
            tpu.vector_store_idx %arg11[%scan3A_107], %scan3A_112 masked %gt3A_254 : memref<10000xf32, #tpu.memory_space<vmem>>[vector<16xi32>], vector<16xf32>, vector<16xi1>
            %gather3A_255 = tpu.vector_load_idx %arg11[%scan3A_107] : memref<10000xf32, #tpu.memory_space<vmem>>[vector<16xi32>], vector<16xf32>,
            %gt3A_256 = arith.cmpf ogt, %scan3A_112, %gather3A_255 : vector<16xf32>
            %convert_element_type3A_257 = arith.extui %gt3A_256 : vector<16xi1> to vector<16xi32>
            %reduce_max3A_258 = arith.constant true
            %reduce_max3A_259 = vector.broadcast %reduce_max3A_258 : i1 to vector<16xi1>
            %reduce_max3A_260 = arith.constant -2147483648 : i32
            %reduce_max3A_261 = vector.broadcast %reduce_max3A_260 : i32 to vector<16xi32>
            %reduce_max3A_262 = arith.xori %convert_element_type3A_257, %reduce_max3A_261 : vector<16xi32>
            %reduce_max3A_263 = tpu.scan <max>, %reduce_max3A_262 masked %reduce_max3A_259 : vector<16xi32>, vector<16xi1> -> vector<16xi32>
            %reduce_max3A_264 = arith.xori %reduce_max3A_263, %reduce_max3A_261 : vector<16xi32>
            %reduce_max3A_265 = vector.extract %reduce_max3A_264[15] : i32 from vector<16xi32>
            scf.yield %reduce_max3A_265 : i32
          }
          %while3A_246 = arith.constant 1 : i32
          %while3A_247 = scf.while (%while3A_252 = %while3A_246) : (i32) -> i32 {
            %gt3A_253 = arith.constant 0 : i32
            %gt3A_254 = arith.cmpi sgt, %while3A_252, %gt3A_253 : i32
            scf.condition(%gt3A_254) %while3A_252 : i32
          } do {
          ^bb0(%while3A_252: i32):
            %gather3A_253 = tpu.vector_load_idx %arg12[%scan3A_107] : memref<10000xf32, #tpu.memory_space<vmem>>[vector<16xi32>], vector<16xf32>,
            %gt3A_254 = arith.cmpf ogt, %scan3A_113, %gather3A_253 : vector<16xf32>
            tpu.vector_store_idx %arg12[%scan3A_107], %scan3A_113 masked %gt3A_254 : memref<10000xf32, #tpu.memory_space<vmem>>[vector<16xi32>], vector<16xf32>, vector<16xi1>
            %gather3A_255 = tpu.vector_load_idx %arg12[%scan3A_107] : memref<10000xf32, #tpu.memory_space<vmem>>[vector<16xi32>], vector<16xf32>,
            %gt3A_256 = arith.cmpf ogt, %scan3A_113, %gather3A_255 : vector<16xf32>
            %convert_element_type3A_257 = arith.extui %gt3A_256 : vector<16xi1> to vector<16xi32>
            %reduce_max3A_258 = arith.constant true
            %reduce_max3A_259 = vector.broadcast %reduce_max3A_258 : i1 to vector<16xi1>
            %reduce_max3A_260 = arith.constant -2147483648 : i32
            %reduce_max3A_261 = vector.broadcast %reduce_max3A_260 : i32 to vector<16xi32>
            %reduce_max3A_262 = arith.xori %convert_element_type3A_257, %reduce_max3A_261 : vector<16xi32>
            %reduce_max3A_263 = tpu.scan <max>, %reduce_max3A_262 masked %reduce_max3A_259 : vector<16xi32>, vector<16xi1> -> vector<16xi32>
            %reduce_max3A_264 = arith.xori %reduce_max3A_263, %reduce_max3A_261 : vector<16xi32>
            %reduce_max3A_265 = vector.extract %reduce_max3A_264[15] : i32 from vector<16xi32>
            scf.yield %reduce_max3A_265 : i32
          }
          %while3A_248 = arith.constant 1 : i32
          %while3A_249 = scf.while (%while3A_252 = %while3A_248) : (i32) -> i32 {
            %gt3A_253 = arith.constant 0 : i32
            %gt3A_254 = arith.cmpi sgt, %while3A_252, %gt3A_253 : i32
            scf.condition(%gt3A_254) %while3A_252 : i32
          } do {
          ^bb0(%while3A_252: i32):
            %gather3A_253 = tpu.vector_load_idx %arg13[%scan3A_107] : memref<10000xf32, #tpu.memory_space<vmem>>[vector<16xi32>], vector<16xf32>,
            %gt3A_254 = arith.cmpf ogt, %scan3A_114, %gather3A_253 : vector<16xf32>
            tpu.vector_store_idx %arg13[%scan3A_107], %scan3A_114 masked %gt3A_254 : memref<10000xf32, #tpu.memory_space<vmem>>[vector<16xi32>], vector<16xf32>, vector<16xi1>
            %gather3A_255 = tpu.vector_load_idx %arg13[%scan3A_107] : memref<10000xf32, #tpu.memory_space<vmem>>[vector<16xi32>], vector<16xf32>,
            %gt3A_256 = arith.cmpf ogt, %scan3A_114, %gather3A_255 : vector<16xf32>
            %convert_element_type3A_257 = arith.extui %gt3A_256 : vector<16xi1> to vector<16xi32>
            %reduce_max3A_258 = arith.constant true
            %reduce_max3A_259 = vector.broadcast %reduce_max3A_258 : i1 to vector<16xi1>
            %reduce_max3A_260 = arith.constant -2147483648 : i32
            %reduce_max3A_261 = vector.broadcast %reduce_max3A_260 : i32 to vector<16xi32>
            %reduce_max3A_262 = arith.xori %convert_element_type3A_257, %reduce_max3A_261 : vector<16xi32>
            %reduce_max3A_263 = tpu.scan <max>, %reduce_max3A_262 masked %reduce_max3A_259 : vector<16xi32>, vector<16xi1> -> vector<16xi32>
            %reduce_max3A_264 = arith.xori %reduce_max3A_263, %reduce_max3A_261 : vector<16xi32>
            %reduce_max3A_265 = vector.extract %reduce_max3A_264[15] : i32 from vector<16xi32>
            scf.yield %reduce_max3A_265 : i32
          }
          %while3A_250 = arith.constant 1 : i32
          %while3A_251 = scf.while (%while3A_252 = %while3A_250) : (i32) -> i32 {
            %gt3A_253 = arith.constant 0 : i32
            %gt3A_254 = arith.cmpi sgt, %while3A_252, %gt3A_253 : i32
            scf.condition(%gt3A_254) %while3A_252 : i32
          } do {
          ^bb0(%while3A_252: i32):
            %gather3A_253 = tpu.vector_load_idx %arg14[%scan3A_107] : memref<10000xf32, #tpu.memory_space<vmem>>[vector<16xi32>], vector<16xf32>,
            %gt3A_254 = arith.cmpf ogt, %scan3A_115, %gather3A_253 : vector<16xf32>
            tpu.vector_store_idx %arg14[%scan3A_107], %scan3A_115 masked %gt3A_254 : memref<10000xf32, #tpu.memory_space<vmem>>[vector<16xi32>], vector<16xf32>, vector<16xi1>
            %gather3A_255 = tpu.vector_load_idx %arg14[%scan3A_107] : memref<10000xf32, #tpu.memory_space<vmem>>[vector<16xi32>], vector<16xf32>,
            %gt3A_256 = arith.cmpf ogt, %scan3A_115, %gather3A_255 : vector<16xf32>
            %convert_element_type3A_257 = arith.extui %gt3A_256 : vector<16xi1> to vector<16xi32>
            %reduce_max3A_258 = arith.constant true
            %reduce_max3A_259 = vector.broadcast %reduce_max3A_258 : i1 to vector<16xi1>
            %reduce_max3A_260 = arith.constant -2147483648 : i32
            %reduce_max3A_261 = vector.broadcast %reduce_max3A_260 : i32 to vector<16xi32>
            %reduce_max3A_262 = arith.xori %convert_element_type3A_257, %reduce_max3A_261 : vector<16xi32>
            %reduce_max3A_263 = tpu.scan <max>, %reduce_max3A_262 masked %reduce_max3A_259 : vector<16xi32>, vector<16xi1> -> vector<16xi32>
            %reduce_max3A_264 = arith.xori %reduce_max3A_263, %reduce_max3A_261 : vector<16xi32>
            %reduce_max3A_265 = vector.extract %reduce_max3A_264[15] : i32 from vector<16xi32>
            scf.yield %reduce_max3A_265 : i32
          }
        } else {
        }
        %add3A_236 = arith.addi %sub3A, %sub3A_222 : i32
        scf.yield %add3A_236, %shift_right_logical3A_132, %shift_right_logical3A_181, %mul3A_136, %mul3A_141, %mul3A_146, %mul3A_151, %mul3A_186, %mul3A_191, %mul3A_196, %mul3A_201 : i32, vector<16xi32>, vector<16xi32>, vector<16xf32>, vector<16xf32>, vector<16xf32>, vector<16xf32>, vector<16xf32>, vector<16xf32>, vector<16xf32>, vector<16xf32>
      }
      %scan3A_62 = arith.constant 50 : i32
      %gt3A = arith.constant 0 : i32
      %gt3A_63 = arith.cmpi sgt, %scan3A_61#0, %gt3A : i32
      %convert_element_type3A = arith.extui %gt3A_63 : i1 to i32
      %cond3A = arith.constant 0 : i32
      %cond3A_64 = arith.cmpi ne, %convert_element_type3A, %cond3A : i32
      scf.if %cond3A_64 {
        %while3A = arith.constant 1 : i32
        %while3A_104 = scf.while (%while3A_119 = %while3A) : (i32) -> i32 {
          %gt3A_120 = arith.constant 0 : i32
          %gt3A_121 = arith.cmpi sgt, %while3A_119, %gt3A_120 : i32
          scf.condition(%gt3A_121) %while3A_119 : i32
        } do {
        ^bb0(%while3A_119: i32):
          %gather3A = tpu.vector_load_idx %arg7[%scan3A_61#1] : memref<10000xf32, #tpu.memory_space<vmem>>[vector<16xi32>], vector<16xf32>,
          %gt3A_120 = arith.cmpf ogt, %scan3A_61#3, %gather3A : vector<16xf32>
          tpu.vector_store_idx %arg7[%scan3A_61#1], %scan3A_61#3 masked %gt3A_120 : memref<10000xf32, #tpu.memory_space<vmem>>[vector<16xi32>], vector<16xf32>, vector<16xi1>
          %gather3A_121 = tpu.vector_load_idx %arg7[%scan3A_61#1] : memref<10000xf32, #tpu.memory_space<vmem>>[vector<16xi32>], vector<16xf32>,
          %gt3A_122 = arith.cmpf ogt, %scan3A_61#3, %gather3A_121 : vector<16xf32>
          %convert_element_type3A_123 = arith.extui %gt3A_122 : vector<16xi1> to vector<16xi32>
          %reduce_max3A = arith.constant true
          %reduce_max3A_124 = vector.broadcast %reduce_max3A : i1 to vector<16xi1>
          %reduce_max3A_125 = arith.constant -2147483648 : i32
          %reduce_max3A_126 = vector.broadcast %reduce_max3A_125 : i32 to vector<16xi32>
          %reduce_max3A_127 = arith.xori %convert_element_type3A_123, %reduce_max3A_126 : vector<16xi32>
          %reduce_max3A_128 = tpu.scan <max>, %reduce_max3A_127 masked %reduce_max3A_124 : vector<16xi32>, vector<16xi1> -> vector<16xi32>
          %reduce_max3A_129 = arith.xori %reduce_max3A_128, %reduce_max3A_126 : vector<16xi32>
          %reduce_max3A_130 = vector.extract %reduce_max3A_129[15] : i32 from vector<16xi32>
          scf.yield %reduce_max3A_130 : i32
        }
        %while3A_105 = arith.constant 1 : i32
        %while3A_106 = scf.while (%while3A_119 = %while3A_105) : (i32) -> i32 {
          %gt3A_120 = arith.constant 0 : i32
          %gt3A_121 = arith.cmpi sgt, %while3A_119, %gt3A_120 : i32
          scf.condition(%gt3A_121) %while3A_119 : i32
        } do {
        ^bb0(%while3A_119: i32):
          %gather3A = tpu.vector_load_idx %arg8[%scan3A_61#1] : memref<10000xf32, #tpu.memory_space<vmem>>[vector<16xi32>], vector<16xf32>,
          %gt3A_120 = arith.cmpf ogt, %scan3A_61#4, %gather3A : vector<16xf32>
          tpu.vector_store_idx %arg8[%scan3A_61#1], %scan3A_61#4 masked %gt3A_120 : memref<10000xf32, #tpu.memory_space<vmem>>[vector<16xi32>], vector<16xf32>, vector<16xi1>
          %gather3A_121 = tpu.vector_load_idx %arg8[%scan3A_61#1] : memref<10000xf32, #tpu.memory_space<vmem>>[vector<16xi32>], vector<16xf32>,
          %gt3A_122 = arith.cmpf ogt, %scan3A_61#4, %gather3A_121 : vector<16xf32>
          %convert_element_type3A_123 = arith.extui %gt3A_122 : vector<16xi1> to vector<16xi32>
          %reduce_max3A = arith.constant true
          %reduce_max3A_124 = vector.broadcast %reduce_max3A : i1 to vector<16xi1>
          %reduce_max3A_125 = arith.constant -2147483648 : i32
          %reduce_max3A_126 = vector.broadcast %reduce_max3A_125 : i32 to vector<16xi32>
          %reduce_max3A_127 = arith.xori %convert_element_type3A_123, %reduce_max3A_126 : vector<16xi32>
          %reduce_max3A_128 = tpu.scan <max>, %reduce_max3A_127 masked %reduce_max3A_124 : vector<16xi32>, vector<16xi1> -> vector<16xi32>
          %reduce_max3A_129 = arith.xori %reduce_max3A_128, %reduce_max3A_126 : vector<16xi32>
          %reduce_max3A_130 = vector.extract %reduce_max3A_129[15] : i32 from vector<16xi32>
          scf.yield %reduce_max3A_130 : i32
        }
        %while3A_107 = arith.constant 1 : i32
        %while3A_108 = scf.while (%while3A_119 = %while3A_107) : (i32) -> i32 {
          %gt3A_120 = arith.constant 0 : i32
          %gt3A_121 = arith.cmpi sgt, %while3A_119, %gt3A_120 : i32
          scf.condition(%gt3A_121) %while3A_119 : i32
        } do {
        ^bb0(%while3A_119: i32):
          %gather3A = tpu.vector_load_idx %arg9[%scan3A_61#1] : memref<10000xf32, #tpu.memory_space<vmem>>[vector<16xi32>], vector<16xf32>,
          %gt3A_120 = arith.cmpf ogt, %scan3A_61#5, %gather3A : vector<16xf32>
          tpu.vector_store_idx %arg9[%scan3A_61#1], %scan3A_61#5 masked %gt3A_120 : memref<10000xf32, #tpu.memory_space<vmem>>[vector<16xi32>], vector<16xf32>, vector<16xi1>
          %gather3A_121 = tpu.vector_load_idx %arg9[%scan3A_61#1] : memref<10000xf32, #tpu.memory_space<vmem>>[vector<16xi32>], vector<16xf32>,
          %gt3A_122 = arith.cmpf ogt, %scan3A_61#5, %gather3A_121 : vector<16xf32>
          %convert_element_type3A_123 = arith.extui %gt3A_122 : vector<16xi1> to vector<16xi32>
          %reduce_max3A = arith.constant true
          %reduce_max3A_124 = vector.broadcast %reduce_max3A : i1 to vector<16xi1>
          %reduce_max3A_125 = arith.constant -2147483648 : i32
          %reduce_max3A_126 = vector.broadcast %reduce_max3A_125 : i32 to vector<16xi32>
          %reduce_max3A_127 = arith.xori %convert_element_type3A_123, %reduce_max3A_126 : vector<16xi32>
          %reduce_max3A_128 = tpu.scan <max>, %reduce_max3A_127 masked %reduce_max3A_124 : vector<16xi32>, vector<16xi1> -> vector<16xi32>
          %reduce_max3A_129 = arith.xori %reduce_max3A_128, %reduce_max3A_126 : vector<16xi32>
          %reduce_max3A_130 = vector.extract %reduce_max3A_129[15] : i32 from vector<16xi32>
          scf.yield %reduce_max3A_130 : i32
        }
        %while3A_109 = arith.constant 1 : i32
        %while3A_110 = scf.while (%while3A_119 = %while3A_109) : (i32) -> i32 {
          %gt3A_120 = arith.constant 0 : i32
          %gt3A_121 = arith.cmpi sgt, %while3A_119, %gt3A_120 : i32
          scf.condition(%gt3A_121) %while3A_119 : i32
        } do {
        ^bb0(%while3A_119: i32):
          %gather3A = tpu.vector_load_idx %arg10[%scan3A_61#1] : memref<10000xf32, #tpu.memory_space<vmem>>[vector<16xi32>], vector<16xf32>,
          %gt3A_120 = arith.cmpf ogt, %scan3A_61#6, %gather3A : vector<16xf32>
          tpu.vector_store_idx %arg10[%scan3A_61#1], %scan3A_61#6 masked %gt3A_120 : memref<10000xf32, #tpu.memory_space<vmem>>[vector<16xi32>], vector<16xf32>, vector<16xi1>
          %gather3A_121 = tpu.vector_load_idx %arg10[%scan3A_61#1] : memref<10000xf32, #tpu.memory_space<vmem>>[vector<16xi32>], vector<16xf32>,
          %gt3A_122 = arith.cmpf ogt, %scan3A_61#6, %gather3A_121 : vector<16xf32>
          %convert_element_type3A_123 = arith.extui %gt3A_122 : vector<16xi1> to vector<16xi32>
          %reduce_max3A = arith.constant true
          %reduce_max3A_124 = vector.broadcast %reduce_max3A : i1 to vector<16xi1>
          %reduce_max3A_125 = arith.constant -2147483648 : i32
          %reduce_max3A_126 = vector.broadcast %reduce_max3A_125 : i32 to vector<16xi32>
          %reduce_max3A_127 = arith.xori %convert_element_type3A_123, %reduce_max3A_126 : vector<16xi32>
          %reduce_max3A_128 = tpu.scan <max>, %reduce_max3A_127 masked %reduce_max3A_124 : vector<16xi32>, vector<16xi1> -> vector<16xi32>
          %reduce_max3A_129 = arith.xori %reduce_max3A_128, %reduce_max3A_126 : vector<16xi32>
          %reduce_max3A_130 = vector.extract %reduce_max3A_129[15] : i32 from vector<16xi32>
          scf.yield %reduce_max3A_130 : i32
        }
        %while3A_111 = arith.constant 1 : i32
        %while3A_112 = scf.while (%while3A_119 = %while3A_111) : (i32) -> i32 {
          %gt3A_120 = arith.constant 0 : i32
          %gt3A_121 = arith.cmpi sgt, %while3A_119, %gt3A_120 : i32
          scf.condition(%gt3A_121) %while3A_119 : i32
        } do {
        ^bb0(%while3A_119: i32):
          %gather3A = tpu.vector_load_idx %arg11[%scan3A_61#2] : memref<10000xf32, #tpu.memory_space<vmem>>[vector<16xi32>], vector<16xf32>,
          %gt3A_120 = arith.cmpf ogt, %scan3A_61#7, %gather3A : vector<16xf32>
          tpu.vector_store_idx %arg11[%scan3A_61#2], %scan3A_61#7 masked %gt3A_120 : memref<10000xf32, #tpu.memory_space<vmem>>[vector<16xi32>], vector<16xf32>, vector<16xi1>
          %gather3A_121 = tpu.vector_load_idx %arg11[%scan3A_61#2] : memref<10000xf32, #tpu.memory_space<vmem>>[vector<16xi32>], vector<16xf32>,
          %gt3A_122 = arith.cmpf ogt, %scan3A_61#7, %gather3A_121 : vector<16xf32>
          %convert_element_type3A_123 = arith.extui %gt3A_122 : vector<16xi1> to vector<16xi32>
          %reduce_max3A = arith.constant true
          %reduce_max3A_124 = vector.broadcast %reduce_max3A : i1 to vector<16xi1>
          %reduce_max3A_125 = arith.constant -2147483648 : i32
          %reduce_max3A_126 = vector.broadcast %reduce_max3A_125 : i32 to vector<16xi32>
          %reduce_max3A_127 = arith.xori %convert_element_type3A_123, %reduce_max3A_126 : vector<16xi32>
          %reduce_max3A_128 = tpu.scan <max>, %reduce_max3A_127 masked %reduce_max3A_124 : vector<16xi32>, vector<16xi1> -> vector<16xi32>
          %reduce_max3A_129 = arith.xori %reduce_max3A_128, %reduce_max3A_126 : vector<16xi32>
          %reduce_max3A_130 = vector.extract %reduce_max3A_129[15] : i32 from vector<16xi32>
          scf.yield %reduce_max3A_130 : i32
        }
        %while3A_113 = arith.constant 1 : i32
        %while3A_114 = scf.while (%while3A_119 = %while3A_113) : (i32) -> i32 {
          %gt3A_120 = arith.constant 0 : i32
          %gt3A_121 = arith.cmpi sgt, %while3A_119, %gt3A_120 : i32
          scf.condition(%gt3A_121) %while3A_119 : i32
        } do {
        ^bb0(%while3A_119: i32):
          %gather3A = tpu.vector_load_idx %arg12[%scan3A_61#2] : memref<10000xf32, #tpu.memory_space<vmem>>[vector<16xi32>], vector<16xf32>,
          %gt3A_120 = arith.cmpf ogt, %scan3A_61#8, %gather3A : vector<16xf32>
          tpu.vector_store_idx %arg12[%scan3A_61#2], %scan3A_61#8 masked %gt3A_120 : memref<10000xf32, #tpu.memory_space<vmem>>[vector<16xi32>], vector<16xf32>, vector<16xi1>
          %gather3A_121 = tpu.vector_load_idx %arg12[%scan3A_61#2] : memref<10000xf32, #tpu.memory_space<vmem>>[vector<16xi32>], vector<16xf32>,
          %gt3A_122 = arith.cmpf ogt, %scan3A_61#8, %gather3A_121 : vector<16xf32>
          %convert_element_type3A_123 = arith.extui %gt3A_122 : vector<16xi1> to vector<16xi32>
          %reduce_max3A = arith.constant true
          %reduce_max3A_124 = vector.broadcast %reduce_max3A : i1 to vector<16xi1>
          %reduce_max3A_125 = arith.constant -2147483648 : i32
          %reduce_max3A_126 = vector.broadcast %reduce_max3A_125 : i32 to vector<16xi32>
          %reduce_max3A_127 = arith.xori %convert_element_type3A_123, %reduce_max3A_126 : vector<16xi32>
          %reduce_max3A_128 = tpu.scan <max>, %reduce_max3A_127 masked %reduce_max3A_124 : vector<16xi32>, vector<16xi1> -> vector<16xi32>
          %reduce_max3A_129 = arith.xori %reduce_max3A_128, %reduce_max3A_126 : vector<16xi32>
          %reduce_max3A_130 = vector.extract %reduce_max3A_129[15] : i32 from vector<16xi32>
          scf.yield %reduce_max3A_130 : i32
        }
        %while3A_115 = arith.constant 1 : i32
        %while3A_116 = scf.while (%while3A_119 = %while3A_115) : (i32) -> i32 {
          %gt3A_120 = arith.constant 0 : i32
          %gt3A_121 = arith.cmpi sgt, %while3A_119, %gt3A_120 : i32
          scf.condition(%gt3A_121) %while3A_119 : i32
        } do {
        ^bb0(%while3A_119: i32):
          %gather3A = tpu.vector_load_idx %arg13[%scan3A_61#2] : memref<10000xf32, #tpu.memory_space<vmem>>[vector<16xi32>], vector<16xf32>,
          %gt3A_120 = arith.cmpf ogt, %scan3A_61#9, %gather3A : vector<16xf32>
          tpu.vector_store_idx %arg13[%scan3A_61#2], %scan3A_61#9 masked %gt3A_120 : memref<10000xf32, #tpu.memory_space<vmem>>[vector<16xi32>], vector<16xf32>, vector<16xi1>
          %gather3A_121 = tpu.vector_load_idx %arg13[%scan3A_61#2] : memref<10000xf32, #tpu.memory_space<vmem>>[vector<16xi32>], vector<16xf32>,
          %gt3A_122 = arith.cmpf ogt, %scan3A_61#9, %gather3A_121 : vector<16xf32>
          %convert_element_type3A_123 = arith.extui %gt3A_122 : vector<16xi1> to vector<16xi32>
          %reduce_max3A = arith.constant true
          %reduce_max3A_124 = vector.broadcast %reduce_max3A : i1 to vector<16xi1>
          %reduce_max3A_125 = arith.constant -2147483648 : i32
          %reduce_max3A_126 = vector.broadcast %reduce_max3A_125 : i32 to vector<16xi32>
          %reduce_max3A_127 = arith.xori %convert_element_type3A_123, %reduce_max3A_126 : vector<16xi32>
          %reduce_max3A_128 = tpu.scan <max>, %reduce_max3A_127 masked %reduce_max3A_124 : vector<16xi32>, vector<16xi1> -> vector<16xi32>
          %reduce_max3A_129 = arith.xori %reduce_max3A_128, %reduce_max3A_126 : vector<16xi32>
          %reduce_max3A_130 = vector.extract %reduce_max3A_129[15] : i32 from vector<16xi32>
          scf.yield %reduce_max3A_130 : i32
        }
        %while3A_117 = arith.constant 1 : i32
        %while3A_118 = scf.while (%while3A_119 = %while3A_117) : (i32) -> i32 {
          %gt3A_120 = arith.constant 0 : i32
          %gt3A_121 = arith.cmpi sgt, %while3A_119, %gt3A_120 : i32
          scf.condition(%gt3A_121) %while3A_119 : i32
        } do {
        ^bb0(%while3A_119: i32):
          %gather3A = tpu.vector_load_idx %arg14[%scan3A_61#2] : memref<10000xf32, #tpu.memory_space<vmem>>[vector<16xi32>], vector<16xf32>,
          %gt3A_120 = arith.cmpf ogt, %scan3A_61#10, %gather3A : vector<16xf32>
          tpu.vector_store_idx %arg14[%scan3A_61#2], %scan3A_61#10 masked %gt3A_120 : memref<10000xf32, #tpu.memory_space<vmem>>[vector<16xi32>], vector<16xf32>, vector<16xi1>
          %gather3A_121 = tpu.vector_load_idx %arg14[%scan3A_61#2] : memref<10000xf32, #tpu.memory_space<vmem>>[vector<16xi32>], vector<16xf32>,
          %gt3A_122 = arith.cmpf ogt, %scan3A_61#10, %gather3A_121 : vector<16xf32>
          %convert_element_type3A_123 = arith.extui %gt3A_122 : vector<16xi1> to vector<16xi32>
          %reduce_max3A = arith.constant true
          %reduce_max3A_124 = vector.broadcast %reduce_max3A : i1 to vector<16xi1>
          %reduce_max3A_125 = arith.constant -2147483648 : i32
          %reduce_max3A_126 = vector.broadcast %reduce_max3A_125 : i32 to vector<16xi32>
          %reduce_max3A_127 = arith.xori %convert_element_type3A_123, %reduce_max3A_126 : vector<16xi32>
          %reduce_max3A_128 = tpu.scan <max>, %reduce_max3A_127 masked %reduce_max3A_124 : vector<16xi32>, vector<16xi1> -> vector<16xi32>
          %reduce_max3A_129 = arith.xori %reduce_max3A_128, %reduce_max3A_126 : vector<16xi32>
          %reduce_max3A_130 = vector.extract %reduce_max3A_129[15] : i32 from vector<16xi32>
          scf.yield %reduce_max3A_130 : i32
        }
      } else {
      }
      %add3A_65 = arith.constant 2 : i32
      %add3A_66 = arith.addi %add3A_47, %add3A_65 : i32
      %lt3A = arith.constant 200 : i32
      %lt3A_67 = arith.cmpi slt, %add3A_66, %lt3A : i32
      %convert_element_type3A_68 = arith.extui %lt3A_67 : i1 to i32
      %cond3A_69 = arith.constant 0 : i32
      %cond3A_70 = arith.cmpi ne, %convert_element_type3A_68, %cond3A_69 : i32
      scf.if %cond3A_70 {
        %add3A_104 = arith.constant 2 : i32
        %add3A_105 = arith.addi %add3A_47, %add3A_104 : i32
        %mul3A_106 = arith.constant 1600 : i32
        %mul3A_107 = arith.muli %add3A_105, %mul3A_106 : i32
        %dma_start3A_108 = tpu.memref_slice %arg3[%mul3A_107] : memref<320000xi32, #tpu.memory_space<hbm>> -> memref<1600xi32, #tpu.memory_space<hbm>>
        %dma_start3A_109 = tpu.memref_slice %arg3[%mul3A_107] : memref<320000xi32, #tpu.memory_space<hbm>> -> memref<1600xi32, #tpu.memory_space<hbm>>
        tpu.enqueue_dma source(%dma_start3A_109 : memref<1600xi32, #tpu.memory_space<hbm>>) target(%arg15 : memref<1600xi32, #tpu.memory_space<vmem>>) target_semaphore(%arg19 : memref<!tpu.dma_semaphore, #tpu.memory_space<semaphore_mem>>)
        %dma_start3A_110 = tpu.memref_slice %arg4[%mul3A_107] : memref<320000xf32, #tpu.memory_space<hbm>> -> memref<1600xf32, #tpu.memory_space<hbm>>
        %dma_start3A_111 = tpu.memref_slice %arg4[%mul3A_107] : memref<320000xf32, #tpu.memory_space<hbm>> -> memref<1600xf32, #tpu.memory_space<hbm>>
        tpu.enqueue_dma source(%dma_start3A_111 : memref<1600xf32, #tpu.memory_space<hbm>>) target(%arg17 : memref<1600xf32, #tpu.memory_space<vmem>>) target_semaphore(%arg19 : memref<!tpu.dma_semaphore, #tpu.memory_space<semaphore_mem>>)
      } else {
      }
      %mul3A_71 = arith.constant 2 : i32
      %mul3A_72 = arith.muli %mul3A_71, %scan3A_43 : i32
      %add3A_73 = arith.constant 1 : i32
      %add3A_74 = arith.addi %mul3A_72, %add3A_73 : i32
      %mul3A_75 = arith.constant 1600 : i32
      %mul3A_76 = arith.muli %add3A_74, %mul3A_75 : i32
      %dma_wait3A_77 = tpu.memref_slice %arg3[%mul3A_76] : memref<320000xi32, #tpu.memory_space<hbm>> -> memref<1600xi32, #tpu.memory_space<hbm>>
      %dma_wait3A_78 = tpu.memref_slice %arg3[%mul3A_76] : memref<320000xi32, #tpu.memory_space<hbm>> -> memref<1600xi32, #tpu.memory_space<hbm>>
      tpu.wait_dma2 semaphore(%arg20 : memref<!tpu.dma_semaphore, #tpu.memory_space<semaphore_mem>>) src(%dma_wait3A_78 : memref<1600xi32, #tpu.memory_space<hbm>>) dst(%arg16 : memref<1600xi32, #tpu.memory_space<vmem>>)
      %dma_wait3A_79 = tpu.memref_slice %arg4[%mul3A_76] : memref<320000xf32, #tpu.memory_space<hbm>> -> memref<1600xf32, #tpu.memory_space<hbm>>
      %dma_wait3A_80 = tpu.memref_slice %arg4[%mul3A_76] : memref<320000xf32, #tpu.memory_space<hbm>> -> memref<1600xf32, #tpu.memory_space<hbm>>
      tpu.wait_dma2 semaphore(%arg20 : memref<!tpu.dma_semaphore, #tpu.memory_space<semaphore_mem>>) src(%dma_wait3A_80 : memref<1600xf32, #tpu.memory_space<hbm>>) dst(%arg18 : memref<1600xf32, #tpu.memory_space<vmem>>)
      %broadcast_in_dim3A_81 = arith.constant 0.000000e+00 : f32
      %broadcast_in_dim3A_82 = vector.broadcast %broadcast_in_dim3A_81 : f32 to vector<16xf32>
      %broadcast_in_dim3A_83 = arith.constant 0 : i32
      %broadcast_in_dim3A_84 = vector.broadcast %broadcast_in_dim3A_83 : i32 to vector<16xi32>
      %scan3A_85 = arith.constant 0 : i32
      %scan3A_86 = arith.constant 0 : i32
      %scan3A_87 = arith.constant 50 : i32
      %scan3A_88 = arith.addi %scan3A_86, %scan3A_87 : i32
      %scan3A_89 = arith.constant 1 : i32
      %scan3A_90:11 = scf.for %scan3A_104 = %scan3A_86 to %scan3A_88 step %scan3A_89 iter_args(%scan3A_105 = %scan3A_85, %scan3A_106 = %broadcast_in_dim3A_84, %scan3A_107 = %broadcast_in_dim3A_84, %scan3A_108 = %broadcast_in_dim3A_82, %scan3A_109 = %broadcast_in_dim3A_82, %scan3A_110 = %broadcast_in_dim3A_82, %scan3A_111 = %broadcast_in_dim3A_82, %scan3A_112 = %broadcast_in_dim3A_82, %scan3A_113 = %broadcast_in_dim3A_82, %scan3A_114 = %broadcast_in_dim3A_82, %scan3A_115 = %broadcast_in_dim3A_82) -> (i32, vector<16xi32>, vector<16xi32>, vector<16xf32>, vector<16xf32>, vector<16xf32>, vector<16xf32>, vector<16xf32>, vector<16xf32>, vector<16xf32>, vector<16xf32>)  : i32 {
        %mul3A_116 = arith.constant 32 : i32
        %mul3A_117 = arith.muli %scan3A_104, %mul3A_116 : i32
        %get3A = arith.index_cast %mul3A_117 : i32 to index
        %get3A_118 = tpu.vector_load %arg16[%get3A] {strides = array<i32>} : memref<1600xi32, #tpu.memory_space<vmem>>, vector<16xi32>,
        %get3A_119 = arith.index_cast %mul3A_117 : i32 to index
        %get3A_120 = tpu.vector_load %arg18[%get3A_119] {strides = array<i32>} : memref<1600xf32, #tpu.memory_space<vmem>>, vector<16xf32>,
        %add3A_121 = arith.constant 16 : i32
        %add3A_122 = arith.addi %mul3A_117, %add3A_121 : i32
        %get3A_123 = arith.index_cast %add3A_122 : i32 to index
        %get3A_124 = tpu.vector_load %arg16[%get3A_123] {strides = array<i32>} : memref<1600xi32, #tpu.memory_space<vmem>>, vector<16xi32>,
        %add3A_125 = arith.constant 16 : i32
        %add3A_126 = arith.addi %mul3A_117, %add3A_125 : i32
        %get3A_127 = arith.index_cast %add3A_126 : i32 to index
        %get3A_128 = tpu.vector_load %arg18[%get3A_127] {strides = array<i32>} : memref<1600xf32, #tpu.memory_space<vmem>>, vector<16xf32>,
        %and3A = arith.constant 16383 : i32
        %and3A_129 = vector.broadcast %and3A : i32 to vector<16xi32>
        %and3A_130 = arith.andi %get3A_118, %and3A_129 : vector<16xi32>
        %shift_right_logical3A = arith.constant 14 : i32
        %shift_right_logical3A_131 = vector.broadcast %shift_right_logical3A : i32 to vector<16xi32>
        %shift_right_logical3A_132 = arith.shrui %get3A_118, %shift_right_logical3A_131 : vector<16xi32>
        %add3A_133 = arith.constant 0 : i32
        %add3A_134 = vector.broadcast %add3A_133 : i32 to vector<16xi32>
        %add3A_135 = arith.addi %and3A_130, %add3A_134 : vector<16xi32>
        %gather3A = tpu.vector_load_idx %arg6[%add3A_135] : memref<40000xf32, #tpu.memory_space<vmem>>[vector<16xi32>], vector<16xf32>,
        %mul3A_136 = arith.mulf %gather3A, %get3A_120 : vector<16xf32>
        %add3A_137 = arith.constant 10000 : i32
        %add3A_138 = vector.broadcast %add3A_137 : i32 to vector<16xi32>
        %add3A_139 = arith.addi %and3A_130, %add3A_138 : vector<16xi32>
        %gather3A_140 = tpu.vector_load_idx %arg6[%add3A_139] : memref<40000xf32, #tpu.memory_space<vmem>>[vector<16xi32>], vector<16xf32>,
        %mul3A_141 = arith.mulf %gather3A_140, %get3A_120 : vector<16xf32>
        %add3A_142 = arith.constant 20000 : i32
        %add3A_143 = vector.broadcast %add3A_142 : i32 to vector<16xi32>
        %add3A_144 = arith.addi %and3A_130, %add3A_143 : vector<16xi32>
        %gather3A_145 = tpu.vector_load_idx %arg6[%add3A_144] : memref<40000xf32, #tpu.memory_space<vmem>>[vector<16xi32>], vector<16xf32>,
        %mul3A_146 = arith.mulf %gather3A_145, %get3A_120 : vector<16xf32>
        %add3A_147 = arith.constant 30000 : i32
        %add3A_148 = vector.broadcast %add3A_147 : i32 to vector<16xi32>
        %add3A_149 = arith.addi %and3A_130, %add3A_148 : vector<16xi32>
        %gather3A_150 = tpu.vector_load_idx %arg6[%add3A_149] : memref<40000xf32, #tpu.memory_space<vmem>>[vector<16xi32>], vector<16xf32>,
        %mul3A_151 = arith.mulf %gather3A_150, %get3A_120 : vector<16xf32>
        %broadcast_in_dim3A_152 = arith.constant true
        %broadcast_in_dim3A_153 = vector.broadcast %broadcast_in_dim3A_152 : i1 to vector<16xi1>
        %unique3A, %unique3A_154 = tpu.scan_count mask(%broadcast_in_dim3A_153 : vector<16xi1>) value(%shift_right_logical3A_132 : vector<16xi32>) : vector<16xi1>, vector<16xi32>
        %reduce_max3A = arith.constant true
        %reduce_max3A_155 = vector.broadcast %reduce_max3A : i1 to vector<16xi1>
        %reduce_max3A_156 = arith.constant -2147483648 : i32
        %reduce_max3A_157 = vector.broadcast %reduce_max3A_156 : i32 to vector<16xi32>
        %reduce_max3A_158 = arith.xori %unique3A_154, %reduce_max3A_157 : vector<16xi32>
        %reduce_max3A_159 = tpu.scan <max>, %reduce_max3A_158 masked %reduce_max3A_155 : vector<16xi32>, vector<16xi1> -> vector<16xi32>
        %reduce_max3A_160 = arith.xori %reduce_max3A_159, %reduce_max3A_157 : vector<16xi32>
        %reduce_max3A_161 = vector.extract %reduce_max3A_160[15] : i32 from vector<16xi32>
        %reduce_min3A = arith.constant true
        %reduce_min3A_162 = vector.broadcast %reduce_min3A : i1 to vector<16xi1>
        %reduce_min3A_163 = arith.constant -2147483648 : i32
        %reduce_min3A_164 = vector.broadcast %reduce_min3A_163 : i32 to vector<16xi32>
        %reduce_min3A_165 = arith.xori %unique3A_154, %reduce_min3A_164 : vector<16xi32>
        %reduce_min3A_166 = tpu.scan <min>, %reduce_min3A_165 masked %reduce_min3A_162 : vector<16xi32>, vector<16xi1> -> vector<16xi32>
        %reduce_min3A_167 = arith.xori %reduce_min3A_166, %reduce_min3A_164 : vector<16xi32>
        %reduce_min3A_168 = vector.extract %reduce_min3A_167[15] : i32 from vector<16xi32>
        %sub3A = arith.subi %reduce_max3A_161, %reduce_min3A_168 : i32
        %gather3A_169 = tpu.vector_load_idx %arg7[%shift_right_logical3A_132] : memref<10000xf32, #tpu.memory_space<vmem>>[vector<16xi32>], vector<16xf32>,
        %max3A = arith.maximumf %gather3A_169, %mul3A_136 : vector<16xf32>
        tpu.vector_store_idx %arg7[%shift_right_logical3A_132], %max3A : memref<10000xf32, #tpu.memory_space<vmem>>[vector<16xi32>], vector<16xf32>,
        %gather3A_170 = tpu.vector_load_idx %arg8[%shift_right_logical3A_132] : memref<10000xf32, #tpu.memory_space<vmem>>[vector<16xi32>], vector<16xf32>,
        %max3A_171 = arith.maximumf %gather3A_170, %mul3A_141 : vector<16xf32>
        tpu.vector_store_idx %arg8[%shift_right_logical3A_132], %max3A_171 : memref<10000xf32, #tpu.memory_space<vmem>>[vector<16xi32>], vector<16xf32>,
        %gather3A_172 = tpu.vector_load_idx %arg9[%shift_right_logical3A_132] : memref<10000xf32, #tpu.memory_space<vmem>>[vector<16xi32>], vector<16xf32>,
        %max3A_173 = arith.maximumf %gather3A_172, %mul3A_146 : vector<16xf32>
        tpu.vector_store_idx %arg9[%shift_right_logical3A_132], %max3A_173 : memref<10000xf32, #tpu.memory_space<vmem>>[vector<16xi32>], vector<16xf32>,
        %gather3A_174 = tpu.vector_load_idx %arg10[%shift_right_logical3A_132] : memref<10000xf32, #tpu.memory_space<vmem>>[vector<16xi32>], vector<16xf32>,
        %max3A_175 = arith.maximumf %gather3A_174, %mul3A_151 : vector<16xf32>
        tpu.vector_store_idx %arg10[%shift_right_logical3A_132], %max3A_175 : memref<10000xf32, #tpu.memory_space<vmem>>[vector<16xi32>], vector<16xf32>,
        %and3A_176 = arith.constant 16383 : i32
        %and3A_177 = vector.broadcast %and3A_176 : i32 to vector<16xi32>
        %and3A_178 = arith.andi %get3A_124, %and3A_177 : vector<16xi32>
        %shift_right_logical3A_179 = arith.constant 14 : i32
        %shift_right_logical3A_180 = vector.broadcast %shift_right_logical3A_179 : i32 to vector<16xi32>
        %shift_right_logical3A_181 = arith.shrui %get3A_124, %shift_right_logical3A_180 : vector<16xi32>
        %add3A_182 = arith.constant 0 : i32
        %add3A_183 = vector.broadcast %add3A_182 : i32 to vector<16xi32>
        %add3A_184 = arith.addi %and3A_178, %add3A_183 : vector<16xi32>
        %gather3A_185 = tpu.vector_load_idx %arg6[%add3A_184] : memref<40000xf32, #tpu.memory_space<vmem>>[vector<16xi32>], vector<16xf32>,
        %mul3A_186 = arith.mulf %gather3A_185, %get3A_128 : vector<16xf32>
        %add3A_187 = arith.constant 10000 : i32
        %add3A_188 = vector.broadcast %add3A_187 : i32 to vector<16xi32>
        %add3A_189 = arith.addi %and3A_178, %add3A_188 : vector<16xi32>
        %gather3A_190 = tpu.vector_load_idx %arg6[%add3A_189] : memref<40000xf32, #tpu.memory_space<vmem>>[vector<16xi32>], vector<16xf32>,
        %mul3A_191 = arith.mulf %gather3A_190, %get3A_128 : vector<16xf32>
        %add3A_192 = arith.constant 20000 : i32
        %add3A_193 = vector.broadcast %add3A_192 : i32 to vector<16xi32>
        %add3A_194 = arith.addi %and3A_178, %add3A_193 : vector<16xi32>
        %gather3A_195 = tpu.vector_load_idx %arg6[%add3A_194] : memref<40000xf32, #tpu.memory_space<vmem>>[vector<16xi32>], vector<16xf32>,
        %mul3A_196 = arith.mulf %gather3A_195, %get3A_128 : vector<16xf32>
        %add3A_197 = arith.constant 30000 : i32
        %add3A_198 = vector.broadcast %add3A_197 : i32 to vector<16xi32>
        %add3A_199 = arith.addi %and3A_178, %add3A_198 : vector<16xi32>
        %gather3A_200 = tpu.vector_load_idx %arg6[%add3A_199] : memref<40000xf32, #tpu.memory_space<vmem>>[vector<16xi32>], vector<16xf32>,
        %mul3A_201 = arith.mulf %gather3A_200, %get3A_128 : vector<16xf32>
        %broadcast_in_dim3A_202 = arith.constant true
        %broadcast_in_dim3A_203 = vector.broadcast %broadcast_in_dim3A_202 : i1 to vector<16xi1>
        %unique3A_204, %unique3A_205 = tpu.scan_count mask(%broadcast_in_dim3A_203 : vector<16xi1>) value(%shift_right_logical3A_181 : vector<16xi32>) : vector<16xi1>, vector<16xi32>
        %reduce_max3A_206 = arith.constant true
        %reduce_max3A_207 = vector.broadcast %reduce_max3A_206 : i1 to vector<16xi1>
        %reduce_max3A_208 = arith.constant -2147483648 : i32
        %reduce_max3A_209 = vector.broadcast %reduce_max3A_208 : i32 to vector<16xi32>
        %reduce_max3A_210 = arith.xori %unique3A_205, %reduce_max3A_209 : vector<16xi32>
        %reduce_max3A_211 = tpu.scan <max>, %reduce_max3A_210 masked %reduce_max3A_207 : vector<16xi32>, vector<16xi1> -> vector<16xi32>
        %reduce_max3A_212 = arith.xori %reduce_max3A_211, %reduce_max3A_209 : vector<16xi32>
        %reduce_max3A_213 = vector.extract %reduce_max3A_212[15] : i32 from vector<16xi32>
        %reduce_min3A_214 = arith.constant true
        %reduce_min3A_215 = vector.broadcast %reduce_min3A_214 : i1 to vector<16xi1>
        %reduce_min3A_216 = arith.constant -2147483648 : i32
        %reduce_min3A_217 = vector.broadcast %reduce_min3A_216 : i32 to vector<16xi32>
        %reduce_min3A_218 = arith.xori %unique3A_205, %reduce_min3A_217 : vector<16xi32>
        %reduce_min3A_219 = tpu.scan <min>, %reduce_min3A_218 masked %reduce_min3A_215 : vector<16xi32>, vector<16xi1> -> vector<16xi32>
        %reduce_min3A_220 = arith.xori %reduce_min3A_219, %reduce_min3A_217 : vector<16xi32>
        %reduce_min3A_221 = vector.extract %reduce_min3A_220[15] : i32 from vector<16xi32>
        %sub3A_222 = arith.subi %reduce_max3A_213, %reduce_min3A_221 : i32
        %gather3A_223 = tpu.vector_load_idx %arg11[%shift_right_logical3A_181] : memref<10000xf32, #tpu.memory_space<vmem>>[vector<16xi32>], vector<16xf32>,
        %max3A_224 = arith.maximumf %gather3A_223, %mul3A_186 : vector<16xf32>
        tpu.vector_store_idx %arg11[%shift_right_logical3A_181], %max3A_224 : memref<10000xf32, #tpu.memory_space<vmem>>[vector<16xi32>], vector<16xf32>,
        %gather3A_225 = tpu.vector_load_idx %arg12[%shift_right_logical3A_181] : memref<10000xf32, #tpu.memory_space<vmem>>[vector<16xi32>], vector<16xf32>,
        %max3A_226 = arith.maximumf %gather3A_225, %mul3A_191 : vector<16xf32>
        tpu.vector_store_idx %arg12[%shift_right_logical3A_181], %max3A_226 : memref<10000xf32, #tpu.memory_space<vmem>>[vector<16xi32>], vector<16xf32>,
        %gather3A_227 = tpu.vector_load_idx %arg13[%shift_right_logical3A_181] : memref<10000xf32, #tpu.memory_space<vmem>>[vector<16xi32>], vector<16xf32>,
        %max3A_228 = arith.maximumf %gather3A_227, %mul3A_196 : vector<16xf32>
        tpu.vector_store_idx %arg13[%shift_right_logical3A_181], %max3A_228 : memref<10000xf32, #tpu.memory_space<vmem>>[vector<16xi32>], vector<16xf32>,
        %gather3A_229 = tpu.vector_load_idx %arg14[%shift_right_logical3A_181] : memref<10000xf32, #tpu.memory_space<vmem>>[vector<16xi32>], vector<16xf32>,
        %max3A_230 = arith.maximumf %gather3A_229, %mul3A_201 : vector<16xf32>
        tpu.vector_store_idx %arg14[%shift_right_logical3A_181], %max3A_230 : memref<10000xf32, #tpu.memory_space<vmem>>[vector<16xi32>], vector<16xf32>,
        %gt3A_231 = arith.constant 0 : i32
        %gt3A_232 = arith.cmpi sgt, %scan3A_105, %gt3A_231 : i32
        %convert_element_type3A_233 = arith.extui %gt3A_232 : i1 to i32
        %cond3A_234 = arith.constant 0 : i32
        %cond3A_235 = arith.cmpi ne, %convert_element_type3A_233, %cond3A_234 : i32
        scf.if %cond3A_235 {
          %while3A = arith.constant 1 : i32
          %while3A_237 = scf.while (%while3A_252 = %while3A) : (i32) -> i32 {
            %gt3A_253 = arith.constant 0 : i32
            %gt3A_254 = arith.cmpi sgt, %while3A_252, %gt3A_253 : i32
            scf.condition(%gt3A_254) %while3A_252 : i32
          } do {
          ^bb0(%while3A_252: i32):
            %gather3A_253 = tpu.vector_load_idx %arg7[%scan3A_106] : memref<10000xf32, #tpu.memory_space<vmem>>[vector<16xi32>], vector<16xf32>,
            %gt3A_254 = arith.cmpf ogt, %scan3A_108, %gather3A_253 : vector<16xf32>
            tpu.vector_store_idx %arg7[%scan3A_106], %scan3A_108 masked %gt3A_254 : memref<10000xf32, #tpu.memory_space<vmem>>[vector<16xi32>], vector<16xf32>, vector<16xi1>
            %gather3A_255 = tpu.vector_load_idx %arg7[%scan3A_106] : memref<10000xf32, #tpu.memory_space<vmem>>[vector<16xi32>], vector<16xf32>,
            %gt3A_256 = arith.cmpf ogt, %scan3A_108, %gather3A_255 : vector<16xf32>
            %convert_element_type3A_257 = arith.extui %gt3A_256 : vector<16xi1> to vector<16xi32>
            %reduce_max3A_258 = arith.constant true
            %reduce_max3A_259 = vector.broadcast %reduce_max3A_258 : i1 to vector<16xi1>
            %reduce_max3A_260 = arith.constant -2147483648 : i32
            %reduce_max3A_261 = vector.broadcast %reduce_max3A_260 : i32 to vector<16xi32>
            %reduce_max3A_262 = arith.xori %convert_element_type3A_257, %reduce_max3A_261 : vector<16xi32>
            %reduce_max3A_263 = tpu.scan <max>, %reduce_max3A_262 masked %reduce_max3A_259 : vector<16xi32>, vector<16xi1> -> vector<16xi32>
            %reduce_max3A_264 = arith.xori %reduce_max3A_263, %reduce_max3A_261 : vector<16xi32>
            %reduce_max3A_265 = vector.extract %reduce_max3A_264[15] : i32 from vector<16xi32>
            scf.yield %reduce_max3A_265 : i32
          }
          %while3A_238 = arith.constant 1 : i32
          %while3A_239 = scf.while (%while3A_252 = %while3A_238) : (i32) -> i32 {
            %gt3A_253 = arith.constant 0 : i32
            %gt3A_254 = arith.cmpi sgt, %while3A_252, %gt3A_253 : i32
            scf.condition(%gt3A_254) %while3A_252 : i32
          } do {
          ^bb0(%while3A_252: i32):
            %gather3A_253 = tpu.vector_load_idx %arg8[%scan3A_106] : memref<10000xf32, #tpu.memory_space<vmem>>[vector<16xi32>], vector<16xf32>,
            %gt3A_254 = arith.cmpf ogt, %scan3A_109, %gather3A_253 : vector<16xf32>
            tpu.vector_store_idx %arg8[%scan3A_106], %scan3A_109 masked %gt3A_254 : memref<10000xf32, #tpu.memory_space<vmem>>[vector<16xi32>], vector<16xf32>, vector<16xi1>
            %gather3A_255 = tpu.vector_load_idx %arg8[%scan3A_106] : memref<10000xf32, #tpu.memory_space<vmem>>[vector<16xi32>], vector<16xf32>,
            %gt3A_256 = arith.cmpf ogt, %scan3A_109, %gather3A_255 : vector<16xf32>
            %convert_element_type3A_257 = arith.extui %gt3A_256 : vector<16xi1> to vector<16xi32>
            %reduce_max3A_258 = arith.constant true
            %reduce_max3A_259 = vector.broadcast %reduce_max3A_258 : i1 to vector<16xi1>
            %reduce_max3A_260 = arith.constant -2147483648 : i32
            %reduce_max3A_261 = vector.broadcast %reduce_max3A_260 : i32 to vector<16xi32>
            %reduce_max3A_262 = arith.xori %convert_element_type3A_257, %reduce_max3A_261 : vector<16xi32>
            %reduce_max3A_263 = tpu.scan <max>, %reduce_max3A_262 masked %reduce_max3A_259 : vector<16xi32>, vector<16xi1> -> vector<16xi32>
            %reduce_max3A_264 = arith.xori %reduce_max3A_263, %reduce_max3A_261 : vector<16xi32>
            %reduce_max3A_265 = vector.extract %reduce_max3A_264[15] : i32 from vector<16xi32>
            scf.yield %reduce_max3A_265 : i32
          }
          %while3A_240 = arith.constant 1 : i32
          %while3A_241 = scf.while (%while3A_252 = %while3A_240) : (i32) -> i32 {
            %gt3A_253 = arith.constant 0 : i32
            %gt3A_254 = arith.cmpi sgt, %while3A_252, %gt3A_253 : i32
            scf.condition(%gt3A_254) %while3A_252 : i32
          } do {
          ^bb0(%while3A_252: i32):
            %gather3A_253 = tpu.vector_load_idx %arg9[%scan3A_106] : memref<10000xf32, #tpu.memory_space<vmem>>[vector<16xi32>], vector<16xf32>,
            %gt3A_254 = arith.cmpf ogt, %scan3A_110, %gather3A_253 : vector<16xf32>
            tpu.vector_store_idx %arg9[%scan3A_106], %scan3A_110 masked %gt3A_254 : memref<10000xf32, #tpu.memory_space<vmem>>[vector<16xi32>], vector<16xf32>, vector<16xi1>
            %gather3A_255 = tpu.vector_load_idx %arg9[%scan3A_106] : memref<10000xf32, #tpu.memory_space<vmem>>[vector<16xi32>], vector<16xf32>,
            %gt3A_256 = arith.cmpf ogt, %scan3A_110, %gather3A_255 : vector<16xf32>
            %convert_element_type3A_257 = arith.extui %gt3A_256 : vector<16xi1> to vector<16xi32>
            %reduce_max3A_258 = arith.constant true
            %reduce_max3A_259 = vector.broadcast %reduce_max3A_258 : i1 to vector<16xi1>
            %reduce_max3A_260 = arith.constant -2147483648 : i32
            %reduce_max3A_261 = vector.broadcast %reduce_max3A_260 : i32 to vector<16xi32>
            %reduce_max3A_262 = arith.xori %convert_element_type3A_257, %reduce_max3A_261 : vector<16xi32>
            %reduce_max3A_263 = tpu.scan <max>, %reduce_max3A_262 masked %reduce_max3A_259 : vector<16xi32>, vector<16xi1> -> vector<16xi32>
            %reduce_max3A_264 = arith.xori %reduce_max3A_263, %reduce_max3A_261 : vector<16xi32>
            %reduce_max3A_265 = vector.extract %reduce_max3A_264[15] : i32 from vector<16xi32>
            scf.yield %reduce_max3A_265 : i32
          }
          %while3A_242 = arith.constant 1 : i32
          %while3A_243 = scf.while (%while3A_252 = %while3A_242) : (i32) -> i32 {
            %gt3A_253 = arith.constant 0 : i32
            %gt3A_254 = arith.cmpi sgt, %while3A_252, %gt3A_253 : i32
            scf.condition(%gt3A_254) %while3A_252 : i32
          } do {
          ^bb0(%while3A_252: i32):
            %gather3A_253 = tpu.vector_load_idx %arg10[%scan3A_106] : memref<10000xf32, #tpu.memory_space<vmem>>[vector<16xi32>], vector<16xf32>,
            %gt3A_254 = arith.cmpf ogt, %scan3A_111, %gather3A_253 : vector<16xf32>
            tpu.vector_store_idx %arg10[%scan3A_106], %scan3A_111 masked %gt3A_254 : memref<10000xf32, #tpu.memory_space<vmem>>[vector<16xi32>], vector<16xf32>, vector<16xi1>
            %gather3A_255 = tpu.vector_load_idx %arg10[%scan3A_106] : memref<10000xf32, #tpu.memory_space<vmem>>[vector<16xi32>], vector<16xf32>,
            %gt3A_256 = arith.cmpf ogt, %scan3A_111, %gather3A_255 : vector<16xf32>
            %convert_element_type3A_257 = arith.extui %gt3A_256 : vector<16xi1> to vector<16xi32>
            %reduce_max3A_258 = arith.constant true
            %reduce_max3A_259 = vector.broadcast %reduce_max3A_258 : i1 to vector<16xi1>
            %reduce_max3A_260 = arith.constant -2147483648 : i32
            %reduce_max3A_261 = vector.broadcast %reduce_max3A_260 : i32 to vector<16xi32>
            %reduce_max3A_262 = arith.xori %convert_element_type3A_257, %reduce_max3A_261 : vector<16xi32>
            %reduce_max3A_263 = tpu.scan <max>, %reduce_max3A_262 masked %reduce_max3A_259 : vector<16xi32>, vector<16xi1> -> vector<16xi32>
            %reduce_max3A_264 = arith.xori %reduce_max3A_263, %reduce_max3A_261 : vector<16xi32>
            %reduce_max3A_265 = vector.extract %reduce_max3A_264[15] : i32 from vector<16xi32>
            scf.yield %reduce_max3A_265 : i32
          }
          %while3A_244 = arith.constant 1 : i32
          %while3A_245 = scf.while (%while3A_252 = %while3A_244) : (i32) -> i32 {
            %gt3A_253 = arith.constant 0 : i32
            %gt3A_254 = arith.cmpi sgt, %while3A_252, %gt3A_253 : i32
            scf.condition(%gt3A_254) %while3A_252 : i32
          } do {
          ^bb0(%while3A_252: i32):
            %gather3A_253 = tpu.vector_load_idx %arg11[%scan3A_107] : memref<10000xf32, #tpu.memory_space<vmem>>[vector<16xi32>], vector<16xf32>,
            %gt3A_254 = arith.cmpf ogt, %scan3A_112, %gather3A_253 : vector<16xf32>
            tpu.vector_store_idx %arg11[%scan3A_107], %scan3A_112 masked %gt3A_254 : memref<10000xf32, #tpu.memory_space<vmem>>[vector<16xi32>], vector<16xf32>, vector<16xi1>
            %gather3A_255 = tpu.vector_load_idx %arg11[%scan3A_107] : memref<10000xf32, #tpu.memory_space<vmem>>[vector<16xi32>], vector<16xf32>,
            %gt3A_256 = arith.cmpf ogt, %scan3A_112, %gather3A_255 : vector<16xf32>
            %convert_element_type3A_257 = arith.extui %gt3A_256 : vector<16xi1> to vector<16xi32>
            %reduce_max3A_258 = arith.constant true
            %reduce_max3A_259 = vector.broadcast %reduce_max3A_258 : i1 to vector<16xi1>
            %reduce_max3A_260 = arith.constant -2147483648 : i32
            %reduce_max3A_261 = vector.broadcast %reduce_max3A_260 : i32 to vector<16xi32>
            %reduce_max3A_262 = arith.xori %convert_element_type3A_257, %reduce_max3A_261 : vector<16xi32>
            %reduce_max3A_263 = tpu.scan <max>, %reduce_max3A_262 masked %reduce_max3A_259 : vector<16xi32>, vector<16xi1> -> vector<16xi32>
            %reduce_max3A_264 = arith.xori %reduce_max3A_263, %reduce_max3A_261 : vector<16xi32>
            %reduce_max3A_265 = vector.extract %reduce_max3A_264[15] : i32 from vector<16xi32>
            scf.yield %reduce_max3A_265 : i32
          }
          %while3A_246 = arith.constant 1 : i32
          %while3A_247 = scf.while (%while3A_252 = %while3A_246) : (i32) -> i32 {
            %gt3A_253 = arith.constant 0 : i32
            %gt3A_254 = arith.cmpi sgt, %while3A_252, %gt3A_253 : i32
            scf.condition(%gt3A_254) %while3A_252 : i32
          } do {
          ^bb0(%while3A_252: i32):
            %gather3A_253 = tpu.vector_load_idx %arg12[%scan3A_107] : memref<10000xf32, #tpu.memory_space<vmem>>[vector<16xi32>], vector<16xf32>,
            %gt3A_254 = arith.cmpf ogt, %scan3A_113, %gather3A_253 : vector<16xf32>
            tpu.vector_store_idx %arg12[%scan3A_107], %scan3A_113 masked %gt3A_254 : memref<10000xf32, #tpu.memory_space<vmem>>[vector<16xi32>], vector<16xf32>, vector<16xi1>
            %gather3A_255 = tpu.vector_load_idx %arg12[%scan3A_107] : memref<10000xf32, #tpu.memory_space<vmem>>[vector<16xi32>], vector<16xf32>,
            %gt3A_256 = arith.cmpf ogt, %scan3A_113, %gather3A_255 : vector<16xf32>
            %convert_element_type3A_257 = arith.extui %gt3A_256 : vector<16xi1> to vector<16xi32>
            %reduce_max3A_258 = arith.constant true
            %reduce_max3A_259 = vector.broadcast %reduce_max3A_258 : i1 to vector<16xi1>
            %reduce_max3A_260 = arith.constant -2147483648 : i32
            %reduce_max3A_261 = vector.broadcast %reduce_max3A_260 : i32 to vector<16xi32>
            %reduce_max3A_262 = arith.xori %convert_element_type3A_257, %reduce_max3A_261 : vector<16xi32>
            %reduce_max3A_263 = tpu.scan <max>, %reduce_max3A_262 masked %reduce_max3A_259 : vector<16xi32>, vector<16xi1> -> vector<16xi32>
            %reduce_max3A_264 = arith.xori %reduce_max3A_263, %reduce_max3A_261 : vector<16xi32>
            %reduce_max3A_265 = vector.extract %reduce_max3A_264[15] : i32 from vector<16xi32>
            scf.yield %reduce_max3A_265 : i32
          }
          %while3A_248 = arith.constant 1 : i32
          %while3A_249 = scf.while (%while3A_252 = %while3A_248) : (i32) -> i32 {
            %gt3A_253 = arith.constant 0 : i32
            %gt3A_254 = arith.cmpi sgt, %while3A_252, %gt3A_253 : i32
            scf.condition(%gt3A_254) %while3A_252 : i32
          } do {
          ^bb0(%while3A_252: i32):
            %gather3A_253 = tpu.vector_load_idx %arg13[%scan3A_107] : memref<10000xf32, #tpu.memory_space<vmem>>[vector<16xi32>], vector<16xf32>,
            %gt3A_254 = arith.cmpf ogt, %scan3A_114, %gather3A_253 : vector<16xf32>
            tpu.vector_store_idx %arg13[%scan3A_107], %scan3A_114 masked %gt3A_254 : memref<10000xf32, #tpu.memory_space<vmem>>[vector<16xi32>], vector<16xf32>, vector<16xi1>
            %gather3A_255 = tpu.vector_load_idx %arg13[%scan3A_107] : memref<10000xf32, #tpu.memory_space<vmem>>[vector<16xi32>], vector<16xf32>,
            %gt3A_256 = arith.cmpf ogt, %scan3A_114, %gather3A_255 : vector<16xf32>
            %convert_element_type3A_257 = arith.extui %gt3A_256 : vector<16xi1> to vector<16xi32>
            %reduce_max3A_258 = arith.constant true
            %reduce_max3A_259 = vector.broadcast %reduce_max3A_258 : i1 to vector<16xi1>
            %reduce_max3A_260 = arith.constant -2147483648 : i32
            %reduce_max3A_261 = vector.broadcast %reduce_max3A_260 : i32 to vector<16xi32>
            %reduce_max3A_262 = arith.xori %convert_element_type3A_257, %reduce_max3A_261 : vector<16xi32>
            %reduce_max3A_263 = tpu.scan <max>, %reduce_max3A_262 masked %reduce_max3A_259 : vector<16xi32>, vector<16xi1> -> vector<16xi32>
            %reduce_max3A_264 = arith.xori %reduce_max3A_263, %reduce_max3A_261 : vector<16xi32>
            %reduce_max3A_265 = vector.extract %reduce_max3A_264[15] : i32 from vector<16xi32>
            scf.yield %reduce_max3A_265 : i32
          }
          %while3A_250 = arith.constant 1 : i32
          %while3A_251 = scf.while (%while3A_252 = %while3A_250) : (i32) -> i32 {
            %gt3A_253 = arith.constant 0 : i32
            %gt3A_254 = arith.cmpi sgt, %while3A_252, %gt3A_253 : i32
            scf.condition(%gt3A_254) %while3A_252 : i32
          } do {
          ^bb0(%while3A_252: i32):
            %gather3A_253 = tpu.vector_load_idx %arg14[%scan3A_107] : memref<10000xf32, #tpu.memory_space<vmem>>[vector<16xi32>], vector<16xf32>,
            %gt3A_254 = arith.cmpf ogt, %scan3A_115, %gather3A_253 : vector<16xf32>
            tpu.vector_store_idx %arg14[%scan3A_107], %scan3A_115 masked %gt3A_254 : memref<10000xf32, #tpu.memory_space<vmem>>[vector<16xi32>], vector<16xf32>, vector<16xi1>
            %gather3A_255 = tpu.vector_load_idx %arg14[%scan3A_107] : memref<10000xf32, #tpu.memory_space<vmem>>[vector<16xi32>], vector<16xf32>,
            %gt3A_256 = arith.cmpf ogt, %scan3A_115, %gather3A_255 : vector<16xf32>
            %convert_element_type3A_257 = arith.extui %gt3A_256 : vector<16xi1> to vector<16xi32>
            %reduce_max3A_258 = arith.constant true
            %reduce_max3A_259 = vector.broadcast %reduce_max3A_258 : i1 to vector<16xi1>
            %reduce_max3A_260 = arith.constant -2147483648 : i32
            %reduce_max3A_261 = vector.broadcast %reduce_max3A_260 : i32 to vector<16xi32>
            %reduce_max3A_262 = arith.xori %convert_element_type3A_257, %reduce_max3A_261 : vector<16xi32>
            %reduce_max3A_263 = tpu.scan <max>, %reduce_max3A_262 masked %reduce_max3A_259 : vector<16xi32>, vector<16xi1> -> vector<16xi32>
            %reduce_max3A_264 = arith.xori %reduce_max3A_263, %reduce_max3A_261 : vector<16xi32>
            %reduce_max3A_265 = vector.extract %reduce_max3A_264[15] : i32 from vector<16xi32>
            scf.yield %reduce_max3A_265 : i32
          }
        } else {
        }
        %add3A_236 = arith.addi %sub3A, %sub3A_222 : i32
        scf.yield %add3A_236, %shift_right_logical3A_132, %shift_right_logical3A_181, %mul3A_136, %mul3A_141, %mul3A_146, %mul3A_151, %mul3A_186, %mul3A_191, %mul3A_196, %mul3A_201 : i32, vector<16xi32>, vector<16xi32>, vector<16xf32>, vector<16xf32>, vector<16xf32>, vector<16xf32>, vector<16xf32>, vector<16xf32>, vector<16xf32>, vector<16xf32>
      }
      %scan3A_91 = arith.constant 50 : i32
      %gt3A_92 = arith.constant 0 : i32
      %gt3A_93 = arith.cmpi sgt, %scan3A_90#0, %gt3A_92 : i32
      %convert_element_type3A_94 = arith.extui %gt3A_93 : i1 to i32
      %cond3A_95 = arith.constant 0 : i32
      %cond3A_96 = arith.cmpi ne, %convert_element_type3A_94, %cond3A_95 : i32
      scf.if %cond3A_96 {
        %while3A = arith.constant 1 : i32
        %while3A_104 = scf.while (%while3A_119 = %while3A) : (i32) -> i32 {
          %gt3A_120 = arith.constant 0 : i32
          %gt3A_121 = arith.cmpi sgt, %while3A_119, %gt3A_120 : i32
          scf.condition(%gt3A_121) %while3A_119 : i32
        } do {
        ^bb0(%while3A_119: i32):
          %gather3A = tpu.vector_load_idx %arg7[%scan3A_90#1] : memref<10000xf32, #tpu.memory_space<vmem>>[vector<16xi32>], vector<16xf32>,
          %gt3A_120 = arith.cmpf ogt, %scan3A_90#3, %gather3A : vector<16xf32>
          tpu.vector_store_idx %arg7[%scan3A_90#1], %scan3A_90#3 masked %gt3A_120 : memref<10000xf32, #tpu.memory_space<vmem>>[vector<16xi32>], vector<16xf32>, vector<16xi1>
          %gather3A_121 = tpu.vector_load_idx %arg7[%scan3A_90#1] : memref<10000xf32, #tpu.memory_space<vmem>>[vector<16xi32>], vector<16xf32>,
          %gt3A_122 = arith.cmpf ogt, %scan3A_90#3, %gather3A_121 : vector<16xf32>
          %convert_element_type3A_123 = arith.extui %gt3A_122 : vector<16xi1> to vector<16xi32>
          %reduce_max3A = arith.constant true
          %reduce_max3A_124 = vector.broadcast %reduce_max3A : i1 to vector<16xi1>
          %reduce_max3A_125 = arith.constant -2147483648 : i32
          %reduce_max3A_126 = vector.broadcast %reduce_max3A_125 : i32 to vector<16xi32>
          %reduce_max3A_127 = arith.xori %convert_element_type3A_123, %reduce_max3A_126 : vector<16xi32>
          %reduce_max3A_128 = tpu.scan <max>, %reduce_max3A_127 masked %reduce_max3A_124 : vector<16xi32>, vector<16xi1> -> vector<16xi32>
          %reduce_max3A_129 = arith.xori %reduce_max3A_128, %reduce_max3A_126 : vector<16xi32>
          %reduce_max3A_130 = vector.extract %reduce_max3A_129[15] : i32 from vector<16xi32>
          scf.yield %reduce_max3A_130 : i32
        }
        %while3A_105 = arith.constant 1 : i32
        %while3A_106 = scf.while (%while3A_119 = %while3A_105) : (i32) -> i32 {
          %gt3A_120 = arith.constant 0 : i32
          %gt3A_121 = arith.cmpi sgt, %while3A_119, %gt3A_120 : i32
          scf.condition(%gt3A_121) %while3A_119 : i32
        } do {
        ^bb0(%while3A_119: i32):
          %gather3A = tpu.vector_load_idx %arg8[%scan3A_90#1] : memref<10000xf32, #tpu.memory_space<vmem>>[vector<16xi32>], vector<16xf32>,
          %gt3A_120 = arith.cmpf ogt, %scan3A_90#4, %gather3A : vector<16xf32>
          tpu.vector_store_idx %arg8[%scan3A_90#1], %scan3A_90#4 masked %gt3A_120 : memref<10000xf32, #tpu.memory_space<vmem>>[vector<16xi32>], vector<16xf32>, vector<16xi1>
          %gather3A_121 = tpu.vector_load_idx %arg8[%scan3A_90#1] : memref<10000xf32, #tpu.memory_space<vmem>>[vector<16xi32>], vector<16xf32>,
          %gt3A_122 = arith.cmpf ogt, %scan3A_90#4, %gather3A_121 : vector<16xf32>
          %convert_element_type3A_123 = arith.extui %gt3A_122 : vector<16xi1> to vector<16xi32>
          %reduce_max3A = arith.constant true
          %reduce_max3A_124 = vector.broadcast %reduce_max3A : i1 to vector<16xi1>
          %reduce_max3A_125 = arith.constant -2147483648 : i32
          %reduce_max3A_126 = vector.broadcast %reduce_max3A_125 : i32 to vector<16xi32>
          %reduce_max3A_127 = arith.xori %convert_element_type3A_123, %reduce_max3A_126 : vector<16xi32>
          %reduce_max3A_128 = tpu.scan <max>, %reduce_max3A_127 masked %reduce_max3A_124 : vector<16xi32>, vector<16xi1> -> vector<16xi32>
          %reduce_max3A_129 = arith.xori %reduce_max3A_128, %reduce_max3A_126 : vector<16xi32>
          %reduce_max3A_130 = vector.extract %reduce_max3A_129[15] : i32 from vector<16xi32>
          scf.yield %reduce_max3A_130 : i32
        }
        %while3A_107 = arith.constant 1 : i32
        %while3A_108 = scf.while (%while3A_119 = %while3A_107) : (i32) -> i32 {
          %gt3A_120 = arith.constant 0 : i32
          %gt3A_121 = arith.cmpi sgt, %while3A_119, %gt3A_120 : i32
          scf.condition(%gt3A_121) %while3A_119 : i32
        } do {
        ^bb0(%while3A_119: i32):
          %gather3A = tpu.vector_load_idx %arg9[%scan3A_90#1] : memref<10000xf32, #tpu.memory_space<vmem>>[vector<16xi32>], vector<16xf32>,
          %gt3A_120 = arith.cmpf ogt, %scan3A_90#5, %gather3A : vector<16xf32>
          tpu.vector_store_idx %arg9[%scan3A_90#1], %scan3A_90#5 masked %gt3A_120 : memref<10000xf32, #tpu.memory_space<vmem>>[vector<16xi32>], vector<16xf32>, vector<16xi1>
          %gather3A_121 = tpu.vector_load_idx %arg9[%scan3A_90#1] : memref<10000xf32, #tpu.memory_space<vmem>>[vector<16xi32>], vector<16xf32>,
          %gt3A_122 = arith.cmpf ogt, %scan3A_90#5, %gather3A_121 : vector<16xf32>
          %convert_element_type3A_123 = arith.extui %gt3A_122 : vector<16xi1> to vector<16xi32>
          %reduce_max3A = arith.constant true
          %reduce_max3A_124 = vector.broadcast %reduce_max3A : i1 to vector<16xi1>
          %reduce_max3A_125 = arith.constant -2147483648 : i32
          %reduce_max3A_126 = vector.broadcast %reduce_max3A_125 : i32 to vector<16xi32>
          %reduce_max3A_127 = arith.xori %convert_element_type3A_123, %reduce_max3A_126 : vector<16xi32>
          %reduce_max3A_128 = tpu.scan <max>, %reduce_max3A_127 masked %reduce_max3A_124 : vector<16xi32>, vector<16xi1> -> vector<16xi32>
          %reduce_max3A_129 = arith.xori %reduce_max3A_128, %reduce_max3A_126 : vector<16xi32>
          %reduce_max3A_130 = vector.extract %reduce_max3A_129[15] : i32 from vector<16xi32>
          scf.yield %reduce_max3A_130 : i32
        }
        %while3A_109 = arith.constant 1 : i32
        %while3A_110 = scf.while (%while3A_119 = %while3A_109) : (i32) -> i32 {
          %gt3A_120 = arith.constant 0 : i32
          %gt3A_121 = arith.cmpi sgt, %while3A_119, %gt3A_120 : i32
          scf.condition(%gt3A_121) %while3A_119 : i32
        } do {
        ^bb0(%while3A_119: i32):
          %gather3A = tpu.vector_load_idx %arg10[%scan3A_90#1] : memref<10000xf32, #tpu.memory_space<vmem>>[vector<16xi32>], vector<16xf32>,
          %gt3A_120 = arith.cmpf ogt, %scan3A_90#6, %gather3A : vector<16xf32>
          tpu.vector_store_idx %arg10[%scan3A_90#1], %scan3A_90#6 masked %gt3A_120 : memref<10000xf32, #tpu.memory_space<vmem>>[vector<16xi32>], vector<16xf32>, vector<16xi1>
          %gather3A_121 = tpu.vector_load_idx %arg10[%scan3A_90#1] : memref<10000xf32, #tpu.memory_space<vmem>>[vector<16xi32>], vector<16xf32>,
          %gt3A_122 = arith.cmpf ogt, %scan3A_90#6, %gather3A_121 : vector<16xf32>
          %convert_element_type3A_123 = arith.extui %gt3A_122 : vector<16xi1> to vector<16xi32>
          %reduce_max3A = arith.constant true
          %reduce_max3A_124 = vector.broadcast %reduce_max3A : i1 to vector<16xi1>
          %reduce_max3A_125 = arith.constant -2147483648 : i32
          %reduce_max3A_126 = vector.broadcast %reduce_max3A_125 : i32 to vector<16xi32>
          %reduce_max3A_127 = arith.xori %convert_element_type3A_123, %reduce_max3A_126 : vector<16xi32>
          %reduce_max3A_128 = tpu.scan <max>, %reduce_max3A_127 masked %reduce_max3A_124 : vector<16xi32>, vector<16xi1> -> vector<16xi32>
          %reduce_max3A_129 = arith.xori %reduce_max3A_128, %reduce_max3A_126 : vector<16xi32>
          %reduce_max3A_130 = vector.extract %reduce_max3A_129[15] : i32 from vector<16xi32>
          scf.yield %reduce_max3A_130 : i32
        }
        %while3A_111 = arith.constant 1 : i32
        %while3A_112 = scf.while (%while3A_119 = %while3A_111) : (i32) -> i32 {
          %gt3A_120 = arith.constant 0 : i32
          %gt3A_121 = arith.cmpi sgt, %while3A_119, %gt3A_120 : i32
          scf.condition(%gt3A_121) %while3A_119 : i32
        } do {
        ^bb0(%while3A_119: i32):
          %gather3A = tpu.vector_load_idx %arg11[%scan3A_90#2] : memref<10000xf32, #tpu.memory_space<vmem>>[vector<16xi32>], vector<16xf32>,
          %gt3A_120 = arith.cmpf ogt, %scan3A_90#7, %gather3A : vector<16xf32>
          tpu.vector_store_idx %arg11[%scan3A_90#2], %scan3A_90#7 masked %gt3A_120 : memref<10000xf32, #tpu.memory_space<vmem>>[vector<16xi32>], vector<16xf32>, vector<16xi1>
          %gather3A_121 = tpu.vector_load_idx %arg11[%scan3A_90#2] : memref<10000xf32, #tpu.memory_space<vmem>>[vector<16xi32>], vector<16xf32>,
          %gt3A_122 = arith.cmpf ogt, %scan3A_90#7, %gather3A_121 : vector<16xf32>
          %convert_element_type3A_123 = arith.extui %gt3A_122 : vector<16xi1> to vector<16xi32>
          %reduce_max3A = arith.constant true
          %reduce_max3A_124 = vector.broadcast %reduce_max3A : i1 to vector<16xi1>
          %reduce_max3A_125 = arith.constant -2147483648 : i32
          %reduce_max3A_126 = vector.broadcast %reduce_max3A_125 : i32 to vector<16xi32>
          %reduce_max3A_127 = arith.xori %convert_element_type3A_123, %reduce_max3A_126 : vector<16xi32>
          %reduce_max3A_128 = tpu.scan <max>, %reduce_max3A_127 masked %reduce_max3A_124 : vector<16xi32>, vector<16xi1> -> vector<16xi32>
          %reduce_max3A_129 = arith.xori %reduce_max3A_128, %reduce_max3A_126 : vector<16xi32>
          %reduce_max3A_130 = vector.extract %reduce_max3A_129[15] : i32 from vector<16xi32>
          scf.yield %reduce_max3A_130 : i32
        }
        %while3A_113 = arith.constant 1 : i32
        %while3A_114 = scf.while (%while3A_119 = %while3A_113) : (i32) -> i32 {
          %gt3A_120 = arith.constant 0 : i32
          %gt3A_121 = arith.cmpi sgt, %while3A_119, %gt3A_120 : i32
          scf.condition(%gt3A_121) %while3A_119 : i32
        } do {
        ^bb0(%while3A_119: i32):
          %gather3A = tpu.vector_load_idx %arg12[%scan3A_90#2] : memref<10000xf32, #tpu.memory_space<vmem>>[vector<16xi32>], vector<16xf32>,
          %gt3A_120 = arith.cmpf ogt, %scan3A_90#8, %gather3A : vector<16xf32>
          tpu.vector_store_idx %arg12[%scan3A_90#2], %scan3A_90#8 masked %gt3A_120 : memref<10000xf32, #tpu.memory_space<vmem>>[vector<16xi32>], vector<16xf32>, vector<16xi1>
          %gather3A_121 = tpu.vector_load_idx %arg12[%scan3A_90#2] : memref<10000xf32, #tpu.memory_space<vmem>>[vector<16xi32>], vector<16xf32>,
          %gt3A_122 = arith.cmpf ogt, %scan3A_90#8, %gather3A_121 : vector<16xf32>
          %convert_element_type3A_123 = arith.extui %gt3A_122 : vector<16xi1> to vector<16xi32>
          %reduce_max3A = arith.constant true
          %reduce_max3A_124 = vector.broadcast %reduce_max3A : i1 to vector<16xi1>
          %reduce_max3A_125 = arith.constant -2147483648 : i32
          %reduce_max3A_126 = vector.broadcast %reduce_max3A_125 : i32 to vector<16xi32>
          %reduce_max3A_127 = arith.xori %convert_element_type3A_123, %reduce_max3A_126 : vector<16xi32>
          %reduce_max3A_128 = tpu.scan <max>, %reduce_max3A_127 masked %reduce_max3A_124 : vector<16xi32>, vector<16xi1> -> vector<16xi32>
          %reduce_max3A_129 = arith.xori %reduce_max3A_128, %reduce_max3A_126 : vector<16xi32>
          %reduce_max3A_130 = vector.extract %reduce_max3A_129[15] : i32 from vector<16xi32>
          scf.yield %reduce_max3A_130 : i32
        }
        %while3A_115 = arith.constant 1 : i32
        %while3A_116 = scf.while (%while3A_119 = %while3A_115) : (i32) -> i32 {
          %gt3A_120 = arith.constant 0 : i32
          %gt3A_121 = arith.cmpi sgt, %while3A_119, %gt3A_120 : i32
          scf.condition(%gt3A_121) %while3A_119 : i32
        } do {
        ^bb0(%while3A_119: i32):
          %gather3A = tpu.vector_load_idx %arg13[%scan3A_90#2] : memref<10000xf32, #tpu.memory_space<vmem>>[vector<16xi32>], vector<16xf32>,
          %gt3A_120 = arith.cmpf ogt, %scan3A_90#9, %gather3A : vector<16xf32>
          tpu.vector_store_idx %arg13[%scan3A_90#2], %scan3A_90#9 masked %gt3A_120 : memref<10000xf32, #tpu.memory_space<vmem>>[vector<16xi32>], vector<16xf32>, vector<16xi1>
          %gather3A_121 = tpu.vector_load_idx %arg13[%scan3A_90#2] : memref<10000xf32, #tpu.memory_space<vmem>>[vector<16xi32>], vector<16xf32>,
          %gt3A_122 = arith.cmpf ogt, %scan3A_90#9, %gather3A_121 : vector<16xf32>
          %convert_element_type3A_123 = arith.extui %gt3A_122 : vector<16xi1> to vector<16xi32>
          %reduce_max3A = arith.constant true
          %reduce_max3A_124 = vector.broadcast %reduce_max3A : i1 to vector<16xi1>
          %reduce_max3A_125 = arith.constant -2147483648 : i32
          %reduce_max3A_126 = vector.broadcast %reduce_max3A_125 : i32 to vector<16xi32>
          %reduce_max3A_127 = arith.xori %convert_element_type3A_123, %reduce_max3A_126 : vector<16xi32>
          %reduce_max3A_128 = tpu.scan <max>, %reduce_max3A_127 masked %reduce_max3A_124 : vector<16xi32>, vector<16xi1> -> vector<16xi32>
          %reduce_max3A_129 = arith.xori %reduce_max3A_128, %reduce_max3A_126 : vector<16xi32>
          %reduce_max3A_130 = vector.extract %reduce_max3A_129[15] : i32 from vector<16xi32>
          scf.yield %reduce_max3A_130 : i32
        }
        %while3A_117 = arith.constant 1 : i32
        %while3A_118 = scf.while (%while3A_119 = %while3A_117) : (i32) -> i32 {
          %gt3A_120 = arith.constant 0 : i32
          %gt3A_121 = arith.cmpi sgt, %while3A_119, %gt3A_120 : i32
          scf.condition(%gt3A_121) %while3A_119 : i32
        } do {
        ^bb0(%while3A_119: i32):
          %gather3A = tpu.vector_load_idx %arg14[%scan3A_90#2] : memref<10000xf32, #tpu.memory_space<vmem>>[vector<16xi32>], vector<16xf32>,
          %gt3A_120 = arith.cmpf ogt, %scan3A_90#10, %gather3A : vector<16xf32>
          tpu.vector_store_idx %arg14[%scan3A_90#2], %scan3A_90#10 masked %gt3A_120 : memref<10000xf32, #tpu.memory_space<vmem>>[vector<16xi32>], vector<16xf32>, vector<16xi1>
          %gather3A_121 = tpu.vector_load_idx %arg14[%scan3A_90#2] : memref<10000xf32, #tpu.memory_space<vmem>>[vector<16xi32>], vector<16xf32>,
          %gt3A_122 = arith.cmpf ogt, %scan3A_90#10, %gather3A_121 : vector<16xf32>
          %convert_element_type3A_123 = arith.extui %gt3A_122 : vector<16xi1> to vector<16xi32>
          %reduce_max3A = arith.constant true
          %reduce_max3A_124 = vector.broadcast %reduce_max3A : i1 to vector<16xi1>
          %reduce_max3A_125 = arith.constant -2147483648 : i32
          %reduce_max3A_126 = vector.broadcast %reduce_max3A_125 : i32 to vector<16xi32>
          %reduce_max3A_127 = arith.xori %convert_element_type3A_123, %reduce_max3A_126 : vector<16xi32>
          %reduce_max3A_128 = tpu.scan <max>, %reduce_max3A_127 masked %reduce_max3A_124 : vector<16xi32>, vector<16xi1> -> vector<16xi32>
          %reduce_max3A_129 = arith.xori %reduce_max3A_128, %reduce_max3A_126 : vector<16xi32>
          %reduce_max3A_130 = vector.extract %reduce_max3A_129[15] : i32 from vector<16xi32>
          scf.yield %reduce_max3A_130 : i32
        }
      } else {
      }
      %add3A_97 = arith.constant 2 : i32
      %add3A_98 = arith.addi %add3A_74, %add3A_97 : i32
      %lt3A_99 = arith.constant 200 : i32
      %lt3A_100 = arith.cmpi slt, %add3A_98, %lt3A_99 : i32
      %convert_element_type3A_101 = arith.extui %lt3A_100 : i1 to i32
      %cond3A_102 = arith.constant 0 : i32
      %cond3A_103 = arith.cmpi ne, %convert_element_type3A_101, %cond3A_102 : i32
      scf.if %cond3A_103 {
        %add3A_104 = arith.constant 2 : i32
        %add3A_105 = arith.addi %add3A_74, %add3A_104 : i32
        %mul3A_106 = arith.constant 1600 : i32
        %mul3A_107 = arith.muli %add3A_105, %mul3A_106 : i32
        %dma_start3A_108 = tpu.memref_slice %arg3[%mul3A_107] : memref<320000xi32, #tpu.memory_space<hbm>> -> memref<1600xi32, #tpu.memory_space<hbm>>
        %dma_start3A_109 = tpu.memref_slice %arg3[%mul3A_107] : memref<320000xi32, #tpu.memory_space<hbm>> -> memref<1600xi32, #tpu.memory_space<hbm>>
        tpu.enqueue_dma source(%dma_start3A_109 : memref<1600xi32, #tpu.memory_space<hbm>>) target(%arg16 : memref<1600xi32, #tpu.memory_space<vmem>>) target_semaphore(%arg20 : memref<!tpu.dma_semaphore, #tpu.memory_space<semaphore_mem>>)
        %dma_start3A_110 = tpu.memref_slice %arg4[%mul3A_107] : memref<320000xf32, #tpu.memory_space<hbm>> -> memref<1600xf32, #tpu.memory_space<hbm>>
        %dma_start3A_111 = tpu.memref_slice %arg4[%mul3A_107] : memref<320000xf32, #tpu.memory_space<hbm>> -> memref<1600xf32, #tpu.memory_space<hbm>>
        tpu.enqueue_dma source(%dma_start3A_111 : memref<1600xf32, #tpu.memory_space<hbm>>) target(%arg18 : memref<1600xf32, #tpu.memory_space<vmem>>) target_semaphore(%arg20 : memref<!tpu.dma_semaphore, #tpu.memory_space<semaphore_mem>>)
      } else {
      }
    }
    %scan3A_28 = arith.constant 100 : i32
    %scan3A_29 = arith.constant 0 : i32
    %scan3A_30 = arith.constant 0 : i32
    %scan3A_31 = arith.constant 625 : i32
    %scan3A_32 = arith.addi %scan3A_30, %scan3A_31 : i32
    %scan3A_33 = arith.constant 1 : i32
    scf.for %scan3A_43 = %scan3A_30 to %scan3A_32 step %scan3A_33  : i32 {
      %mul3A_44 = arith.constant 16 : i32
      %mul3A_45 = arith.muli %scan3A_43, %mul3A_44 : i32
      %get3A = arith.index_cast %mul3A_45 : i32 to index
      %get3A_46 = tpu.vector_load %arg7[%get3A] {strides = array<i32>} : memref<10000xf32, #tpu.memory_space<vmem>>, vector<16xf32>,
      %get3A_47 = arith.index_cast %mul3A_45 : i32 to index
      %get3A_48 = tpu.vector_load %arg11[%get3A_47] {strides = array<i32>} : memref<10000xf32, #tpu.memory_space<vmem>>, vector<16xf32>,
      %max3A = arith.maximumf %get3A_46, %get3A_48 : vector<16xf32>
      %swap3A = arith.index_cast %mul3A_45 : i32 to index
      %swap3A_49 = tpu.vector_load %arg7[%swap3A] {strides = array<i32>} : memref<10000xf32, #tpu.memory_space<vmem>>, vector<16xf32>,
      tpu.vector_store %arg7[%swap3A], %max3A {strides = array<i32>} : memref<10000xf32, #tpu.memory_space<vmem>>, vector<16xf32>,
      %get3A_50 = arith.index_cast %mul3A_45 : i32 to index
      %get3A_51 = tpu.vector_load %arg8[%get3A_50] {strides = array<i32>} : memref<10000xf32, #tpu.memory_space<vmem>>, vector<16xf32>,
      %get3A_52 = arith.index_cast %mul3A_45 : i32 to index
      %get3A_53 = tpu.vector_load %arg12[%get3A_52] {strides = array<i32>} : memref<10000xf32, #tpu.memory_space<vmem>>, vector<16xf32>,
      %max3A_54 = arith.maximumf %get3A_51, %get3A_53 : vector<16xf32>
      %swap3A_55 = arith.index_cast %mul3A_45 : i32 to index
      %swap3A_56 = tpu.vector_load %arg8[%swap3A_55] {strides = array<i32>} : memref<10000xf32, #tpu.memory_space<vmem>>, vector<16xf32>,
      tpu.vector_store %arg8[%swap3A_55], %max3A_54 {strides = array<i32>} : memref<10000xf32, #tpu.memory_space<vmem>>, vector<16xf32>,
      %get3A_57 = arith.index_cast %mul3A_45 : i32 to index
      %get3A_58 = tpu.vector_load %arg9[%get3A_57] {strides = array<i32>} : memref<10000xf32, #tpu.memory_space<vmem>>, vector<16xf32>,
      %get3A_59 = arith.index_cast %mul3A_45 : i32 to index
      %get3A_60 = tpu.vector_load %arg13[%get3A_59] {strides = array<i32>} : memref<10000xf32, #tpu.memory_space<vmem>>, vector<16xf32>,
      %max3A_61 = arith.maximumf %get3A_58, %get3A_60 : vector<16xf32>
      %swap3A_62 = arith.index_cast %mul3A_45 : i32 to index
      %swap3A_63 = tpu.vector_load %arg9[%swap3A_62] {strides = array<i32>} : memref<10000xf32, #tpu.memory_space<vmem>>, vector<16xf32>,
      tpu.vector_store %arg9[%swap3A_62], %max3A_61 {strides = array<i32>} : memref<10000xf32, #tpu.memory_space<vmem>>, vector<16xf32>,
      %get3A_64 = arith.index_cast %mul3A_45 : i32 to index
      %get3A_65 = tpu.vector_load %arg10[%get3A_64] {strides = array<i32>} : memref<10000xf32, #tpu.memory_space<vmem>>, vector<16xf32>,
      %get3A_66 = arith.index_cast %mul3A_45 : i32 to index
      %get3A_67 = tpu.vector_load %arg14[%get3A_66] {strides = array<i32>} : memref<10000xf32, #tpu.memory_space<vmem>>, vector<16xf32>,
      %max3A_68 = arith.maximumf %get3A_65, %get3A_67 : vector<16xf32>
      %swap3A_69 = arith.index_cast %mul3A_45 : i32 to index
      %swap3A_70 = tpu.vector_load %arg10[%swap3A_69] {strides = array<i32>} : memref<10000xf32, #tpu.memory_space<vmem>>, vector<16xf32>,
      tpu.vector_store %arg10[%swap3A_69], %max3A_68 {strides = array<i32>} : memref<10000xf32, #tpu.memory_space<vmem>>, vector<16xf32>,
    }
    %scan3A_34 = arith.constant 625 : i32
    %add3A_35 = arith.constant 0 : i32
    %add3A_36 = arith.addi %mul3A_2, %add3A_35 : i32
    "tpu.region"() ({
      %run_scoped3A = tpu.sem_alloc : memref<!tpu.dma_semaphore, #tpu.memory_space<semaphore_mem>>
      %dma_start3A_43 = tpu.memref_slice %arg5[%add3A_36] : memref<1280000xf32, #tpu.memory_space<hbm>> -> memref<10000xf32, #tpu.memory_space<hbm>>
      %dma_start3A_44 = tpu.memref_slice %arg5[%add3A_36] : memref<1280000xf32, #tpu.memory_space<hbm>> -> memref<10000xf32, #tpu.memory_space<hbm>>
      tpu.enqueue_dma source(%arg7 : memref<10000xf32, #tpu.memory_space<vmem>>) target(%dma_start3A_44 : memref<10000xf32, #tpu.memory_space<hbm>>) target_semaphore(%run_scoped3A : memref<!tpu.dma_semaphore, #tpu.memory_space<semaphore_mem>>)
      %dma_wait3A = tpu.memref_slice %arg5[%add3A_36] : memref<1280000xf32, #tpu.memory_space<hbm>> -> memref<10000xf32, #tpu.memory_space<hbm>>
      %dma_wait3A_45 = tpu.memref_slice %arg5[%add3A_36] : memref<1280000xf32, #tpu.memory_space<hbm>> -> memref<10000xf32, #tpu.memory_space<hbm>>
      tpu.wait_dma2 semaphore(%run_scoped3A : memref<!tpu.dma_semaphore, #tpu.memory_space<semaphore_mem>>) src(%arg7 : memref<10000xf32, #tpu.memory_space<vmem>>) dst(%dma_wait3A_45 : memref<10000xf32, #tpu.memory_space<hbm>>)
      tpu.yield
    }) : () -> ()
    %add3A_37 = arith.constant 10000 : i32
    %add3A_38 = arith.addi %mul3A_2, %add3A_37 : i32
    "tpu.region"() ({
      %run_scoped3A = tpu.sem_alloc : memref<!tpu.dma_semaphore, #tpu.memory_space<semaphore_mem>>
      %dma_start3A_43 = tpu.memref_slice %arg5[%add3A_38] : memref<1280000xf32, #tpu.memory_space<hbm>> -> memref<10000xf32, #tpu.memory_space<hbm>>
      %dma_start3A_44 = tpu.memref_slice %arg5[%add3A_38] : memref<1280000xf32, #tpu.memory_space<hbm>> -> memref<10000xf32, #tpu.memory_space<hbm>>
      tpu.enqueue_dma source(%arg8 : memref<10000xf32, #tpu.memory_space<vmem>>) target(%dma_start3A_44 : memref<10000xf32, #tpu.memory_space<hbm>>) target_semaphore(%run_scoped3A : memref<!tpu.dma_semaphore, #tpu.memory_space<semaphore_mem>>)
      %dma_wait3A = tpu.memref_slice %arg5[%add3A_38] : memref<1280000xf32, #tpu.memory_space<hbm>> -> memref<10000xf32, #tpu.memory_space<hbm>>
      %dma_wait3A_45 = tpu.memref_slice %arg5[%add3A_38] : memref<1280000xf32, #tpu.memory_space<hbm>> -> memref<10000xf32, #tpu.memory_space<hbm>>
      tpu.wait_dma2 semaphore(%run_scoped3A : memref<!tpu.dma_semaphore, #tpu.memory_space<semaphore_mem>>) src(%arg8 : memref<10000xf32, #tpu.memory_space<vmem>>) dst(%dma_wait3A_45 : memref<10000xf32, #tpu.memory_space<hbm>>)
      tpu.yield
    }) : () -> ()
    %add3A_39 = arith.constant 20000 : i32
    %add3A_40 = arith.addi %mul3A_2, %add3A_39 : i32
    "tpu.region"() ({
      %run_scoped3A = tpu.sem_alloc : memref<!tpu.dma_semaphore, #tpu.memory_space<semaphore_mem>>
      %dma_start3A_43 = tpu.memref_slice %arg5[%add3A_40] : memref<1280000xf32, #tpu.memory_space<hbm>> -> memref<10000xf32, #tpu.memory_space<hbm>>
      %dma_start3A_44 = tpu.memref_slice %arg5[%add3A_40] : memref<1280000xf32, #tpu.memory_space<hbm>> -> memref<10000xf32, #tpu.memory_space<hbm>>
      tpu.enqueue_dma source(%arg9 : memref<10000xf32, #tpu.memory_space<vmem>>) target(%dma_start3A_44 : memref<10000xf32, #tpu.memory_space<hbm>>) target_semaphore(%run_scoped3A : memref<!tpu.dma_semaphore, #tpu.memory_space<semaphore_mem>>)
      %dma_wait3A = tpu.memref_slice %arg5[%add3A_40] : memref<1280000xf32, #tpu.memory_space<hbm>> -> memref<10000xf32, #tpu.memory_space<hbm>>
      %dma_wait3A_45 = tpu.memref_slice %arg5[%add3A_40] : memref<1280000xf32, #tpu.memory_space<hbm>> -> memref<10000xf32, #tpu.memory_space<hbm>>
      tpu.wait_dma2 semaphore(%run_scoped3A : memref<!tpu.dma_semaphore, #tpu.memory_space<semaphore_mem>>) src(%arg9 : memref<10000xf32, #tpu.memory_space<vmem>>) dst(%dma_wait3A_45 : memref<10000xf32, #tpu.memory_space<hbm>>)
      tpu.yield
    }) : () -> ()
    %add3A_41 = arith.constant 30000 : i32
    %add3A_42 = arith.addi %mul3A_2, %add3A_41 : i32
    "tpu.region"() ({
      %run_scoped3A = tpu.sem_alloc : memref<!tpu.dma_semaphore, #tpu.memory_space<semaphore_mem>>
      %dma_start3A_43 = tpu.memref_slice %arg5[%add3A_42] : memref<1280000xf32, #tpu.memory_space<hbm>> -> memref<10000xf32, #tpu.memory_space<hbm>>
      %dma_start3A_44 = tpu.memref_slice %arg5[%add3A_42] : memref<1280000xf32, #tpu.memory_space<hbm>> -> memref<10000xf32, #tpu.memory_space<hbm>>
      tpu.enqueue_dma source(%arg10 : memref<10000xf32, #tpu.memory_space<vmem>>) target(%dma_start3A_44 : memref<10000xf32, #tpu.memory_space<hbm>>) target_semaphore(%run_scoped3A : memref<!tpu.dma_semaphore, #tpu.memory_space<semaphore_mem>>)
      %dma_wait3A = tpu.memref_slice %arg5[%add3A_42] : memref<1280000xf32, #tpu.memory_space<hbm>> -> memref<10000xf32, #tpu.memory_space<hbm>>
      %dma_wait3A_45 = tpu.memref_slice %arg5[%add3A_42] : memref<1280000xf32, #tpu.memory_space<hbm>> -> memref<10000xf32, #tpu.memory_space<hbm>>
      tpu.wait_dma2 semaphore(%run_scoped3A : memref<!tpu.dma_semaphore, #tpu.memory_space<semaphore_mem>>) src(%arg10 : memref<10000xf32, #tpu.memory_space<vmem>>) dst(%dma_wait3A_45 : memref<10000xf32, #tpu.memory_space<hbm>>)
      tpu.yield
    }) : () -> ()
    return
  }
}

module attributes {stable_mosaic.version = 14 : i64} {
  func.func @_pack_body(%arg0: memref<2x320000xi32, #tpu.memory_space<vmem>>, %arg1: memref<1x320000xi32, #tpu.memory_space<vmem>>) attributes {dimension_semantics = [], scalar_prefetch = 0 : i64, scratch_operands = 0 : i64, tpu.core_type = #tpu.core_type<tc>} {
    %get3A = arith.constant 0 : index
    %get3A_0 = arith.constant 0 : index
    %get3A_1 = vector.load %arg0[%get3A, %get3A_0] : memref<2x320000xi32, #tpu.memory_space<vmem>>, vector<1x320000xi32>
    %get3A_2 = arith.constant 1 : index
    %get3A_3 = arith.constant 0 : index
    %get3A_4 = vector.load %arg0[%get3A_2, %get3A_3] : memref<2x320000xi32, #tpu.memory_space<vmem>>, vector<1x320000xi32>
    %shift_left3A = arith.constant 14 : i32
    %shift_left3A_5 = vector.broadcast %shift_left3A : i32 to vector<1x320000xi32>
    %shift_left3A_6 = arith.shli %get3A_4, %shift_left3A_5 : vector<1x320000xi32>
    %or3A = arith.ori %get3A_1, %shift_left3A_6 : vector<1x320000xi32>
    %swap3A = arith.constant 0 : index
    %swap3A_7 = arith.constant 0 : index
    %swap3A_8 = vector.load %arg1[%swap3A, %swap3A_7] : memref<1x320000xi32, #tpu.memory_space<vmem>>, vector<1x320000xi32>
    tpu.vector_store %arg1[%swap3A, %swap3A_7], %or3A {strides = array<i32>} : memref<1x320000xi32, #tpu.memory_space<vmem>>, vector<1x320000xi32>,
    return
  }
}

module attributes {stable_mosaic.version = 14 : i64} {
  func.func @_pre1_body(%arg0: i32, %arg1: memref<1280x128xf32, #tpu.memory_space<vmem>>, %arg2: memref<128x128xf32, #tpu.memory_space<vmem>>, %arg3: memref<128x1xf32, #tpu.memory_space<vmem>>, %arg4: memref<128x128xf32, #tpu.memory_space<vmem>>, %arg5: memref<128x1xf32, #tpu.memory_space<vmem>>, %arg6: memref<128x1280xf32, #tpu.memory_space<vmem>>, %arg7: memref<128x1280xf32, #tpu.memory_space<vmem>>) attributes {dimension_semantics = [#tpu.dimension_semantics<arbitrary>], iteration_bounds = array<i64: 8>, scalar_prefetch = 0 : i64, scratch_operands = 0 : i64, tpu.core_type = #tpu.core_type<tc>, window_params = [{transform_indices = @transform_0, window_bounds = array<i64: 1280, 128>}, {pipeline_mode = #tpu.pipeline_mode<synchronous>, transform_indices = @transform_1, window_bounds = array<i64: 128, 128>}, {pipeline_mode = #tpu.pipeline_mode<synchronous>, transform_indices = @transform_2, window_bounds = array<i64: 128, 1>}, {pipeline_mode = #tpu.pipeline_mode<synchronous>, transform_indices = @transform_3, window_bounds = array<i64: 128, 128>}, {pipeline_mode = #tpu.pipeline_mode<synchronous>, transform_indices = @transform_4, window_bounds = array<i64: 128, 1>}, {transform_indices = @transform_5, window_bounds = array<i64: 128, 1280>}, {transform_indices = @transform_6, window_bounds = array<i64: 128, 1280>}]} {
    %get3A = arith.constant 0 : index
    %get3A_0 = arith.constant 0 : index
    %get3A_1 = vector.load %arg1[%get3A, %get3A_0] : memref<1280x128xf32, #tpu.memory_space<vmem>>, vector<1280x128xf32>
    %get3A_2 = arith.constant 0 : index
    %get3A_3 = arith.constant 0 : index
    %get3A_4 = vector.load %arg2[%get3A_2, %get3A_3] : memref<128x128xf32, #tpu.memory_space<vmem>>, vector<128x128xf32>
    %dot_general3A = arith.constant dense<0.000000e+00> : vector<128x1280xf32>
    %dot_general3A_5 = tpu.matmul %get3A_4, %get3A_1, %dot_general3A {dimension_numbers = #tpu.dot_dimension_numbers<[0], [1], [1], [0], [0, 1, 1, 0], [], []>, transpose_lhs_hint = false} : vector<128x128xf32>, vector<1280x128xf32>, vector<128x1280xf32> -> vector<128x1280xf32>
    %get3A_6 = arith.constant 0 : index
    %get3A_7 = arith.constant 0 : index
    %get3A_8 = vector.load %arg3[%get3A_6, %get3A_7] : memref<128x1xf32, #tpu.memory_space<vmem>>, vector<128x1xf32>
    %add3A = vector.broadcast %get3A_8 : vector<128x1xf32> to vector<128x1280xf32>
    %add3A_9 = arith.addf %dot_general3A_5, %add3A : vector<128x1280xf32>
    %max3A = arith.constant 0.000000e+00 : f32
    %max3A_10 = vector.broadcast %max3A : f32 to vector<128x1280xf32>
    %max3A_11 = arith.maximumf %add3A_9, %max3A_10 : vector<128x1280xf32>
    %swap3A = arith.constant 0 : index
    %swap3A_12 = arith.constant 0 : index
    %swap3A_13 = vector.load %arg6[%swap3A, %swap3A_12] : memref<128x1280xf32, #tpu.memory_space<vmem>>, vector<128x1280xf32>
    tpu.vector_store %arg6[%swap3A, %swap3A_12], %max3A_11 {strides = array<i32>} : memref<128x1280xf32, #tpu.memory_space<vmem>>, vector<128x1280xf32>,
    %get3A_14 = arith.constant 0 : index
    %get3A_15 = arith.constant 0 : index
    %get3A_16 = vector.load %arg4[%get3A_14, %get3A_15] : memref<128x128xf32, #tpu.memory_space<vmem>>, vector<128x128xf32>
    %dot_general3A_17 = arith.constant dense<0.000000e+00> : vector<128x1280xf32>
    %dot_general3A_18 = tpu.matmul %get3A_16, %get3A_1, %dot_general3A_17 {dimension_numbers = #tpu.dot_dimension_numbers<[0], [1], [1], [0], [0, 1, 1, 0], [], []>, transpose_lhs_hint = false} : vector<128x128xf32>, vector<1280x128xf32>, vector<128x1280xf32> -> vector<128x1280xf32>
    %get3A_19 = arith.constant 0 : index
    %get3A_20 = arith.constant 0 : index
    %get3A_21 = vector.load %arg5[%get3A_19, %get3A_20] : memref<128x1xf32, #tpu.memory_space<vmem>>, vector<128x1xf32>
    %add3A_22 = vector.broadcast %get3A_21 : vector<128x1xf32> to vector<128x1280xf32>
    %add3A_23 = arith.addf %dot_general3A_18, %add3A_22 : vector<128x1280xf32>
    %swap3A_24 = arith.constant 0 : index
    %swap3A_25 = arith.constant 0 : index
    %swap3A_26 = vector.load %arg7[%swap3A_24, %swap3A_25] : memref<128x1280xf32, #tpu.memory_space<vmem>>, vector<128x1280xf32>
    tpu.vector_store %arg7[%swap3A_24, %swap3A_25], %add3A_23 {strides = array<i32>} : memref<128x1280xf32, #tpu.memory_space<vmem>>, vector<128x1280xf32>,
    return
  }
  func.func @transform_0(%arg0: i32) -> (i32, i32) {
    %c0_i32 = arith.constant 0 : i32
    %c0_i32_0 = arith.constant 0 : i32
    return %arg0, %c0_i32 : i32, i32
  }
  func.func @transform_1(%arg0: i32) -> (i32, i32) {
    %c0_i32 = arith.constant 0 : i32
    %c0_i32_0 = arith.constant 0 : i32
    %c0_i32_1 = arith.constant 0 : i32
    return %c0_i32, %c0_i32_0 : i32, i32
  }
  func.func @transform_2(%arg0: i32) -> (i32, i32) {
    %c0_i32 = arith.constant 0 : i32
    %c0_i32_0 = arith.constant 0 : i32
    %c0_i32_1 = arith.constant 0 : i32
    return %c0_i32, %c0_i32_0 : i32, i32
  }
  func.func @transform_3(%arg0: i32) -> (i32, i32) {
    %c0_i32 = arith.constant 0 : i32
    %c0_i32_0 = arith.constant 0 : i32
    %c0_i32_1 = arith.constant 0 : i32
    return %c0_i32, %c0_i32_0 : i32, i32
  }
  func.func @transform_4(%arg0: i32) -> (i32, i32) {
    %c0_i32 = arith.constant 0 : i32
    %c0_i32_0 = arith.constant 0 : i32
    %c0_i32_1 = arith.constant 0 : i32
    return %c0_i32, %c0_i32_0 : i32, i32
  }
  func.func @transform_5(%arg0: i32) -> (i32, i32) {
    %c0_i32 = arith.constant 0 : i32
    %c0_i32_0 = arith.constant 0 : i32
    return %c0_i32, %arg0 : i32, i32
  }
  func.func @transform_6(%arg0: i32) -> (i32, i32) {
    %c0_i32 = arith.constant 0 : i32
    %c0_i32_0 = arith.constant 0 : i32
    return %c0_i32, %arg0 : i32, i32
  }
}

module attributes {stable_mosaic.version = 14 : i64} {
  func.func @_mid_body(%arg0: i32, %arg1: memref<128x1280xf32, #tpu.memory_space<vmem>>, %arg2: memref<128x1280xf32, #tpu.memory_space<vmem>>, %arg3: memref<128x128xf32, #tpu.memory_space<vmem>>, %arg4: memref<128x128xf32, #tpu.memory_space<vmem>>, %arg5: memref<128x1xf32, #tpu.memory_space<vmem>>, %arg6: memref<128x128xf32, #tpu.memory_space<vmem>>, %arg7: memref<128x1xf32, #tpu.memory_space<vmem>>, %arg8: memref<128x1280xf32, #tpu.memory_space<vmem>>, %arg9: memref<128x1280xf32, #tpu.memory_space<vmem>>) attributes {dimension_semantics = [#tpu.dimension_semantics<arbitrary>], iteration_bounds = array<i64: 8>, scalar_prefetch = 0 : i64, scratch_operands = 0 : i64, tpu.core_type = #tpu.core_type<tc>, window_params = [{transform_indices = @transform_0, window_bounds = array<i64: 128, 1280>}, {transform_indices = @transform_1, window_bounds = array<i64: 128, 1280>}, {pipeline_mode = #tpu.pipeline_mode<synchronous>, transform_indices = @transform_2, window_bounds = array<i64: 128, 128>}, {pipeline_mode = #tpu.pipeline_mode<synchronous>, transform_indices = @transform_3, window_bounds = array<i64: 128, 128>}, {pipeline_mode = #tpu.pipeline_mode<synchronous>, transform_indices = @transform_4, window_bounds = array<i64: 128, 1>}, {pipeline_mode = #tpu.pipeline_mode<synchronous>, transform_indices = @transform_5, window_bounds = array<i64: 128, 128>}, {pipeline_mode = #tpu.pipeline_mode<synchronous>, transform_indices = @transform_6, window_bounds = array<i64: 128, 1>}, {transform_indices = @transform_7, window_bounds = array<i64: 128, 1280>}, {transform_indices = @transform_8, window_bounds = array<i64: 128, 1280>}]} {
    %get3A = arith.constant 0 : index
    %get3A_0 = arith.constant 0 : index
    %get3A_1 = vector.load %arg3[%get3A, %get3A_0] : memref<128x128xf32, #tpu.memory_space<vmem>>, vector<128x128xf32>
    %get3A_2 = arith.constant 0 : index
    %get3A_3 = arith.constant 0 : index
    %get3A_4 = vector.load %arg2[%get3A_2, %get3A_3] : memref<128x1280xf32, #tpu.memory_space<vmem>>, vector<128x1280xf32>
    %dot_general3A = arith.constant dense<0.000000e+00> : vector<128x1280xf32>
    %dot_general3A_5 = tpu.matmul %get3A_1, %get3A_4, %dot_general3A {dimension_numbers = #tpu.dot_dimension_numbers<[0], [0], [1], [1], [0, 1, 1, 1], [], []>, transpose_lhs_hint = false} : vector<128x128xf32>, vector<128x1280xf32>, vector<128x1280xf32> -> vector<128x1280xf32>
    %get3A_6 = arith.constant 0 : index
    %get3A_7 = arith.constant 0 : index
    %get3A_8 = vector.load %arg1[%get3A_6, %get3A_7] : memref<128x1280xf32, #tpu.memory_space<vmem>>, vector<128x1280xf32>
    %add3A = arith.addf %get3A_8, %dot_general3A_5 : vector<128x1280xf32>
    %max3A = arith.constant 0.000000e+00 : f32
    %max3A_9 = vector.broadcast %max3A : f32 to vector<128x1280xf32>
    %max3A_10 = arith.maximumf %add3A, %max3A_9 : vector<128x1280xf32>
    %get3A_11 = arith.constant 0 : index
    %get3A_12 = arith.constant 0 : index
    %get3A_13 = vector.load %arg4[%get3A_11, %get3A_12] : memref<128x128xf32, #tpu.memory_space<vmem>>, vector<128x128xf32>
    %dot_general3A_14 = arith.constant dense<0.000000e+00> : vector<128x1280xf32>
    %dot_general3A_15 = tpu.matmul %get3A_13, %max3A_10, %dot_general3A_14 {dimension_numbers = #tpu.dot_dimension_numbers<[0], [0], [1], [1], [0, 1, 1, 1], [], []>, transpose_lhs_hint = false} : vector<128x128xf32>, vector<128x1280xf32>, vector<128x1280xf32> -> vector<128x1280xf32>
    %get3A_16 = arith.constant 0 : index
    %get3A_17 = arith.constant 0 : index
    %get3A_18 = vector.load %arg5[%get3A_16, %get3A_17] : memref<128x1xf32, #tpu.memory_space<vmem>>, vector<128x1xf32>
    %add3A_19 = vector.broadcast %get3A_18 : vector<128x1xf32> to vector<128x1280xf32>
    %add3A_20 = arith.addf %dot_general3A_15, %add3A_19 : vector<128x1280xf32>
    %max3A_21 = arith.constant 0.000000e+00 : f32
    %max3A_22 = vector.broadcast %max3A_21 : f32 to vector<128x1280xf32>
    %max3A_23 = arith.maximumf %add3A_20, %max3A_22 : vector<128x1280xf32>
    %swap3A = arith.constant 0 : index
    %swap3A_24 = arith.constant 0 : index
    %swap3A_25 = vector.load %arg8[%swap3A, %swap3A_24] : memref<128x1280xf32, #tpu.memory_space<vmem>>, vector<128x1280xf32>
    tpu.vector_store %arg8[%swap3A, %swap3A_24], %max3A_23 {strides = array<i32>} : memref<128x1280xf32, #tpu.memory_space<vmem>>, vector<128x1280xf32>,
    %get3A_26 = arith.constant 0 : index
    %get3A_27 = arith.constant 0 : index
    %get3A_28 = vector.load %arg6[%get3A_26, %get3A_27] : memref<128x128xf32, #tpu.memory_space<vmem>>, vector<128x128xf32>
    %dot_general3A_29 = arith.constant dense<0.000000e+00> : vector<128x1280xf32>
    %dot_general3A_30 = tpu.matmul %get3A_28, %max3A_10, %dot_general3A_29 {dimension_numbers = #tpu.dot_dimension_numbers<[0], [0], [1], [1], [0, 1, 1, 1], [], []>, transpose_lhs_hint = false} : vector<128x128xf32>, vector<128x1280xf32>, vector<128x1280xf32> -> vector<128x1280xf32>
    %get3A_31 = arith.constant 0 : index
    %get3A_32 = arith.constant 0 : index
    %get3A_33 = vector.load %arg7[%get3A_31, %get3A_32] : memref<128x1xf32, #tpu.memory_space<vmem>>, vector<128x1xf32>
    %add3A_34 = vector.broadcast %get3A_33 : vector<128x1xf32> to vector<128x1280xf32>
    %add3A_35 = arith.addf %dot_general3A_30, %add3A_34 : vector<128x1280xf32>
    %swap3A_36 = arith.constant 0 : index
    %swap3A_37 = arith.constant 0 : index
    %swap3A_38 = vector.load %arg9[%swap3A_36, %swap3A_37] : memref<128x1280xf32, #tpu.memory_space<vmem>>, vector<128x1280xf32>
    tpu.vector_store %arg9[%swap3A_36, %swap3A_37], %add3A_35 {strides = array<i32>} : memref<128x1280xf32, #tpu.memory_space<vmem>>, vector<128x1280xf32>,
    return
  }
  func.func @transform_0(%arg0: i32) -> (i32, i32) {
    %c0_i32 = arith.constant 0 : i32
    %c0_i32_0 = arith.constant 0 : i32
    return %c0_i32, %arg0 : i32, i32
  }
  func.func @transform_1(%arg0: i32) -> (i32, i32) {
    %c0_i32 = arith.constant 0 : i32
    %c0_i32_0 = arith.constant 0 : i32
    return %c0_i32, %arg0 : i32, i32
  }
  func.func @transform_2(%arg0: i32) -> (i32, i32) {
    %c0_i32 = arith.constant 0 : i32
    %c0_i32_0 = arith.constant 0 : i32
    %c0_i32_1 = arith.constant 0 : i32
    return %c0_i32, %c0_i32_0 : i32, i32
  }
  func.func @transform_3(%arg0: i32) -> (i32, i32) {
    %c0_i32 = arith.constant 0 : i32
    %c0_i32_0 = arith.constant 0 : i32
    %c0_i32_1 = arith.constant 0 : i32
    return %c0_i32, %c0_i32_0 : i32, i32
  }
  func.func @transform_4(%arg0: i32) -> (i32, i32) {
    %c0_i32 = arith.constant 0 : i32
    %c0_i32_0 = arith.constant 0 : i32
    %c0_i32_1 = arith.constant 0 : i32
    return %c0_i32, %c0_i32_0 : i32, i32
  }
  func.func @transform_5(%arg0: i32) -> (i32, i32) {
    %c0_i32 = arith.constant 0 : i32
    %c0_i32_0 = arith.constant 0 : i32
    %c0_i32_1 = arith.constant 0 : i32
    return %c0_i32, %c0_i32_0 : i32, i32
  }
  func.func @transform_6(%arg0: i32) -> (i32, i32) {
    %c0_i32 = arith.constant 0 : i32
    %c0_i32_0 = arith.constant 0 : i32
    %c0_i32_1 = arith.constant 0 : i32
    return %c0_i32, %c0_i32_0 : i32, i32
  }
  func.func @transform_7(%arg0: i32) -> (i32, i32) {
    %c0_i32 = arith.constant 0 : i32
    %c0_i32_0 = arith.constant 0 : i32
    return %c0_i32, %arg0 : i32, i32
  }
  func.func @transform_8(%arg0: i32) -> (i32, i32) {
    %c0_i32 = arith.constant 0 : i32
    %c0_i32_0 = arith.constant 0 : i32
    return %c0_i32, %arg0 : i32, i32
  }
}

module attributes {stable_mosaic.version = 14 : i64} {
  func.func @_post_body(%arg0: i32, %arg1: memref<128x1280xf32, #tpu.memory_space<vmem>>, %arg2: memref<128x1280xf32, #tpu.memory_space<vmem>>, %arg3: memref<128x128xf32, #tpu.memory_space<vmem>>, %arg4: memref<128x1280xf32, #tpu.memory_space<vmem>>) attributes {dimension_semantics = [#tpu.dimension_semantics<arbitrary>], iteration_bounds = array<i64: 8>, scalar_prefetch = 0 : i64, scratch_operands = 0 : i64, tpu.core_type = #tpu.core_type<tc>, window_params = [{transform_indices = @transform_0, window_bounds = array<i64: 128, 1280>}, {transform_indices = @transform_1, window_bounds = array<i64: 128, 1280>}, {pipeline_mode = #tpu.pipeline_mode<synchronous>, transform_indices = @transform_2, window_bounds = array<i64: 128, 128>}, {transform_indices = @transform_3, window_bounds = array<i64: 128, 1280>}]} {
    %get3A = arith.constant 0 : index
    %get3A_0 = arith.constant 0 : index
    %get3A_1 = vector.load %arg3[%get3A, %get3A_0] : memref<128x128xf32, #tpu.memory_space<vmem>>, vector<128x128xf32>
    %get3A_2 = arith.constant 0 : index
    %get3A_3 = arith.constant 0 : index
    %get3A_4 = vector.load %arg2[%get3A_2, %get3A_3] : memref<128x1280xf32, #tpu.memory_space<vmem>>, vector<128x1280xf32>
    %dot_general3A = arith.constant dense<0.000000e+00> : vector<128x1280xf32>
    %dot_general3A_5 = tpu.matmul %get3A_1, %get3A_4, %dot_general3A {dimension_numbers = #tpu.dot_dimension_numbers<[0], [0], [1], [1], [0, 1, 1, 1], [], []>, transpose_lhs_hint = false} : vector<128x128xf32>, vector<128x1280xf32>, vector<128x1280xf32> -> vector<128x1280xf32>
    %get3A_6 = arith.constant 0 : index
    %get3A_7 = arith.constant 0 : index
    %get3A_8 = vector.load %arg1[%get3A_6, %get3A_7] : memref<128x1280xf32, #tpu.memory_space<vmem>>, vector<128x1280xf32>
    %add3A = arith.addf %get3A_8, %dot_general3A_5 : vector<128x1280xf32>
    %max3A = arith.constant 0.000000e+00 : f32
    %max3A_9 = vector.broadcast %max3A : f32 to vector<128x1280xf32>
    %max3A_10 = arith.maximumf %add3A, %max3A_9 : vector<128x1280xf32>
    %swap3A = arith.constant 0 : index
    %swap3A_11 = arith.constant 0 : index
    %swap3A_12 = vector.load %arg4[%swap3A, %swap3A_11] : memref<128x1280xf32, #tpu.memory_space<vmem>>, vector<128x1280xf32>
    tpu.vector_store %arg4[%swap3A, %swap3A_11], %max3A_10 {strides = array<i32>} : memref<128x1280xf32, #tpu.memory_space<vmem>>, vector<128x1280xf32>,
    return
  }
  func.func @transform_0(%arg0: i32) -> (i32, i32) {
    %c0_i32 = arith.constant 0 : i32
    %c0_i32_0 = arith.constant 0 : i32
    return %c0_i32, %arg0 : i32, i32
  }
  func.func @transform_1(%arg0: i32) -> (i32, i32) {
    %c0_i32 = arith.constant 0 : i32
    %c0_i32_0 = arith.constant 0 : i32
    return %c0_i32, %arg0 : i32, i32
  }
  func.func @transform_2(%arg0: i32) -> (i32, i32) {
    %c0_i32 = arith.constant 0 : i32
    %c0_i32_0 = arith.constant 0 : i32
    %c0_i32_1 = arith.constant 0 : i32
    return %c0_i32, %c0_i32_0 : i32, i32
  }
  func.func @transform_3(%arg0: i32) -> (i32, i32) {
    %c0_i32 = arith.constant 0 : i32
    %c0_i32_0 = arith.constant 0 : i32
    return %c0_i32, %arg0 : i32, i32
  }
}

module attributes {stable_mosaic.version = 14 : i64} {
  func.func @_final_body(%arg0: i32, %arg1: i32, %arg2: memref<128x1280xf32, #tpu.memory_space<vmem>>, %arg3: memref<128x1280xf32, #tpu.memory_space<vmem>>, %arg4: memref<1280x1280xf32, #tpu.memory_space<vmem>>, %arg5: memref<1280x128xf32, #tpu.memory_space<vmem>>) attributes {dimension_semantics = [#tpu.dimension_semantics<arbitrary>, #tpu.dimension_semantics<arbitrary>], iteration_bounds = array<i64: 8, 8>, scalar_prefetch = 0 : i64, scratch_operands = 0 : i64, tpu.core_type = #tpu.core_type<tc>, window_params = [{transform_indices = @transform_0, window_bounds = array<i64: 128, 1280>}, {transform_indices = @transform_1, window_bounds = array<i64: 128, 1280>}, {transform_indices = @transform_2, window_bounds = array<i64: 1280, 1280>}, {transform_indices = @transform_3, window_bounds = array<i64: 1280, 128>}]} {
    %get3A = arith.constant 0 : index
    %get3A_0 = arith.constant 0 : index
    %get3A_1 = vector.load %arg2[%get3A, %get3A_0] : memref<128x1280xf32, #tpu.memory_space<vmem>>, vector<128x1280xf32>
    %get3A_2 = arith.constant 0 : index
    %get3A_3 = arith.constant 0 : index
    %get3A_4 = vector.load %arg3[%get3A_2, %get3A_3] : memref<128x1280xf32, #tpu.memory_space<vmem>>, vector<128x1280xf32>
    %dot_general3A = arith.constant dense<0.000000e+00> : vector<1280x1280xf32>
    %dot_general3A_5 = tpu.matmul %get3A_1, %get3A_4, %dot_general3A {dimension_numbers = #tpu.dot_dimension_numbers<[0], [0], [1], [1], [0, 1, 1, 1], [], []>, transpose_lhs_hint = false} : vector<128x1280xf32>, vector<128x1280xf32>, vector<1280x1280xf32> -> vector<1280x1280xf32>
    %swap3A = arith.constant 0 : index
    %swap3A_6 = arith.constant 0 : index
    %swap3A_7 = vector.load %arg4[%swap3A, %swap3A_6] : memref<1280x1280xf32, #tpu.memory_space<vmem>>, vector<1280x1280xf32>
    tpu.vector_store %arg4[%swap3A, %swap3A_6], %dot_general3A_5 {strides = array<i32>} : memref<1280x1280xf32, #tpu.memory_space<vmem>>, vector<1280x1280xf32>,
    %eq3A = arith.constant 0 : i32
    %eq3A_8 = arith.cmpi eq, %arg1, %eq3A : i32
    %convert_element_type3A = arith.extui %eq3A_8 : i1 to i32
    %cond3A = arith.constant 0 : i32
    %cond3A_9 = arith.cmpi ne, %convert_element_type3A, %cond3A : i32
    scf.if %cond3A_9 {
      %transpose3A = tpu.transpose %get3A_1, [1, 0] : vector<128x1280xf32> -> vector<1280x128xf32>
      %swap3A_10 = arith.constant 0 : index
      %swap3A_11 = arith.constant 0 : index
      %swap3A_12 = vector.load %arg5[%swap3A_10, %swap3A_11] : memref<1280x128xf32, #tpu.memory_space<vmem>>, vector<1280x128xf32>
      tpu.vector_store %arg5[%swap3A_10, %swap3A_11], %transpose3A {strides = array<i32>} : memref<1280x128xf32, #tpu.memory_space<vmem>>, vector<1280x128xf32>,
    } else {
    }
    return
  }
  func.func @transform_0(%arg0: i32, %arg1: i32) -> (i32, i32) {
    %c0_i32 = arith.constant 0 : i32
    %c0_i32_0 = arith.constant 0 : i32
    return %c0_i32, %arg0 : i32, i32
  }
  func.func @transform_1(%arg0: i32, %arg1: i32) -> (i32, i32) {
    %c0_i32 = arith.constant 0 : i32
    %c0_i32_0 = arith.constant 0 : i32
    return %c0_i32, %arg1 : i32, i32
  }
  func.func @transform_2(%arg0: i32, %arg1: i32) -> (i32, i32) {
    %c0_i32 = arith.constant 0 : i32
    return %arg0, %arg1 : i32, i32
  }
  func.func @transform_3(%arg0: i32, %arg1: i32) -> (i32, i32) {
    %c0_i32 = arith.constant 0 : i32
    %c0_i32_0 = arith.constant 0 : i32
    return %arg0, %c0_i32 : i32, i32
  }
}

</mosaic_0001>

<sc_bundles>
// kernel: kernel.11.cloned.1.call-start
scs
__scs_entry_jumppad:
0x0: {  	(pc) =	sbr.rel $0x88, $3  }
0x1: {  	(tag) =	ssettag $0x0;
	lr =	simm.s32 $0x1  }
0x2: {  	[smem:$0x3F8F] =	sst lr;
	_ =	strace $0xD0000000  }
0x3: {  	_ = 	snop  }
0x4: {  	_ = 	snop  }
0x5: {  	_ = 	snop  }
0x6: {  	_ = 	snop  }
0x7: {  	_ = 	snop  }
__scs_overlays_trampoline_lowered:
0x8: {  	[smem:$0x3F9E] =	sst s0  }
0x9: {  	[smem:$0x3F9F] =	sst s1  }
0xa: {  	[smem:$0x3FA0] =	sst s2  }
0xb: {  	[smem:$0x3FA1] =	sst s3  }
0xc: {  	[smem:$0x3FA2] =	sst s4  }
0xd: {  	[smem:$0x3FA3] =	sst s5  }
0xe: {  	[smem:$0x3FA4] =	sst s6  }
0xf: {  	[smem:$0x3FA5] =	sst s7  }
0x10: {  	[smem:$0x3FA6] =	sst s8  }
0x11: {  	[smem:$0x3FA7] =	sst s9;
	s0 =	simm.s32 @!p0 $0x0  }
0x12: {  	s1 =	sld [smem:$0x3F8D];
	s0 =	simm.s32 @p0 $0x1  }
0x13: {  	[smem:$0x3FA8] =	sst s0;
	s0 =	simm.s32 @!p1 $0x0  }
0x14: {  	s2 =	sld [smem:$0x3F8C];
	s0 =	simm.s32 @p1 $0x1  }
0x15: {  	[smem:$0x3FA9] =	sst s0;
	s0 =	simm.s32 @!p2 $0x0  }
0x16: {  	s3 =	sld [smem:$0x3FDB];
	s0 =	simm.s32 @p2 $0x1  }
0x17: {  	s4 =	simm.s32 $0x1BF5;
	[smem:$0x3FAB] =	sst s0  }
0x18: {  	s0 =	sld [smem:$0x3F8E];
	_ =	swait.ge [sflag:s4], $0x0  }
0x19: {  	s7 =	sld [smem:$0x3F8F]  }
0x1a: {  	s8 =	sadd.s32 $0xFFFFE003, lr  }
0x1b: {  	s9 =	sadd.s32 $0xFFFFFEF7, lr;
	s5 =	simm.s32 $0xFFFFFFFF;
	p2 =	slt.u32 s8, $0xFFFFF086  }
0x1c: {  	p1 =	slt.u32 s9, $0xF7A;
	s5 =	simm.s32 @!p2 $0x0  }
0x1d: {  	s5 =	simm.s32 @p1 $0x1;
	p0 =	seq.s32 s7, s2  }
0x1e: {  	s7 =	smul.u32 @!p0 $0xF7A, s2;
	p2 =	seq.s32 @!p0 s5, $0x0  }
0x1f: {  	s9 =	smul.u32 $0xF7A, s1;
	s8 =	simm.s32 @!p0 $0x1BF5;
	p2 =	por !p2, p0  }
0x20: {  	[sflag:s8] =	ssyncset.s32 @!p0 $0xFFFFF086;
	s6 =	sadd.s32 @!p0 s3, s7;
	s7 =	simm.s32 @!p0 $0x108  }
0x21: {  	s3 =	sadd.s32 s3, s9;
	s6 =	sadd.s32 @!p0 $0x88, s6;
	s7 =	simm.s32 @p2 $0x1082  }
0x22: {  	[simem:s7], [sflag:s8] =	dma.local @!p0 [hbm:s6], $0xF7A  }
0x23: {  	s9 =	sor.u32 $0xD0000000, s2;
	s6 =	simm.s32 $0x108;
	_ =	swait.ge @!p0 [sflag:s8], $0x0  }
0x24: {  	s3 =	sadd.s32 $0x88, s3;
	s6 =	simm.s32 @!p1 $0x1082;
	[sflag:s4] =	ssyncset.s32 $0xFFFFF086  }
0x25: {  	[simem:s6], [sflag:s4] =	dma.local [hbm:s3], $0xF7A  }
0x26: {  	[smem:$0x3F8F] =	sst s1;
	(tag) =	ssettag s2;
	_ =	strace s9  }
0x27: {  	s1 =	sld [smem:$0x3F9F]  }
0x28: {  	s2 =	sld [smem:$0x3FA0]  }
0x29: {  	s4 =	sld [smem:$0x3FA2]  }
0x2a: {  	p0 =	seq.s32 s5, $0x0;
	s5 =	sld [smem:$0x3FA3]  }
0x2b: {  	s6 =	sld [smem:$0x3FA4]  }
0x2c: {  	s7 =	sld [smem:$0x3FA5]  }
0x2d: {  	s3 =	simm.s32 $0x108;
	s8 =	sld [smem:$0x3FA6]  }
0x2e: {  	s3 =	simm.s32 @!p0 $0x1082;
	s9 =	sld [smem:$0x3FA7]  }
0x2f: {  	lr =	sadd.s32 s0, s3;
	s0 =	sld [smem:$0x3F9E]  }
0x30: {  	s3 =	sld [smem:$0x3FA1]  }
0x31: {  	[smem:$0x3FAA] =	sst s10  }
0x32: {  	s10 =	sld [smem:$0x3FA8];
	_ =	sdelay $0x3  }
0x33: {  	p0 =	seq.s32 s10, $0x1;
	s10 =	sld [smem:$0x3FAA];
	_ =	sdelay $0x3  }
0x34: {  	[smem:$0x3FAA] =	sst s10  }
0x35: {  	s10 =	sld [smem:$0x3FA9];
	_ =	sdelay $0x3  }
0x36: {  	p1 =	seq.s32 s10, $0x1;
	s10 =	sld [smem:$0x3FAA];
	_ =	sdelay $0x3  }
0x37: {  	[smem:$0x3FAA] =	sst s10  }
0x38: {  	s10 =	sld [smem:$0x3FAB]  }
0x39: {  	_ = 	snop;
	(pc) =	sbr.ind lr, $3  }
0x3a: {  	_ = 	snop  }
0x3b: {  	_ = 	snop  }
0x3c: {  	p2 =	seq.s32 s10, $0x1;
	s10 =	sld [smem:$0x3FAA]  }
0x3d: {  	_ =	shalt  }
0x3e: {  	_ =	shalt  }
0x3f: {  	_ =	shalt  }
0x40: {  	_ =	shalt  }
0x41: {  	_ =	shalt  }
0x42: {  	_ =	shalt  }
0x43: {  	_ =	shalt  }
0x44: {  	_ =	shalt  }
0x45: {  	_ =	shalt  }
0x46: {  	_ =	shalt  }
0x47: {  	_ =	shalt  }
0x48: {  	_ =	shalt  }
0x49: {  	_ =	shalt  }
0x4a: {  	_ =	shalt  }
0x4b: {  	_ =	shalt  }
0x4c: {  	_ =	shalt  }
0x4d: {  	_ =	shalt  }
0x4e: {  	_ =	shalt  }
0x4f: {  	_ =	shalt  }
0x50: {  	_ =	shalt  }
0x51: {  	_ =	shalt  }
0x52: {  	_ =	shalt  }
0x53: {  	_ =	shalt  }
0x54: {  	_ =	shalt  }
0x55: {  	_ =	shalt  }
0x56: {  	_ =	shalt  }
0x57: {  	_ =	shalt  }
0x58: {  	_ =	shalt  }
0x59: {  	_ =	shalt  }
0x5a: {  	_ =	shalt  }
0x5b: {  	_ =	shalt  }
0x5c: {  	_ =	shalt  }
0x5d: {  	_ =	shalt  }
0x5e: {  	_ =	shalt  }
0x5f: {  	_ =	shalt  }
0x60: {  	_ =	shalt  }
0x61: {  	_ =	shalt  }
0x62: {  	_ =	shalt  }
0x63: {  	_ =	shalt  }
0x64: {  	_ =	shalt  }
0x65: {  	_ =	shalt  }
0x66: {  	_ =	shalt  }
0x67: {  	_ =	shalt  }
0x68: {  	_ =	shalt  }
0x69: {  	_ =	shalt  }
0x6a: {  	_ =	shalt  }
0x6b: {  	_ =	shalt  }
0x6c: {  	_ =	shalt  }
0x6d: {  	_ =	shalt  }
0x6e: {  	_ =	shalt  }
0x6f: {  	_ =	shalt  }
0x70: {  	_ =	shalt  }
0x71: {  	_ =	shalt  }
0x72: {  	_ =	shalt  }
0x73: {  	_ =	shalt  }
0x74: {  	_ =	shalt  }
0x75: {  	_ =	shalt  }
0x76: {  	_ =	shalt  }
0x77: {  	_ =	shalt  }
0x78: {  	_ =	shalt  }
0x79: {  	_ =	shalt  }
0x7a: {  	_ =	shalt  }
0x7b: {  	_ =	shalt  }
0x7c: {  	_ =	shalt  }
0x7d: {  	_ =	shalt  }
0x7e: {  	_ =	shalt  }
0x7f: {  	_ =	shalt  }
0x80: {  	_ =	shalt  }
0x81: {  	_ =	shalt  }
0x82: {  	_ =	shalt  }
0x83: {  	_ =	shalt  }
0x84: {  	_ =	shalt  }
0x85: {  	_ =	shalt  }
0x86: {  	_ =	shalt  }
0x87: {  	_ =	shalt  }
.Lfunc_end0:
.L_simem_size_0:
called_computation_lowered:
.L_overlay_start_0:
0x88: {  	s2 =	sld [smem:$0x3FD9]  }
0x89: {  	s3 =	sld [smem:$0x3FFE];
	_ =	sdelay $0x1  }
0x8a: {  	s1 =	srdreg.scid  }
0x8b: {  	s0 =	sand.u32 $0x1, s1  }
0x8c: {  	s14 =	sshll.u32 s0, $0xA;
	s2 =	sadd.s32 s3, s2  }
0x8d: {  	s2 =	sadd.s32 s2, s14  }
0x8e: {  	[smem:$0x3FB6] =	sst s2  }
0x8f: {  	_ = 	snop  }
0x90: {  	s2 =	sld [smem:$0x3FD0];
	_ =	sdelay $0x2  }
0x91: {  	s4 =	simm.s32 $0xA;
	s5 =	simm.s32 $0x10;
	s15 =	sld [smem:$0x3FC7]  }
0x92: {  	[smem:s5], [sflag:s4] =	dma.local [hbm:s2], $0x1  }
0x93: {  	_ =	swait.eq [sflag:s4], $0x1  }
0x94: {  	[sflag:s4] =	ssyncset.done $0x0  }
0x95: {  	s16 =	sld [smem:$0x10];
	[sflag:s4] =	ssyncadd.s32 $0xFFFFFFFF  }
0x96: {  	s17 =	sld [smem:$0x11];
	(tm) =	ssettm $0x1  }
0x97: {  	s18 =	sld [smem:$0x3FFB];
	_ =	sdelay $0x3  }
0x98: {  	_ =	strace s18  }
0x99: {  	s5 =	sld [smem:$0x3FFC];
	_ =	sdelay $0x3  }
0x9a: {  	_ =	strace s5  }
0x9b: {  	s5 =	sld [smem:$0x3FFD];
	_ =	sdelay $0x3  }
0x9c: {  	_ =	strace s5  }
0x9d: {  	_ =	strace $0x8FFFFFFF  }
0x9e: {  	s19 =	sld [smem:$0x3FDB];
	_ =	sdelay $0x1  }
0x9f: {  	s6 =	simm.s32 $_scs_section_size  }
0xa0: {  	s7 =	simm.s32 $_size__tile_overlayer_lowered;
	s8 =	simm.s32 $_tile_overlayer_lowered  }
0xa1: {  	s22 =	simm.s32 $0x1BFF;
	s21 =	sshll.u32 s8, $0x1;
	s5 =	sadd.s32 s6, s19  }
0xa2: {  	s9 =	simm.s32 $0x0;
	s20 =	sshll.u32 s7, $0x1;
	s7 =	sadd.s32 s21, s5  }
0xa3: {  	[timem:s9], [sflag:s22] =	dma.local [hbm:s7], s20  }
0xa4: {  	_ =	swait.ge [sflag:s22], s20  }
0xa5: {  	s6 =	ssub.s32 $0x0, s20;
	[sflag:s22] =	ssyncset.done $0x0  }
0xa6: {  	[sflag:s22] =	ssyncadd.s32 s6;
	_ =	sdelay $0x1  }
0xa7: {  	s23 =	simm.s32 $0x1B8B  }
0xa8: {  	_ =	swait.ge [sflag:s23], $0x1  }
0xa9: {  	[sflag:s23] =	ssyncset.done $0x0  }
0xaa: {  	s25 =	simm.s32 $0x1B8E;
	s24 =	sld [smem:$0x3FFE];
	[sflag:s23] =	ssyncadd.s32 $0xFFFFFFFF  }
0xab: {  	s26 =	simm.s32 $execute0_lowered;
	[smem:$0x3FD2] =	sst s25  }
0xac: {  	s7 =	sshll.u32 s26, $0x1;
	_ =	strace $0x80000046;
	[dreg:$0x1] =	wrdreg $0xFFFFFFFF  }
0xad: {  	s28 =	simm.s32 $_size_execute0_lowered;
	s5 =	sadd.s32 s5, s7;
	[dreg:$0x0] =	wrdreg $0x0  }
0xae: {  	s7 =	sshll.u32 s28, $0x1;
	[dreg:$0x2] =	wrdreg s5  }
0xaf: {  	[dreg:$0x3] =	wrdreg s7  }
0xb0: {  	[dreg:$0x4] =	wrdreg $0xC0  }
0xb1: {  	_ =	task [dreg:s9], $0x5FFFF  }
0xb2: {  	[dreg:$0x1] =	wrdreg $0xFFFFFFFF  }
0xb3: {  	[dreg:$0x0] =	wrdreg $0x60  }
0xb4: {  	[dreg:$0x2] =	wrdreg s16  }
0xb5: {  	[dreg:$0x3] =	wrdreg s24  }
0xb6: {  	[dreg:$0x4] =	wrdreg s15  }
0xb7: {  	[dreg:$0x5] =	wrdreg s17  }
0xb8: {  	[dreg:$0x6] =	wrdreg $0x9  }
0xb9: {  	_ =	task.clear_ibuf [dreg:s9], $0x7FFFF;
	_ =	strace $0x90000046  }
0xba: {  	s29 =	simm.s32 $0x9;
	_ =	strace $0x80000048  }
0xbb: {  	_ =	swait.ge [sflag:s29], $0x1  }
0xbc: {  	[sflag:s29] =	ssyncadd.s32 $0xFFFFFFFF  }
0xbd: {  	_ =	strace $0x90000048  }
0xbe: {  	_ =	sfence  }
0xbf: {  	s30 =	sld [smem:$0x0];
	_ =	sdelay $0x2  }
0xc0: {  	s31 =	sshll.u32 s1, $0xD;
	s1 =	sshrl.u32 s1, $0x2  }
0xc1: {  	s3 =	sand.u32 $0x4000, s31;
	s1 =	sadd.s32 s1, s30  }
0xc2: {  	s0 =	sor.u32 s3, s0;
	s1 =	sshll.u32 s1, $0x11  }
0xc3: {  	s0 =	sor.u32 s1, s0  }
0xc4: {  	s0 =	sadd.s32 $0x8F2B, s0  }
0xc5: {  	[sflag:s0] =	ssyncadd.remote.s32 $0x1  }
0xc6: {  	_ =	sfence.sel $0xFFFF  }
0xc7: {  	[dreg:$0x0] =	wrdreg $0xFFFFFFFF;
	(pc) =	sbr.abs _section_cstart, $3  }
0xc8: {  	[dreg:$0x1] =	wrdreg $0xFFFFFFFF  }
0xc9: {  	_ =	task.clear_ibuf [dreg:s9], $0x2FFFF;
	_ =	strace $0x9FFFFFFF  }
0xca: {  	(tm) =	ssettm $0x7FFFFFFF  }
0xcb: {  	_ =	shalt  }
tec
execute0_lowered:
.L_overlay_start_1:
0x0: {  	(tag) =	ssettag $0x1  }
0x1: {  	s0 =	rddreg [dreg:$0x0]  }
0x2: {  	s1 =	rddreg [dreg:$0x1]  }
0x3: {  	s2 =	rddreg [dreg:$0x2]  }
0x4: {  	s3 =	srdreg.scid;
	s5 =	stileid.u32  }
0x5: {  	s7 =	rddreg [dreg:$0x3];
	s13 =	simm.s32 $0x3;
	s16 =	simm.s32 $0x1DF00  }
0x6: {  	s17 =	simm.s32 $0x1EC00;
	s18 =	simm.s32 $0x1;
	s19 =	simm.s32 $0x9C80  }
0x7: {  	s20 =	simm.s32 $0xC400;
	s21 =	simm.s32 $0xEB80;
	s22 =	simm.s32 $0x11300  }
0x8: {  	s23 =	simm.s32 $0x13A80;
	s24 =	simm.s32 $0x16200;
	s25 =	simm.s32 $0x18980  }
0x9: {  	s26 =	simm.s32 $0x1B100;
	s4 =	sand.u32 $0x1, s3;
	s5 =	sshll.u32 s5, $0x1  }
0xa: {  	s28 =	simm.s32 $0x2;
	s29 =	simm.s32 $0x0;
	s5 =	sor.u32 s4, s5  }
0xb: {  	s3 =	simm.s32 $0x0;
	s6 =	ssub.s32 $0x2, s4;
	s5 =	smul.u32 $0x9C40, s5  }
0xc: {  	[smem:$0x7FF] =	sst s3;
	s4 =	sadd.s32 $0x2E00, s1;
	s8 =	sshrl.u32 s6, $0x1  }
0xd: {  	_ =	strace $0x80000047;
	s12 =	ssub.s32 s6, s8;
	s31 =	sshrl.u32 s5, $0x3  }
0xe: {  	s6 =	sadd.s32 $0x2EC8, s1;
	s8 =	sadd.s32 $0xC8, s2;
	s0 =	sadd.s32 s0, s31  }
0xf: {  	s12 =	smax.u32 s12, $0x1;
	s7 =	sadd.s32 s7, s31;
	[dreg:$0x5] =	wrdreg s0  }
0x10: {  	v0 =	vimm.f32 $0.0e+00;
	v1 =	vimm.s32 $0x0;
	s9 =	sadd.s32 $0x4E2, s7;
	s10 =	sadd.s32 $0x9C4, s7;
	s11 =	sadd.s32 $0xEA6, s7  }
.LBB2_1:
0x11: {  	s0 =	rddreg [dreg:$0x5]  }
0x12: {  	[tilespmem:s3], [sflag:$0x3] =	stream.linear.gather [hbm4b:s0+s3], $0x9C40, $0x38;
	[tilespmem:$0x1F280] =	vst v63  }
0x13: {  	_ =	swait.ge [sflag:s13], $0x9C40  }
0x14: {  	[sflag:s13] =	ssyncset.done $0x0  }
0x15: {  	s1 =	simm.s32 $0x40;
	s0 =	simm.s32 $0x0;
	[sflag:s13] =	ssyncadd.s32 $0xFFFF63C0  }
.LBB2_2:
0x16: {  	p0 =	sne.s32 s1, $0x9C00;
	[tilespmem:s0+$0x1B100] =	vst v0  }
0x17: {  	[tilespmem:s0+$0x9C80] =	vst v0  }
0x18: {  	[tilespmem:s0+$0xC400] =	vst v0  }
.Ltmp0:
0x19: {  	[tilespmem:s0+$0xEB80] =	vst v0;
	(pc) =	sbr.rel @p0 .LBB2_2-.Ltmp0, $4  }
0x1a: {  	[tilespmem:s0+$0x11300] =	vst v0  }
0x1b: {  	[tilespmem:s0+$0x13A80] =	vst v0  }
0x1c: {  	[tilespmem:s0+$0x16200] =	vst v0  }
0x1d: {  	[tilespmem:s0+$0x18980] =	vst v0;
	s0 =	sshra.s32 s1, $0x2;
	s1 =	sadd.s32 $0x40, s1  }
0x1e: {  	[tilespmem:s0+$0x1B100] =	vst v0  }
0x1f: {  	[tilespmem:s0+$0x9C80] =	vst v0  }
0x20: {  	[tilespmem:s0+$0xC400] =	vst v0  }
0x21: {  	[tilespmem:s0+$0xEB80] =	vst v0  }
0x22: {  	[tilespmem:s0+$0x11300] =	vst v0  }
0x23: {  	[tilespmem:s0+$0x13A80] =	vst v0  }
0x24: {  	[tilespmem:s0+$0x16200] =	vst v0  }
0x25: {  	[tilespmem:s0+$0x18980] =	vst v0;
	s30 =	simm.s32 $0x0;
	s15 =	simm.s32 $0x1D880  }
0x26: {  	[tilespmem:s15], [sflag:$0x1] =	stream.linear.gather [hbm4b:s4+s30], $0x640, $0x38;
	[tilespmem:$0x1F280] =	vst v63  }
0x27: {  	s31 =	simm.s32 $0x1E580  }
0x28: {  	[tilespmem:s31], [sflag:$0x1] =	stream.linear.gather [hbm4b:s2+s30], $0x640, $0x38;
	[tilespmem:$0x1F280] =	vst v63  }
0x29: {  	_ = 	snop  }
0x2a: {  	[tilespmem:s16], [sflag:$0x2] =	stream.linear.gather [hbm4b:s6+s30], $0x640, $0x38;
	[tilespmem:$0x1F280] =	vst v63  }
0x2b: {  	_ = 	snop  }
0x2c: {  	[tilespmem:s17], [sflag:$0x2] =	stream.linear.gather [hbm4b:s8+s30], $0x640, $0x38;
	[tilespmem:$0x1F280] =	vst v63  }
.LBB2_4:
0x2d: {  	_ =	swait.ge [sflag:s18], $0x640  }
.Ltmp1:
0x2e: {  	v18 =	vimm.s32 $0x0;
	[sflag:s18] =	ssyncset.done $0x0;
	(pc) =	sbr.rel .LBB2_5-.Ltmp1, $4  }
0x2f: {  	[sflag:s18] =	ssyncadd.s32 $0xFFFFF9C0  }
0x30: {  	v13 =	vimm.s32 $0x0;
	v12 =	vimm.f32 $0.0e+00;
	v14 =	vimm.f32 $0.0e+00;
	_ =	swait.ge [sflag:s18], $0x640  }
0x31: {  	v15 =	vimm.f32 $0.0e+00;
	v16 =	vimm.f32 $0.0e+00;
	v17 =	vimm.f32 $0.0e+00;
	[sflag:s18] =	ssyncset.done $0x0  }
0x32: {  	v19 =	vimm.f32 $0.0e+00;
	v20 =	vimm.f32 $0.0e+00;
	v21 =	vimm.f32 $0.0e+00;
	s15 =	simm.s32 $0x0;
	s31 =	simm.s32 $0x0;
	[sflag:s18] =	ssyncadd.s32 $0xFFFFF9C0  }
.LBB2_14:
0x33: {  	s31 =	sadd.s32 $0x1, s31  }
0x34: {  	p0 =	sne.s32 s31, $0x32  }
.Ltmp2:
0x35: {  	s5 =	sxor.u32 $0x7FFFFFFF, s14;
	v18 =	vmov v3;
	(pc) =	sbr.rel @!p0 .LBB2_15-.Ltmp2, $4  }
0x36: {  	s0 =	sxor.u32 $0x80000000, s0;
	s15 =	sxor.u32 $0x7FFFFFFF, s15;
	s5 =	sadd.s32 $0x1, s5  }
0x37: {  	s14 =	sadd.s32 $0x1, s15;
	s0 =	sadd.s32 s5, s0  }
0x38: {  	s1 =	sxor.u32 $0x80000000, s1;
	v12 =	vmovc v4;
	v14 =	vmov v5;
	v15 =	vmov v7;
	v16 =	vmov v6;
	s0 =	sadd.s32 s14, s0  }
0x39: {  	v17 =	vmovc v8;
	v19 =	vmovc v9;
	v20 =	vmov v10;
	v21 =	vmov v11;
	v13 =	vmov v2;
	s15 =	sadd.s32 s1, s0  }
.LBB2_5:
0x3a: {  	s0 =	sshll.u32 s31, $0x5  }
0x3b: {  	v2 =	vld [tilespmem:s0+$0x1D880];
	_ =	sdelay $0x4  }
0x3c: {  	v4 =	vand.u32 $0x3FFF, v2;
	_ =	sdelay $0x1  }
0x3d: {  	v3 =	vshrl.u32 v2, $0xE;
	_ =	sdelay $0x1  }
0x3e: {  	v5 =	vld [tilespmem:s0+$0x1E580]  }
0x3f: {  	v2 =	vld.idx.msk [tilespmem:v4+s3+$0x0], $0xffff  }
0x40: {  	v6 =	vadd.s32 $0x2710, v4  }
0x41: {  	v7 =	vadd.s32 $0x4E20, v4;
	v8 =	vld.idx.msk [tilespmem:v3+s19+$0x0], $0xffff  }
0x42: {  	v4 =	vadd.s32 $0x7530, v4  }
0x43: {  	v22 =	vld [tilespmem:s0+$0x1D890]  }
0x44: {  	v23 =	vld [tilespmem:s0+$0x1E590];
	v11 =	vmul.f32 v2, v5  }
0x45: {  	v2 =	vld.idx.msk [tilespmem:v6+s3+$0x0], $0xffff  }
0x46: {  	v6 =	vld.idx.msk [tilespmem:v7+s3+$0x0], $0xffff;
	v7 =	vmax.f32 v8, v11  }
0x47: {  	v4 =	vld.idx.msk [tilespmem:v4+s3+$0x0], $0xffff;
	[tilespmem:v3+s19+$0x0] =	vst.idx.msk $0xffff, v7  }
0x48: {  	v7 =	vld.idx.msk [tilespmem:v3+s20+$0x0], $0xffff;
	_ =	sdelay $0x2  }
0x49: {  	v10 =	vmul.f32 v2, v5;
	_ =	sdelay $0x1  }
0x4a: {  	v2 =	vmax.f32 v7, v10  }
0x4b: {  	[tilespmem:v3+s20+$0x0] =	vst.idx.msk $0xffff, v2  }
0x4c: {  	v7 =	vld.idx.msk [tilespmem:v3+s21+$0x0], $0xffff;
	_ =	sdelay $0x1  }
0x4d: {  	(xrf1) =	vunique.msk.u32 $0xffff, v3  }
0x4e: {  	v9 =	vmul.f32 v6, v5;
	v2 =	vshrl.u32 v22, $0xE  }
0x4f: {  	(xrf1) =	vunique.msk.u32 $0xffff, v2  }
0x50: {  	v6 =	vmax.f32 v7, v9  }
0x51: {  	[tilespmem:v3+s21+$0x0] =	vst.idx.msk $0xffff, v6  }
0x52: {  	v6 =	vld.idx.msk [tilespmem:v3+s22+$0x0], $0xffff;
	_ =	sdelay $0x1  }
0x53: {  	v7 =	vand.u32 $0x3FFF, v22  }
0x54: {  	v8 =	vmul.f32 v4, v5;
	_ =	sdelay $0x1  }
0x55: {  	v4 =	vmax.f32 v6, v8  }
0x56: {  	[tilespmem:v3+s22+$0x0] =	vst.idx.msk $0xffff, v4  }
0x57: {  	v5 =	vadd.s32 $0x2710, v7;
	v4 =	vld.idx.msk [tilespmem:v7+s3+$0x0], $0xffff;
	_ =	sdelay $0x1  }
0x58: {  	v22 =	vadd.s32 $0x4E20, v7;
	_, v6, _ =	vpop (xrf1);
	v24 =	vld.idx.msk [tilespmem:v2+s23+$0x0], $0xffff  }
0x59: {  	v6 =	vxor.u32 $0x80000000, v6;
	v7 =	vadd.s32 $0x7530, v7  }
0x5a: {  	(xrf0) =	vmax.scan.msk.u32 $0xffff, v6;
	_, v25, _ =	vpop (xrf1)  }
0x5b: {  	(xrf0) =	vmin.scan.msk.u32 $0xffff, v6;
	v6 =	vmul.f32 v4, v23;
	v4 =	vld.idx.msk [tilespmem:v5+s3+$0x0], $0xffff;
	v5 =	vxor.u32 $0x80000000, v25  }
0x5c: {  	(xrf0) =	vmax.scan.msk.u32 $0xffff, v5  }
0x5d: {  	v22 =	vld.idx.msk [tilespmem:v22+s3+$0x0], $0xffff;
	(xrf0) =	vmin.scan.msk.u32 $0xffff, v5;
	v5 =	vmax.f32 v24, v6  }
0x5e: {  	v62 =	vld.idx.msk [tilespmem:v7+s3+$0x0], $0xffff;
	[tilespmem:v2+s23+$0x0] =	vst.idx.msk $0xffff, v5  }
0x5f: {  	v5 =	vld.idx.msk [tilespmem:v2+s24+$0x0], $0xffff  }
0x60: {  	v7, _, _ =	vpop (xrf0)  }
0x61: {  	v63, _, _ =	vpop (xrf0);
	(v2sf) =	vpush v7, $0xF  }
0x62: {  	(v2sf) =	vpush v63, $0xF;
	v7 =	vmul.f32 v4, v23;
	v26, _, _ =	vpop (xrf0)  }
0x63: {  	(v2sf) =	vpush v26, $0xF;
	v4, _, _ =	vpop (xrf0)  }
0x64: {  	(v2sf) =	vpush v4, $0xF;
	v4 =	vmax.f32 v5, v7  }
0x65: {  	[tilespmem:v2+s24+$0x0] =	vst.idx.msk $0xffff, v4  }
0x66: {  	v4 =	vld.idx.msk [tilespmem:v2+s25+$0x0], $0xffff;
	_ =	sdelay $0x2  }
0x67: {  	v5 =	vmul.f32 v22, v23;
	_ =	sdelay $0x1  }
0x68: {  	v4 =	vmax.f32 v4, v5  }
0x69: {  	[tilespmem:v2+s25+$0x0] =	vst.idx.msk $0xffff, v4  }
0x6a: {  	v22 =	vld.idx.msk [tilespmem:v2+s26+$0x0], $0xffff  }
0x6b: {  	p0 =	slt.s32 s15, $0x1  }
.Ltmp3:
0x6c: {  	_ = 	snop;
	(pc) =	sbr.rel @p0 .LBB2_14-.Ltmp3, $4  }
0x6d: {  	s0 =	spop (v2sf);
	v4 =	vmul.f32 v62, v23  }
0x6e: {  	s14 =	spop (v2sf)  }
0x6f: {  	s1 =	spop (v2sf);
	v22 =	vmax.f32 v22, v4  }
0x70: {  	s15 =	spop (v2sf);
	[tilespmem:v2+s26+$0x0] =	vst.idx.msk $0xffff, v22  }
.LBB2_6:
0x71: {  	v22 =	vld.idx.msk [tilespmem:v18+s19+$0x0], $0xffff;
	_ =	sdelay $0x4  }
0x72: {  	vm0 =	vgt.f32 v21, v22;
	_ =	sdelay $0x5  }
0x73: {  	[tilespmem:v18+s19+$0x0] =	vst.idx.msk vm0, v21  }
0x74: {  	v22 =	vld.idx.msk [tilespmem:v18+s19+$0x0], $0xffff;
	_ =	sdelay $0x4  }
0x75: {  	vm15 =	vgt.f32 v21, v22  }
0x76: {  	v22 =	vsel vm15, $0x1, v1  }
0x77: {  	v22 =	vor.u32 $0x80000000, v22  }
0x78: {  	(xrf0) =	vmax.scan.msk.u32 $0xffff, v22;
	_ =	sdelay $0x5  }
0x79: {  	v22, _, _ =	vpop (xrf0)  }
0x7a: {  	(v2sf) =	vpush v22, $0xF;
	_ =	sdelay $0xe  }
0x7b: {  	s5 =	spop (v2sf)  }
0x7c: {  	p0 =	sgt.u32 s5, $0x80000000  }
.Ltmp4:
0x7d: {  	_ = 	snop;
	(pc) =	sbr.rel @p0 .LBB2_6-.Ltmp4, $1  }
0x7e: {  	_ =	sdelay $0x3  }
.LBB2_7:
0x7f: {  	v21 =	vld.idx.msk [tilespmem:v18+s20+$0x0], $0xffff;
	_ =	sdelay $0x4  }
0x80: {  	vm0 =	vgt.f32 v20, v21;
	_ =	sdelay $0x5  }
0x81: {  	[tilespmem:v18+s20+$0x0] =	vst.idx.msk vm0, v20  }
0x82: {  	v21 =	vld.idx.msk [tilespmem:v18+s20+$0x0], $0xffff;
	_ =	sdelay $0x4  }
0x83: {  	vm15 =	vgt.f32 v20, v21  }
0x84: {  	v21 =	vsel vm15, $0x1, v1  }
0x85: {  	v21 =	vor.u32 $0x80000000, v21  }
0x86: {  	(xrf0) =	vmax.scan.msk.u32 $0xffff, v21;
	_ =	sdelay $0x5  }
0x87: {  	v21, _, _ =	vpop (xrf0)  }
0x88: {  	(v2sf) =	vpush v21, $0xF;
	_ =	sdelay $0xe  }
0x89: {  	s5 =	spop (v2sf)  }
0x8a: {  	p0 =	sgt.u32 s5, $0x80000000  }
.Ltmp5:
0x8b: {  	_ = 	snop;
	(pc) =	sbr.rel @p0 .LBB2_7-.Ltmp5, $1  }
0x8c: {  	_ =	sdelay $0x3  }
.LBB2_8:
0x8d: {  	v20 =	vld.idx.msk [tilespmem:v18+s21+$0x0], $0xffff;
	_ =	sdelay $0x4  }
0x8e: {  	vm0 =	vgt.f32 v19, v20;
	_ =	sdelay $0x5  }
0x8f: {  	[tilespmem:v18+s21+$0x0] =	vst.idx.msk vm0, v19  }
0x90: {  	v20 =	vld.idx.msk [tilespmem:v18+s21+$0x0], $0xffff;
	_ =	sdelay $0x4  }
0x91: {  	vm15 =	vgt.f32 v19, v20  }
0x92: {  	v20 =	vsel vm15, $0x1, v1  }
0x93: {  	v20 =	vor.u32 $0x80000000, v20  }
0x94: {  	(xrf0) =	vmax.scan.msk.u32 $0xffff, v20;
	_ =	sdelay $0x5  }
0x95: {  	v20, _, _ =	vpop (xrf0)  }
0x96: {  	(v2sf) =	vpush v20, $0xF;
	_ =	sdelay $0xe  }
0x97: {  	s5 =	spop (v2sf)  }
0x98: {  	p0 =	sgt.u32 s5, $0x80000000  }
.Ltmp6:
0x99: {  	_ = 	snop;
	(pc) =	sbr.rel @p0 .LBB2_8-.Ltmp6, $1  }
0x9a: {  	_ =	sdelay $0x3  }
.LBB2_9:
0x9b: {  	v19 =	vld.idx.msk [tilespmem:v18+s22+$0x0], $0xffff;
	_ =	sdelay $0x4  }
0x9c: {  	vm0 =	vgt.f32 v17, v19;
	_ =	sdelay $0x5  }
0x9d: {  	[tilespmem:v18+s22+$0x0] =	vst.idx.msk vm0, v17  }
0x9e: {  	v19 =	vld.idx.msk [tilespmem:v18+s22+$0x0], $0xffff;
	_ =	sdelay $0x4  }
0x9f: {  	vm15 =	vgt.f32 v17, v19  }
0xa0: {  	v19 =	vsel vm15, $0x1, v1  }
0xa1: {  	v19 =	vor.u32 $0x80000000, v19  }
0xa2: {  	(xrf0) =	vmax.scan.msk.u32 $0xffff, v19;
	_ =	sdelay $0x5  }
0xa3: {  	v19, _, _ =	vpop (xrf0)  }
0xa4: {  	(v2sf) =	vpush v19, $0xF;
	_ =	sdelay $0xe  }
0xa5: {  	s5 =	spop (v2sf)  }
0xa6: {  	p0 =	sgt.u32 s5, $0x80000000  }
.Ltmp7:
0xa7: {  	_ = 	snop;
	(pc) =	sbr.rel @p0 .LBB2_9-.Ltmp7, $1  }
0xa8: {  	_ =	sdelay $0x3  }
.LBB2_10:
0xa9: {  	v17 =	vld.idx.msk [tilespmem:v13+s23+$0x0], $0xffff;
	_ =	sdelay $0x4  }
0xaa: {  	vm0 =	vgt.f32 v16, v17;
	_ =	sdelay $0x5  }
0xab: {  	[tilespmem:v13+s23+$0x0] =	vst.idx.msk vm0, v16  }
0xac: {  	v17 =	vld.idx.msk [tilespmem:v13+s23+$0x0], $0xffff;
	_ =	sdelay $0x4  }
0xad: {  	vm15 =	vgt.f32 v16, v17  }
0xae: {  	v17 =	vsel vm15, $0x1, v1  }
0xaf: {  	v17 =	vor.u32 $0x80000000, v17  }
0xb0: {  	(xrf0) =	vmax.scan.msk.u32 $0xffff, v17;
	_ =	sdelay $0x5  }
0xb1: {  	v17, _, _ =	vpop (xrf0)  }
0xb2: {  	(v2sf) =	vpush v17, $0xF;
	_ =	sdelay $0xe  }
0xb3: {  	s5 =	spop (v2sf)  }
0xb4: {  	p0 =	sgt.u32 s5, $0x80000000  }
.Ltmp8:
0xb5: {  	_ = 	snop;
	(pc) =	sbr.rel @p0 .LBB2_10-.Ltmp8, $1  }
0xb6: {  	_ =	sdelay $0x3  }
.LBB2_11:
0xb7: {  	v16 =	vld.idx.msk [tilespmem:v13+s24+$0x0], $0xffff;
	_ =	sdelay $0x4  }
0xb8: {  	vm0 =	vgt.f32 v15, v16;
	_ =	sdelay $0x5  }
0xb9: {  	[tilespmem:v13+s24+$0x0] =	vst.idx.msk vm0, v15  }
0xba: {  	v16 =	vld.idx.msk [tilespmem:v13+s24+$0x0], $0xffff;
	_ =	sdelay $0x4  }
0xbb: {  	vm15 =	vgt.f32 v15, v16  }
0xbc: {  	v16 =	vsel vm15, $0x1, v1  }
0xbd: {  	v16 =	vor.u32 $0x80000000, v16  }
0xbe: {  	(xrf0) =	vmax.scan.msk.u32 $0xffff, v16;
	_ =	sdelay $0x5  }
0xbf: {  	v16, _, _ =	vpop (xrf0)  }
0xc0: {  	(v2sf) =	vpush v16, $0xF;
	_ =	sdelay $0xe  }
0xc1: {  	s5 =	spop (v2sf)  }
0xc2: {  	p0 =	sgt.u32 s5, $0x80000000  }
.Ltmp9:
0xc3: {  	_ = 	snop;
	(pc) =	sbr.rel @p0 .LBB2_11-.Ltmp9, $1  }
0xc4: {  	_ =	sdelay $0x3  }
.LBB2_12:
0xc5: {  	v15 =	vld.idx.msk [tilespmem:v13+s25+$0x0], $0xffff;
	_ =	sdelay $0x4  }
0xc6: {  	vm0 =	vgt.f32 v14, v15;
	_ =	sdelay $0x5  }
0xc7: {  	[tilespmem:v13+s25+$0x0] =	vst.idx.msk vm0, v14  }
0xc8: {  	v15 =	vld.idx.msk [tilespmem:v13+s25+$0x0], $0xffff;
	_ =	sdelay $0x4  }
0xc9: {  	vm15 =	vgt.f32 v14, v15  }
0xca: {  	v15 =	vsel vm15, $0x1, v1  }
0xcb: {  	v15 =	vor.u32 $0x80000000, v15  }
0xcc: {  	(xrf0) =	vmax.scan.msk.u32 $0xffff, v15;
	_ =	sdelay $0x5  }
0xcd: {  	v15, _, _ =	vpop (xrf0)  }
0xce: {  	(v2sf) =	vpush v15, $0xF;
	_ =	sdelay $0xe  }
0xcf: {  	s5 =	spop (v2sf)  }
0xd0: {  	p0 =	sgt.u32 s5, $0x80000000  }
.Ltmp10:
0xd1: {  	_ = 	snop;
	(pc) =	sbr.rel @p0 .LBB2_12-.Ltmp10, $1  }
0xd2: {  	_ =	sdelay $0x3  }
.LBB2_13:
0xd3: {  	v14 =	vld.idx.msk [tilespmem:v13+s26+$0x0], $0xffff;
	_ =	sdelay $0x4  }
0xd4: {  	vm0 =	vgt.f32 v12, v14;
	_ =	sdelay $0x5  }
0xd5: {  	[tilespmem:v13+s26+$0x0] =	vst.idx.msk vm0, v12  }
0xd6: {  	v14 =	vld.idx.msk [tilespmem:v13+s26+$0x0], $0xffff;
	_ =	sdelay $0x4  }
0xd7: {  	vm15 =	vgt.f32 v12, v14  }
0xd8: {  	v14 =	vsel vm15, $0x1, v1  }
0xd9: {  	v14 =	vor.u32 $0x80000000, v14  }
0xda: {  	(xrf0) =	vmax.scan.msk.u32 $0xffff, v14;
	_ =	sdelay $0x5  }
0xdb: {  	v14, _, _ =	vpop (xrf0)  }
0xdc: {  	(v2sf) =	vpush v14, $0xF;
	_ =	sdelay $0xe  }
0xdd: {  	s5 =	spop (v2sf)  }
0xde: {  	p0 =	sgt.u32 s5, $0x80000000  }
.Ltmp11:
0xdf: {  	_ = 	snop;
	(pc) =	sbr.rel @p0 .LBB2_13-.Ltmp11, $1  }
0xe0: {  	_ =	sdelay $0x3  }
.Ltmp12:
0xe1: {  	_ = 	snop;
	(pc) =	sbr.rel .LBB2_14-.Ltmp12, $1  }
0xe2: {  	_ =	sdelay $0x3  }
.LBB2_15:
0xe3: {  	p0 =	slt.s32 s15, $0x1  }
.Ltmp13:
0xe4: {  	_ = 	snop;
	(pc) =	sbr.rel @p0 .LBB2_24-.Ltmp13, $1  }
0xe5: {  	_ =	sdelay $0x3  }
.LBB2_16:
0xe6: {  	v12 =	vld.idx.msk [tilespmem:v3+s19+$0x0], $0xffff;
	_ =	sdelay $0x4  }
0xe7: {  	vm0 =	vgt.f32 v11, v12;
	_ =	sdelay $0x5  }
0xe8: {  	[tilespmem:v3+s19+$0x0] =	vst.idx.msk vm0, v11  }
0xe9: {  	v63 =	vld.idx.msk [tilespmem:v3+s19+$0x0], $0xffff;
	_ =	sdelay $0x4  }
0xea: {  	vm15 =	vgt.f32 v11, v63  }
0xeb: {  	v12 =	vsel vm15, $0x1, v1  }
0xec: {  	v12 =	vor.u32 $0x80000000, v12  }
0xed: {  	(xrf0) =	vmax.scan.msk.u32 $0xffff, v12;
	_ =	sdelay $0x5  }
0xee: {  	v12, _, _ =	vpop (xrf0)  }
0xef: {  	(v2sf) =	vpush v12, $0xF;
	_ =	sdelay $0xe  }
0xf0: {  	s0 =	spop (v2sf)  }
0xf1: {  	p0 =	sgt.u32 s0, $0x80000000  }
.Ltmp14:
0xf2: {  	_ = 	snop;
	(pc) =	sbr.rel @p0 .LBB2_16-.Ltmp14, $1  }
0xf3: {  	_ =	sdelay $0x3  }
.LBB2_17:
0xf4: {  	v11 =	vld.idx.msk [tilespmem:v3+s20+$0x0], $0xffff;
	_ =	sdelay $0x4  }
0xf5: {  	vm0 =	vgt.f32 v10, v11;
	_ =	sdelay $0x5  }
0xf6: {  	[tilespmem:v3+s20+$0x0] =	vst.idx.msk vm0, v10  }
0xf7: {  	v11 =	vld.idx.msk [tilespmem:v3+s20+$0x0], $0xffff;
	_ =	sdelay $0x4  }
0xf8: {  	vm15 =	vgt.f32 v10, v11  }
0xf9: {  	v11 =	vsel vm15, $0x1, v1  }
0xfa: {  	v11 =	vor.u32 $0x80000000, v11  }
0xfb: {  	(xrf0) =	vmax.scan.msk.u32 $0xffff, v11;
	_ =	sdelay $0x5  }
0xfc: {  	v11, _, _ =	vpop (xrf0)  }
0xfd: {  	(v2sf) =	vpush v11, $0xF;
	_ =	sdelay $0xe  }
0xfe: {  	s0 =	spop (v2sf)  }
0xff: {  	p0 =	sgt.u32 s0, $0x80000000  }
.Ltmp15:
0x100: {  	_ = 	snop;
	(pc) =	sbr.rel @p0 .LBB2_17-.Ltmp15, $1  }
0x101: {  	_ =	sdelay $0x3  }
.LBB2_18:
0x102: {  	v10 =	vld.idx.msk [tilespmem:v3+s21+$0x0], $0xffff;
	_ =	sdelay $0x4  }
0x103: {  	vm0 =	vgt.f32 v9, v10;
	_ =	sdelay $0x5  }
0x104: {  	[tilespmem:v3+s21+$0x0] =	vst.idx.msk vm0, v9  }
0x105: {  	v10 =	vld.idx.msk [tilespmem:v3+s21+$0x0], $0xffff;
	_ =	sdelay $0x4  }
0x106: {  	vm15 =	vgt.f32 v9, v10  }
0x107: {  	v10 =	vsel vm15, $0x1, v1  }
0x108: {  	v10 =	vor.u32 $0x80000000, v10  }
0x109: {  	(xrf0) =	vmax.scan.msk.u32 $0xffff, v10;
	_ =	sdelay $0x5  }
0x10a: {  	v10, _, _ =	vpop (xrf0)  }
0x10b: {  	(v2sf) =	vpush v10, $0xF;
	_ =	sdelay $0xe  }
0x10c: {  	s0 =	spop (v2sf)  }
0x10d: {  	p0 =	sgt.u32 s0, $0x80000000  }
.Ltmp16:
0x10e: {  	_ = 	snop;
	(pc) =	sbr.rel @p0 .LBB2_18-.Ltmp16, $1  }
0x10f: {  	_ =	sdelay $0x3  }
.LBB2_19:
0x110: {  	v9 =	vld.idx.msk [tilespmem:v3+s22+$0x0], $0xffff;
	_ =	sdelay $0x4  }
0x111: {  	vm0 =	vgt.f32 v8, v9;
	_ =	sdelay $0x5  }
0x112: {  	[tilespmem:v3+s22+$0x0] =	vst.idx.msk vm0, v8  }
0x113: {  	v9 =	vld.idx.msk [tilespmem:v3+s22+$0x0], $0xffff;
	_ =	sdelay $0x4  }
0x114: {  	vm15 =	vgt.f32 v8, v9  }
0x115: {  	v9 =	vsel vm15, $0x1, v1  }
0x116: {  	v9 =	vor.u32 $0x80000000, v9  }
0x117: {  	(xrf0) =	vmax.scan.msk.u32 $0xffff, v9;
	_ =	sdelay $0x5  }
0x118: {  	v9, _, _ =	vpop (xrf0)  }
0x119: {  	(v2sf) =	vpush v9, $0xF;
	_ =	sdelay $0xe  }
0x11a: {  	s0 =	spop (v2sf)  }
0x11b: {  	p0 =	sgt.u32 s0, $0x80000000  }
.Ltmp17:
0x11c: {  	_ = 	snop;
	(pc) =	sbr.rel @p0 .LBB2_19-.Ltmp17, $1  }
0x11d: {  	_ =	sdelay $0x3  }
.LBB2_20:
0x11e: {  	v3 =	vld.idx.msk [tilespmem:v2+s23+$0x0], $0xffff;
	_ =	sdelay $0x4  }
0x11f: {  	vm0 =	vgt.f32 v6, v3;
	_ =	sdelay $0x5  }
0x120: {  	[tilespmem:v2+s23+$0x0] =	vst.idx.msk vm0, v6  }
0x121: {  	v3 =	vld.idx.msk [tilespmem:v2+s23+$0x0], $0xffff;
	_ =	sdelay $0x4  }
0x122: {  	vm15 =	vgt.f32 v6, v3  }
0x123: {  	v3 =	vsel vm15, $0x1, v1  }
0x124: {  	v3 =	vor.u32 $0x80000000, v3  }
0x125: {  	(xrf0) =	vmax.scan.msk.u32 $0xffff, v3;
	_ =	sdelay $0x5  }
0x126: {  	v3, _, _ =	vpop (xrf0)  }
0x127: {  	(v2sf) =	vpush v3, $0xF;
	_ =	sdelay $0xe  }
0x128: {  	s0 =	spop (v2sf)  }
0x129: {  	p0 =	sgt.u32 s0, $0x80000000  }
.Ltmp18:
0x12a: {  	_ = 	snop;
	(pc) =	sbr.rel @p0 .LBB2_20-.Ltmp18, $1  }
0x12b: {  	_ =	sdelay $0x3  }
.LBB2_21:
0x12c: {  	v3 =	vld.idx.msk [tilespmem:v2+s24+$0x0], $0xffff;
	_ =	sdelay $0x4  }
0x12d: {  	vm0 =	vgt.f32 v7, v3;
	_ =	sdelay $0x5  }
0x12e: {  	[tilespmem:v2+s24+$0x0] =	vst.idx.msk vm0, v7  }
0x12f: {  	v3 =	vld.idx.msk [tilespmem:v2+s24+$0x0], $0xffff;
	_ =	sdelay $0x4  }
0x130: {  	vm15 =	vgt.f32 v7, v3  }
0x131: {  	v3 =	vsel vm15, $0x1, v1  }
0x132: {  	v3 =	vor.u32 $0x80000000, v3  }
0x133: {  	(xrf0) =	vmax.scan.msk.u32 $0xffff, v3;
	_ =	sdelay $0x5  }
0x134: {  	v3, _, _ =	vpop (xrf0)  }
0x135: {  	(v2sf) =	vpush v3, $0xF;
	_ =	sdelay $0xe  }
0x136: {  	s0 =	spop (v2sf)  }
0x137: {  	p0 =	sgt.u32 s0, $0x80000000  }
.Ltmp19:
0x138: {  	_ = 	snop;
	(pc) =	sbr.rel @p0 .LBB2_21-.Ltmp19, $1  }
0x139: {  	_ =	sdelay $0x3  }
.LBB2_22:
0x13a: {  	v3 =	vld.idx.msk [tilespmem:v2+s25+$0x0], $0xffff;
	_ =	sdelay $0x4  }
0x13b: {  	vm0 =	vgt.f32 v5, v3;
	_ =	sdelay $0x5  }
0x13c: {  	[tilespmem:v2+s25+$0x0] =	vst.idx.msk vm0, v5  }
0x13d: {  	v3 =	vld.idx.msk [tilespmem:v2+s25+$0x0], $0xffff;
	_ =	sdelay $0x4  }
0x13e: {  	vm15 =	vgt.f32 v5, v3  }
0x13f: {  	v3 =	vsel vm15, $0x1, v1  }
0x140: {  	v3 =	vor.u32 $0x80000000, v3  }
0x141: {  	(xrf0) =	vmax.scan.msk.u32 $0xffff, v3;
	_ =	sdelay $0x5  }
0x142: {  	v3, _, _ =	vpop (xrf0)  }
0x143: {  	(v2sf) =	vpush v3, $0xF;
	_ =	sdelay $0xe  }
0x144: {  	s0 =	spop (v2sf)  }
0x145: {  	p0 =	sgt.u32 s0, $0x80000000  }
.Ltmp20:
0x146: {  	_ = 	snop;
	(pc) =	sbr.rel @p0 .LBB2_22-.Ltmp20, $1  }
0x147: {  	_ =	sdelay $0x3  }
.LBB2_23:
0x148: {  	v3 =	vld.idx.msk [tilespmem:v2+s26+$0x0], $0xffff;
	_ =	sdelay $0x4  }
0x149: {  	vm0 =	vgt.f32 v4, v3;
	_ =	sdelay $0x5  }
0x14a: {  	[tilespmem:v2+s26+$0x0] =	vst.idx.msk vm0, v4  }
0x14b: {  	v3 =	vld.idx.msk [tilespmem:v2+s26+$0x0], $0xffff;
	_ =	sdelay $0x4  }
0x14c: {  	vm15 =	vgt.f32 v4, v3  }
0x14d: {  	v3 =	vsel vm15, $0x1, v1  }
0x14e: {  	v3 =	vor.u32 $0x80000000, v3  }
0x14f: {  	(xrf0) =	vmax.scan.msk.u32 $0xffff, v3;
	_ =	sdelay $0x5  }
0x150: {  	v3, _, _ =	vpop (xrf0)  }
0x151: {  	(v2sf) =	vpush v3, $0xF;
	_ =	sdelay $0xe  }
0x152: {  	s0 =	spop (v2sf)  }
0x153: {  	p0 =	sgt.u32 s0, $0x80000000  }
.Ltmp21:
0x154: {  	_ = 	snop;
	(pc) =	sbr.rel @p0 .LBB2_23-.Ltmp21, $1  }
0x155: {  	_ =	sdelay $0x3  }
.LBB2_24:
0x156: {  	p0 =	seq.s32 s30, $0x63  }
0x157: {  	s0 =	smul.u32 @!p0 $0xC80, s30;
	_ =	sdelay $0x1  }
0x158: {  	s0 =	sshrl.u32 @!p0 s0, $0x3  }
0x159: {  	s0 =	sadd.s32 @!p0 $0x190, s0  }
0x15a: {  	s5 =	simm.s32 @!p0 $0x0;
	s14 =	simm.s32 @!p0 $0x1D880;
	s1 =	sadd.s32 @!p0 s4, s0  }
0x15b: {  	[tilespmem:s14], [sflag:$0x1] =	stream.linear.gather @!p0 [hbm4b:s1+s5], $0x640, $0x38;
	[tilespmem:$0x1F280] =	vst v63  }
0x15c: {  	s0 =	sadd.s32 @!p0 s2, s0;
	s1 =	simm.s32 @!p0 $0x1E580  }
0x15d: {  	[tilespmem:s1], [sflag:$0x1] =	stream.linear.gather @!p0 [hbm4b:s0+s5], $0x640, $0x38;
	[tilespmem:$0x1F280] =	vst v63  }
0x15e: {  	_ =	swait.ge [sflag:s28], $0x640  }
.Ltmp22:
0x15f: {  	v18 =	vimm.s32 $0x0;
	[sflag:s28] =	ssyncset.done $0x0;
	(pc) =	sbr.rel .LBB2_25-.Ltmp22, $4  }
0x160: {  	[sflag:s28] =	ssyncadd.s32 $0xFFFFF9C0  }
0x161: {  	v13 =	vimm.s32 $0x0;
	v12 =	vimm.f32 $0.0e+00;
	v14 =	vimm.f32 $0.0e+00;
	_ =	swait.ge [sflag:s28], $0x640  }
0x162: {  	v15 =	vimm.f32 $0.0e+00;
	v16 =	vimm.f32 $0.0e+00;
	v17 =	vimm.f32 $0.0e+00;
	[sflag:s28] =	ssyncset.done $0x0  }
0x163: {  	v19 =	vimm.f32 $0.0e+00;
	s15 =	simm.s32 $0x0;
	v20 =	vimm.f32 $0.0e+00;
	v21 =	vimm.f32 $0.0e+00;
	s31 =	simm.s32 $0x0;
	[sflag:s28] =	ssyncadd.s32 $0xFFFFF9C0  }
.LBB2_34:
0x164: {  	s31 =	sadd.s32 $0x1, s31  }
0x165: {  	p1 =	sne.s32 s31, $0x32  }
.Ltmp23:
0x166: {  	s5 =	sxor.u32 $0x7FFFFFFF, s14;
	v18 =	vmov v3;
	(pc) =	sbr.rel @!p1 .LBB2_35-.Ltmp23, $4  }
0x167: {  	s0 =	sxor.u32 $0x80000000, s0;
	s15 =	sxor.u32 $0x7FFFFFFF, s15;
	s5 =	sadd.s32 $0x1, s5  }
0x168: {  	s14 =	sadd.s32 $0x1, s15;
	s0 =	sadd.s32 s5, s0  }
0x169: {  	s1 =	sxor.u32 $0x80000000, s1;
	v12 =	vmovc v4;
	v14 =	vmov v5;
	v15 =	vmov v7;
	v16 =	vmov v6;
	s0 =	sadd.s32 s14, s0  }
0x16a: {  	v17 =	vmovc v8;
	v19 =	vmovc v9;
	v20 =	vmov v10;
	v21 =	vmov v11;
	v13 =	vmov v2;
	s15 =	sadd.s32 s1, s0  }
.LBB2_25:
0x16b: {  	s0 =	sshll.u32 s31, $0x5  }
0x16c: {  	v2 =	vld [tilespmem:s0+$0x1DF00];
	_ =	sdelay $0x4  }
0x16d: {  	v4 =	vand.u32 $0x3FFF, v2;
	_ =	sdelay $0x1  }
0x16e: {  	v3 =	vshrl.u32 v2, $0xE;
	_ =	sdelay $0x1  }
0x16f: {  	v5 =	vld [tilespmem:s0+$0x1EC00]  }
0x170: {  	v2 =	vld.idx.msk [tilespmem:v4+s3+$0x0], $0xffff  }
0x171: {  	v6 =	vadd.s32 $0x2710, v4  }
0x172: {  	v7 =	vadd.s32 $0x4E20, v4;
	v8 =	vld.idx.msk [tilespmem:v3+s19+$0x0], $0xffff  }
0x173: {  	v4 =	vadd.s32 $0x7530, v4  }
0x174: {  	v22 =	vld [tilespmem:s0+$0x1DF10]  }
0x175: {  	v23 =	vld [tilespmem:s0+$0x1EC10];
	v11 =	vmul.f32 v2, v5  }
0x176: {  	v2 =	vld.idx.msk [tilespmem:v6+s3+$0x0], $0xffff  }
0x177: {  	v6 =	vld.idx.msk [tilespmem:v7+s3+$0x0], $0xffff;
	v7 =	vmax.f32 v8, v11  }
0x178: {  	v4 =	vld.idx.msk [tilespmem:v4+s3+$0x0], $0xffff;
	[tilespmem:v3+s19+$0x0] =	vst.idx.msk $0xffff, v7  }
0x179: {  	v7 =	vld.idx.msk [tilespmem:v3+s20+$0x0], $0xffff;
	_ =	sdelay $0x2  }
0x17a: {  	v10 =	vmul.f32 v2, v5;
	_ =	sdelay $0x1  }
0x17b: {  	v2 =	vmax.f32 v7, v10  }
0x17c: {  	[tilespmem:v3+s20+$0x0] =	vst.idx.msk $0xffff, v2  }
0x17d: {  	v7 =	vld.idx.msk [tilespmem:v3+s21+$0x0], $0xffff;
	_ =	sdelay $0x1  }
0x17e: {  	(xrf1) =	vunique.msk.u32 $0xffff, v3  }
0x17f: {  	v9 =	vmul.f32 v6, v5;
	v2 =	vshrl.u32 v22, $0xE  }
0x180: {  	(xrf1) =	vunique.msk.u32 $0xffff, v2  }
0x181: {  	v6 =	vmax.f32 v7, v9  }
0x182: {  	[tilespmem:v3+s21+$0x0] =	vst.idx.msk $0xffff, v6  }
0x183: {  	v6 =	vld.idx.msk [tilespmem:v3+s22+$0x0], $0xffff;
	_ =	sdelay $0x1  }
0x184: {  	v7 =	vand.u32 $0x3FFF, v22  }
0x185: {  	v8 =	vmul.f32 v4, v5;
	_ =	sdelay $0x1  }
0x186: {  	v4 =	vmax.f32 v6, v8  }
0x187: {  	[tilespmem:v3+s22+$0x0] =	vst.idx.msk $0xffff, v4  }
0x188: {  	v5 =	vadd.s32 $0x2710, v7;
	v4 =	vld.idx.msk [tilespmem:v7+s3+$0x0], $0xffff;
	_ =	sdelay $0x1  }
0x189: {  	v22 =	vadd.s32 $0x4E20, v7;
	_, v6, _ =	vpop (xrf1);
	v24 =	vld.idx.msk [tilespmem:v2+s23+$0x0], $0xffff  }
0x18a: {  	v6 =	vxor.u32 $0x80000000, v6;
	v7 =	vadd.s32 $0x7530, v7  }
0x18b: {  	(xrf0) =	vmax.scan.msk.u32 $0xffff, v6;
	_, v25, _ =	vpop (xrf1)  }
0x18c: {  	(xrf0) =	vmin.scan.msk.u32 $0xffff, v6;
	v6 =	vmul.f32 v4, v23;
	v4 =	vld.idx.msk [tilespmem:v5+s3+$0x0], $0xffff;
	v5 =	vxor.u32 $0x80000000, v25  }
0x18d: {  	(xrf0) =	vmax.scan.msk.u32 $0xffff, v5  }
0x18e: {  	v22 =	vld.idx.msk [tilespmem:v22+s3+$0x0], $0xffff;
	(xrf0) =	vmin.scan.msk.u32 $0xffff, v5;
	v5 =	vmax.f32 v24, v6  }
0x18f: {  	v62 =	vld.idx.msk [tilespmem:v7+s3+$0x0], $0xffff;
	[tilespmem:v2+s23+$0x0] =	vst.idx.msk $0xffff, v5  }
0x190: {  	v5 =	vld.idx.msk [tilespmem:v2+s24+$0x0], $0xffff  }
0x191: {  	v7, _, _ =	vpop (xrf0)  }
0x192: {  	v63, _, _ =	vpop (xrf0);
	(v2sf) =	vpush v7, $0xF  }
0x193: {  	(v2sf) =	vpush v63, $0xF;
	v7 =	vmul.f32 v4, v23;
	v26, _, _ =	vpop (xrf0)  }
0x194: {  	(v2sf) =	vpush v26, $0xF;
	v4, _, _ =	vpop (xrf0)  }
0x195: {  	(v2sf) =	vpush v4, $0xF;
	v4 =	vmax.f32 v5, v7  }
0x196: {  	[tilespmem:v2+s24+$0x0] =	vst.idx.msk $0xffff, v4  }
0x197: {  	v4 =	vld.idx.msk [tilespmem:v2+s25+$0x0], $0xffff;
	_ =	sdelay $0x2  }
0x198: {  	v5 =	vmul.f32 v22, v23;
	_ =	sdelay $0x1  }
0x199: {  	v4 =	vmax.f32 v4, v5  }
0x19a: {  	[tilespmem:v2+s25+$0x0] =	vst.idx.msk $0xffff, v4  }
0x19b: {  	v22 =	vld.idx.msk [tilespmem:v2+s26+$0x0], $0xffff  }
0x19c: {  	p1 =	slt.s32 s15, $0x1  }
.Ltmp24:
0x19d: {  	_ = 	snop;
	(pc) =	sbr.rel @p1 .LBB2_34-.Ltmp24, $4  }
0x19e: {  	s0 =	spop (v2sf);
	v4 =	vmul.f32 v62, v23  }
0x19f: {  	s14 =	spop (v2sf)  }
0x1a0: {  	s1 =	spop (v2sf);
	v22 =	vmax.f32 v22, v4  }
0x1a1: {  	s15 =	spop (v2sf);
	[tilespmem:v2+s26+$0x0] =	vst.idx.msk $0xffff, v22  }
.LBB2_26:
0x1a2: {  	v22 =	vld.idx.msk [tilespmem:v18+s19+$0x0], $0xffff;
	_ =	sdelay $0x4  }
0x1a3: {  	vm0 =	vgt.f32 v21, v22;
	_ =	sdelay $0x5  }
0x1a4: {  	[tilespmem:v18+s19+$0x0] =	vst.idx.msk vm0, v21  }
0x1a5: {  	v22 =	vld.idx.msk [tilespmem:v18+s19+$0x0], $0xffff;
	_ =	sdelay $0x4  }
0x1a6: {  	vm15 =	vgt.f32 v21, v22  }
0x1a7: {  	v22 =	vsel vm15, $0x1, v1  }
0x1a8: {  	v22 =	vor.u32 $0x80000000, v22  }
0x1a9: {  	(xrf0) =	vmax.scan.msk.u32 $0xffff, v22;
	_ =	sdelay $0x5  }
0x1aa: {  	v22, _, _ =	vpop (xrf0)  }
0x1ab: {  	(v2sf) =	vpush v22, $0xF;
	_ =	sdelay $0xe  }
0x1ac: {  	s5 =	spop (v2sf)  }
0x1ad: {  	p1 =	sgt.u32 s5, $0x80000000  }
.Ltmp25:
0x1ae: {  	_ = 	snop;
	(pc) =	sbr.rel @p1 .LBB2_26-.Ltmp25, $1  }
0x1af: {  	_ =	sdelay $0x3  }
.LBB2_27:
0x1b0: {  	v21 =	vld.idx.msk [tilespmem:v18+s20+$0x0], $0xffff;
	_ =	sdelay $0x4  }
0x1b1: {  	vm0 =	vgt.f32 v20, v21;
	_ =	sdelay $0x5  }
0x1b2: {  	[tilespmem:v18+s20+$0x0] =	vst.idx.msk vm0, v20  }
0x1b3: {  	v21 =	vld.idx.msk [tilespmem:v18+s20+$0x0], $0xffff;
	_ =	sdelay $0x4  }
0x1b4: {  	vm15 =	vgt.f32 v20, v21  }
0x1b5: {  	v21 =	vsel vm15, $0x1, v1  }
0x1b6: {  	v21 =	vor.u32 $0x80000000, v21  }
0x1b7: {  	(xrf0) =	vmax.scan.msk.u32 $0xffff, v21;
	_ =	sdelay $0x5  }
0x1b8: {  	v21, _, _ =	vpop (xrf0)  }
0x1b9: {  	(v2sf) =	vpush v21, $0xF;
	_ =	sdelay $0xe  }
0x1ba: {  	s5 =	spop (v2sf)  }
0x1bb: {  	p1 =	sgt.u32 s5, $0x80000000  }
.Ltmp26:
0x1bc: {  	_ = 	snop;
	(pc) =	sbr.rel @p1 .LBB2_27-.Ltmp26, $1  }
0x1bd: {  	_ =	sdelay $0x3  }
.LBB2_28:
0x1be: {  	v20 =	vld.idx.msk [tilespmem:v18+s21+$0x0], $0xffff;
	_ =	sdelay $0x4  }
0x1bf: {  	vm0 =	vgt.f32 v19, v20;
	_ =	sdelay $0x5  }
0x1c0: {  	[tilespmem:v18+s21+$0x0] =	vst.idx.msk vm0, v19  }
0x1c1: {  	v20 =	vld.idx.msk [tilespmem:v18+s21+$0x0], $0xffff;
	_ =	sdelay $0x4  }
0x1c2: {  	vm15 =	vgt.f32 v19, v20  }
0x1c3: {  	v20 =	vsel vm15, $0x1, v1  }
0x1c4: {  	v20 =	vor.u32 $0x80000000, v20  }
0x1c5: {  	(xrf0) =	vmax.scan.msk.u32 $0xffff, v20;
	_ =	sdelay $0x5  }
0x1c6: {  	v20, _, _ =	vpop (xrf0)  }
0x1c7: {  	(v2sf) =	vpush v20, $0xF;
	_ =	sdelay $0xe  }
0x1c8: {  	s5 =	spop (v2sf)  }
0x1c9: {  	p1 =	sgt.u32 s5, $0x80000000  }
.Ltmp27:
0x1ca: {  	_ = 	snop;
	(pc) =	sbr.rel @p1 .LBB2_28-.Ltmp27, $1  }
0x1cb: {  	_ =	sdelay $0x3  }
.LBB2_29:
0x1cc: {  	v19 =	vld.idx.msk [tilespmem:v18+s22+$0x0], $0xffff;
	_ =	sdelay $0x4  }
0x1cd: {  	vm0 =	vgt.f32 v17, v19;
	_ =	sdelay $0x5  }
0x1ce: {  	[tilespmem:v18+s22+$0x0] =	vst.idx.msk vm0, v17  }
0x1cf: {  	v19 =	vld.idx.msk [tilespmem:v18+s22+$0x0], $0xffff;
	_ =	sdelay $0x4  }
0x1d0: {  	vm15 =	vgt.f32 v17, v19  }
0x1d1: {  	v19 =	vsel vm15, $0x1, v1  }
0x1d2: {  	v19 =	vor.u32 $0x80000000, v19  }
0x1d3: {  	(xrf0) =	vmax.scan.msk.u32 $0xffff, v19;
	_ =	sdelay $0x5  }
0x1d4: {  	v19, _, _ =	vpop (xrf0)  }
0x1d5: {  	(v2sf) =	vpush v19, $0xF;
	_ =	sdelay $0xe  }
0x1d6: {  	s5 =	spop (v2sf)  }
0x1d7: {  	p1 =	sgt.u32 s5, $0x80000000  }
.Ltmp28:
0x1d8: {  	_ = 	snop;
	(pc) =	sbr.rel @p1 .LBB2_29-.Ltmp28, $1  }
0x1d9: {  	_ =	sdelay $0x3  }
.LBB2_30:
0x1da: {  	v17 =	vld.idx.msk [tilespmem:v13+s23+$0x0], $0xffff;
	_ =	sdelay $0x4  }
0x1db: {  	vm0 =	vgt.f32 v16, v17;
	_ =	sdelay $0x5  }
0x1dc: {  	[tilespmem:v13+s23+$0x0] =	vst.idx.msk vm0, v16  }
0x1dd: {  	v17 =	vld.idx.msk [tilespmem:v13+s23+$0x0], $0xffff;
	_ =	sdelay $0x4  }
0x1de: {  	vm15 =	vgt.f32 v16, v17  }
0x1df: {  	v17 =	vsel vm15, $0x1, v1  }
0x1e0: {  	v17 =	vor.u32 $0x80000000, v17  }
0x1e1: {  	(xrf0) =	vmax.scan.msk.u32 $0xffff, v17;
	_ =	sdelay $0x5  }
0x1e2: {  	v17, _, _ =	vpop (xrf0)  }
0x1e3: {  	(v2sf) =	vpush v17, $0xF;
	_ =	sdelay $0xe  }
0x1e4: {  	s5 =	spop (v2sf)  }
0x1e5: {  	p1 =	sgt.u32 s5, $0x80000000  }
.Ltmp29:
0x1e6: {  	_ = 	snop;
	(pc) =	sbr.rel @p1 .LBB2_30-.Ltmp29, $1  }
0x1e7: {  	_ =	sdelay $0x3  }
.LBB2_31:
0x1e8: {  	v16 =	vld.idx.msk [tilespmem:v13+s24+$0x0], $0xffff;
	_ =	sdelay $0x4  }
0x1e9: {  	vm0 =	vgt.f32 v15, v16;
	_ =	sdelay $0x5  }
0x1ea: {  	[tilespmem:v13+s24+$0x0] =	vst.idx.msk vm0, v15  }
0x1eb: {  	v16 =	vld.idx.msk [tilespmem:v13+s24+$0x0], $0xffff;
	_ =	sdelay $0x4  }
0x1ec: {  	vm15 =	vgt.f32 v15, v16  }
0x1ed: {  	v16 =	vsel vm15, $0x1, v1  }
0x1ee: {  	v16 =	vor.u32 $0x80000000, v16  }
0x1ef: {  	(xrf0) =	vmax.scan.msk.u32 $0xffff, v16;
	_ =	sdelay $0x5  }
0x1f0: {  	v16, _, _ =	vpop (xrf0)  }
0x1f1: {  	(v2sf) =	vpush v16, $0xF;
	_ =	sdelay $0xe  }
0x1f2: {  	s5 =	spop (v2sf)  }
0x1f3: {  	p1 =	sgt.u32 s5, $0x80000000  }
.Ltmp30:
0x1f4: {  	_ = 	snop;
	(pc) =	sbr.rel @p1 .LBB2_31-.Ltmp30, $1  }
0x1f5: {  	_ =	sdelay $0x3  }
.LBB2_32:
0x1f6: {  	v15 =	vld.idx.msk [tilespmem:v13+s25+$0x0], $0xffff;
	_ =	sdelay $0x4  }
0x1f7: {  	vm0 =	vgt.f32 v14, v15;
	_ =	sdelay $0x5  }
0x1f8: {  	[tilespmem:v13+s25+$0x0] =	vst.idx.msk vm0, v14  }
0x1f9: {  	v15 =	vld.idx.msk [tilespmem:v13+s25+$0x0], $0xffff;
	_ =	sdelay $0x4  }
0x1fa: {  	vm15 =	vgt.f32 v14, v15  }
0x1fb: {  	v15 =	vsel vm15, $0x1, v1  }
0x1fc: {  	v15 =	vor.u32 $0x80000000, v15  }
0x1fd: {  	(xrf0) =	vmax.scan.msk.u32 $0xffff, v15;
	_ =	sdelay $0x5  }
0x1fe: {  	v15, _, _ =	vpop (xrf0)  }
0x1ff: {  	(v2sf) =	vpush v15, $0xF;
	_ =	sdelay $0xe  }
0x200: {  	s5 =	spop (v2sf)  }
0x201: {  	p1 =	sgt.u32 s5, $0x80000000  }
.Ltmp31:
0x202: {  	_ = 	snop;
	(pc) =	sbr.rel @p1 .LBB2_32-.Ltmp31, $1  }
0x203: {  	_ =	sdelay $0x3  }
.LBB2_33:
0x204: {  	v14 =	vld.idx.msk [tilespmem:v13+s26+$0x0], $0xffff;
	_ =	sdelay $0x4  }
0x205: {  	vm0 =	vgt.f32 v12, v14;
	_ =	sdelay $0x5  }
0x206: {  	[tilespmem:v13+s26+$0x0] =	vst.idx.msk vm0, v12  }
0x207: {  	v14 =	vld.idx.msk [tilespmem:v13+s26+$0x0], $0xffff;
	_ =	sdelay $0x4  }
0x208: {  	vm15 =	vgt.f32 v12, v14  }
0x209: {  	v14 =	vsel vm15, $0x1, v1  }
0x20a: {  	v14 =	vor.u32 $0x80000000, v14  }
0x20b: {  	(xrf0) =	vmax.scan.msk.u32 $0xffff, v14;
	_ =	sdelay $0x5  }
0x20c: {  	v14, _, _ =	vpop (xrf0)  }
0x20d: {  	(v2sf) =	vpush v14, $0xF;
	_ =	sdelay $0xe  }
0x20e: {  	s5 =	spop (v2sf)  }
0x20f: {  	p1 =	sgt.u32 s5, $0x80000000  }
.Ltmp32:
0x210: {  	_ = 	snop;
	(pc) =	sbr.rel @p1 .LBB2_33-.Ltmp32, $1  }
0x211: {  	_ =	sdelay $0x3  }
.Ltmp33:
0x212: {  	_ = 	snop;
	(pc) =	sbr.rel .LBB2_34-.Ltmp33, $1  }
0x213: {  	_ =	sdelay $0x3  }
.LBB2_35:
0x214: {  	p1 =	slt.s32 s15, $0x1  }
.Ltmp34:
0x215: {  	_ = 	snop;
	(pc) =	sbr.rel @p1 .LBB2_44-.Ltmp34, $1  }
0x216: {  	_ =	sdelay $0x3  }
.LBB2_36:
0x217: {  	v12 =	vld.idx.msk [tilespmem:v3+s19+$0x0], $0xffff;
	_ =	sdelay $0x4  }
0x218: {  	vm0 =	vgt.f32 v11, v12;
	_ =	sdelay $0x5  }
0x219: {  	[tilespmem:v3+s19+$0x0] =	vst.idx.msk vm0, v11  }
0x21a: {  	v63 =	vld.idx.msk [tilespmem:v3+s19+$0x0], $0xffff;
	_ =	sdelay $0x4  }
0x21b: {  	vm15 =	vgt.f32 v11, v63  }
0x21c: {  	v12 =	vsel vm15, $0x1, v1  }
0x21d: {  	v12 =	vor.u32 $0x80000000, v12  }
0x21e: {  	(xrf0) =	vmax.scan.msk.u32 $0xffff, v12;
	_ =	sdelay $0x5  }
0x21f: {  	v12, _, _ =	vpop (xrf0)  }
0x220: {  	(v2sf) =	vpush v12, $0xF;
	_ =	sdelay $0xe  }
0x221: {  	s0 =	spop (v2sf)  }
0x222: {  	p1 =	sgt.u32 s0, $0x80000000  }
.Ltmp35:
0x223: {  	_ = 	snop;
	(pc) =	sbr.rel @p1 .LBB2_36-.Ltmp35, $1  }
0x224: {  	_ =	sdelay $0x3  }
.LBB2_37:
0x225: {  	v11 =	vld.idx.msk [tilespmem:v3+s20+$0x0], $0xffff;
	_ =	sdelay $0x4  }
0x226: {  	vm0 =	vgt.f32 v10, v11;
	_ =	sdelay $0x5  }
0x227: {  	[tilespmem:v3+s20+$0x0] =	vst.idx.msk vm0, v10  }
0x228: {  	v11 =	vld.idx.msk [tilespmem:v3+s20+$0x0], $0xffff;
	_ =	sdelay $0x4  }
0x229: {  	vm15 =	vgt.f32 v10, v11  }
0x22a: {  	v11 =	vsel vm15, $0x1, v1  }
0x22b: {  	v11 =	vor.u32 $0x80000000, v11  }
0x22c: {  	(xrf0) =	vmax.scan.msk.u32 $0xffff, v11;
	_ =	sdelay $0x5  }
0x22d: {  	v11, _, _ =	vpop (xrf0)  }
0x22e: {  	(v2sf) =	vpush v11, $0xF;
	_ =	sdelay $0xe  }
0x22f: {  	s0 =	spop (v2sf)  }
0x230: {  	p1 =	sgt.u32 s0, $0x80000000  }
.Ltmp36:
0x231: {  	_ = 	snop;
	(pc) =	sbr.rel @p1 .LBB2_37-.Ltmp36, $1  }
0x232: {  	_ =	sdelay $0x3  }
.LBB2_38:
0x233: {  	v10 =	vld.idx.msk [tilespmem:v3+s21+$0x0], $0xffff;
	_ =	sdelay $0x4  }
0x234: {  	vm0 =	vgt.f32 v9, v10;
	_ =	sdelay $0x5  }
0x235: {  	[tilespmem:v3+s21+$0x0] =	vst.idx.msk vm0, v9  }
0x236: {  	v10 =	vld.idx.msk [tilespmem:v3+s21+$0x0], $0xffff;
	_ =	sdelay $0x4  }
0x237: {  	vm15 =	vgt.f32 v9, v10  }
0x238: {  	v10 =	vsel vm15, $0x1, v1  }
0x239: {  	v10 =	vor.u32 $0x80000000, v10  }
0x23a: {  	(xrf0) =	vmax.scan.msk.u32 $0xffff, v10;
	_ =	sdelay $0x5  }
0x23b: {  	v10, _, _ =	vpop (xrf0)  }
0x23c: {  	(v2sf) =	vpush v10, $0xF;
	_ =	sdelay $0xe  }
0x23d: {  	s0 =	spop (v2sf)  }
0x23e: {  	p1 =	sgt.u32 s0, $0x80000000  }
.Ltmp37:
0x23f: {  	_ = 	snop;
	(pc) =	sbr.rel @p1 .LBB2_38-.Ltmp37, $1  }
0x240: {  	_ =	sdelay $0x3  }
.LBB2_39:
0x241: {  	v9 =	vld.idx.msk [tilespmem:v3+s22+$0x0], $0xffff;
	_ =	sdelay $0x4  }
0x242: {  	vm0 =	vgt.f32 v8, v9;
	_ =	sdelay $0x5  }
0x243: {  	[tilespmem:v3+s22+$0x0] =	vst.idx.msk vm0, v8  }
0x244: {  	v9 =	vld.idx.msk [tilespmem:v3+s22+$0x0], $0xffff;
	_ =	sdelay $0x4  }
0x245: {  	vm15 =	vgt.f32 v8, v9  }
0x246: {  	v9 =	vsel vm15, $0x1, v1  }
0x247: {  	v9 =	vor.u32 $0x80000000, v9  }
0x248: {  	(xrf0) =	vmax.scan.msk.u32 $0xffff, v9;
	_ =	sdelay $0x5  }
0x249: {  	v9, _, _ =	vpop (xrf0)  }
0x24a: {  	(v2sf) =	vpush v9, $0xF;
	_ =	sdelay $0xe  }
0x24b: {  	s0 =	spop (v2sf)  }
0x24c: {  	p1 =	sgt.u32 s0, $0x80000000  }
.Ltmp38:
0x24d: {  	_ = 	snop;
	(pc) =	sbr.rel @p1 .LBB2_39-.Ltmp38, $1  }
0x24e: {  	_ =	sdelay $0x3  }
.LBB2_40:
0x24f: {  	v3 =	vld.idx.msk [tilespmem:v2+s23+$0x0], $0xffff;
	_ =	sdelay $0x4  }
0x250: {  	vm0 =	vgt.f32 v6, v3;
	_ =	sdelay $0x5  }
0x251: {  	[tilespmem:v2+s23+$0x0] =	vst.idx.msk vm0, v6  }
0x252: {  	v3 =	vld.idx.msk [tilespmem:v2+s23+$0x0], $0xffff;
	_ =	sdelay $0x4  }
0x253: {  	vm15 =	vgt.f32 v6, v3  }
0x254: {  	v3 =	vsel vm15, $0x1, v1  }
0x255: {  	v3 =	vor.u32 $0x80000000, v3  }
0x256: {  	(xrf0) =	vmax.scan.msk.u32 $0xffff, v3;
	_ =	sdelay $0x5  }
0x257: {  	v3, _, _ =	vpop (xrf0)  }
0x258: {  	(v2sf) =	vpush v3, $0xF;
	_ =	sdelay $0xe  }
0x259: {  	s0 =	spop (v2sf)  }
0x25a: {  	p1 =	sgt.u32 s0, $0x80000000  }
.Ltmp39:
0x25b: {  	_ = 	snop;
	(pc) =	sbr.rel @p1 .LBB2_40-.Ltmp39, $1  }
0x25c: {  	_ =	sdelay $0x3  }
.LBB2_41:
0x25d: {  	v3 =	vld.idx.msk [tilespmem:v2+s24+$0x0], $0xffff;
	_ =	sdelay $0x4  }
0x25e: {  	vm0 =	vgt.f32 v7, v3;
	_ =	sdelay $0x5  }
0x25f: {  	[tilespmem:v2+s24+$0x0] =	vst.idx.msk vm0, v7  }
0x260: {  	v3 =	vld.idx.msk [tilespmem:v2+s24+$0x0], $0xffff;
	_ =	sdelay $0x4  }
0x261: {  	vm15 =	vgt.f32 v7, v3  }
0x262: {  	v3 =	vsel vm15, $0x1, v1  }
0x263: {  	v3 =	vor.u32 $0x80000000, v3  }
0x264: {  	(xrf0) =	vmax.scan.msk.u32 $0xffff, v3;
	_ =	sdelay $0x5  }
0x265: {  	v3, _, _ =	vpop (xrf0)  }
0x266: {  	(v2sf) =	vpush v3, $0xF;
	_ =	sdelay $0xe  }
0x267: {  	s0 =	spop (v2sf)  }
0x268: {  	p1 =	sgt.u32 s0, $0x80000000  }
.Ltmp40:
0x269: {  	_ = 	snop;
	(pc) =	sbr.rel @p1 .LBB2_41-.Ltmp40, $1  }
0x26a: {  	_ =	sdelay $0x3  }
.LBB2_42:
0x26b: {  	v3 =	vld.idx.msk [tilespmem:v2+s25+$0x0], $0xffff;
	_ =	sdelay $0x4  }
0x26c: {  	vm0 =	vgt.f32 v5, v3;
	_ =	sdelay $0x5  }
0x26d: {  	[tilespmem:v2+s25+$0x0] =	vst.idx.msk vm0, v5  }
0x26e: {  	v3 =	vld.idx.msk [tilespmem:v2+s25+$0x0], $0xffff;
	_ =	sdelay $0x4  }
0x26f: {  	vm15 =	vgt.f32 v5, v3  }
0x270: {  	v3 =	vsel vm15, $0x1, v1  }
0x271: {  	v3 =	vor.u32 $0x80000000, v3  }
0x272: {  	(xrf0) =	vmax.scan.msk.u32 $0xffff, v3;
	_ =	sdelay $0x5  }
0x273: {  	v3, _, _ =	vpop (xrf0)  }
0x274: {  	(v2sf) =	vpush v3, $0xF;
	_ =	sdelay $0xe  }
0x275: {  	s0 =	spop (v2sf)  }
0x276: {  	p1 =	sgt.u32 s0, $0x80000000  }
.Ltmp41:
0x277: {  	_ = 	snop;
	(pc) =	sbr.rel @p1 .LBB2_42-.Ltmp41, $1  }
0x278: {  	_ =	sdelay $0x3  }
.LBB2_43:
0x279: {  	v3 =	vld.idx.msk [tilespmem:v2+s26+$0x0], $0xffff;
	_ =	sdelay $0x4  }
0x27a: {  	vm0 =	vgt.f32 v4, v3;
	_ =	sdelay $0x5  }
0x27b: {  	[tilespmem:v2+s26+$0x0] =	vst.idx.msk vm0, v4  }
0x27c: {  	v3 =	vld.idx.msk [tilespmem:v2+s26+$0x0], $0xffff;
	_ =	sdelay $0x4  }
0x27d: {  	vm15 =	vgt.f32 v4, v3  }
0x27e: {  	v3 =	vsel vm15, $0x1, v1  }
0x27f: {  	v3 =	vor.u32 $0x80000000, v3  }
0x280: {  	(xrf0) =	vmax.scan.msk.u32 $0xffff, v3;
	_ =	sdelay $0x5  }
0x281: {  	v3, _, _ =	vpop (xrf0)  }
0x282: {  	(v2sf) =	vpush v3, $0xF;
	_ =	sdelay $0xe  }
0x283: {  	s0 =	spop (v2sf)  }
0x284: {  	p1 =	sgt.u32 s0, $0x80000000  }
.Ltmp42:
0x285: {  	_ = 	snop;
	(pc) =	sbr.rel @p1 .LBB2_43-.Ltmp42, $1  }
0x286: {  	_ =	sdelay $0x3  }
.LBB2_44:
.Ltmp43:
0x287: {  	(pc) =	sbr.rel @p0 .LBB2_46-.Ltmp43, $1  }
0x288: {  	_ =	sdelay $0x3  }
0x289: {  	s0 =	smul.u32 $0xC80, s30;
	_ =	sdelay $0x1  }
0x28a: {  	s0 =	sshrl.u32 s0, $0x3  }
.Ltmp44:
0x28b: {  	s0 =	sadd.s32 $0x258, s0;
	(pc) =	sbr.rel .LBB2_4-.Ltmp44, $4  }
0x28c: {  	s1 =	sadd.s32 s4, s0  }
0x28d: {  	[tilespmem:s16], [sflag:$0x2] =	stream.linear.gather [hbm4b:s1+s3], $0x640, $0x38;
	[tilespmem:$0x1F280] =	vst v63  }
0x28e: {  	s30 =	sadd.s32 $0x1, s30;
	s0 =	sadd.s32 s2, s0  }
0x28f: {  	[tilespmem:s17], [sflag:$0x2] =	stream.linear.gather [hbm4b:s0+s3], $0x640, $0x38;
	[tilespmem:$0x1F280] =	vst v63  }
.LBB2_46:
0x290: {  	s0 =	simm.s32 $0x0  }
0x291: {  	v7 =	vld [tilespmem:s0+$0x13A80]  }
0x292: {  	v8 =	vld [tilespmem:s0+$0x16200]  }
0x293: {  	v2 =	vld [tilespmem:s0+$0x18980]  }
0x294: {  	v3 =	vld [tilespmem:s0+$0x1B100]  }
0x295: {  	v6 =	vld [tilespmem:s0+$0x9C80]  }
0x296: {  	v4 =	vld [tilespmem:s0+$0xC400]  }
0x297: {  	s1 =	simm.s32 $0x40;
	v5 =	vld [tilespmem:s0+$0xEB80]  }
.LBB2_47:
0x298: {  	s5 =	sshra.s32 s1, $0x2;
	p0 =	sne.s32 s1, $0x9C00;
	v9 =	vld [tilespmem:s0+$0x11300];
	v10 =	vmov v2  }
0x299: {  	v11 =	vld [tilespmem:s5+$0x13A80];
	v12 =	vmov v3  }
0x29a: {  	v13 =	vld [tilespmem:s5+$0x16200];
	v3 =	vmax.f32 v6, v7  }
.Ltmp45:
0x29b: {  	v2 =	vld [tilespmem:s5+$0x18980];
	[tilespmem:s0+$0x9C80] =	vst v3;
	v4 =	vmax.f32 v4, v8;
	(pc) =	sbr.rel @p0 .LBB2_47-.Ltmp45, $4  }
0x29c: {  	v3 =	vld [tilespmem:s5+$0x1B100];
	[tilespmem:s0+$0xC400] =	vst v4;
	v4 =	vmax.f32 v5, v10  }
0x29d: {  	v6 =	vld [tilespmem:s5+$0x9C80];
	[tilespmem:s0+$0xEB80] =	vst v4;
	v5 =	vmax.f32 v9, v12  }
0x29e: {  	v4 =	vld [tilespmem:s5+$0xC400];
	[tilespmem:s0+$0x11300] =	vst v5;
	v7 =	vmov v11;
	s0 =	smov.u32 s5  }
0x29f: {  	s1 =	sadd.s32 $0x40, s1;
	v5 =	vld [tilespmem:s0+$0xEB80];
	v8 =	vmov v13  }
0x2a0: {  	v9 =	vld [tilespmem:s0+$0x11300];
	_ =	sdelay $0x1  }
0x2a1: {  	v6 =	vmax.f32 v6, v7  }
0x2a2: {  	[tilespmem:s0+$0x9C80] =	vst v6;
	v4 =	vmax.f32 v4, v8  }
0x2a3: {  	[tilespmem:s0+$0xC400] =	vst v4;
	v2 =	vmax.f32 v5, v2  }
0x2a4: {  	[tilespmem:s0+$0xEB80] =	vst v2;
	v2 =	vmax.f32 v9, v3  }
0x2a5: {  	[tilespmem:s0+$0x11300] =	vst v2  }
0x2a6: {  	[hbm4b:s7+s3] =	stream.linear.scatter [tilespmem:s19], [sflag:$0x3], $0x2710, $0x38;
	[tilespmem:$0x1F280] =	vst v63  }
0x2a7: {  	_ =	swait.ge [sflag:s13], $0x2710  }
0x2a8: {  	[sflag:s13] =	ssyncset.done $0x0  }
0x2a9: {  	[sflag:s13] =	ssyncadd.s32 $0xFFFFD8F0  }
0x2aa: {  	[hbm4b:s9+s3] =	stream.linear.scatter [tilespmem:s20], [sflag:$0x3], $0x2710, $0x38;
	[tilespmem:$0x1F280] =	vst v63  }
0x2ab: {  	_ =	swait.ge [sflag:s13], $0x2710  }
0x2ac: {  	[sflag:s13] =	ssyncset.done $0x0  }
0x2ad: {  	[sflag:s13] =	ssyncadd.s32 $0xFFFFD8F0  }
0x2ae: {  	[hbm4b:s10+s3] =	stream.linear.scatter [tilespmem:s21], [sflag:$0x3], $0x2710, $0x38;
	[tilespmem:$0x1F280] =	vst v63  }
0x2af: {  	s29 =	sadd.s32 $0x1, s29;
	_ =	swait.ge [sflag:s13], $0x2710  }
0x2b0: {  	p0 =	sne.s32 s29, s12;
	[sflag:s13] =	ssyncset.done $0x0  }
.Ltmp46:
0x2b1: {  	[sflag:s13] =	ssyncadd.s32 $0xFFFFD8F0;
	(pc) =	sbr.rel @p0 .LBB2_1-.Ltmp46, $4  }
0x2b2: {  	[hbm4b:s11+s3] =	stream.linear.scatter [tilespmem:s22], [sflag:$0x3], $0x2710, $0x38;
	[tilespmem:$0x1F280] =	vst v63  }
0x2b3: {  	_ =	swait.ge [sflag:s13], $0x2710  }
0x2b4: {  	[sflag:s13] =	ssyncset.done $0x0  }
0x2b5: {  	[sflag:s13] =	ssyncadd.s32 $0xFFFFD8F0  }
0x2b6: {  	_ =	sfence.sel $0x180000  }
0x2b7: {  	[bflag:$0x0] =	sbarrier.arrive $0xFFFF  }
0x2b8: {  	_ =	strace $0x90000047  }
0x2b9: {  	s0 =	stileid.u32;
	[bflag:$0x2] =	sbarrier.arrive $0xFFFF  }
0x2ba: {  	p0 =	sne.s32 s0, $0x0;
	s0 =	rddreg [dreg:$0x4]  }
0x2bb: {  	s0 =	sadd.s32 @!p0 $0x100000, s0  }
0x2bc: {  	[sflag:s0] =	ssyncadd.tile.s32 @!p0 $0x1;
	_ =	shalt  }
.Lfunc_end2:
_tile_overlayer_lowered:
.L_overlay_start_2:
0x2bd: {  	(tag) =	ssettag $0x2  }
0x2be: {  	s0 =	rddreg [dreg:$0x0];
	s2 =	stileid.u32  }
0x2bf: {  	s1 =	rddreg [dreg:$0x1];
	p0 =	sne.s32 s2, $0x0  }
0x2c0: {  	s3 =	rddreg [dreg:$0x2];
	[bflag:$0x3] =	sbarrier.arrive $0xFFFF;
	s2 =	simm.s32 @!p0 $0x1C03  }
0x2c1: {  	[timem:s3], [sflag:s2] =	dma.local @!p0 [hbm:s0], s1  }
0x2c2: {  	s0 =	simm.s32 @!p0 $0x3  }
0x2c3: {  	_ =	swait.ge @!p0 [sflag:s0], s1  }
0x2c4: {  	s1 =	ssub.s32 @!p0 $0x0, s1;
	[sflag:s0] =	ssyncset.done @!p0 $0x0  }
0x2c5: {  	[sflag:s0] =	ssyncadd.s32 @!p0 s1  }
0x2c6: {  	[bflag:$0x3] =	sbarrier.arrive $0xFFFF  }
0x2c7: {  	_ =	shalt  }

// kernel: kernel.14.cloned.1.call-start
scs
__scs_entry_jumppad:
0x0: {  	(pc) =	sbr.rel $0x88, $3  }
0x1: {  	(tag) =	ssettag $0x0;
	lr =	simm.s32 $0x1  }
0x2: {  	[smem:$0x3F8F] =	sst lr;
	_ =	strace $0xD0000000  }
0x3: {  	_ = 	snop  }
0x4: {  	_ = 	snop  }
0x5: {  	_ = 	snop  }
0x6: {  	_ = 	snop  }
0x7: {  	_ = 	snop  }
__scs_overlays_trampoline_lowered:
0x8: {  	[smem:$0x3F9E] =	sst s0  }
0x9: {  	[smem:$0x3F9F] =	sst s1  }
0xa: {  	[smem:$0x3FA0] =	sst s2  }
0xb: {  	[smem:$0x3FA1] =	sst s3  }
0xc: {  	[smem:$0x3FA2] =	sst s4  }
0xd: {  	[smem:$0x3FA3] =	sst s5  }
0xe: {  	[smem:$0x3FA4] =	sst s6  }
0xf: {  	[smem:$0x3FA5] =	sst s7  }
0x10: {  	[smem:$0x3FA6] =	sst s8  }
0x11: {  	[smem:$0x3FA7] =	sst s9;
	s0 =	simm.s32 @!p0 $0x0  }
0x12: {  	s1 =	sld [smem:$0x3F8D];
	s0 =	simm.s32 @p0 $0x1  }
0x13: {  	[smem:$0x3FA8] =	sst s0;
	s0 =	simm.s32 @!p1 $0x0  }
0x14: {  	s2 =	sld [smem:$0x3F8C];
	s0 =	simm.s32 @p1 $0x1  }
0x15: {  	[smem:$0x3FA9] =	sst s0;
	s0 =	simm.s32 @!p2 $0x0  }
0x16: {  	s3 =	sld [smem:$0x3FDB];
	s0 =	simm.s32 @p2 $0x1  }
0x17: {  	s4 =	simm.s32 $0x1BF5;
	[smem:$0x3FAB] =	sst s0  }
0x18: {  	s0 =	sld [smem:$0x3F8E];
	_ =	swait.ge [sflag:s4], $0x0  }
0x19: {  	s7 =	sld [smem:$0x3F8F]  }
0x1a: {  	s8 =	sadd.s32 $0xFFFFE003, lr  }
0x1b: {  	s9 =	sadd.s32 $0xFFFFFEF7, lr;
	s5 =	simm.s32 $0xFFFFFFFF;
	p2 =	slt.u32 s8, $0xFFFFF086  }
0x1c: {  	p1 =	slt.u32 s9, $0xF7A;
	s5 =	simm.s32 @!p2 $0x0  }
0x1d: {  	s5 =	simm.s32 @p1 $0x1;
	p0 =	seq.s32 s7, s2  }
0x1e: {  	s7 =	smul.u32 @!p0 $0xF7A, s2;
	p2 =	seq.s32 @!p0 s5, $0x0  }
0x1f: {  	s9 =	smul.u32 $0xF7A, s1;
	s8 =	simm.s32 @!p0 $0x1BF5;
	p2 =	por !p2, p0  }
0x20: {  	[sflag:s8] =	ssyncset.s32 @!p0 $0xFFFFF086;
	s6 =	sadd.s32 @!p0 s3, s7;
	s7 =	simm.s32 @!p0 $0x108  }
0x21: {  	s3 =	sadd.s32 s3, s9;
	s6 =	sadd.s32 @!p0 $0x88, s6;
	s7 =	simm.s32 @p2 $0x1082  }
0x22: {  	[simem:s7], [sflag:s8] =	dma.local @!p0 [hbm:s6], $0xF7A  }
0x23: {  	s9 =	sor.u32 $0xD0000000, s2;
	s6 =	simm.s32 $0x108;
	_ =	swait.ge @!p0 [sflag:s8], $0x0  }
0x24: {  	s3 =	sadd.s32 $0x88, s3;
	s6 =	simm.s32 @!p1 $0x1082;
	[sflag:s4] =	ssyncset.s32 $0xFFFFF086  }
0x25: {  	[simem:s6], [sflag:s4] =	dma.local [hbm:s3], $0xF7A  }
0x26: {  	[smem:$0x3F8F] =	sst s1;
	(tag) =	ssettag s2;
	_ =	strace s9  }
0x27: {  	s1 =	sld [smem:$0x3F9F]  }
0x28: {  	s2 =	sld [smem:$0x3FA0]  }
0x29: {  	s4 =	sld [smem:$0x3FA2]  }
0x2a: {  	p0 =	seq.s32 s5, $0x0;
	s5 =	sld [smem:$0x3FA3]  }
0x2b: {  	s6 =	sld [smem:$0x3FA4]  }
0x2c: {  	s7 =	sld [smem:$0x3FA5]  }
0x2d: {  	s3 =	simm.s32 $0x108;
	s8 =	sld [smem:$0x3FA6]  }
0x2e: {  	s3 =	simm.s32 @!p0 $0x1082;
	s9 =	sld [smem:$0x3FA7]  }
0x2f: {  	lr =	sadd.s32 s0, s3;
	s0 =	sld [smem:$0x3F9E]  }
0x30: {  	s3 =	sld [smem:$0x3FA1]  }
0x31: {  	[smem:$0x3FAA] =	sst s10  }
0x32: {  	s10 =	sld [smem:$0x3FA8];
	_ =	sdelay $0x3  }
0x33: {  	p0 =	seq.s32 s10, $0x1;
	s10 =	sld [smem:$0x3FAA];
	_ =	sdelay $0x3  }
0x34: {  	[smem:$0x3FAA] =	sst s10  }
0x35: {  	s10 =	sld [smem:$0x3FA9];
	_ =	sdelay $0x3  }
0x36: {  	p1 =	seq.s32 s10, $0x1;
	s10 =	sld [smem:$0x3FAA];
	_ =	sdelay $0x3  }
0x37: {  	[smem:$0x3FAA] =	sst s10  }
0x38: {  	s10 =	sld [smem:$0x3FAB]  }
0x39: {  	_ = 	snop;
	(pc) =	sbr.ind lr, $3  }
0x3a: {  	_ = 	snop  }
0x3b: {  	_ = 	snop  }
0x3c: {  	p2 =	seq.s32 s10, $0x1;
	s10 =	sld [smem:$0x3FAA]  }
0x3d: {  	_ =	shalt  }
0x3e: {  	_ =	shalt  }
0x3f: {  	_ =	shalt  }
0x40: {  	_ =	shalt  }
0x41: {  	_ =	shalt  }
0x42: {  	_ =	shalt  }
0x43: {  	_ =	shalt  }
0x44: {  	_ =	shalt  }
0x45: {  	_ =	shalt  }
0x46: {  	_ =	shalt  }
0x47: {  	_ =	shalt  }
0x48: {  	_ =	shalt  }
0x49: {  	_ =	shalt  }
0x4a: {  	_ =	shalt  }
0x4b: {  	_ =	shalt  }
0x4c: {  	_ =	shalt  }
0x4d: {  	_ =	shalt  }
0x4e: {  	_ =	shalt  }
0x4f: {  	_ =	shalt  }
0x50: {  	_ =	shalt  }
0x51: {  	_ =	shalt  }
0x52: {  	_ =	shalt  }
0x53: {  	_ =	shalt  }
0x54: {  	_ =	shalt  }
0x55: {  	_ =	shalt  }
0x56: {  	_ =	shalt  }
0x57: {  	_ =	shalt  }
0x58: {  	_ =	shalt  }
0x59: {  	_ =	shalt  }
0x5a: {  	_ =	shalt  }
0x5b: {  	_ =	shalt  }
0x5c: {  	_ =	shalt  }
0x5d: {  	_ =	shalt  }
0x5e: {  	_ =	shalt  }
0x5f: {  	_ =	shalt  }
0x60: {  	_ =	shalt  }
0x61: {  	_ =	shalt  }
0x62: {  	_ =	shalt  }
0x63: {  	_ =	shalt  }
0x64: {  	_ =	shalt  }
0x65: {  	_ =	shalt  }
0x66: {  	_ =	shalt  }
0x67: {  	_ =	shalt  }
0x68: {  	_ =	shalt  }
0x69: {  	_ =	shalt  }
0x6a: {  	_ =	shalt  }
0x6b: {  	_ =	shalt  }
0x6c: {  	_ =	shalt  }
0x6d: {  	_ =	shalt  }
0x6e: {  	_ =	shalt  }
0x6f: {  	_ =	shalt  }
0x70: {  	_ =	shalt  }
0x71: {  	_ =	shalt  }
0x72: {  	_ =	shalt  }
0x73: {  	_ =	shalt  }
0x74: {  	_ =	shalt  }
0x75: {  	_ =	shalt  }
0x76: {  	_ =	shalt  }
0x77: {  	_ =	shalt  }
0x78: {  	_ =	shalt  }
0x79: {  	_ =	shalt  }
0x7a: {  	_ =	shalt  }
0x7b: {  	_ =	shalt  }
0x7c: {  	_ =	shalt  }
0x7d: {  	_ =	shalt  }
0x7e: {  	_ =	shalt  }
0x7f: {  	_ =	shalt  }
0x80: {  	_ =	shalt  }
0x81: {  	_ =	shalt  }
0x82: {  	_ =	shalt  }
0x83: {  	_ =	shalt  }
0x84: {  	_ =	shalt  }
0x85: {  	_ =	shalt  }
0x86: {  	_ =	shalt  }
0x87: {  	_ =	shalt  }
.Lfunc_end0:
.L_simem_size_0:
called_computation.1_lowered:
.L_overlay_start_0:
0x88: {  	s2 =	sld [smem:$0x3FD9]  }
0x89: {  	s3 =	sld [smem:$0x3FFE];
	_ =	sdelay $0x1  }
0x8a: {  	s1 =	srdreg.scid  }
0x8b: {  	s0 =	sand.u32 $0x1, s1  }
0x8c: {  	s14 =	sshll.u32 s0, $0xA;
	s2 =	sadd.s32 s3, s2  }
0x8d: {  	s2 =	sadd.s32 s2, s14  }
0x8e: {  	[smem:$0x3FB6] =	sst s2  }
0x8f: {  	_ = 	snop  }
0x90: {  	s2 =	sld [smem:$0x3FD0];
	_ =	sdelay $0x2  }
0x91: {  	s4 =	simm.s32 $0xA;
	s5 =	simm.s32 $0x10;
	s15 =	sld [smem:$0x3FC7]  }
0x92: {  	[smem:s5], [sflag:s4] =	dma.local [hbm:s2], $0x1  }
0x93: {  	_ =	swait.eq [sflag:s4], $0x1  }
0x94: {  	[sflag:s4] =	ssyncset.done $0x0  }
0x95: {  	s16 =	sld [smem:$0x10];
	[sflag:s4] =	ssyncadd.s32 $0xFFFFFFFF  }
0x96: {  	s17 =	sld [smem:$0x11];
	(tm) =	ssettm $0x1  }
0x97: {  	s18 =	sld [smem:$0x3FFB];
	_ =	sdelay $0x3  }
0x98: {  	_ =	strace s18  }
0x99: {  	s5 =	sld [smem:$0x3FFC];
	_ =	sdelay $0x3  }
0x9a: {  	_ =	strace s5  }
0x9b: {  	s5 =	sld [smem:$0x3FFD];
	_ =	sdelay $0x3  }
0x9c: {  	_ =	strace s5  }
0x9d: {  	_ =	strace $0x8FFFFFFF  }
0x9e: {  	s19 =	sld [smem:$0x3FDB];
	_ =	sdelay $0x1  }
0x9f: {  	s6 =	simm.s32 $_scs_section_size  }
0xa0: {  	s7 =	simm.s32 $_size__tile_overlayer_lowered;
	s8 =	simm.s32 $_tile_overlayer_lowered  }
0xa1: {  	s22 =	simm.s32 $0x1BFF;
	s21 =	sshll.u32 s8, $0x1;
	s5 =	sadd.s32 s6, s19  }
0xa2: {  	s9 =	simm.s32 $0x0;
	s20 =	sshll.u32 s7, $0x1;
	s7 =	sadd.s32 s21, s5  }
0xa3: {  	[timem:s9], [sflag:s22] =	dma.local [hbm:s7], s20  }
0xa4: {  	_ =	swait.ge [sflag:s22], s20  }
0xa5: {  	s6 =	ssub.s32 $0x0, s20;
	[sflag:s22] =	ssyncset.done $0x0  }
0xa6: {  	[sflag:s22] =	ssyncadd.s32 s6;
	_ =	sdelay $0x1  }
0xa7: {  	s23 =	simm.s32 $0x1B8B  }
0xa8: {  	_ =	swait.ge [sflag:s23], $0x1  }
0xa9: {  	[sflag:s23] =	ssyncset.done $0x0  }
0xaa: {  	s25 =	simm.s32 $0x1B8E;
	s24 =	sld [smem:$0x3FFE];
	[sflag:s23] =	ssyncadd.s32 $0xFFFFFFFF  }
0xab: {  	s26 =	simm.s32 $execute0_lowered;
	[smem:$0x3FD2] =	sst s25  }
0xac: {  	s7 =	sshll.u32 s26, $0x1;
	_ =	strace $0x80000049;
	[dreg:$0x1] =	wrdreg $0xFFFFFFFF  }
0xad: {  	s28 =	simm.s32 $_size_execute0_lowered;
	s5 =	sadd.s32 s5, s7;
	[dreg:$0x0] =	wrdreg $0x0  }
0xae: {  	s7 =	sshll.u32 s28, $0x1;
	[dreg:$0x2] =	wrdreg s5  }
0xaf: {  	[dreg:$0x3] =	wrdreg s7  }
0xb0: {  	[dreg:$0x4] =	wrdreg $0xC0  }
0xb1: {  	_ =	task [dreg:s9], $0x5FFFF  }
0xb2: {  	[dreg:$0x1] =	wrdreg $0xFFFFFFFF  }
0xb3: {  	[dreg:$0x0] =	wrdreg $0x60  }
0xb4: {  	[dreg:$0x2] =	wrdreg s16  }
0xb5: {  	[dreg:$0x3] =	wrdreg s24  }
0xb6: {  	[dreg:$0x4] =	wrdreg s15  }
0xb7: {  	[dreg:$0x5] =	wrdreg s17  }
0xb8: {  	[dreg:$0x6] =	wrdreg $0x9  }
0xb9: {  	_ =	task.clear_ibuf [dreg:s9], $0x7FFFF;
	_ =	strace $0x90000049  }
0xba: {  	s29 =	simm.s32 $0x9;
	_ =	strace $0x8000004B  }
0xbb: {  	_ =	swait.ge [sflag:s29], $0x1  }
0xbc: {  	[sflag:s29] =	ssyncadd.s32 $0xFFFFFFFF  }
0xbd: {  	_ =	strace $0x9000004B  }
0xbe: {  	_ =	sfence  }
0xbf: {  	s30 =	sld [smem:$0x0];
	_ =	sdelay $0x2  }
0xc0: {  	s31 =	sshll.u32 s1, $0xD;
	s1 =	sshrl.u32 s1, $0x2  }
0xc1: {  	s3 =	sand.u32 $0x4000, s31;
	s1 =	sadd.s32 s1, s30  }
0xc2: {  	s0 =	sor.u32 s3, s0;
	s1 =	sshll.u32 s1, $0x11  }
0xc3: {  	s0 =	sor.u32 s1, s0  }
0xc4: {  	s0 =	sadd.s32 $0x8F2B, s0  }
0xc5: {  	[sflag:s0] =	ssyncadd.remote.s32 $0x1  }
0xc6: {  	_ =	sfence.sel $0xFFFF  }
0xc7: {  	[dreg:$0x0] =	wrdreg $0xFFFFFFFF;
	(pc) =	sbr.abs _section_cstart, $3  }
0xc8: {  	[dreg:$0x1] =	wrdreg $0xFFFFFFFF  }
0xc9: {  	_ =	task.clear_ibuf [dreg:s9], $0x2FFFF;
	_ =	strace $0x9FFFFFFF  }
0xca: {  	(tm) =	ssettm $0x7FFFFFFF  }
0xcb: {  	_ =	shalt  }
tec
execute0_lowered:
.L_overlay_start_1:
0x0: {  	(tag) =	ssettag $0x1  }
0x1: {  	s0 =	rddreg [dreg:$0x0]  }
0x2: {  	s1 =	rddreg [dreg:$0x1]  }
0x3: {  	s2 =	rddreg [dreg:$0x2]  }
0x4: {  	s3 =	srdreg.scid;
	s5 =	stileid.u32  }
0x5: {  	s7 =	rddreg [dreg:$0x3];
	s13 =	simm.s32 $0x3;
	s16 =	simm.s32 $0x1DF00  }
0x6: {  	s17 =	simm.s32 $0x1EC00;
	s18 =	simm.s32 $0x1;
	s19 =	simm.s32 $0x9C80  }
0x7: {  	s20 =	simm.s32 $0xC400;
	s21 =	simm.s32 $0xEB80;
	s22 =	simm.s32 $0x11300  }
0x8: {  	s23 =	simm.s32 $0x13A80;
	s24 =	simm.s32 $0x16200;
	s25 =	simm.s32 $0x18980  }
0x9: {  	s26 =	simm.s32 $0x1B100;
	s4 =	sand.u32 $0x1, s3;
	s5 =	sshll.u32 s5, $0x1  }
0xa: {  	s28 =	simm.s32 $0x2;
	s29 =	simm.s32 $0x0;
	s5 =	sor.u32 s4, s5  }
0xb: {  	s3 =	simm.s32 $0x0;
	s6 =	ssub.s32 $0x2, s4;
	s5 =	smul.u32 $0x9C40, s5  }
0xc: {  	[smem:$0x7FF] =	sst s3;
	s4 =	sadd.s32 $0x2E00, s1;
	s8 =	sshrl.u32 s6, $0x1  }
0xd: {  	_ =	strace $0x8000004A;
	s12 =	ssub.s32 s6, s8;
	s31 =	sshrl.u32 s5, $0x3  }
0xe: {  	s6 =	sadd.s32 $0x2EC8, s1;
	s8 =	sadd.s32 $0xC8, s2;
	s0 =	sadd.s32 s0, s31  }
0xf: {  	s12 =	smax.u32 s12, $0x1;
	s7 =	sadd.s32 s7, s31;
	[dreg:$0x5] =	wrdreg s0  }
0x10: {  	v0 =	vimm.f32 $0.0e+00;
	v1 =	vimm.s32 $0x0;
	s9 =	sadd.s32 $0x4E2, s7;
	s10 =	sadd.s32 $0x9C4, s7;
	s11 =	sadd.s32 $0xEA6, s7  }
.LBB2_1:
0x11: {  	s0 =	rddreg [dreg:$0x5]  }
0x12: {  	[tilespmem:s3], [sflag:$0x3] =	stream.linear.gather [hbm4b:s0+s3], $0x9C40, $0x38;
	[tilespmem:$0x1F280] =	vst v63  }
0x13: {  	_ =	swait.ge [sflag:s13], $0x9C40  }
0x14: {  	[sflag:s13] =	ssyncset.done $0x0  }
0x15: {  	s1 =	simm.s32 $0x40;
	s0 =	simm.s32 $0x0;
	[sflag:s13] =	ssyncadd.s32 $0xFFFF63C0  }
.LBB2_2:
0x16: {  	p0 =	sne.s32 s1, $0x9C00;
	[tilespmem:s0+$0x1B100] =	vst v0  }
0x17: {  	[tilespmem:s0+$0x9C80] =	vst v0  }
0x18: {  	[tilespmem:s0+$0xC400] =	vst v0  }
.Ltmp0:
0x19: {  	[tilespmem:s0+$0xEB80] =	vst v0;
	(pc) =	sbr.rel @p0 .LBB2_2-.Ltmp0, $4  }
0x1a: {  	[tilespmem:s0+$0x11300] =	vst v0  }
0x1b: {  	[tilespmem:s0+$0x13A80] =	vst v0  }
0x1c: {  	[tilespmem:s0+$0x16200] =	vst v0  }
0x1d: {  	[tilespmem:s0+$0x18980] =	vst v0;
	s0 =	sshra.s32 s1, $0x2;
	s1 =	sadd.s32 $0x40, s1  }
0x1e: {  	[tilespmem:s0+$0x1B100] =	vst v0  }
0x1f: {  	[tilespmem:s0+$0x9C80] =	vst v0  }
0x20: {  	[tilespmem:s0+$0xC400] =	vst v0  }
0x21: {  	[tilespmem:s0+$0xEB80] =	vst v0  }
0x22: {  	[tilespmem:s0+$0x11300] =	vst v0  }
0x23: {  	[tilespmem:s0+$0x13A80] =	vst v0  }
0x24: {  	[tilespmem:s0+$0x16200] =	vst v0  }
0x25: {  	[tilespmem:s0+$0x18980] =	vst v0;
	s30 =	simm.s32 $0x0;
	s15 =	simm.s32 $0x1D880  }
0x26: {  	[tilespmem:s15], [sflag:$0x1] =	stream.linear.gather [hbm4b:s4+s30], $0x640, $0x38;
	[tilespmem:$0x1F280] =	vst v63  }
0x27: {  	s31 =	simm.s32 $0x1E580  }
0x28: {  	[tilespmem:s31], [sflag:$0x1] =	stream.linear.gather [hbm4b:s2+s30], $0x640, $0x38;
	[tilespmem:$0x1F280] =	vst v63  }
0x29: {  	_ = 	snop  }
0x2a: {  	[tilespmem:s16], [sflag:$0x2] =	stream.linear.gather [hbm4b:s6+s30], $0x640, $0x38;
	[tilespmem:$0x1F280] =	vst v63  }
0x2b: {  	_ = 	snop  }
0x2c: {  	[tilespmem:s17], [sflag:$0x2] =	stream.linear.gather [hbm4b:s8+s30], $0x640, $0x38;
	[tilespmem:$0x1F280] =	vst v63  }
.LBB2_4:
0x2d: {  	_ =	swait.ge [sflag:s18], $0x640  }
.Ltmp1:
0x2e: {  	v18 =	vimm.s32 $0x0;
	[sflag:s18] =	ssyncset.done $0x0;
	(pc) =	sbr.rel .LBB2_5-.Ltmp1, $4  }
0x2f: {  	[sflag:s18] =	ssyncadd.s32 $0xFFFFF9C0  }
0x30: {  	v13 =	vimm.s32 $0x0;
	v12 =	vimm.f32 $0.0e+00;
	v14 =	vimm.f32 $0.0e+00;
	_ =	swait.ge [sflag:s18], $0x640  }
0x31: {  	v15 =	vimm.f32 $0.0e+00;
	v16 =	vimm.f32 $0.0e+00;
	v17 =	vimm.f32 $0.0e+00;
	[sflag:s18] =	ssyncset.done $0x0  }
0x32: {  	v19 =	vimm.f32 $0.0e+00;
	v20 =	vimm.f32 $0.0e+00;
	v21 =	vimm.f32 $0.0e+00;
	s15 =	simm.s32 $0x0;
	s31 =	simm.s32 $0x0;
	[sflag:s18] =	ssyncadd.s32 $0xFFFFF9C0  }
.LBB2_14:
0x33: {  	s31 =	sadd.s32 $0x1, s31  }
0x34: {  	p0 =	sne.s32 s31, $0x32  }
.Ltmp2:
0x35: {  	s5 =	sxor.u32 $0x7FFFFFFF, s14;
	v18 =	vmov v3;
	(pc) =	sbr.rel @!p0 .LBB2_15-.Ltmp2, $4  }
0x36: {  	s0 =	sxor.u32 $0x80000000, s0;
	s15 =	sxor.u32 $0x7FFFFFFF, s15;
	s5 =	sadd.s32 $0x1, s5  }
0x37: {  	s14 =	sadd.s32 $0x1, s15;
	s0 =	sadd.s32 s5, s0  }
0x38: {  	s1 =	sxor.u32 $0x80000000, s1;
	v12 =	vmovc v4;
	v14 =	vmov v5;
	v15 =	vmov v7;
	v16 =	vmov v6;
	s0 =	sadd.s32 s14, s0  }
0x39: {  	v17 =	vmovc v8;
	v19 =	vmovc v9;
	v20 =	vmov v10;
	v21 =	vmov v11;
	v13 =	vmov v2;
	s15 =	sadd.s32 s1, s0  }
.LBB2_5:
0x3a: {  	s0 =	sshll.u32 s31, $0x5  }
0x3b: {  	v2 =	vld [tilespmem:s0+$0x1D880];
	_ =	sdelay $0x4  }
0x3c: {  	v4 =	vand.u32 $0x3FFF, v2;
	_ =	sdelay $0x1  }
0x3d: {  	v3 =	vshrl.u32 v2, $0xE;
	_ =	sdelay $0x1  }
0x3e: {  	v5 =	vld [tilespmem:s0+$0x1E580]  }
0x3f: {  	v2 =	vld.idx.msk [tilespmem:v4+s3+$0x0], $0xffff  }
0x40: {  	v6 =	vadd.s32 $0x2710, v4  }
0x41: {  	v7 =	vadd.s32 $0x4E20, v4;
	v8 =	vld.idx.msk [tilespmem:v3+s19+$0x0], $0xffff  }
0x42: {  	v4 =	vadd.s32 $0x7530, v4  }
0x43: {  	v22 =	vld [tilespmem:s0+$0x1D890]  }
0x44: {  	v23 =	vld [tilespmem:s0+$0x1E590];
	v11 =	vmul.f32 v2, v5  }
0x45: {  	v2 =	vld.idx.msk [tilespmem:v6+s3+$0x0], $0xffff  }
0x46: {  	v6 =	vld.idx.msk [tilespmem:v7+s3+$0x0], $0xffff;
	v7 =	vmax.f32 v8, v11  }
0x47: {  	v4 =	vld.idx.msk [tilespmem:v4+s3+$0x0], $0xffff;
	[tilespmem:v3+s19+$0x0] =	vst.idx.msk $0xffff, v7  }
0x48: {  	v7 =	vld.idx.msk [tilespmem:v3+s20+$0x0], $0xffff;
	_ =	sdelay $0x2  }
0x49: {  	v10 =	vmul.f32 v2, v5;
	_ =	sdelay $0x1  }
0x4a: {  	v2 =	vmax.f32 v7, v10  }
0x4b: {  	[tilespmem:v3+s20+$0x0] =	vst.idx.msk $0xffff, v2  }
0x4c: {  	v7 =	vld.idx.msk [tilespmem:v3+s21+$0x0], $0xffff;
	_ =	sdelay $0x1  }
0x4d: {  	(xrf1) =	vunique.msk.u32 $0xffff, v3  }
0x4e: {  	v9 =	vmul.f32 v6, v5;
	v2 =	vshrl.u32 v22, $0xE  }
0x4f: {  	(xrf1) =	vunique.msk.u32 $0xffff, v2  }
0x50: {  	v6 =	vmax.f32 v7, v9  }
0x51: {  	[tilespmem:v3+s21+$0x0] =	vst.idx.msk $0xffff, v6  }
0x52: {  	v6 =	vld.idx.msk [tilespmem:v3+s22+$0x0], $0xffff;
	_ =	sdelay $0x1  }
0x53: {  	v7 =	vand.u32 $0x3FFF, v22  }
0x54: {  	v8 =	vmul.f32 v4, v5;
	_ =	sdelay $0x1  }
0x55: {  	v4 =	vmax.f32 v6, v8  }
0x56: {  	[tilespmem:v3+s22+$0x0] =	vst.idx.msk $0xffff, v4  }
0x57: {  	v5 =	vadd.s32 $0x2710, v7;
	v4 =	vld.idx.msk [tilespmem:v7+s3+$0x0], $0xffff;
	_ =	sdelay $0x1  }
0x58: {  	v22 =	vadd.s32 $0x4E20, v7;
	_, v6, _ =	vpop (xrf1);
	v24 =	vld.idx.msk [tilespmem:v2+s23+$0x0], $0xffff  }
0x59: {  	v6 =	vxor.u32 $0x80000000, v6;
	v7 =	vadd.s32 $0x7530, v7  }
0x5a: {  	(xrf0) =	vmax.scan.msk.u32 $0xffff, v6;
	_, v25, _ =	vpop (xrf1)  }
0x5b: {  	(xrf0) =	vmin.scan.msk.u32 $0xffff, v6;
	v6 =	vmul.f32 v4, v23;
	v4 =	vld.idx.msk [tilespmem:v5+s3+$0x0], $0xffff;
	v5 =	vxor.u32 $0x80000000, v25  }
0x5c: {  	(xrf0) =	vmax.scan.msk.u32 $0xffff, v5  }
0x5d: {  	v22 =	vld.idx.msk [tilespmem:v22+s3+$0x0], $0xffff;
	(xrf0) =	vmin.scan.msk.u32 $0xffff, v5;
	v5 =	vmax.f32 v24, v6  }
0x5e: {  	v62 =	vld.idx.msk [tilespmem:v7+s3+$0x0], $0xffff;
	[tilespmem:v2+s23+$0x0] =	vst.idx.msk $0xffff, v5  }
0x5f: {  	v5 =	vld.idx.msk [tilespmem:v2+s24+$0x0], $0xffff  }
0x60: {  	v7, _, _ =	vpop (xrf0)  }
0x61: {  	v63, _, _ =	vpop (xrf0);
	(v2sf) =	vpush v7, $0xF  }
0x62: {  	(v2sf) =	vpush v63, $0xF;
	v7 =	vmul.f32 v4, v23;
	v26, _, _ =	vpop (xrf0)  }
0x63: {  	(v2sf) =	vpush v26, $0xF;
	v4, _, _ =	vpop (xrf0)  }
0x64: {  	(v2sf) =	vpush v4, $0xF;
	v4 =	vmax.f32 v5, v7  }
0x65: {  	[tilespmem:v2+s24+$0x0] =	vst.idx.msk $0xffff, v4  }
0x66: {  	v4 =	vld.idx.msk [tilespmem:v2+s25+$0x0], $0xffff;
	_ =	sdelay $0x2  }
0x67: {  	v5 =	vmul.f32 v22, v23;
	_ =	sdelay $0x1  }
0x68: {  	v4 =	vmax.f32 v4, v5  }
0x69: {  	[tilespmem:v2+s25+$0x0] =	vst.idx.msk $0xffff, v4  }
0x6a: {  	v22 =	vld.idx.msk [tilespmem:v2+s26+$0x0], $0xffff  }
0x6b: {  	p0 =	slt.s32 s15, $0x1  }
.Ltmp3:
0x6c: {  	_ = 	snop;
	(pc) =	sbr.rel @p0 .LBB2_14-.Ltmp3, $4  }
0x6d: {  	s0 =	spop (v2sf);
	v4 =	vmul.f32 v62, v23  }
0x6e: {  	s14 =	spop (v2sf)  }
0x6f: {  	s1 =	spop (v2sf);
	v22 =	vmax.f32 v22, v4  }
0x70: {  	s15 =	spop (v2sf);
	[tilespmem:v2+s26+$0x0] =	vst.idx.msk $0xffff, v22  }
.LBB2_6:
0x71: {  	v22 =	vld.idx.msk [tilespmem:v18+s19+$0x0], $0xffff;
	_ =	sdelay $0x4  }
0x72: {  	vm0 =	vgt.f32 v21, v22;
	_ =	sdelay $0x5  }
0x73: {  	[tilespmem:v18+s19+$0x0] =	vst.idx.msk vm0, v21  }
0x74: {  	v22 =	vld.idx.msk [tilespmem:v18+s19+$0x0], $0xffff;
	_ =	sdelay $0x4  }
0x75: {  	vm15 =	vgt.f32 v21, v22  }
0x76: {  	v22 =	vsel vm15, $0x1, v1  }
0x77: {  	v22 =	vor.u32 $0x80000000, v22  }
0x78: {  	(xrf0) =	vmax.scan.msk.u32 $0xffff, v22;
	_ =	sdelay $0x5  }
0x79: {  	v22, _, _ =	vpop (xrf0)  }
0x7a: {  	(v2sf) =	vpush v22, $0xF;
	_ =	sdelay $0xe  }
0x7b: {  	s5 =	spop (v2sf)  }
0x7c: {  	p0 =	sgt.u32 s5, $0x80000000  }
.Ltmp4:
0x7d: {  	_ = 	snop;
	(pc) =	sbr.rel @p0 .LBB2_6-.Ltmp4, $1  }
0x7e: {  	_ =	sdelay $0x3  }
.LBB2_7:
0x7f: {  	v21 =	vld.idx.msk [tilespmem:v18+s20+$0x0], $0xffff;
	_ =	sdelay $0x4  }
0x80: {  	vm0 =	vgt.f32 v20, v21;
	_ =	sdelay $0x5  }
0x81: {  	[tilespmem:v18+s20+$0x0] =	vst.idx.msk vm0, v20  }
0x82: {  	v21 =	vld.idx.msk [tilespmem:v18+s20+$0x0], $0xffff;
	_ =	sdelay $0x4  }
0x83: {  	vm15 =	vgt.f32 v20, v21  }
0x84: {  	v21 =	vsel vm15, $0x1, v1  }
0x85: {  	v21 =	vor.u32 $0x80000000, v21  }
0x86: {  	(xrf0) =	vmax.scan.msk.u32 $0xffff, v21;
	_ =	sdelay $0x5  }
0x87: {  	v21, _, _ =	vpop (xrf0)  }
0x88: {  	(v2sf) =	vpush v21, $0xF;
	_ =	sdelay $0xe  }
0x89: {  	s5 =	spop (v2sf)  }
0x8a: {  	p0 =	sgt.u32 s5, $0x80000000  }
.Ltmp5:
0x8b: {  	_ = 	snop;
	(pc) =	sbr.rel @p0 .LBB2_7-.Ltmp5, $1  }
0x8c: {  	_ =	sdelay $0x3  }
.LBB2_8:
0x8d: {  	v20 =	vld.idx.msk [tilespmem:v18+s21+$0x0], $0xffff;
	_ =	sdelay $0x4  }
0x8e: {  	vm0 =	vgt.f32 v19, v20;
	_ =	sdelay $0x5  }
0x8f: {  	[tilespmem:v18+s21+$0x0] =	vst.idx.msk vm0, v19  }
0x90: {  	v20 =	vld.idx.msk [tilespmem:v18+s21+$0x0], $0xffff;
	_ =	sdelay $0x4  }
0x91: {  	vm15 =	vgt.f32 v19, v20  }
0x92: {  	v20 =	vsel vm15, $0x1, v1  }
0x93: {  	v20 =	vor.u32 $0x80000000, v20  }
0x94: {  	(xrf0) =	vmax.scan.msk.u32 $0xffff, v20;
	_ =	sdelay $0x5  }
0x95: {  	v20, _, _ =	vpop (xrf0)  }
0x96: {  	(v2sf) =	vpush v20, $0xF;
	_ =	sdelay $0xe  }
0x97: {  	s5 =	spop (v2sf)  }
0x98: {  	p0 =	sgt.u32 s5, $0x80000000  }
.Ltmp6:
0x99: {  	_ = 	snop;
	(pc) =	sbr.rel @p0 .LBB2_8-.Ltmp6, $1  }
0x9a: {  	_ =	sdelay $0x3  }
.LBB2_9:
0x9b: {  	v19 =	vld.idx.msk [tilespmem:v18+s22+$0x0], $0xffff;
	_ =	sdelay $0x4  }
0x9c: {  	vm0 =	vgt.f32 v17, v19;
	_ =	sdelay $0x5  }
0x9d: {  	[tilespmem:v18+s22+$0x0] =	vst.idx.msk vm0, v17  }
0x9e: {  	v19 =	vld.idx.msk [tilespmem:v18+s22+$0x0], $0xffff;
	_ =	sdelay $0x4  }
0x9f: {  	vm15 =	vgt.f32 v17, v19  }
0xa0: {  	v19 =	vsel vm15, $0x1, v1  }
0xa1: {  	v19 =	vor.u32 $0x80000000, v19  }
0xa2: {  	(xrf0) =	vmax.scan.msk.u32 $0xffff, v19;
	_ =	sdelay $0x5  }
0xa3: {  	v19, _, _ =	vpop (xrf0)  }
0xa4: {  	(v2sf) =	vpush v19, $0xF;
	_ =	sdelay $0xe  }
0xa5: {  	s5 =	spop (v2sf)  }
0xa6: {  	p0 =	sgt.u32 s5, $0x80000000  }
.Ltmp7:
0xa7: {  	_ = 	snop;
	(pc) =	sbr.rel @p0 .LBB2_9-.Ltmp7, $1  }
0xa8: {  	_ =	sdelay $0x3  }
.LBB2_10:
0xa9: {  	v17 =	vld.idx.msk [tilespmem:v13+s23+$0x0], $0xffff;
	_ =	sdelay $0x4  }
0xaa: {  	vm0 =	vgt.f32 v16, v17;
	_ =	sdelay $0x5  }
0xab: {  	[tilespmem:v13+s23+$0x0] =	vst.idx.msk vm0, v16  }
0xac: {  	v17 =	vld.idx.msk [tilespmem:v13+s23+$0x0], $0xffff;
	_ =	sdelay $0x4  }
0xad: {  	vm15 =	vgt.f32 v16, v17  }
0xae: {  	v17 =	vsel vm15, $0x1, v1  }
0xaf: {  	v17 =	vor.u32 $0x80000000, v17  }
0xb0: {  	(xrf0) =	vmax.scan.msk.u32 $0xffff, v17;
	_ =	sdelay $0x5  }
0xb1: {  	v17, _, _ =	vpop (xrf0)  }
0xb2: {  	(v2sf) =	vpush v17, $0xF;
	_ =	sdelay $0xe  }
0xb3: {  	s5 =	spop (v2sf)  }
0xb4: {  	p0 =	sgt.u32 s5, $0x80000000  }
.Ltmp8:
0xb5: {  	_ = 	snop;
	(pc) =	sbr.rel @p0 .LBB2_10-.Ltmp8, $1  }
0xb6: {  	_ =	sdelay $0x3  }
.LBB2_11:
0xb7: {  	v16 =	vld.idx.msk [tilespmem:v13+s24+$0x0], $0xffff;
	_ =	sdelay $0x4  }
0xb8: {  	vm0 =	vgt.f32 v15, v16;
	_ =	sdelay $0x5  }
0xb9: {  	[tilespmem:v13+s24+$0x0] =	vst.idx.msk vm0, v15  }
0xba: {  	v16 =	vld.idx.msk [tilespmem:v13+s24+$0x0], $0xffff;
	_ =	sdelay $0x4  }
0xbb: {  	vm15 =	vgt.f32 v15, v16  }
0xbc: {  	v16 =	vsel vm15, $0x1, v1  }
0xbd: {  	v16 =	vor.u32 $0x80000000, v16  }
0xbe: {  	(xrf0) =	vmax.scan.msk.u32 $0xffff, v16;
	_ =	sdelay $0x5  }
0xbf: {  	v16, _, _ =	vpop (xrf0)  }
0xc0: {  	(v2sf) =	vpush v16, $0xF;
	_ =	sdelay $0xe  }
0xc1: {  	s5 =	spop (v2sf)  }
0xc2: {  	p0 =	sgt.u32 s5, $0x80000000  }
.Ltmp9:
0xc3: {  	_ = 	snop;
	(pc) =	sbr.rel @p0 .LBB2_11-.Ltmp9, $1  }
0xc4: {  	_ =	sdelay $0x3  }
.LBB2_12:
0xc5: {  	v15 =	vld.idx.msk [tilespmem:v13+s25+$0x0], $0xffff;
	_ =	sdelay $0x4  }
0xc6: {  	vm0 =	vgt.f32 v14, v15;
	_ =	sdelay $0x5  }
0xc7: {  	[tilespmem:v13+s25+$0x0] =	vst.idx.msk vm0, v14  }
0xc8: {  	v15 =	vld.idx.msk [tilespmem:v13+s25+$0x0], $0xffff;
	_ =	sdelay $0x4  }
0xc9: {  	vm15 =	vgt.f32 v14, v15  }
0xca: {  	v15 =	vsel vm15, $0x1, v1  }
0xcb: {  	v15 =	vor.u32 $0x80000000, v15  }
0xcc: {  	(xrf0) =	vmax.scan.msk.u32 $0xffff, v15;
	_ =	sdelay $0x5  }
0xcd: {  	v15, _, _ =	vpop (xrf0)  }
0xce: {  	(v2sf) =	vpush v15, $0xF;
	_ =	sdelay $0xe  }
0xcf: {  	s5 =	spop (v2sf)  }
0xd0: {  	p0 =	sgt.u32 s5, $0x80000000  }
.Ltmp10:
0xd1: {  	_ = 	snop;
	(pc) =	sbr.rel @p0 .LBB2_12-.Ltmp10, $1  }
0xd2: {  	_ =	sdelay $0x3  }
.LBB2_13:
0xd3: {  	v14 =	vld.idx.msk [tilespmem:v13+s26+$0x0], $0xffff;
	_ =	sdelay $0x4  }
0xd4: {  	vm0 =	vgt.f32 v12, v14;
	_ =	sdelay $0x5  }
0xd5: {  	[tilespmem:v13+s26+$0x0] =	vst.idx.msk vm0, v12  }
0xd6: {  	v14 =	vld.idx.msk [tilespmem:v13+s26+$0x0], $0xffff;
	_ =	sdelay $0x4  }
0xd7: {  	vm15 =	vgt.f32 v12, v14  }
0xd8: {  	v14 =	vsel vm15, $0x1, v1  }
0xd9: {  	v14 =	vor.u32 $0x80000000, v14  }
0xda: {  	(xrf0) =	vmax.scan.msk.u32 $0xffff, v14;
	_ =	sdelay $0x5  }
0xdb: {  	v14, _, _ =	vpop (xrf0)  }
0xdc: {  	(v2sf) =	vpush v14, $0xF;
	_ =	sdelay $0xe  }
0xdd: {  	s5 =	spop (v2sf)  }
0xde: {  	p0 =	sgt.u32 s5, $0x80000000  }
.Ltmp11:
0xdf: {  	_ = 	snop;
	(pc) =	sbr.rel @p0 .LBB2_13-.Ltmp11, $1  }
0xe0: {  	_ =	sdelay $0x3  }
.Ltmp12:
0xe1: {  	_ = 	snop;
	(pc) =	sbr.rel .LBB2_14-.Ltmp12, $1  }
0xe2: {  	_ =	sdelay $0x3  }
.LBB2_15:
0xe3: {  	p0 =	slt.s32 s15, $0x1  }
.Ltmp13:
0xe4: {  	_ = 	snop;
	(pc) =	sbr.rel @p0 .LBB2_24-.Ltmp13, $1  }
0xe5: {  	_ =	sdelay $0x3  }
.LBB2_16:
0xe6: {  	v12 =	vld.idx.msk [tilespmem:v3+s19+$0x0], $0xffff;
	_ =	sdelay $0x4  }
0xe7: {  	vm0 =	vgt.f32 v11, v12;
	_ =	sdelay $0x5  }
0xe8: {  	[tilespmem:v3+s19+$0x0] =	vst.idx.msk vm0, v11  }
0xe9: {  	v63 =	vld.idx.msk [tilespmem:v3+s19+$0x0], $0xffff;
	_ =	sdelay $0x4  }
0xea: {  	vm15 =	vgt.f32 v11, v63  }
0xeb: {  	v12 =	vsel vm15, $0x1, v1  }
0xec: {  	v12 =	vor.u32 $0x80000000, v12  }
0xed: {  	(xrf0) =	vmax.scan.msk.u32 $0xffff, v12;
	_ =	sdelay $0x5  }
0xee: {  	v12, _, _ =	vpop (xrf0)  }
0xef: {  	(v2sf) =	vpush v12, $0xF;
	_ =	sdelay $0xe  }
0xf0: {  	s0 =	spop (v2sf)  }
0xf1: {  	p0 =	sgt.u32 s0, $0x80000000  }
.Ltmp14:
0xf2: {  	_ = 	snop;
	(pc) =	sbr.rel @p0 .LBB2_16-.Ltmp14, $1  }
0xf3: {  	_ =	sdelay $0x3  }
.LBB2_17:
0xf4: {  	v11 =	vld.idx.msk [tilespmem:v3+s20+$0x0], $0xffff;
	_ =	sdelay $0x4  }
0xf5: {  	vm0 =	vgt.f32 v10, v11;
	_ =	sdelay $0x5  }
0xf6: {  	[tilespmem:v3+s20+$0x0] =	vst.idx.msk vm0, v10  }
0xf7: {  	v11 =	vld.idx.msk [tilespmem:v3+s20+$0x0], $0xffff;
	_ =	sdelay $0x4  }
0xf8: {  	vm15 =	vgt.f32 v10, v11  }
0xf9: {  	v11 =	vsel vm15, $0x1, v1  }
0xfa: {  	v11 =	vor.u32 $0x80000000, v11  }
0xfb: {  	(xrf0) =	vmax.scan.msk.u32 $0xffff, v11;
	_ =	sdelay $0x5  }
0xfc: {  	v11, _, _ =	vpop (xrf0)  }
0xfd: {  	(v2sf) =	vpush v11, $0xF;
	_ =	sdelay $0xe  }
0xfe: {  	s0 =	spop (v2sf)  }
0xff: {  	p0 =	sgt.u32 s0, $0x80000000  }
.Ltmp15:
0x100: {  	_ = 	snop;
	(pc) =	sbr.rel @p0 .LBB2_17-.Ltmp15, $1  }
0x101: {  	_ =	sdelay $0x3  }
.LBB2_18:
0x102: {  	v10 =	vld.idx.msk [tilespmem:v3+s21+$0x0], $0xffff;
	_ =	sdelay $0x4  }
0x103: {  	vm0 =	vgt.f32 v9, v10;
	_ =	sdelay $0x5  }
0x104: {  	[tilespmem:v3+s21+$0x0] =	vst.idx.msk vm0, v9  }
0x105: {  	v10 =	vld.idx.msk [tilespmem:v3+s21+$0x0], $0xffff;
	_ =	sdelay $0x4  }
0x106: {  	vm15 =	vgt.f32 v9, v10  }
0x107: {  	v10 =	vsel vm15, $0x1, v1  }
0x108: {  	v10 =	vor.u32 $0x80000000, v10  }
0x109: {  	(xrf0) =	vmax.scan.msk.u32 $0xffff, v10;
	_ =	sdelay $0x5  }
0x10a: {  	v10, _, _ =	vpop (xrf0)  }
0x10b: {  	(v2sf) =	vpush v10, $0xF;
	_ =	sdelay $0xe  }
0x10c: {  	s0 =	spop (v2sf)  }
0x10d: {  	p0 =	sgt.u32 s0, $0x80000000  }
.Ltmp16:
0x10e: {  	_ = 	snop;
	(pc) =	sbr.rel @p0 .LBB2_18-.Ltmp16, $1  }
0x10f: {  	_ =	sdelay $0x3  }
.LBB2_19:
0x110: {  	v9 =	vld.idx.msk [tilespmem:v3+s22+$0x0], $0xffff;
	_ =	sdelay $0x4  }
0x111: {  	vm0 =	vgt.f32 v8, v9;
	_ =	sdelay $0x5  }
0x112: {  	[tilespmem:v3+s22+$0x0] =	vst.idx.msk vm0, v8  }
0x113: {  	v9 =	vld.idx.msk [tilespmem:v3+s22+$0x0], $0xffff;
	_ =	sdelay $0x4  }
0x114: {  	vm15 =	vgt.f32 v8, v9  }
0x115: {  	v9 =	vsel vm15, $0x1, v1  }
0x116: {  	v9 =	vor.u32 $0x80000000, v9  }
0x117: {  	(xrf0) =	vmax.scan.msk.u32 $0xffff, v9;
	_ =	sdelay $0x5  }
0x118: {  	v9, _, _ =	vpop (xrf0)  }
0x119: {  	(v2sf) =	vpush v9, $0xF;
	_ =	sdelay $0xe  }
0x11a: {  	s0 =	spop (v2sf)  }
0x11b: {  	p0 =	sgt.u32 s0, $0x80000000  }
.Ltmp17:
0x11c: {  	_ = 	snop;
	(pc) =	sbr.rel @p0 .LBB2_19-.Ltmp17, $1  }
0x11d: {  	_ =	sdelay $0x3  }
.LBB2_20:
0x11e: {  	v3 =	vld.idx.msk [tilespmem:v2+s23+$0x0], $0xffff;
	_ =	sdelay $0x4  }
0x11f: {  	vm0 =	vgt.f32 v6, v3;
	_ =	sdelay $0x5  }
0x120: {  	[tilespmem:v2+s23+$0x0] =	vst.idx.msk vm0, v6  }
0x121: {  	v3 =	vld.idx.msk [tilespmem:v2+s23+$0x0], $0xffff;
	_ =	sdelay $0x4  }
0x122: {  	vm15 =	vgt.f32 v6, v3  }
0x123: {  	v3 =	vsel vm15, $0x1, v1  }
0x124: {  	v3 =	vor.u32 $0x80000000, v3  }
0x125: {  	(xrf0) =	vmax.scan.msk.u32 $0xffff, v3;
	_ =	sdelay $0x5  }
0x126: {  	v3, _, _ =	vpop (xrf0)  }
0x127: {  	(v2sf) =	vpush v3, $0xF;
	_ =	sdelay $0xe  }
0x128: {  	s0 =	spop (v2sf)  }
0x129: {  	p0 =	sgt.u32 s0, $0x80000000  }
.Ltmp18:
0x12a: {  	_ = 	snop;
	(pc) =	sbr.rel @p0 .LBB2_20-.Ltmp18, $1  }
0x12b: {  	_ =	sdelay $0x3  }
.LBB2_21:
0x12c: {  	v3 =	vld.idx.msk [tilespmem:v2+s24+$0x0], $0xffff;
	_ =	sdelay $0x4  }
0x12d: {  	vm0 =	vgt.f32 v7, v3;
	_ =	sdelay $0x5  }
0x12e: {  	[tilespmem:v2+s24+$0x0] =	vst.idx.msk vm0, v7  }
0x12f: {  	v3 =	vld.idx.msk [tilespmem:v2+s24+$0x0], $0xffff;
	_ =	sdelay $0x4  }
0x130: {  	vm15 =	vgt.f32 v7, v3  }
0x131: {  	v3 =	vsel vm15, $0x1, v1  }
0x132: {  	v3 =	vor.u32 $0x80000000, v3  }
0x133: {  	(xrf0) =	vmax.scan.msk.u32 $0xffff, v3;
	_ =	sdelay $0x5  }
0x134: {  	v3, _, _ =	vpop (xrf0)  }
0x135: {  	(v2sf) =	vpush v3, $0xF;
	_ =	sdelay $0xe  }
0x136: {  	s0 =	spop (v2sf)  }
0x137: {  	p0 =	sgt.u32 s0, $0x80000000  }
.Ltmp19:
0x138: {  	_ = 	snop;
	(pc) =	sbr.rel @p0 .LBB2_21-.Ltmp19, $1  }
0x139: {  	_ =	sdelay $0x3  }
.LBB2_22:
0x13a: {  	v3 =	vld.idx.msk [tilespmem:v2+s25+$0x0], $0xffff;
	_ =	sdelay $0x4  }
0x13b: {  	vm0 =	vgt.f32 v5, v3;
	_ =	sdelay $0x5  }
0x13c: {  	[tilespmem:v2+s25+$0x0] =	vst.idx.msk vm0, v5  }
0x13d: {  	v3 =	vld.idx.msk [tilespmem:v2+s25+$0x0], $0xffff;
	_ =	sdelay $0x4  }
0x13e: {  	vm15 =	vgt.f32 v5, v3  }
0x13f: {  	v3 =	vsel vm15, $0x1, v1  }
0x140: {  	v3 =	vor.u32 $0x80000000, v3  }
0x141: {  	(xrf0) =	vmax.scan.msk.u32 $0xffff, v3;
	_ =	sdelay $0x5  }
0x142: {  	v3, _, _ =	vpop (xrf0)  }
0x143: {  	(v2sf) =	vpush v3, $0xF;
	_ =	sdelay $0xe  }
0x144: {  	s0 =	spop (v2sf)  }
0x145: {  	p0 =	sgt.u32 s0, $0x80000000  }
.Ltmp20:
0x146: {  	_ = 	snop;
	(pc) =	sbr.rel @p0 .LBB2_22-.Ltmp20, $1  }
0x147: {  	_ =	sdelay $0x3  }
.LBB2_23:
0x148: {  	v3 =	vld.idx.msk [tilespmem:v2+s26+$0x0], $0xffff;
	_ =	sdelay $0x4  }
0x149: {  	vm0 =	vgt.f32 v4, v3;
	_ =	sdelay $0x5  }
0x14a: {  	[tilespmem:v2+s26+$0x0] =	vst.idx.msk vm0, v4  }
0x14b: {  	v3 =	vld.idx.msk [tilespmem:v2+s26+$0x0], $0xffff;
	_ =	sdelay $0x4  }
0x14c: {  	vm15 =	vgt.f32 v4, v3  }
0x14d: {  	v3 =	vsel vm15, $0x1, v1  }
0x14e: {  	v3 =	vor.u32 $0x80000000, v3  }
0x14f: {  	(xrf0) =	vmax.scan.msk.u32 $0xffff, v3;
	_ =	sdelay $0x5  }
0x150: {  	v3, _, _ =	vpop (xrf0)  }
0x151: {  	(v2sf) =	vpush v3, $0xF;
	_ =	sdelay $0xe  }
0x152: {  	s0 =	spop (v2sf)  }
0x153: {  	p0 =	sgt.u32 s0, $0x80000000  }
.Ltmp21:
0x154: {  	_ = 	snop;
	(pc) =	sbr.rel @p0 .LBB2_23-.Ltmp21, $1  }
0x155: {  	_ =	sdelay $0x3  }
.LBB2_24:
0x156: {  	p0 =	seq.s32 s30, $0x63  }
0x157: {  	s0 =	smul.u32 @!p0 $0xC80, s30;
	_ =	sdelay $0x1  }
0x158: {  	s0 =	sshrl.u32 @!p0 s0, $0x3  }
0x159: {  	s0 =	sadd.s32 @!p0 $0x190, s0  }
0x15a: {  	s5 =	simm.s32 @!p0 $0x0;
	s14 =	simm.s32 @!p0 $0x1D880;
	s1 =	sadd.s32 @!p0 s4, s0  }
0x15b: {  	[tilespmem:s14], [sflag:$0x1] =	stream.linear.gather @!p0 [hbm4b:s1+s5], $0x640, $0x38;
	[tilespmem:$0x1F280] =	vst v63  }
0x15c: {  	s0 =	sadd.s32 @!p0 s2, s0;
	s1 =	simm.s32 @!p0 $0x1E580  }
0x15d: {  	[tilespmem:s1], [sflag:$0x1] =	stream.linear.gather @!p0 [hbm4b:s0+s5], $0x640, $0x38;
	[tilespmem:$0x1F280] =	vst v63  }
0x15e: {  	_ =	swait.ge [sflag:s28], $0x640  }
.Ltmp22:
0x15f: {  	v18 =	vimm.s32 $0x0;
	[sflag:s28] =	ssyncset.done $0x0;
	(pc) =	sbr.rel .LBB2_25-.Ltmp22, $4  }
0x160: {  	[sflag:s28] =	ssyncadd.s32 $0xFFFFF9C0  }
0x161: {  	v13 =	vimm.s32 $0x0;
	v12 =	vimm.f32 $0.0e+00;
	v14 =	vimm.f32 $0.0e+00;
	_ =	swait.ge [sflag:s28], $0x640  }
0x162: {  	v15 =	vimm.f32 $0.0e+00;
	v16 =	vimm.f32 $0.0e+00;
	v17 =	vimm.f32 $0.0e+00;
	[sflag:s28] =	ssyncset.done $0x0  }
0x163: {  	v19 =	vimm.f32 $0.0e+00;
	s15 =	simm.s32 $0x0;
	v20 =	vimm.f32 $0.0e+00;
	v21 =	vimm.f32 $0.0e+00;
	s31 =	simm.s32 $0x0;
	[sflag:s28] =	ssyncadd.s32 $0xFFFFF9C0  }
.LBB2_34:
0x164: {  	s31 =	sadd.s32 $0x1, s31  }
0x165: {  	p1 =	sne.s32 s31, $0x32  }
.Ltmp23:
0x166: {  	s5 =	sxor.u32 $0x7FFFFFFF, s14;
	v18 =	vmov v3;
	(pc) =	sbr.rel @!p1 .LBB2_35-.Ltmp23, $4  }
0x167: {  	s0 =	sxor.u32 $0x80000000, s0;
	s15 =	sxor.u32 $0x7FFFFFFF, s15;
	s5 =	sadd.s32 $0x1, s5  }
0x168: {  	s14 =	sadd.s32 $0x1, s15;
	s0 =	sadd.s32 s5, s0  }
0x169: {  	s1 =	sxor.u32 $0x80000000, s1;
	v12 =	vmovc v4;
	v14 =	vmov v5;
	v15 =	vmov v7;
	v16 =	vmov v6;
	s0 =	sadd.s32 s14, s0  }
0x16a: {  	v17 =	vmovc v8;
	v19 =	vmovc v9;
	v20 =	vmov v10;
	v21 =	vmov v11;
	v13 =	vmov v2;
	s15 =	sadd.s32 s1, s0  }
.LBB2_25:
0x16b: {  	s0 =	sshll.u32 s31, $0x5  }
0x16c: {  	v2 =	vld [tilespmem:s0+$0x1DF00];
	_ =	sdelay $0x4  }
0x16d: {  	v4 =	vand.u32 $0x3FFF, v2;
	_ =	sdelay $0x1  }
0x16e: {  	v3 =	vshrl.u32 v2, $0xE;
	_ =	sdelay $0x1  }
0x16f: {  	v5 =	vld [tilespmem:s0+$0x1EC00]  }
0x170: {  	v2 =	vld.idx.msk [tilespmem:v4+s3+$0x0], $0xffff  }
0x171: {  	v6 =	vadd.s32 $0x2710, v4  }
0x172: {  	v7 =	vadd.s32 $0x4E20, v4;
	v8 =	vld.idx.msk [tilespmem:v3+s19+$0x0], $0xffff  }
0x173: {  	v4 =	vadd.s32 $0x7530, v4  }
0x174: {  	v22 =	vld [tilespmem:s0+$0x1DF10]  }
0x175: {  	v23 =	vld [tilespmem:s0+$0x1EC10];
	v11 =	vmul.f32 v2, v5  }
0x176: {  	v2 =	vld.idx.msk [tilespmem:v6+s3+$0x0], $0xffff  }
0x177: {  	v6 =	vld.idx.msk [tilespmem:v7+s3+$0x0], $0xffff;
	v7 =	vmax.f32 v8, v11  }
0x178: {  	v4 =	vld.idx.msk [tilespmem:v4+s3+$0x0], $0xffff;
	[tilespmem:v3+s19+$0x0] =	vst.idx.msk $0xffff, v7  }
0x179: {  	v7 =	vld.idx.msk [tilespmem:v3+s20+$0x0], $0xffff;
	_ =	sdelay $0x2  }
0x17a: {  	v10 =	vmul.f32 v2, v5;
	_ =	sdelay $0x1  }
0x17b: {  	v2 =	vmax.f32 v7, v10  }
0x17c: {  	[tilespmem:v3+s20+$0x0] =	vst.idx.msk $0xffff, v2  }
0x17d: {  	v7 =	vld.idx.msk [tilespmem:v3+s21+$0x0], $0xffff;
	_ =	sdelay $0x1  }
0x17e: {  	(xrf1) =	vunique.msk.u32 $0xffff, v3  }
0x17f: {  	v9 =	vmul.f32 v6, v5;
	v2 =	vshrl.u32 v22, $0xE  }
0x180: {  	(xrf1) =	vunique.msk.u32 $0xffff, v2  }
0x181: {  	v6 =	vmax.f32 v7, v9  }
0x182: {  	[tilespmem:v3+s21+$0x0] =	vst.idx.msk $0xffff, v6  }
0x183: {  	v6 =	vld.idx.msk [tilespmem:v3+s22+$0x0], $0xffff;
	_ =	sdelay $0x1  }
0x184: {  	v7 =	vand.u32 $0x3FFF, v22  }
0x185: {  	v8 =	vmul.f32 v4, v5;
	_ =	sdelay $0x1  }
0x186: {  	v4 =	vmax.f32 v6, v8  }
0x187: {  	[tilespmem:v3+s22+$0x0] =	vst.idx.msk $0xffff, v4  }
0x188: {  	v5 =	vadd.s32 $0x2710, v7;
	v4 =	vld.idx.msk [tilespmem:v7+s3+$0x0], $0xffff;
	_ =	sdelay $0x1  }
0x189: {  	v22 =	vadd.s32 $0x4E20, v7;
	_, v6, _ =	vpop (xrf1);
	v24 =	vld.idx.msk [tilespmem:v2+s23+$0x0], $0xffff  }
0x18a: {  	v6 =	vxor.u32 $0x80000000, v6;
	v7 =	vadd.s32 $0x7530, v7  }
0x18b: {  	(xrf0) =	vmax.scan.msk.u32 $0xffff, v6;
	_, v25, _ =	vpop (xrf1)  }
0x18c: {  	(xrf0) =	vmin.scan.msk.u32 $0xffff, v6;
	v6 =	vmul.f32 v4, v23;
	v4 =	vld.idx.msk [tilespmem:v5+s3+$0x0], $0xffff;
	v5 =	vxor.u32 $0x80000000, v25  }
0x18d: {  	(xrf0) =	vmax.scan.msk.u32 $0xffff, v5  }
0x18e: {  	v22 =	vld.idx.msk [tilespmem:v22+s3+$0x0], $0xffff;
	(xrf0) =	vmin.scan.msk.u32 $0xffff, v5;
	v5 =	vmax.f32 v24, v6  }
0x18f: {  	v62 =	vld.idx.msk [tilespmem:v7+s3+$0x0], $0xffff;
	[tilespmem:v2+s23+$0x0] =	vst.idx.msk $0xffff, v5  }
0x190: {  	v5 =	vld.idx.msk [tilespmem:v2+s24+$0x0], $0xffff  }
0x191: {  	v7, _, _ =	vpop (xrf0)  }
0x192: {  	v63, _, _ =	vpop (xrf0);
	(v2sf) =	vpush v7, $0xF  }
0x193: {  	(v2sf) =	vpush v63, $0xF;
	v7 =	vmul.f32 v4, v23;
	v26, _, _ =	vpop (xrf0)  }
0x194: {  	(v2sf) =	vpush v26, $0xF;
	v4, _, _ =	vpop (xrf0)  }
0x195: {  	(v2sf) =	vpush v4, $0xF;
	v4 =	vmax.f32 v5, v7  }
0x196: {  	[tilespmem:v2+s24+$0x0] =	vst.idx.msk $0xffff, v4  }
0x197: {  	v4 =	vld.idx.msk [tilespmem:v2+s25+$0x0], $0xffff;
	_ =	sdelay $0x2  }
0x198: {  	v5 =	vmul.f32 v22, v23;
	_ =	sdelay $0x1  }
0x199: {  	v4 =	vmax.f32 v4, v5  }
0x19a: {  	[tilespmem:v2+s25+$0x0] =	vst.idx.msk $0xffff, v4  }
0x19b: {  	v22 =	vld.idx.msk [tilespmem:v2+s26+$0x0], $0xffff  }
0x19c: {  	p1 =	slt.s32 s15, $0x1  }
.Ltmp24:
0x19d: {  	_ = 	snop;
	(pc) =	sbr.rel @p1 .LBB2_34-.Ltmp24, $4  }
0x19e: {  	s0 =	spop (v2sf);
	v4 =	vmul.f32 v62, v23  }
0x19f: {  	s14 =	spop (v2sf)  }
0x1a0: {  	s1 =	spop (v2sf);
	v22 =	vmax.f32 v22, v4  }
0x1a1: {  	s15 =	spop (v2sf);
	[tilespmem:v2+s26+$0x0] =	vst.idx.msk $0xffff, v22  }
.LBB2_26:
0x1a2: {  	v22 =	vld.idx.msk [tilespmem:v18+s19+$0x0], $0xffff;
	_ =	sdelay $0x4  }
0x1a3: {  	vm0 =	vgt.f32 v21, v22;
	_ =	sdelay $0x5  }
0x1a4: {  	[tilespmem:v18+s19+$0x0] =	vst.idx.msk vm0, v21  }
0x1a5: {  	v22 =	vld.idx.msk [tilespmem:v18+s19+$0x0], $0xffff;
	_ =	sdelay $0x4  }
0x1a6: {  	vm15 =	vgt.f32 v21, v22  }
0x1a7: {  	v22 =	vsel vm15, $0x1, v1  }
0x1a8: {  	v22 =	vor.u32 $0x80000000, v22  }
0x1a9: {  	(xrf0) =	vmax.scan.msk.u32 $0xffff, v22;
	_ =	sdelay $0x5  }
0x1aa: {  	v22, _, _ =	vpop (xrf0)  }
0x1ab: {  	(v2sf) =	vpush v22, $0xF;
	_ =	sdelay $0xe  }
0x1ac: {  	s5 =	spop (v2sf)  }
0x1ad: {  	p1 =	sgt.u32 s5, $0x80000000  }
.Ltmp25:
0x1ae: {  	_ = 	snop;
	(pc) =	sbr.rel @p1 .LBB2_26-.Ltmp25, $1  }
0x1af: {  	_ =	sdelay $0x3  }
.LBB2_27:
0x1b0: {  	v21 =	vld.idx.msk [tilespmem:v18+s20+$0x0], $0xffff;
	_ =	sdelay $0x4  }
0x1b1: {  	vm0 =	vgt.f32 v20, v21;
	_ =	sdelay $0x5  }
0x1b2: {  	[tilespmem:v18+s20+$0x0] =	vst.idx.msk vm0, v20  }
0x1b3: {  	v21 =	vld.idx.msk [tilespmem:v18+s20+$0x0], $0xffff;
	_ =	sdelay $0x4  }
0x1b4: {  	vm15 =	vgt.f32 v20, v21  }
0x1b5: {  	v21 =	vsel vm15, $0x1, v1  }
0x1b6: {  	v21 =	vor.u32 $0x80000000, v21  }
0x1b7: {  	(xrf0) =	vmax.scan.msk.u32 $0xffff, v21;
	_ =	sdelay $0x5  }
0x1b8: {  	v21, _, _ =	vpop (xrf0)  }
0x1b9: {  	(v2sf) =	vpush v21, $0xF;
	_ =	sdelay $0xe  }
0x1ba: {  	s5 =	spop (v2sf)  }
0x1bb: {  	p1 =	sgt.u32 s5, $0x80000000  }
.Ltmp26:
0x1bc: {  	_ = 	snop;
	(pc) =	sbr.rel @p1 .LBB2_27-.Ltmp26, $1  }
0x1bd: {  	_ =	sdelay $0x3  }
.LBB2_28:
0x1be: {  	v20 =	vld.idx.msk [tilespmem:v18+s21+$0x0], $0xffff;
	_ =	sdelay $0x4  }
0x1bf: {  	vm0 =	vgt.f32 v19, v20;
	_ =	sdelay $0x5  }
0x1c0: {  	[tilespmem:v18+s21+$0x0] =	vst.idx.msk vm0, v19  }
0x1c1: {  	v20 =	vld.idx.msk [tilespmem:v18+s21+$0x0], $0xffff;
	_ =	sdelay $0x4  }
0x1c2: {  	vm15 =	vgt.f32 v19, v20  }
0x1c3: {  	v20 =	vsel vm15, $0x1, v1  }
0x1c4: {  	v20 =	vor.u32 $0x80000000, v20  }
0x1c5: {  	(xrf0) =	vmax.scan.msk.u32 $0xffff, v20;
	_ =	sdelay $0x5  }
0x1c6: {  	v20, _, _ =	vpop (xrf0)  }
0x1c7: {  	(v2sf) =	vpush v20, $0xF;
	_ =	sdelay $0xe  }
0x1c8: {  	s5 =	spop (v2sf)  }
0x1c9: {  	p1 =	sgt.u32 s5, $0x80000000  }
.Ltmp27:
0x1ca: {  	_ = 	snop;
	(pc) =	sbr.rel @p1 .LBB2_28-.Ltmp27, $1  }
0x1cb: {  	_ =	sdelay $0x3  }
.LBB2_29:
0x1cc: {  	v19 =	vld.idx.msk [tilespmem:v18+s22+$0x0], $0xffff;
	_ =	sdelay $0x4  }
0x1cd: {  	vm0 =	vgt.f32 v17, v19;
	_ =	sdelay $0x5  }
0x1ce: {  	[tilespmem:v18+s22+$0x0] =	vst.idx.msk vm0, v17  }
0x1cf: {  	v19 =	vld.idx.msk [tilespmem:v18+s22+$0x0], $0xffff;
	_ =	sdelay $0x4  }
0x1d0: {  	vm15 =	vgt.f32 v17, v19  }
0x1d1: {  	v19 =	vsel vm15, $0x1, v1  }
0x1d2: {  	v19 =	vor.u32 $0x80000000, v19  }
0x1d3: {  	(xrf0) =	vmax.scan.msk.u32 $0xffff, v19;
	_ =	sdelay $0x5  }
0x1d4: {  	v19, _, _ =	vpop (xrf0)  }
0x1d5: {  	(v2sf) =	vpush v19, $0xF;
	_ =	sdelay $0xe  }
0x1d6: {  	s5 =	spop (v2sf)  }
0x1d7: {  	p1 =	sgt.u32 s5, $0x80000000  }
.Ltmp28:
0x1d8: {  	_ = 	snop;
	(pc) =	sbr.rel @p1 .LBB2_29-.Ltmp28, $1  }
0x1d9: {  	_ =	sdelay $0x3  }
.LBB2_30:
0x1da: {  	v17 =	vld.idx.msk [tilespmem:v13+s23+$0x0], $0xffff;
	_ =	sdelay $0x4  }
0x1db: {  	vm0 =	vgt.f32 v16, v17;
	_ =	sdelay $0x5  }
0x1dc: {  	[tilespmem:v13+s23+$0x0] =	vst.idx.msk vm0, v16  }
0x1dd: {  	v17 =	vld.idx.msk [tilespmem:v13+s23+$0x0], $0xffff;
	_ =	sdelay $0x4  }
0x1de: {  	vm15 =	vgt.f32 v16, v17  }
0x1df: {  	v17 =	vsel vm15, $0x1, v1  }
0x1e0: {  	v17 =	vor.u32 $0x80000000, v17  }
0x1e1: {  	(xrf0) =	vmax.scan.msk.u32 $0xffff, v17;
	_ =	sdelay $0x5  }
0x1e2: {  	v17, _, _ =	vpop (xrf0)  }
0x1e3: {  	(v2sf) =	vpush v17, $0xF;
	_ =	sdelay $0xe  }
0x1e4: {  	s5 =	spop (v2sf)  }
0x1e5: {  	p1 =	sgt.u32 s5, $0x80000000  }
.Ltmp29:
0x1e6: {  	_ = 	snop;
	(pc) =	sbr.rel @p1 .LBB2_30-.Ltmp29, $1  }
0x1e7: {  	_ =	sdelay $0x3  }
.LBB2_31:
0x1e8: {  	v16 =	vld.idx.msk [tilespmem:v13+s24+$0x0], $0xffff;
	_ =	sdelay $0x4  }
0x1e9: {  	vm0 =	vgt.f32 v15, v16;
	_ =	sdelay $0x5  }
0x1ea: {  	[tilespmem:v13+s24+$0x0] =	vst.idx.msk vm0, v15  }
0x1eb: {  	v16 =	vld.idx.msk [tilespmem:v13+s24+$0x0], $0xffff;
	_ =	sdelay $0x4  }
0x1ec: {  	vm15 =	vgt.f32 v15, v16  }
0x1ed: {  	v16 =	vsel vm15, $0x1, v1  }
0x1ee: {  	v16 =	vor.u32 $0x80000000, v16  }
0x1ef: {  	(xrf0) =	vmax.scan.msk.u32 $0xffff, v16;
	_ =	sdelay $0x5  }
0x1f0: {  	v16, _, _ =	vpop (xrf0)  }
0x1f1: {  	(v2sf) =	vpush v16, $0xF;
	_ =	sdelay $0xe  }
0x1f2: {  	s5 =	spop (v2sf)  }
0x1f3: {  	p1 =	sgt.u32 s5, $0x80000000  }
.Ltmp30:
0x1f4: {  	_ = 	snop;
	(pc) =	sbr.rel @p1 .LBB2_31-.Ltmp30, $1  }
0x1f5: {  	_ =	sdelay $0x3  }
.LBB2_32:
0x1f6: {  	v15 =	vld.idx.msk [tilespmem:v13+s25+$0x0], $0xffff;
	_ =	sdelay $0x4  }
0x1f7: {  	vm0 =	vgt.f32 v14, v15;
	_ =	sdelay $0x5  }
0x1f8: {  	[tilespmem:v13+s25+$0x0] =	vst.idx.msk vm0, v14  }
0x1f9: {  	v15 =	vld.idx.msk [tilespmem:v13+s25+$0x0], $0xffff;
	_ =	sdelay $0x4  }
0x1fa: {  	vm15 =	vgt.f32 v14, v15  }
0x1fb: {  	v15 =	vsel vm15, $0x1, v1  }
0x1fc: {  	v15 =	vor.u32 $0x80000000, v15  }
0x1fd: {  	(xrf0) =	vmax.scan.msk.u32 $0xffff, v15;
	_ =	sdelay $0x5  }
0x1fe: {  	v15, _, _ =	vpop (xrf0)  }
0x1ff: {  	(v2sf) =	vpush v15, $0xF;
	_ =	sdelay $0xe  }
0x200: {  	s5 =	spop (v2sf)  }
0x201: {  	p1 =	sgt.u32 s5, $0x80000000  }
.Ltmp31:
0x202: {  	_ = 	snop;
	(pc) =	sbr.rel @p1 .LBB2_32-.Ltmp31, $1  }
0x203: {  	_ =	sdelay $0x3  }
.LBB2_33:
0x204: {  	v14 =	vld.idx.msk [tilespmem:v13+s26+$0x0], $0xffff;
	_ =	sdelay $0x4  }
0x205: {  	vm0 =	vgt.f32 v12, v14;
	_ =	sdelay $0x5  }
0x206: {  	[tilespmem:v13+s26+$0x0] =	vst.idx.msk vm0, v12  }
0x207: {  	v14 =	vld.idx.msk [tilespmem:v13+s26+$0x0], $0xffff;
	_ =	sdelay $0x4  }
0x208: {  	vm15 =	vgt.f32 v12, v14  }
0x209: {  	v14 =	vsel vm15, $0x1, v1  }
0x20a: {  	v14 =	vor.u32 $0x80000000, v14  }
0x20b: {  	(xrf0) =	vmax.scan.msk.u32 $0xffff, v14;
	_ =	sdelay $0x5  }
0x20c: {  	v14, _, _ =	vpop (xrf0)  }
0x20d: {  	(v2sf) =	vpush v14, $0xF;
	_ =	sdelay $0xe  }
0x20e: {  	s5 =	spop (v2sf)  }
0x20f: {  	p1 =	sgt.u32 s5, $0x80000000  }
.Ltmp32:
0x210: {  	_ = 	snop;
	(pc) =	sbr.rel @p1 .LBB2_33-.Ltmp32, $1  }
0x211: {  	_ =	sdelay $0x3  }
.Ltmp33:
0x212: {  	_ = 	snop;
	(pc) =	sbr.rel .LBB2_34-.Ltmp33, $1  }
0x213: {  	_ =	sdelay $0x3  }
.LBB2_35:
0x214: {  	p1 =	slt.s32 s15, $0x1  }
.Ltmp34:
0x215: {  	_ = 	snop;
	(pc) =	sbr.rel @p1 .LBB2_44-.Ltmp34, $1  }
0x216: {  	_ =	sdelay $0x3  }
.LBB2_36:
0x217: {  	v12 =	vld.idx.msk [tilespmem:v3+s19+$0x0], $0xffff;
	_ =	sdelay $0x4  }
0x218: {  	vm0 =	vgt.f32 v11, v12;
	_ =	sdelay $0x5  }
0x219: {  	[tilespmem:v3+s19+$0x0] =	vst.idx.msk vm0, v11  }
0x21a: {  	v63 =	vld.idx.msk [tilespmem:v3+s19+$0x0], $0xffff;
	_ =	sdelay $0x4  }
0x21b: {  	vm15 =	vgt.f32 v11, v63  }
0x21c: {  	v12 =	vsel vm15, $0x1, v1  }
0x21d: {  	v12 =	vor.u32 $0x80000000, v12  }
0x21e: {  	(xrf0) =	vmax.scan.msk.u32 $0xffff, v12;
	_ =	sdelay $0x5  }
0x21f: {  	v12, _, _ =	vpop (xrf0)  }
0x220: {  	(v2sf) =	vpush v12, $0xF;
	_ =	sdelay $0xe  }
0x221: {  	s0 =	spop (v2sf)  }
0x222: {  	p1 =	sgt.u32 s0, $0x80000000  }
.Ltmp35:
0x223: {  	_ = 	snop;
	(pc) =	sbr.rel @p1 .LBB2_36-.Ltmp35, $1  }
0x224: {  	_ =	sdelay $0x3  }
.LBB2_37:
0x225: {  	v11 =	vld.idx.msk [tilespmem:v3+s20+$0x0], $0xffff;
	_ =	sdelay $0x4  }
0x226: {  	vm0 =	vgt.f32 v10, v11;
	_ =	sdelay $0x5  }
0x227: {  	[tilespmem:v3+s20+$0x0] =	vst.idx.msk vm0, v10  }
0x228: {  	v11 =	vld.idx.msk [tilespmem:v3+s20+$0x0], $0xffff;
	_ =	sdelay $0x4  }
0x229: {  	vm15 =	vgt.f32 v10, v11  }
0x22a: {  	v11 =	vsel vm15, $0x1, v1  }
0x22b: {  	v11 =	vor.u32 $0x80000000, v11  }
0x22c: {  	(xrf0) =	vmax.scan.msk.u32 $0xffff, v11;
	_ =	sdelay $0x5  }
0x22d: {  	v11, _, _ =	vpop (xrf0)  }
0x22e: {  	(v2sf) =	vpush v11, $0xF;
	_ =	sdelay $0xe  }
0x22f: {  	s0 =	spop (v2sf)  }
0x230: {  	p1 =	sgt.u32 s0, $0x80000000  }
.Ltmp36:
0x231: {  	_ = 	snop;
	(pc) =	sbr.rel @p1 .LBB2_37-.Ltmp36, $1  }
0x232: {  	_ =	sdelay $0x3  }
.LBB2_38:
0x233: {  	v10 =	vld.idx.msk [tilespmem:v3+s21+$0x0], $0xffff;
	_ =	sdelay $0x4  }
0x234: {  	vm0 =	vgt.f32 v9, v10;
	_ =	sdelay $0x5  }
0x235: {  	[tilespmem:v3+s21+$0x0] =	vst.idx.msk vm0, v9  }
0x236: {  	v10 =	vld.idx.msk [tilespmem:v3+s21+$0x0], $0xffff;
	_ =	sdelay $0x4  }
0x237: {  	vm15 =	vgt.f32 v9, v10  }
0x238: {  	v10 =	vsel vm15, $0x1, v1  }
0x239: {  	v10 =	vor.u32 $0x80000000, v10  }
0x23a: {  	(xrf0) =	vmax.scan.msk.u32 $0xffff, v10;
	_ =	sdelay $0x5  }
0x23b: {  	v10, _, _ =	vpop (xrf0)  }
0x23c: {  	(v2sf) =	vpush v10, $0xF;
	_ =	sdelay $0xe  }
0x23d: {  	s0 =	spop (v2sf)  }
0x23e: {  	p1 =	sgt.u32 s0, $0x80000000  }
.Ltmp37:
0x23f: {  	_ = 	snop;
	(pc) =	sbr.rel @p1 .LBB2_38-.Ltmp37, $1  }
0x240: {  	_ =	sdelay $0x3  }
.LBB2_39:
0x241: {  	v9 =	vld.idx.msk [tilespmem:v3+s22+$0x0], $0xffff;
	_ =	sdelay $0x4  }
0x242: {  	vm0 =	vgt.f32 v8, v9;
	_ =	sdelay $0x5  }
0x243: {  	[tilespmem:v3+s22+$0x0] =	vst.idx.msk vm0, v8  }
0x244: {  	v9 =	vld.idx.msk [tilespmem:v3+s22+$0x0], $0xffff;
	_ =	sdelay $0x4  }
0x245: {  	vm15 =	vgt.f32 v8, v9  }
0x246: {  	v9 =	vsel vm15, $0x1, v1  }
0x247: {  	v9 =	vor.u32 $0x80000000, v9  }
0x248: {  	(xrf0) =	vmax.scan.msk.u32 $0xffff, v9;
	_ =	sdelay $0x5  }
0x249: {  	v9, _, _ =	vpop (xrf0)  }
0x24a: {  	(v2sf) =	vpush v9, $0xF;
	_ =	sdelay $0xe  }
0x24b: {  	s0 =	spop (v2sf)  }
0x24c: {  	p1 =	sgt.u32 s0, $0x80000000  }
.Ltmp38:
0x24d: {  	_ = 	snop;
	(pc) =	sbr.rel @p1 .LBB2_39-.Ltmp38, $1  }
0x24e: {  	_ =	sdelay $0x3  }
.LBB2_40:
0x24f: {  	v3 =	vld.idx.msk [tilespmem:v2+s23+$0x0], $0xffff;
	_ =	sdelay $0x4  }
0x250: {  	vm0 =	vgt.f32 v6, v3;
	_ =	sdelay $0x5  }
0x251: {  	[tilespmem:v2+s23+$0x0] =	vst.idx.msk vm0, v6  }
0x252: {  	v3 =	vld.idx.msk [tilespmem:v2+s23+$0x0], $0xffff;
	_ =	sdelay $0x4  }
0x253: {  	vm15 =	vgt.f32 v6, v3  }
0x254: {  	v3 =	vsel vm15, $0x1, v1  }
0x255: {  	v3 =	vor.u32 $0x80000000, v3  }
0x256: {  	(xrf0) =	vmax.scan.msk.u32 $0xffff, v3;
	_ =	sdelay $0x5  }
0x257: {  	v3, _, _ =	vpop (xrf0)  }
0x258: {  	(v2sf) =	vpush v3, $0xF;
	_ =	sdelay $0xe  }
0x259: {  	s0 =	spop (v2sf)  }
0x25a: {  	p1 =	sgt.u32 s0, $0x80000000  }
.Ltmp39:
0x25b: {  	_ = 	snop;
	(pc) =	sbr.rel @p1 .LBB2_40-.Ltmp39, $1  }
0x25c: {  	_ =	sdelay $0x3  }
.LBB2_41:
0x25d: {  	v3 =	vld.idx.msk [tilespmem:v2+s24+$0x0], $0xffff;
	_ =	sdelay $0x4  }
0x25e: {  	vm0 =	vgt.f32 v7, v3;
	_ =	sdelay $0x5  }
0x25f: {  	[tilespmem:v2+s24+$0x0] =	vst.idx.msk vm0, v7  }
0x260: {  	v3 =	vld.idx.msk [tilespmem:v2+s24+$0x0], $0xffff;
	_ =	sdelay $0x4  }
0x261: {  	vm15 =	vgt.f32 v7, v3  }
0x262: {  	v3 =	vsel vm15, $0x1, v1  }
0x263: {  	v3 =	vor.u32 $0x80000000, v3  }
0x264: {  	(xrf0) =	vmax.scan.msk.u32 $0xffff, v3;
	_ =	sdelay $0x5  }
0x265: {  	v3, _, _ =	vpop (xrf0)  }
0x266: {  	(v2sf) =	vpush v3, $0xF;
	_ =	sdelay $0xe  }
0x267: {  	s0 =	spop (v2sf)  }
0x268: {  	p1 =	sgt.u32 s0, $0x80000000  }
.Ltmp40:
0x269: {  	_ = 	snop;
	(pc) =	sbr.rel @p1 .LBB2_41-.Ltmp40, $1  }
0x26a: {  	_ =	sdelay $0x3  }
.LBB2_42:
0x26b: {  	v3 =	vld.idx.msk [tilespmem:v2+s25+$0x0], $0xffff;
	_ =	sdelay $0x4  }
0x26c: {  	vm0 =	vgt.f32 v5, v3;
	_ =	sdelay $0x5  }
0x26d: {  	[tilespmem:v2+s25+$0x0] =	vst.idx.msk vm0, v5  }
0x26e: {  	v3 =	vld.idx.msk [tilespmem:v2+s25+$0x0], $0xffff;
	_ =	sdelay $0x4  }
0x26f: {  	vm15 =	vgt.f32 v5, v3  }
0x270: {  	v3 =	vsel vm15, $0x1, v1  }
0x271: {  	v3 =	vor.u32 $0x80000000, v3  }
0x272: {  	(xrf0) =	vmax.scan.msk.u32 $0xffff, v3;
	_ =	sdelay $0x5  }
0x273: {  	v3, _, _ =	vpop (xrf0)  }
0x274: {  	(v2sf) =	vpush v3, $0xF;
	_ =	sdelay $0xe  }
0x275: {  	s0 =	spop (v2sf)  }
0x276: {  	p1 =	sgt.u32 s0, $0x80000000  }
.Ltmp41:
0x277: {  	_ = 	snop;
	(pc) =	sbr.rel @p1 .LBB2_42-.Ltmp41, $1  }
0x278: {  	_ =	sdelay $0x3  }
.LBB2_43:
0x279: {  	v3 =	vld.idx.msk [tilespmem:v2+s26+$0x0], $0xffff;
	_ =	sdelay $0x4  }
0x27a: {  	vm0 =	vgt.f32 v4, v3;
	_ =	sdelay $0x5  }
0x27b: {  	[tilespmem:v2+s26+$0x0] =	vst.idx.msk vm0, v4  }
0x27c: {  	v3 =	vld.idx.msk [tilespmem:v2+s26+$0x0], $0xffff;
	_ =	sdelay $0x4  }
0x27d: {  	vm15 =	vgt.f32 v4, v3  }
0x27e: {  	v3 =	vsel vm15, $0x1, v1  }
0x27f: {  	v3 =	vor.u32 $0x80000000, v3  }
0x280: {  	(xrf0) =	vmax.scan.msk.u32 $0xffff, v3;
	_ =	sdelay $0x5  }
0x281: {  	v3, _, _ =	vpop (xrf0)  }
0x282: {  	(v2sf) =	vpush v3, $0xF;
	_ =	sdelay $0xe  }
0x283: {  	s0 =	spop (v2sf)  }
0x284: {  	p1 =	sgt.u32 s0, $0x80000000  }
.Ltmp42:
0x285: {  	_ = 	snop;
	(pc) =	sbr.rel @p1 .LBB2_43-.Ltmp42, $1  }
0x286: {  	_ =	sdelay $0x3  }
.LBB2_44:
.Ltmp43:
0x287: {  	(pc) =	sbr.rel @p0 .LBB2_46-.Ltmp43, $1  }
0x288: {  	_ =	sdelay $0x3  }
0x289: {  	s0 =	smul.u32 $0xC80, s30;
	_ =	sdelay $0x1  }
0x28a: {  	s0 =	sshrl.u32 s0, $0x3  }
.Ltmp44:
0x28b: {  	s0 =	sadd.s32 $0x258, s0;
	(pc) =	sbr.rel .LBB2_4-.Ltmp44, $4  }
0x28c: {  	s1 =	sadd.s32 s4, s0  }
0x28d: {  	[tilespmem:s16], [sflag:$0x2] =	stream.linear.gather [hbm4b:s1+s3], $0x640, $0x38;
	[tilespmem:$0x1F280] =	vst v63  }
0x28e: {  	s30 =	sadd.s32 $0x1, s30;
	s0 =	sadd.s32 s2, s0  }
0x28f: {  	[tilespmem:s17], [sflag:$0x2] =	stream.linear.gather [hbm4b:s0+s3], $0x640, $0x38;
	[tilespmem:$0x1F280] =	vst v63  }
.LBB2_46:
0x290: {  	s0 =	simm.s32 $0x0  }
0x291: {  	v7 =	vld [tilespmem:s0+$0x13A80]  }
0x292: {  	v8 =	vld [tilespmem:s0+$0x16200]  }
0x293: {  	v2 =	vld [tilespmem:s0+$0x18980]  }
0x294: {  	v3 =	vld [tilespmem:s0+$0x1B100]  }
0x295: {  	v6 =	vld [tilespmem:s0+$0x9C80]  }
0x296: {  	v4 =	vld [tilespmem:s0+$0xC400]  }
0x297: {  	s1 =	simm.s32 $0x40;
	v5 =	vld [tilespmem:s0+$0xEB80]  }
.LBB2_47:
0x298: {  	s5 =	sshra.s32 s1, $0x2;
	p0 =	sne.s32 s1, $0x9C00;
	v9 =	vld [tilespmem:s0+$0x11300];
	v10 =	vmov v2  }
0x299: {  	v11 =	vld [tilespmem:s5+$0x13A80];
	v12 =	vmov v3  }
0x29a: {  	v13 =	vld [tilespmem:s5+$0x16200];
	v3 =	vmax.f32 v6, v7  }
.Ltmp45:
0x29b: {  	v2 =	vld [tilespmem:s5+$0x18980];
	[tilespmem:s0+$0x9C80] =	vst v3;
	v4 =	vmax.f32 v4, v8;
	(pc) =	sbr.rel @p0 .LBB2_47-.Ltmp45, $4  }
0x29c: {  	v3 =	vld [tilespmem:s5+$0x1B100];
	[tilespmem:s0+$0xC400] =	vst v4;
	v4 =	vmax.f32 v5, v10  }
0x29d: {  	v6 =	vld [tilespmem:s5+$0x9C80];
	[tilespmem:s0+$0xEB80] =	vst v4;
	v5 =	vmax.f32 v9, v12  }
0x29e: {  	v4 =	vld [tilespmem:s5+$0xC400];
	[tilespmem:s0+$0x11300] =	vst v5;
	v7 =	vmov v11;
	s0 =	smov.u32 s5  }
0x29f: {  	s1 =	sadd.s32 $0x40, s1;
	v5 =	vld [tilespmem:s0+$0xEB80];
	v8 =	vmov v13  }
0x2a0: {  	v9 =	vld [tilespmem:s0+$0x11300];
	_ =	sdelay $0x1  }
0x2a1: {  	v6 =	vmax.f32 v6, v7  }
0x2a2: {  	[tilespmem:s0+$0x9C80] =	vst v6;
	v4 =	vmax.f32 v4, v8  }
0x2a3: {  	[tilespmem:s0+$0xC400] =	vst v4;
	v2 =	vmax.f32 v5, v2  }
0x2a4: {  	[tilespmem:s0+$0xEB80] =	vst v2;
	v2 =	vmax.f32 v9, v3  }
0x2a5: {  	[tilespmem:s0+$0x11300] =	vst v2  }
0x2a6: {  	[hbm4b:s7+s3] =	stream.linear.scatter [tilespmem:s19], [sflag:$0x3], $0x2710, $0x38;
	[tilespmem:$0x1F280] =	vst v63  }
0x2a7: {  	_ =	swait.ge [sflag:s13], $0x2710  }
0x2a8: {  	[sflag:s13] =	ssyncset.done $0x0  }
0x2a9: {  	[sflag:s13] =	ssyncadd.s32 $0xFFFFD8F0  }
0x2aa: {  	[hbm4b:s9+s3] =	stream.linear.scatter [tilespmem:s20], [sflag:$0x3], $0x2710, $0x38;
	[tilespmem:$0x1F280] =	vst v63  }
0x2ab: {  	_ =	swait.ge [sflag:s13], $0x2710  }
0x2ac: {  	[sflag:s13] =	ssyncset.done $0x0  }
0x2ad: {  	[sflag:s13] =	ssyncadd.s32 $0xFFFFD8F0  }
0x2ae: {  	[hbm4b:s10+s3] =	stream.linear.scatter [tilespmem:s21], [sflag:$0x3], $0x2710, $0x38;
	[tilespmem:$0x1F280] =	vst v63  }
0x2af: {  	s29 =	sadd.s32 $0x1, s29;
	_ =	swait.ge [sflag:s13], $0x2710  }
0x2b0: {  	p0 =	sne.s32 s29, s12;
	[sflag:s13] =	ssyncset.done $0x0  }
.Ltmp46:
0x2b1: {  	[sflag:s13] =	ssyncadd.s32 $0xFFFFD8F0;
	(pc) =	sbr.rel @p0 .LBB2_1-.Ltmp46, $4  }
0x2b2: {  	[hbm4b:s11+s3] =	stream.linear.scatter [tilespmem:s22], [sflag:$0x3], $0x2710, $0x38;
	[tilespmem:$0x1F280] =	vst v63  }
0x2b3: {  	_ =	swait.ge [sflag:s13], $0x2710  }
0x2b4: {  	[sflag:s13] =	ssyncset.done $0x0  }
0x2b5: {  	[sflag:s13] =	ssyncadd.s32 $0xFFFFD8F0  }
0x2b6: {  	_ =	sfence.sel $0x180000  }
0x2b7: {  	[bflag:$0x0] =	sbarrier.arrive $0xFFFF  }
0x2b8: {  	_ =	strace $0x9000004A  }
0x2b9: {  	s0 =	stileid.u32;
	[bflag:$0x2] =	sbarrier.arrive $0xFFFF  }
0x2ba: {  	p0 =	sne.s32 s0, $0x0;
	s0 =	rddreg [dreg:$0x4]  }
0x2bb: {  	s0 =	sadd.s32 @!p0 $0x100000, s0  }
0x2bc: {  	[sflag:s0] =	ssyncadd.tile.s32 @!p0 $0x1;
	_ =	shalt  }
.Lfunc_end2:
_tile_overlayer_lowered:
.L_overlay_start_2:
0x2bd: {  	(tag) =	ssettag $0x2  }
0x2be: {  	s0 =	rddreg [dreg:$0x0];
	s2 =	stileid.u32  }
0x2bf: {  	s1 =	rddreg [dreg:$0x1];
	p0 =	sne.s32 s2, $0x0  }
0x2c0: {  	s3 =	rddreg [dreg:$0x2];
	[bflag:$0x3] =	sbarrier.arrive $0xFFFF;
	s2 =	simm.s32 @!p0 $0x1C03  }
0x2c1: {  	[timem:s3], [sflag:s2] =	dma.local @!p0 [hbm:s0], s1  }
0x2c2: {  	s0 =	simm.s32 @!p0 $0x3  }
0x2c3: {  	_ =	swait.ge @!p0 [sflag:s0], s1  }
0x2c4: {  	s1 =	ssub.s32 @!p0 $0x0, s1;
	[sflag:s0] =	ssyncset.done @!p0 $0x0  }
0x2c5: {  	[sflag:s0] =	ssyncadd.s32 @!p0 s1  }
0x2c6: {  	[bflag:$0x3] =	sbarrier.arrive $0xFFFF  }
0x2c7: {  	_ =	shalt  }

// kernel: kernel.17.cloned.1.call-start
scs
__scs_entry_jumppad:
0x0: {  	(pc) =	sbr.rel $0x88, $3  }
0x1: {  	(tag) =	ssettag $0x0;
	lr =	simm.s32 $0x1  }
0x2: {  	[smem:$0x3F8F] =	sst lr;
	_ =	strace $0xD0000000  }
0x3: {  	_ = 	snop  }
0x4: {  	_ = 	snop  }
0x5: {  	_ = 	snop  }
0x6: {  	_ = 	snop  }
0x7: {  	_ = 	snop  }
__scs_overlays_trampoline_lowered:
0x8: {  	[smem:$0x3F9E] =	sst s0  }
0x9: {  	[smem:$0x3F9F] =	sst s1  }
0xa: {  	[smem:$0x3FA0] =	sst s2  }
0xb: {  	[smem:$0x3FA1] =	sst s3  }
0xc: {  	[smem:$0x3FA2] =	sst s4  }
0xd: {  	[smem:$0x3FA3] =	sst s5  }
0xe: {  	[smem:$0x3FA4] =	sst s6  }
0xf: {  	[smem:$0x3FA5] =	sst s7  }
0x10: {  	[smem:$0x3FA6] =	sst s8  }
0x11: {  	[smem:$0x3FA7] =	sst s9;
	s0 =	simm.s32 @!p0 $0x0  }
0x12: {  	s1 =	sld [smem:$0x3F8D];
	s0 =	simm.s32 @p0 $0x1  }
0x13: {  	[smem:$0x3FA8] =	sst s0;
	s0 =	simm.s32 @!p1 $0x0  }
0x14: {  	s2 =	sld [smem:$0x3F8C];
	s0 =	simm.s32 @p1 $0x1  }
0x15: {  	[smem:$0x3FA9] =	sst s0;
	s0 =	simm.s32 @!p2 $0x0  }
0x16: {  	s3 =	sld [smem:$0x3FDB];
	s0 =	simm.s32 @p2 $0x1  }
0x17: {  	s4 =	simm.s32 $0x1BF5;
	[smem:$0x3FAB] =	sst s0  }
0x18: {  	s0 =	sld [smem:$0x3F8E];
	_ =	swait.ge [sflag:s4], $0x0  }
0x19: {  	s7 =	sld [smem:$0x3F8F]  }
0x1a: {  	s8 =	sadd.s32 $0xFFFFE003, lr  }
0x1b: {  	s9 =	sadd.s32 $0xFFFFFEF7, lr;
	s5 =	simm.s32 $0xFFFFFFFF;
	p2 =	slt.u32 s8, $0xFFFFF086  }
0x1c: {  	p1 =	slt.u32 s9, $0xF7A;
	s5 =	simm.s32 @!p2 $0x0  }
0x1d: {  	s5 =	simm.s32 @p1 $0x1;
	p0 =	seq.s32 s7, s2  }
0x1e: {  	s7 =	smul.u32 @!p0 $0xF7A, s2;
	p2 =	seq.s32 @!p0 s5, $0x0  }
0x1f: {  	s9 =	smul.u32 $0xF7A, s1;
	s8 =	simm.s32 @!p0 $0x1BF5;
	p2 =	por !p2, p0  }
0x20: {  	[sflag:s8] =	ssyncset.s32 @!p0 $0xFFFFF086;
	s6 =	sadd.s32 @!p0 s3, s7;
	s7 =	simm.s32 @!p0 $0x108  }
0x21: {  	s3 =	sadd.s32 s3, s9;
	s6 =	sadd.s32 @!p0 $0x88, s6;
	s7 =	simm.s32 @p2 $0x1082  }
0x22: {  	[simem:s7], [sflag:s8] =	dma.local @!p0 [hbm:s6], $0xF7A  }
0x23: {  	s9 =	sor.u32 $0xD0000000, s2;
	s6 =	simm.s32 $0x108;
	_ =	swait.ge @!p0 [sflag:s8], $0x0  }
0x24: {  	s3 =	sadd.s32 $0x88, s3;
	s6 =	simm.s32 @!p1 $0x1082;
	[sflag:s4] =	ssyncset.s32 $0xFFFFF086  }
0x25: {  	[simem:s6], [sflag:s4] =	dma.local [hbm:s3], $0xF7A  }
0x26: {  	[smem:$0x3F8F] =	sst s1;
	(tag) =	ssettag s2;
	_ =	strace s9  }
0x27: {  	s1 =	sld [smem:$0x3F9F]  }
0x28: {  	s2 =	sld [smem:$0x3FA0]  }
0x29: {  	s4 =	sld [smem:$0x3FA2]  }
0x2a: {  	p0 =	seq.s32 s5, $0x0;
	s5 =	sld [smem:$0x3FA3]  }
0x2b: {  	s6 =	sld [smem:$0x3FA4]  }
0x2c: {  	s7 =	sld [smem:$0x3FA5]  }
0x2d: {  	s3 =	simm.s32 $0x108;
	s8 =	sld [smem:$0x3FA6]  }
0x2e: {  	s3 =	simm.s32 @!p0 $0x1082;
	s9 =	sld [smem:$0x3FA7]  }
0x2f: {  	lr =	sadd.s32 s0, s3;
	s0 =	sld [smem:$0x3F9E]  }
0x30: {  	s3 =	sld [smem:$0x3FA1]  }
0x31: {  	[smem:$0x3FAA] =	sst s10  }
0x32: {  	s10 =	sld [smem:$0x3FA8];
	_ =	sdelay $0x3  }
0x33: {  	p0 =	seq.s32 s10, $0x1;
	s10 =	sld [smem:$0x3FAA];
	_ =	sdelay $0x3  }
0x34: {  	[smem:$0x3FAA] =	sst s10  }
0x35: {  	s10 =	sld [smem:$0x3FA9];
	_ =	sdelay $0x3  }
0x36: {  	p1 =	seq.s32 s10, $0x1;
	s10 =	sld [smem:$0x3FAA];
	_ =	sdelay $0x3  }
0x37: {  	[smem:$0x3FAA] =	sst s10  }
0x38: {  	s10 =	sld [smem:$0x3FAB]  }
0x39: {  	_ = 	snop;
	(pc) =	sbr.ind lr, $3  }
0x3a: {  	_ = 	snop  }
0x3b: {  	_ = 	snop  }
0x3c: {  	p2 =	seq.s32 s10, $0x1;
	s10 =	sld [smem:$0x3FAA]  }
0x3d: {  	_ =	shalt  }
0x3e: {  	_ =	shalt  }
0x3f: {  	_ =	shalt  }
0x40: {  	_ =	shalt  }
0x41: {  	_ =	shalt  }
0x42: {  	_ =	shalt  }
0x43: {  	_ =	shalt  }
0x44: {  	_ =	shalt  }
0x45: {  	_ =	shalt  }
0x46: {  	_ =	shalt  }
0x47: {  	_ =	shalt  }
0x48: {  	_ =	shalt  }
0x49: {  	_ =	shalt  }
0x4a: {  	_ =	shalt  }
0x4b: {  	_ =	shalt  }
0x4c: {  	_ =	shalt  }
0x4d: {  	_ =	shalt  }
0x4e: {  	_ =	shalt  }
0x4f: {  	_ =	shalt  }
0x50: {  	_ =	shalt  }
0x51: {  	_ =	shalt  }
0x52: {  	_ =	shalt  }
0x53: {  	_ =	shalt  }
0x54: {  	_ =	shalt  }
0x55: {  	_ =	shalt  }
0x56: {  	_ =	shalt  }
0x57: {  	_ =	shalt  }
0x58: {  	_ =	shalt  }
0x59: {  	_ =	shalt  }
0x5a: {  	_ =	shalt  }
0x5b: {  	_ =	shalt  }
0x5c: {  	_ =	shalt  }
0x5d: {  	_ =	shalt  }
0x5e: {  	_ =	shalt  }
0x5f: {  	_ =	shalt  }
0x60: {  	_ =	shalt  }
0x61: {  	_ =	shalt  }
0x62: {  	_ =	shalt  }
0x63: {  	_ =	shalt  }
0x64: {  	_ =	shalt  }
0x65: {  	_ =	shalt  }
0x66: {  	_ =	shalt  }
0x67: {  	_ =	shalt  }
0x68: {  	_ =	shalt  }
0x69: {  	_ =	shalt  }
0x6a: {  	_ =	shalt  }
0x6b: {  	_ =	shalt  }
0x6c: {  	_ =	shalt  }
0x6d: {  	_ =	shalt  }
0x6e: {  	_ =	shalt  }
0x6f: {  	_ =	shalt  }
0x70: {  	_ =	shalt  }
0x71: {  	_ =	shalt  }
0x72: {  	_ =	shalt  }
0x73: {  	_ =	shalt  }
0x74: {  	_ =	shalt  }
0x75: {  	_ =	shalt  }
0x76: {  	_ =	shalt  }
0x77: {  	_ =	shalt  }
0x78: {  	_ =	shalt  }
0x79: {  	_ =	shalt  }
0x7a: {  	_ =	shalt  }
0x7b: {  	_ =	shalt  }
0x7c: {  	_ =	shalt  }
0x7d: {  	_ =	shalt  }
0x7e: {  	_ =	shalt  }
0x7f: {  	_ =	shalt  }
0x80: {  	_ =	shalt  }
0x81: {  	_ =	shalt  }
0x82: {  	_ =	shalt  }
0x83: {  	_ =	shalt  }
0x84: {  	_ =	shalt  }
0x85: {  	_ =	shalt  }
0x86: {  	_ =	shalt  }
0x87: {  	_ =	shalt  }
.Lfunc_end0:
.L_simem_size_0:
called_computation.2_lowered:
.L_overlay_start_0:
0x88: {  	s2 =	sld [smem:$0x3FD9]  }
0x89: {  	s3 =	sld [smem:$0x3FFE];
	_ =	sdelay $0x1  }
0x8a: {  	s1 =	srdreg.scid  }
0x8b: {  	s0 =	sand.u32 $0x1, s1  }
0x8c: {  	s14 =	sshll.u32 s0, $0xA;
	s2 =	sadd.s32 s3, s2  }
0x8d: {  	s2 =	sadd.s32 s2, s14  }
0x8e: {  	[smem:$0x3FB6] =	sst s2  }
0x8f: {  	_ = 	snop  }
0x90: {  	s2 =	sld [smem:$0x3FD0];
	_ =	sdelay $0x2  }
0x91: {  	s4 =	simm.s32 $0xA;
	s5 =	simm.s32 $0x10;
	s15 =	sld [smem:$0x3FC7]  }
0x92: {  	[smem:s5], [sflag:s4] =	dma.local [hbm:s2], $0x1  }
0x93: {  	_ =	swait.eq [sflag:s4], $0x1  }
0x94: {  	[sflag:s4] =	ssyncset.done $0x0  }
0x95: {  	s16 =	sld [smem:$0x10];
	[sflag:s4] =	ssyncadd.s32 $0xFFFFFFFF  }
0x96: {  	s17 =	sld [smem:$0x11];
	(tm) =	ssettm $0x1  }
0x97: {  	s18 =	sld [smem:$0x3FFB];
	_ =	sdelay $0x3  }
0x98: {  	_ =	strace s18  }
0x99: {  	s5 =	sld [smem:$0x3FFC];
	_ =	sdelay $0x3  }
0x9a: {  	_ =	strace s5  }
0x9b: {  	s5 =	sld [smem:$0x3FFD];
	_ =	sdelay $0x3  }
0x9c: {  	_ =	strace s5  }
0x9d: {  	_ =	strace $0x8FFFFFFF  }
0x9e: {  	s19 =	sld [smem:$0x3FDB];
	_ =	sdelay $0x1  }
0x9f: {  	s6 =	simm.s32 $_scs_section_size  }
0xa0: {  	s7 =	simm.s32 $_size__tile_overlayer_lowered;
	s8 =	simm.s32 $_tile_overlayer_lowered  }
0xa1: {  	s22 =	simm.s32 $0x1BFF;
	s21 =	sshll.u32 s8, $0x1;
	s5 =	sadd.s32 s6, s19  }
0xa2: {  	s9 =	simm.s32 $0x0;
	s20 =	sshll.u32 s7, $0x1;
	s7 =	sadd.s32 s21, s5  }
0xa3: {  	[timem:s9], [sflag:s22] =	dma.local [hbm:s7], s20  }
0xa4: {  	_ =	swait.ge [sflag:s22], s20  }
0xa5: {  	s6 =	ssub.s32 $0x0, s20;
	[sflag:s22] =	ssyncset.done $0x0  }
0xa6: {  	[sflag:s22] =	ssyncadd.s32 s6;
	_ =	sdelay $0x1  }
0xa7: {  	s23 =	simm.s32 $0x1B8B  }
0xa8: {  	_ =	swait.ge [sflag:s23], $0x1  }
0xa9: {  	[sflag:s23] =	ssyncset.done $0x0  }
0xaa: {  	s25 =	simm.s32 $0x1B8E;
	s24 =	sld [smem:$0x3FFE];
	[sflag:s23] =	ssyncadd.s32 $0xFFFFFFFF  }
0xab: {  	s26 =	simm.s32 $execute0_lowered;
	[smem:$0x3FD2] =	sst s25  }
0xac: {  	s7 =	sshll.u32 s26, $0x1;
	_ =	strace $0x8000004C;
	[dreg:$0x1] =	wrdreg $0xFFFFFFFF  }
0xad: {  	s28 =	simm.s32 $_size_execute0_lowered;
	s5 =	sadd.s32 s5, s7;
	[dreg:$0x0] =	wrdreg $0x0  }
0xae: {  	s7 =	sshll.u32 s28, $0x1;
	[dreg:$0x2] =	wrdreg s5  }
0xaf: {  	[dreg:$0x3] =	wrdreg s7  }
0xb0: {  	[dreg:$0x4] =	wrdreg $0xC0  }
0xb1: {  	_ =	task [dreg:s9], $0x5FFFF  }
0xb2: {  	[dreg:$0x1] =	wrdreg $0xFFFFFFFF  }
0xb3: {  	[dreg:$0x0] =	wrdreg $0x60  }
0xb4: {  	[dreg:$0x2] =	wrdreg s16  }
0xb5: {  	[dreg:$0x3] =	wrdreg s24  }
0xb6: {  	[dreg:$0x4] =	wrdreg s15  }
0xb7: {  	[dreg:$0x5] =	wrdreg s17  }
0xb8: {  	[dreg:$0x6] =	wrdreg $0x9  }
0xb9: {  	_ =	task.clear_ibuf [dreg:s9], $0x7FFFF;
	_ =	strace $0x9000004C  }
0xba: {  	s29 =	simm.s32 $0x9;
	_ =	strace $0x8000004E  }
0xbb: {  	_ =	swait.ge [sflag:s29], $0x1  }
0xbc: {  	[sflag:s29] =	ssyncadd.s32 $0xFFFFFFFF  }
0xbd: {  	_ =	strace $0x9000004E  }
0xbe: {  	_ =	sfence  }
0xbf: {  	s30 =	sld [smem:$0x0];
	_ =	sdelay $0x2  }
0xc0: {  	s31 =	sshll.u32 s1, $0xD;
	s1 =	sshrl.u32 s1, $0x2  }
0xc1: {  	s3 =	sand.u32 $0x4000, s31;
	s1 =	sadd.s32 s1, s30  }
0xc2: {  	s0 =	sor.u32 s3, s0;
	s1 =	sshll.u32 s1, $0x11  }
0xc3: {  	s0 =	sor.u32 s1, s0  }
0xc4: {  	s0 =	sadd.s32 $0x8F2B, s0  }
0xc5: {  	[sflag:s0] =	ssyncadd.remote.s32 $0x1  }
0xc6: {  	_ =	sfence.sel $0xFFFF  }
0xc7: {  	[dreg:$0x0] =	wrdreg $0xFFFFFFFF;
	(pc) =	sbr.abs _section_cstart, $3  }
0xc8: {  	[dreg:$0x1] =	wrdreg $0xFFFFFFFF  }
0xc9: {  	_ =	task.clear_ibuf [dreg:s9], $0x2FFFF;
	_ =	strace $0x9FFFFFFF  }
0xca: {  	(tm) =	ssettm $0x7FFFFFFF  }
0xcb: {  	_ =	shalt  }
tec
execute0_lowered:
.L_overlay_start_1:
0x0: {  	(tag) =	ssettag $0x1  }
0x1: {  	s0 =	rddreg [dreg:$0x0]  }
0x2: {  	s1 =	rddreg [dreg:$0x1]  }
0x3: {  	s2 =	rddreg [dreg:$0x2]  }
0x4: {  	s3 =	srdreg.scid;
	s5 =	stileid.u32  }
0x5: {  	s7 =	rddreg [dreg:$0x3];
	s13 =	simm.s32 $0x3;
	s16 =	simm.s32 $0x1DF00  }
0x6: {  	s17 =	simm.s32 $0x1EC00;
	s18 =	simm.s32 $0x1;
	s19 =	simm.s32 $0x9C80  }
0x7: {  	s20 =	simm.s32 $0xC400;
	s21 =	simm.s32 $0xEB80;
	s22 =	simm.s32 $0x11300  }
0x8: {  	s23 =	simm.s32 $0x13A80;
	s24 =	simm.s32 $0x16200;
	s25 =	simm.s32 $0x18980  }
0x9: {  	s26 =	simm.s32 $0x1B100;
	s4 =	sand.u32 $0x1, s3;
	s5 =	sshll.u32 s5, $0x1  }
0xa: {  	s28 =	simm.s32 $0x2;
	s29 =	simm.s32 $0x0;
	s5 =	sor.u32 s4, s5  }
0xb: {  	s3 =	simm.s32 $0x0;
	s6 =	ssub.s32 $0x2, s4;
	s5 =	smul.u32 $0x9C40, s5  }
0xc: {  	[smem:$0x7FF] =	sst s3;
	s4 =	sadd.s32 $0x2E00, s1;
	s8 =	sshrl.u32 s6, $0x1  }
0xd: {  	_ =	strace $0x8000004D;
	s12 =	ssub.s32 s6, s8;
	s31 =	sshrl.u32 s5, $0x3  }
0xe: {  	s6 =	sadd.s32 $0x2EC8, s1;
	s8 =	sadd.s32 $0xC8, s2;
	s0 =	sadd.s32 s0, s31  }
0xf: {  	s12 =	smax.u32 s12, $0x1;
	s7 =	sadd.s32 s7, s31;
	[dreg:$0x5] =	wrdreg s0  }
0x10: {  	v0 =	vimm.f32 $0.0e+00;
	v1 =	vimm.s32 $0x0;
	s9 =	sadd.s32 $0x4E2, s7;
	s10 =	sadd.s32 $0x9C4, s7;
	s11 =	sadd.s32 $0xEA6, s7  }
.LBB2_1:
0x11: {  	s0 =	rddreg [dreg:$0x5]  }
0x12: {  	[tilespmem:s3], [sflag:$0x3] =	stream.linear.gather [hbm4b:s0+s3], $0x9C40, $0x38;
	[tilespmem:$0x1F280] =	vst v63  }
0x13: {  	_ =	swait.ge [sflag:s13], $0x9C40  }
0x14: {  	[sflag:s13] =	ssyncset.done $0x0  }
0x15: {  	s1 =	simm.s32 $0x40;
	s0 =	simm.s32 $0x0;
	[sflag:s13] =	ssyncadd.s32 $0xFFFF63C0  }
.LBB2_2:
0x16: {  	p0 =	sne.s32 s1, $0x9C00;
	[tilespmem:s0+$0x1B100] =	vst v0  }
0x17: {  	[tilespmem:s0+$0x9C80] =	vst v0  }
0x18: {  	[tilespmem:s0+$0xC400] =	vst v0  }
.Ltmp0:
0x19: {  	[tilespmem:s0+$0xEB80] =	vst v0;
	(pc) =	sbr.rel @p0 .LBB2_2-.Ltmp0, $4  }
0x1a: {  	[tilespmem:s0+$0x11300] =	vst v0  }
0x1b: {  	[tilespmem:s0+$0x13A80] =	vst v0  }
0x1c: {  	[tilespmem:s0+$0x16200] =	vst v0  }
0x1d: {  	[tilespmem:s0+$0x18980] =	vst v0;
	s0 =	sshra.s32 s1, $0x2;
	s1 =	sadd.s32 $0x40, s1  }
0x1e: {  	[tilespmem:s0+$0x1B100] =	vst v0  }
0x1f: {  	[tilespmem:s0+$0x9C80] =	vst v0  }
0x20: {  	[tilespmem:s0+$0xC400] =	vst v0  }
0x21: {  	[tilespmem:s0+$0xEB80] =	vst v0  }
0x22: {  	[tilespmem:s0+$0x11300] =	vst v0  }
0x23: {  	[tilespmem:s0+$0x13A80] =	vst v0  }
0x24: {  	[tilespmem:s0+$0x16200] =	vst v0  }
0x25: {  	[tilespmem:s0+$0x18980] =	vst v0;
	s30 =	simm.s32 $0x0;
	s15 =	simm.s32 $0x1D880  }
0x26: {  	[tilespmem:s15], [sflag:$0x1] =	stream.linear.gather [hbm4b:s4+s30], $0x640, $0x38;
	[tilespmem:$0x1F280] =	vst v63  }
0x27: {  	s31 =	simm.s32 $0x1E580  }
0x28: {  	[tilespmem:s31], [sflag:$0x1] =	stream.linear.gather [hbm4b:s2+s30], $0x640, $0x38;
	[tilespmem:$0x1F280] =	vst v63  }
0x29: {  	_ = 	snop  }
0x2a: {  	[tilespmem:s16], [sflag:$0x2] =	stream.linear.gather [hbm4b:s6+s30], $0x640, $0x38;
	[tilespmem:$0x1F280] =	vst v63  }
0x2b: {  	_ = 	snop  }
0x2c: {  	[tilespmem:s17], [sflag:$0x2] =	stream.linear.gather [hbm4b:s8+s30], $0x640, $0x38;
	[tilespmem:$0x1F280] =	vst v63  }
.LBB2_4:
0x2d: {  	_ =	swait.ge [sflag:s18], $0x640  }
.Ltmp1:
0x2e: {  	v18 =	vimm.s32 $0x0;
	[sflag:s18] =	ssyncset.done $0x0;
	(pc) =	sbr.rel .LBB2_5-.Ltmp1, $4  }
0x2f: {  	[sflag:s18] =	ssyncadd.s32 $0xFFFFF9C0  }
0x30: {  	v13 =	vimm.s32 $0x0;
	v12 =	vimm.f32 $0.0e+00;
	v14 =	vimm.f32 $0.0e+00;
	_ =	swait.ge [sflag:s18], $0x640  }
0x31: {  	v15 =	vimm.f32 $0.0e+00;
	v16 =	vimm.f32 $0.0e+00;
	v17 =	vimm.f32 $0.0e+00;
	[sflag:s18] =	ssyncset.done $0x0  }
0x32: {  	v19 =	vimm.f32 $0.0e+00;
	v20 =	vimm.f32 $0.0e+00;
	v21 =	vimm.f32 $0.0e+00;
	s15 =	simm.s32 $0x0;
	s31 =	simm.s32 $0x0;
	[sflag:s18] =	ssyncadd.s32 $0xFFFFF9C0  }
.LBB2_14:
0x33: {  	s31 =	sadd.s32 $0x1, s31  }
0x34: {  	p0 =	sne.s32 s31, $0x32  }
.Ltmp2:
0x35: {  	s5 =	sxor.u32 $0x7FFFFFFF, s14;
	v18 =	vmov v3;
	(pc) =	sbr.rel @!p0 .LBB2_15-.Ltmp2, $4  }
0x36: {  	s0 =	sxor.u32 $0x80000000, s0;
	s15 =	sxor.u32 $0x7FFFFFFF, s15;
	s5 =	sadd.s32 $0x1, s5  }
0x37: {  	s14 =	sadd.s32 $0x1, s15;
	s0 =	sadd.s32 s5, s0  }
0x38: {  	s1 =	sxor.u32 $0x80000000, s1;
	v12 =	vmovc v4;
	v14 =	vmov v5;
	v15 =	vmov v7;
	v16 =	vmov v6;
	s0 =	sadd.s32 s14, s0  }
0x39: {  	v17 =	vmovc v8;
	v19 =	vmovc v9;
	v20 =	vmov v10;
	v21 =	vmov v11;
	v13 =	vmov v2;
	s15 =	sadd.s32 s1, s0  }
.LBB2_5:
0x3a: {  	s0 =	sshll.u32 s31, $0x5  }
0x3b: {  	v2 =	vld [tilespmem:s0+$0x1D880];
	_ =	sdelay $0x4  }
0x3c: {  	v4 =	vand.u32 $0x3FFF, v2;
	_ =	sdelay $0x1  }
0x3d: {  	v3 =	vshrl.u32 v2, $0xE;
	_ =	sdelay $0x1  }
0x3e: {  	v5 =	vld [tilespmem:s0+$0x1E580]  }
0x3f: {  	v2 =	vld.idx.msk [tilespmem:v4+s3+$0x0], $0xffff  }
0x40: {  	v6 =	vadd.s32 $0x2710, v4  }
0x41: {  	v7 =	vadd.s32 $0x4E20, v4;
	v8 =	vld.idx.msk [tilespmem:v3+s19+$0x0], $0xffff  }
0x42: {  	v4 =	vadd.s32 $0x7530, v4  }
0x43: {  	v22 =	vld [tilespmem:s0+$0x1D890]  }
0x44: {  	v23 =	vld [tilespmem:s0+$0x1E590];
	v11 =	vmul.f32 v2, v5  }
0x45: {  	v2 =	vld.idx.msk [tilespmem:v6+s3+$0x0], $0xffff  }
0x46: {  	v6 =	vld.idx.msk [tilespmem:v7+s3+$0x0], $0xffff;
	v7 =	vmax.f32 v8, v11  }
0x47: {  	v4 =	vld.idx.msk [tilespmem:v4+s3+$0x0], $0xffff;
	[tilespmem:v3+s19+$0x0] =	vst.idx.msk $0xffff, v7  }
0x48: {  	v7 =	vld.idx.msk [tilespmem:v3+s20+$0x0], $0xffff;
	_ =	sdelay $0x2  }
0x49: {  	v10 =	vmul.f32 v2, v5;
	_ =	sdelay $0x1  }
0x4a: {  	v2 =	vmax.f32 v7, v10  }
0x4b: {  	[tilespmem:v3+s20+$0x0] =	vst.idx.msk $0xffff, v2  }
0x4c: {  	v7 =	vld.idx.msk [tilespmem:v3+s21+$0x0], $0xffff;
	_ =	sdelay $0x1  }
0x4d: {  	(xrf1) =	vunique.msk.u32 $0xffff, v3  }
0x4e: {  	v9 =	vmul.f32 v6, v5;
	v2 =	vshrl.u32 v22, $0xE  }
0x4f: {  	(xrf1) =	vunique.msk.u32 $0xffff, v2  }
0x50: {  	v6 =	vmax.f32 v7, v9  }
0x51: {  	[tilespmem:v3+s21+$0x0] =	vst.idx.msk $0xffff, v6  }
0x52: {  	v6 =	vld.idx.msk [tilespmem:v3+s22+$0x0], $0xffff;
	_ =	sdelay $0x1  }
0x53: {  	v7 =	vand.u32 $0x3FFF, v22  }
0x54: {  	v8 =	vmul.f32 v4, v5;
	_ =	sdelay $0x1  }
0x55: {  	v4 =	vmax.f32 v6, v8  }
0x56: {  	[tilespmem:v3+s22+$0x0] =	vst.idx.msk $0xffff, v4  }
0x57: {  	v5 =	vadd.s32 $0x2710, v7;
	v4 =	vld.idx.msk [tilespmem:v7+s3+$0x0], $0xffff;
	_ =	sdelay $0x1  }
0x58: {  	v22 =	vadd.s32 $0x4E20, v7;
	_, v6, _ =	vpop (xrf1);
	v24 =	vld.idx.msk [tilespmem:v2+s23+$0x0], $0xffff  }
0x59: {  	v6 =	vxor.u32 $0x80000000, v6;
	v7 =	vadd.s32 $0x7530, v7  }
0x5a: {  	(xrf0) =	vmax.scan.msk.u32 $0xffff, v6;
	_, v25, _ =	vpop (xrf1)  }
0x5b: {  	(xrf0) =	vmin.scan.msk.u32 $0xffff, v6;
	v6 =	vmul.f32 v4, v23;
	v4 =	vld.idx.msk [tilespmem:v5+s3+$0x0], $0xffff;
	v5 =	vxor.u32 $0x80000000, v25  }
0x5c: {  	(xrf0) =	vmax.scan.msk.u32 $0xffff, v5  }
0x5d: {  	v22 =	vld.idx.msk [tilespmem:v22+s3+$0x0], $0xffff;
	(xrf0) =	vmin.scan.msk.u32 $0xffff, v5;
	v5 =	vmax.f32 v24, v6  }
0x5e: {  	v62 =	vld.idx.msk [tilespmem:v7+s3+$0x0], $0xffff;
	[tilespmem:v2+s23+$0x0] =	vst.idx.msk $0xffff, v5  }
0x5f: {  	v5 =	vld.idx.msk [tilespmem:v2+s24+$0x0], $0xffff  }
0x60: {  	v7, _, _ =	vpop (xrf0)  }
0x61: {  	v63, _, _ =	vpop (xrf0);
	(v2sf) =	vpush v7, $0xF  }
0x62: {  	(v2sf) =	vpush v63, $0xF;
	v7 =	vmul.f32 v4, v23;
	v26, _, _ =	vpop (xrf0)  }
0x63: {  	(v2sf) =	vpush v26, $0xF;
	v4, _, _ =	vpop (xrf0)  }
0x64: {  	(v2sf) =	vpush v4, $0xF;
	v4 =	vmax.f32 v5, v7  }
0x65: {  	[tilespmem:v2+s24+$0x0] =	vst.idx.msk $0xffff, v4  }
0x66: {  	v4 =	vld.idx.msk [tilespmem:v2+s25+$0x0], $0xffff;
	_ =	sdelay $0x2  }
0x67: {  	v5 =	vmul.f32 v22, v23;
	_ =	sdelay $0x1  }
0x68: {  	v4 =	vmax.f32 v4, v5  }
0x69: {  	[tilespmem:v2+s25+$0x0] =	vst.idx.msk $0xffff, v4  }
0x6a: {  	v22 =	vld.idx.msk [tilespmem:v2+s26+$0x0], $0xffff  }
0x6b: {  	p0 =	slt.s32 s15, $0x1  }
.Ltmp3:
0x6c: {  	_ = 	snop;
	(pc) =	sbr.rel @p0 .LBB2_14-.Ltmp3, $4  }
0x6d: {  	s0 =	spop (v2sf);
	v4 =	vmul.f32 v62, v23  }
0x6e: {  	s14 =	spop (v2sf)  }
0x6f: {  	s1 =	spop (v2sf);
	v22 =	vmax.f32 v22, v4  }
0x70: {  	s15 =	spop (v2sf);
	[tilespmem:v2+s26+$0x0] =	vst.idx.msk $0xffff, v22  }
.LBB2_6:
0x71: {  	v22 =	vld.idx.msk [tilespmem:v18+s19+$0x0], $0xffff;
	_ =	sdelay $0x4  }
0x72: {  	vm0 =	vgt.f32 v21, v22;
	_ =	sdelay $0x5  }
0x73: {  	[tilespmem:v18+s19+$0x0] =	vst.idx.msk vm0, v21  }
0x74: {  	v22 =	vld.idx.msk [tilespmem:v18+s19+$0x0], $0xffff;
	_ =	sdelay $0x4  }
0x75: {  	vm15 =	vgt.f32 v21, v22  }
0x76: {  	v22 =	vsel vm15, $0x1, v1  }
0x77: {  	v22 =	vor.u32 $0x80000000, v22  }
0x78: {  	(xrf0) =	vmax.scan.msk.u32 $0xffff, v22;
	_ =	sdelay $0x5  }
0x79: {  	v22, _, _ =	vpop (xrf0)  }
0x7a: {  	(v2sf) =	vpush v22, $0xF;
	_ =	sdelay $0xe  }
0x7b: {  	s5 =	spop (v2sf)  }
0x7c: {  	p0 =	sgt.u32 s5, $0x80000000  }
.Ltmp4:
0x7d: {  	_ = 	snop;
	(pc) =	sbr.rel @p0 .LBB2_6-.Ltmp4, $1  }
0x7e: {  	_ =	sdelay $0x3  }
.LBB2_7:
0x7f: {  	v21 =	vld.idx.msk [tilespmem:v18+s20+$0x0], $0xffff;
	_ =	sdelay $0x4  }
0x80: {  	vm0 =	vgt.f32 v20, v21;
	_ =	sdelay $0x5  }
0x81: {  	[tilespmem:v18+s20+$0x0] =	vst.idx.msk vm0, v20  }
0x82: {  	v21 =	vld.idx.msk [tilespmem:v18+s20+$0x0], $0xffff;
	_ =	sdelay $0x4  }
0x83: {  	vm15 =	vgt.f32 v20, v21  }
0x84: {  	v21 =	vsel vm15, $0x1, v1  }
0x85: {  	v21 =	vor.u32 $0x80000000, v21  }
0x86: {  	(xrf0) =	vmax.scan.msk.u32 $0xffff, v21;
	_ =	sdelay $0x5  }
0x87: {  	v21, _, _ =	vpop (xrf0)  }
0x88: {  	(v2sf) =	vpush v21, $0xF;
	_ =	sdelay $0xe  }
0x89: {  	s5 =	spop (v2sf)  }
0x8a: {  	p0 =	sgt.u32 s5, $0x80000000  }
.Ltmp5:
0x8b: {  	_ = 	snop;
	(pc) =	sbr.rel @p0 .LBB2_7-.Ltmp5, $1  }
0x8c: {  	_ =	sdelay $0x3  }
.LBB2_8:
0x8d: {  	v20 =	vld.idx.msk [tilespmem:v18+s21+$0x0], $0xffff;
	_ =	sdelay $0x4  }
0x8e: {  	vm0 =	vgt.f32 v19, v20;
	_ =	sdelay $0x5  }
0x8f: {  	[tilespmem:v18+s21+$0x0] =	vst.idx.msk vm0, v19  }
0x90: {  	v20 =	vld.idx.msk [tilespmem:v18+s21+$0x0], $0xffff;
	_ =	sdelay $0x4  }
0x91: {  	vm15 =	vgt.f32 v19, v20  }
0x92: {  	v20 =	vsel vm15, $0x1, v1  }
0x93: {  	v20 =	vor.u32 $0x80000000, v20  }
0x94: {  	(xrf0) =	vmax.scan.msk.u32 $0xffff, v20;
	_ =	sdelay $0x5  }
0x95: {  	v20, _, _ =	vpop (xrf0)  }
0x96: {  	(v2sf) =	vpush v20, $0xF;
	_ =	sdelay $0xe  }
0x97: {  	s5 =	spop (v2sf)  }
0x98: {  	p0 =	sgt.u32 s5, $0x80000000  }
.Ltmp6:
0x99: {  	_ = 	snop;
	(pc) =	sbr.rel @p0 .LBB2_8-.Ltmp6, $1  }
0x9a: {  	_ =	sdelay $0x3  }
.LBB2_9:
0x9b: {  	v19 =	vld.idx.msk [tilespmem:v18+s22+$0x0], $0xffff;
	_ =	sdelay $0x4  }
0x9c: {  	vm0 =	vgt.f32 v17, v19;
	_ =	sdelay $0x5  }
0x9d: {  	[tilespmem:v18+s22+$0x0] =	vst.idx.msk vm0, v17  }
0x9e: {  	v19 =	vld.idx.msk [tilespmem:v18+s22+$0x0], $0xffff;
	_ =	sdelay $0x4  }
0x9f: {  	vm15 =	vgt.f32 v17, v19  }
0xa0: {  	v19 =	vsel vm15, $0x1, v1  }
0xa1: {  	v19 =	vor.u32 $0x80000000, v19  }
0xa2: {  	(xrf0) =	vmax.scan.msk.u32 $0xffff, v19;
	_ =	sdelay $0x5  }
0xa3: {  	v19, _, _ =	vpop (xrf0)  }
0xa4: {  	(v2sf) =	vpush v19, $0xF;
	_ =	sdelay $0xe  }
0xa5: {  	s5 =	spop (v2sf)  }
0xa6: {  	p0 =	sgt.u32 s5, $0x80000000  }
.Ltmp7:
0xa7: {  	_ = 	snop;
	(pc) =	sbr.rel @p0 .LBB2_9-.Ltmp7, $1  }
0xa8: {  	_ =	sdelay $0x3  }
.LBB2_10:
0xa9: {  	v17 =	vld.idx.msk [tilespmem:v13+s23+$0x0], $0xffff;
	_ =	sdelay $0x4  }
0xaa: {  	vm0 =	vgt.f32 v16, v17;
	_ =	sdelay $0x5  }
0xab: {  	[tilespmem:v13+s23+$0x0] =	vst.idx.msk vm0, v16  }
0xac: {  	v17 =	vld.idx.msk [tilespmem:v13+s23+$0x0], $0xffff;
	_ =	sdelay $0x4  }
0xad: {  	vm15 =	vgt.f32 v16, v17  }
0xae: {  	v17 =	vsel vm15, $0x1, v1  }
0xaf: {  	v17 =	vor.u32 $0x80000000, v17  }
0xb0: {  	(xrf0) =	vmax.scan.msk.u32 $0xffff, v17;
	_ =	sdelay $0x5  }
0xb1: {  	v17, _, _ =	vpop (xrf0)  }
0xb2: {  	(v2sf) =	vpush v17, $0xF;
	_ =	sdelay $0xe  }
0xb3: {  	s5 =	spop (v2sf)  }
0xb4: {  	p0 =	sgt.u32 s5, $0x80000000  }
.Ltmp8:
0xb5: {  	_ = 	snop;
	(pc) =	sbr.rel @p0 .LBB2_10-.Ltmp8, $1  }
0xb6: {  	_ =	sdelay $0x3  }
.LBB2_11:
0xb7: {  	v16 =	vld.idx.msk [tilespmem:v13+s24+$0x0], $0xffff;
	_ =	sdelay $0x4  }
0xb8: {  	vm0 =	vgt.f32 v15, v16;
	_ =	sdelay $0x5  }
0xb9: {  	[tilespmem:v13+s24+$0x0] =	vst.idx.msk vm0, v15  }
0xba: {  	v16 =	vld.idx.msk [tilespmem:v13+s24+$0x0], $0xffff;
	_ =	sdelay $0x4  }
0xbb: {  	vm15 =	vgt.f32 v15, v16  }
0xbc: {  	v16 =	vsel vm15, $0x1, v1  }
0xbd: {  	v16 =	vor.u32 $0x80000000, v16  }
0xbe: {  	(xrf0) =	vmax.scan.msk.u32 $0xffff, v16;
	_ =	sdelay $0x5  }
0xbf: {  	v16, _, _ =	vpop (xrf0)  }
0xc0: {  	(v2sf) =	vpush v16, $0xF;
	_ =	sdelay $0xe  }
0xc1: {  	s5 =	spop (v2sf)  }
0xc2: {  	p0 =	sgt.u32 s5, $0x80000000  }
.Ltmp9:
0xc3: {  	_ = 	snop;
	(pc) =	sbr.rel @p0 .LBB2_11-.Ltmp9, $1  }
0xc4: {  	_ =	sdelay $0x3  }
.LBB2_12:
0xc5: {  	v15 =	vld.idx.msk [tilespmem:v13+s25+$0x0], $0xffff;
	_ =	sdelay $0x4  }
0xc6: {  	vm0 =	vgt.f32 v14, v15;
	_ =	sdelay $0x5  }
0xc7: {  	[tilespmem:v13+s25+$0x0] =	vst.idx.msk vm0, v14  }
0xc8: {  	v15 =	vld.idx.msk [tilespmem:v13+s25+$0x0], $0xffff;
	_ =	sdelay $0x4  }
0xc9: {  	vm15 =	vgt.f32 v14, v15  }
0xca: {  	v15 =	vsel vm15, $0x1, v1  }
0xcb: {  	v15 =	vor.u32 $0x80000000, v15  }
0xcc: {  	(xrf0) =	vmax.scan.msk.u32 $0xffff, v15;
	_ =	sdelay $0x5  }
0xcd: {  	v15, _, _ =	vpop (xrf0)  }
0xce: {  	(v2sf) =	vpush v15, $0xF;
	_ =	sdelay $0xe  }
0xcf: {  	s5 =	spop (v2sf)  }
0xd0: {  	p0 =	sgt.u32 s5, $0x80000000  }
.Ltmp10:
0xd1: {  	_ = 	snop;
	(pc) =	sbr.rel @p0 .LBB2_12-.Ltmp10, $1  }
0xd2: {  	_ =	sdelay $0x3  }
.LBB2_13:
0xd3: {  	v14 =	vld.idx.msk [tilespmem:v13+s26+$0x0], $0xffff;
	_ =	sdelay $0x4  }
0xd4: {  	vm0 =	vgt.f32 v12, v14;
	_ =	sdelay $0x5  }
0xd5: {  	[tilespmem:v13+s26+$0x0] =	vst.idx.msk vm0, v12  }
0xd6: {  	v14 =	vld.idx.msk [tilespmem:v13+s26+$0x0], $0xffff;
	_ =	sdelay $0x4  }
0xd7: {  	vm15 =	vgt.f32 v12, v14  }
0xd8: {  	v14 =	vsel vm15, $0x1, v1  }
0xd9: {  	v14 =	vor.u32 $0x80000000, v14  }
0xda: {  	(xrf0) =	vmax.scan.msk.u32 $0xffff, v14;
	_ =	sdelay $0x5  }
0xdb: {  	v14, _, _ =	vpop (xrf0)  }
0xdc: {  	(v2sf) =	vpush v14, $0xF;
	_ =	sdelay $0xe  }
0xdd: {  	s5 =	spop (v2sf)  }
0xde: {  	p0 =	sgt.u32 s5, $0x80000000  }
.Ltmp11:
0xdf: {  	_ = 	snop;
	(pc) =	sbr.rel @p0 .LBB2_13-.Ltmp11, $1  }
0xe0: {  	_ =	sdelay $0x3  }
.Ltmp12:
0xe1: {  	_ = 	snop;
	(pc) =	sbr.rel .LBB2_14-.Ltmp12, $1  }
0xe2: {  	_ =	sdelay $0x3  }
.LBB2_15:
0xe3: {  	p0 =	slt.s32 s15, $0x1  }
.Ltmp13:
0xe4: {  	_ = 	snop;
	(pc) =	sbr.rel @p0 .LBB2_24-.Ltmp13, $1  }
0xe5: {  	_ =	sdelay $0x3  }
.LBB2_16:
0xe6: {  	v12 =	vld.idx.msk [tilespmem:v3+s19+$0x0], $0xffff;
	_ =	sdelay $0x4  }
0xe7: {  	vm0 =	vgt.f32 v11, v12;
	_ =	sdelay $0x5  }
0xe8: {  	[tilespmem:v3+s19+$0x0] =	vst.idx.msk vm0, v11  }
0xe9: {  	v63 =	vld.idx.msk [tilespmem:v3+s19+$0x0], $0xffff;
	_ =	sdelay $0x4  }
0xea: {  	vm15 =	vgt.f32 v11, v63  }
0xeb: {  	v12 =	vsel vm15, $0x1, v1  }
0xec: {  	v12 =	vor.u32 $0x80000000, v12  }
0xed: {  	(xrf0) =	vmax.scan.msk.u32 $0xffff, v12;
	_ =	sdelay $0x5  }
0xee: {  	v12, _, _ =	vpop (xrf0)  }
0xef: {  	(v2sf) =	vpush v12, $0xF;
	_ =	sdelay $0xe  }
0xf0: {  	s0 =	spop (v2sf)  }
0xf1: {  	p0 =	sgt.u32 s0, $0x80000000  }
.Ltmp14:
0xf2: {  	_ = 	snop;
	(pc) =	sbr.rel @p0 .LBB2_16-.Ltmp14, $1  }
0xf3: {  	_ =	sdelay $0x3  }
.LBB2_17:
0xf4: {  	v11 =	vld.idx.msk [tilespmem:v3+s20+$0x0], $0xffff;
	_ =	sdelay $0x4  }
0xf5: {  	vm0 =	vgt.f32 v10, v11;
	_ =	sdelay $0x5  }
0xf6: {  	[tilespmem:v3+s20+$0x0] =	vst.idx.msk vm0, v10  }
0xf7: {  	v11 =	vld.idx.msk [tilespmem:v3+s20+$0x0], $0xffff;
	_ =	sdelay $0x4  }
0xf8: {  	vm15 =	vgt.f32 v10, v11  }
0xf9: {  	v11 =	vsel vm15, $0x1, v1  }
0xfa: {  	v11 =	vor.u32 $0x80000000, v11  }
0xfb: {  	(xrf0) =	vmax.scan.msk.u32 $0xffff, v11;
	_ =	sdelay $0x5  }
0xfc: {  	v11, _, _ =	vpop (xrf0)  }
0xfd: {  	(v2sf) =	vpush v11, $0xF;
	_ =	sdelay $0xe  }
0xfe: {  	s0 =	spop (v2sf)  }
0xff: {  	p0 =	sgt.u32 s0, $0x80000000  }
.Ltmp15:
0x100: {  	_ = 	snop;
	(pc) =	sbr.rel @p0 .LBB2_17-.Ltmp15, $1  }
0x101: {  	_ =	sdelay $0x3  }
.LBB2_18:
0x102: {  	v10 =	vld.idx.msk [tilespmem:v3+s21+$0x0], $0xffff;
	_ =	sdelay $0x4  }
0x103: {  	vm0 =	vgt.f32 v9, v10;
	_ =	sdelay $0x5  }
0x104: {  	[tilespmem:v3+s21+$0x0] =	vst.idx.msk vm0, v9  }
0x105: {  	v10 =	vld.idx.msk [tilespmem:v3+s21+$0x0], $0xffff;
	_ =	sdelay $0x4  }
0x106: {  	vm15 =	vgt.f32 v9, v10  }
0x107: {  	v10 =	vsel vm15, $0x1, v1  }
0x108: {  	v10 =	vor.u32 $0x80000000, v10  }
0x109: {  	(xrf0) =	vmax.scan.msk.u32 $0xffff, v10;
	_ =	sdelay $0x5  }
0x10a: {  	v10, _, _ =	vpop (xrf0)  }
0x10b: {  	(v2sf) =	vpush v10, $0xF;
	_ =	sdelay $0xe  }
0x10c: {  	s0 =	spop (v2sf)  }
0x10d: {  	p0 =	sgt.u32 s0, $0x80000000  }
.Ltmp16:
0x10e: {  	_ = 	snop;
	(pc) =	sbr.rel @p0 .LBB2_18-.Ltmp16, $1  }
0x10f: {  	_ =	sdelay $0x3  }
.LBB2_19:
0x110: {  	v9 =	vld.idx.msk [tilespmem:v3+s22+$0x0], $0xffff;
	_ =	sdelay $0x4  }
0x111: {  	vm0 =	vgt.f32 v8, v9;
	_ =	sdelay $0x5  }
0x112: {  	[tilespmem:v3+s22+$0x0] =	vst.idx.msk vm0, v8  }
0x113: {  	v9 =	vld.idx.msk [tilespmem:v3+s22+$0x0], $0xffff;
	_ =	sdelay $0x4  }
0x114: {  	vm15 =	vgt.f32 v8, v9  }
0x115: {  	v9 =	vsel vm15, $0x1, v1  }
0x116: {  	v9 =	vor.u32 $0x80000000, v9  }
0x117: {  	(xrf0) =	vmax.scan.msk.u32 $0xffff, v9;
	_ =	sdelay $0x5  }
0x118: {  	v9, _, _ =	vpop (xrf0)  }
0x119: {  	(v2sf) =	vpush v9, $0xF;
	_ =	sdelay $0xe  }
0x11a: {  	s0 =	spop (v2sf)  }
0x11b: {  	p0 =	sgt.u32 s0, $0x80000000  }
.Ltmp17:
0x11c: {  	_ = 	snop;
	(pc) =	sbr.rel @p0 .LBB2_19-.Ltmp17, $1  }
0x11d: {  	_ =	sdelay $0x3  }
.LBB2_20:
0x11e: {  	v3 =	vld.idx.msk [tilespmem:v2+s23+$0x0], $0xffff;
	_ =	sdelay $0x4  }
0x11f: {  	vm0 =	vgt.f32 v6, v3;
	_ =	sdelay $0x5  }
0x120: {  	[tilespmem:v2+s23+$0x0] =	vst.idx.msk vm0, v6  }
0x121: {  	v3 =	vld.idx.msk [tilespmem:v2+s23+$0x0], $0xffff;
	_ =	sdelay $0x4  }
0x122: {  	vm15 =	vgt.f32 v6, v3  }
0x123: {  	v3 =	vsel vm15, $0x1, v1  }
0x124: {  	v3 =	vor.u32 $0x80000000, v3  }
0x125: {  	(xrf0) =	vmax.scan.msk.u32 $0xffff, v3;
	_ =	sdelay $0x5  }
0x126: {  	v3, _, _ =	vpop (xrf0)  }
0x127: {  	(v2sf) =	vpush v3, $0xF;
	_ =	sdelay $0xe  }
0x128: {  	s0 =	spop (v2sf)  }
0x129: {  	p0 =	sgt.u32 s0, $0x80000000  }
.Ltmp18:
0x12a: {  	_ = 	snop;
	(pc) =	sbr.rel @p0 .LBB2_20-.Ltmp18, $1  }
0x12b: {  	_ =	sdelay $0x3  }
.LBB2_21:
0x12c: {  	v3 =	vld.idx.msk [tilespmem:v2+s24+$0x0], $0xffff;
	_ =	sdelay $0x4  }
0x12d: {  	vm0 =	vgt.f32 v7, v3;
	_ =	sdelay $0x5  }
0x12e: {  	[tilespmem:v2+s24+$0x0] =	vst.idx.msk vm0, v7  }
0x12f: {  	v3 =	vld.idx.msk [tilespmem:v2+s24+$0x0], $0xffff;
	_ =	sdelay $0x4  }
0x130: {  	vm15 =	vgt.f32 v7, v3  }
0x131: {  	v3 =	vsel vm15, $0x1, v1  }
0x132: {  	v3 =	vor.u32 $0x80000000, v3  }
0x133: {  	(xrf0) =	vmax.scan.msk.u32 $0xffff, v3;
	_ =	sdelay $0x5  }
0x134: {  	v3, _, _ =	vpop (xrf0)  }
0x135: {  	(v2sf) =	vpush v3, $0xF;
	_ =	sdelay $0xe  }
0x136: {  	s0 =	spop (v2sf)  }
0x137: {  	p0 =	sgt.u32 s0, $0x80000000  }
.Ltmp19:
0x138: {  	_ = 	snop;
	(pc) =	sbr.rel @p0 .LBB2_21-.Ltmp19, $1  }
0x139: {  	_ =	sdelay $0x3  }
.LBB2_22:
0x13a: {  	v3 =	vld.idx.msk [tilespmem:v2+s25+$0x0], $0xffff;
	_ =	sdelay $0x4  }
0x13b: {  	vm0 =	vgt.f32 v5, v3;
	_ =	sdelay $0x5  }
0x13c: {  	[tilespmem:v2+s25+$0x0] =	vst.idx.msk vm0, v5  }
0x13d: {  	v3 =	vld.idx.msk [tilespmem:v2+s25+$0x0], $0xffff;
	_ =	sdelay $0x4  }
0x13e: {  	vm15 =	vgt.f32 v5, v3  }
0x13f: {  	v3 =	vsel vm15, $0x1, v1  }
0x140: {  	v3 =	vor.u32 $0x80000000, v3  }
0x141: {  	(xrf0) =	vmax.scan.msk.u32 $0xffff, v3;
	_ =	sdelay $0x5  }
0x142: {  	v3, _, _ =	vpop (xrf0)  }
0x143: {  	(v2sf) =	vpush v3, $0xF;
	_ =	sdelay $0xe  }
0x144: {  	s0 =	spop (v2sf)  }
0x145: {  	p0 =	sgt.u32 s0, $0x80000000  }
.Ltmp20:
0x146: {  	_ = 	snop;
	(pc) =	sbr.rel @p0 .LBB2_22-.Ltmp20, $1  }
0x147: {  	_ =	sdelay $0x3  }
.LBB2_23:
0x148: {  	v3 =	vld.idx.msk [tilespmem:v2+s26+$0x0], $0xffff;
	_ =	sdelay $0x4  }
0x149: {  	vm0 =	vgt.f32 v4, v3;
	_ =	sdelay $0x5  }
0x14a: {  	[tilespmem:v2+s26+$0x0] =	vst.idx.msk vm0, v4  }
0x14b: {  	v3 =	vld.idx.msk [tilespmem:v2+s26+$0x0], $0xffff;
	_ =	sdelay $0x4  }
0x14c: {  	vm15 =	vgt.f32 v4, v3  }
0x14d: {  	v3 =	vsel vm15, $0x1, v1  }
0x14e: {  	v3 =	vor.u32 $0x80000000, v3  }
0x14f: {  	(xrf0) =	vmax.scan.msk.u32 $0xffff, v3;
	_ =	sdelay $0x5  }
0x150: {  	v3, _, _ =	vpop (xrf0)  }
0x151: {  	(v2sf) =	vpush v3, $0xF;
	_ =	sdelay $0xe  }
0x152: {  	s0 =	spop (v2sf)  }
0x153: {  	p0 =	sgt.u32 s0, $0x80000000  }
.Ltmp21:
0x154: {  	_ = 	snop;
	(pc) =	sbr.rel @p0 .LBB2_23-.Ltmp21, $1  }
0x155: {  	_ =	sdelay $0x3  }
.LBB2_24:
0x156: {  	p0 =	seq.s32 s30, $0x63  }
0x157: {  	s0 =	smul.u32 @!p0 $0xC80, s30;
	_ =	sdelay $0x1  }
0x158: {  	s0 =	sshrl.u32 @!p0 s0, $0x3  }
0x159: {  	s0 =	sadd.s32 @!p0 $0x190, s0  }
0x15a: {  	s5 =	simm.s32 @!p0 $0x0;
	s14 =	simm.s32 @!p0 $0x1D880;
	s1 =	sadd.s32 @!p0 s4, s0  }
0x15b: {  	[tilespmem:s14], [sflag:$0x1] =	stream.linear.gather @!p0 [hbm4b:s1+s5], $0x640, $0x38;
	[tilespmem:$0x1F280] =	vst v63  }
0x15c: {  	s0 =	sadd.s32 @!p0 s2, s0;
	s1 =	simm.s32 @!p0 $0x1E580  }
0x15d: {  	[tilespmem:s1], [sflag:$0x1] =	stream.linear.gather @!p0 [hbm4b:s0+s5], $0x640, $0x38;
	[tilespmem:$0x1F280] =	vst v63  }
0x15e: {  	_ =	swait.ge [sflag:s28], $0x640  }
.Ltmp22:
0x15f: {  	v18 =	vimm.s32 $0x0;
	[sflag:s28] =	ssyncset.done $0x0;
	(pc) =	sbr.rel .LBB2_25-.Ltmp22, $4  }
0x160: {  	[sflag:s28] =	ssyncadd.s32 $0xFFFFF9C0  }
0x161: {  	v13 =	vimm.s32 $0x0;
	v12 =	vimm.f32 $0.0e+00;
	v14 =	vimm.f32 $0.0e+00;
	_ =	swait.ge [sflag:s28], $0x640  }
0x162: {  	v15 =	vimm.f32 $0.0e+00;
	v16 =	vimm.f32 $0.0e+00;
	v17 =	vimm.f32 $0.0e+00;
	[sflag:s28] =	ssyncset.done $0x0  }
0x163: {  	v19 =	vimm.f32 $0.0e+00;
	s15 =	simm.s32 $0x0;
	v20 =	vimm.f32 $0.0e+00;
	v21 =	vimm.f32 $0.0e+00;
	s31 =	simm.s32 $0x0;
	[sflag:s28] =	ssyncadd.s32 $0xFFFFF9C0  }
.LBB2_34:
0x164: {  	s31 =	sadd.s32 $0x1, s31  }
0x165: {  	p1 =	sne.s32 s31, $0x32  }
.Ltmp23:
0x166: {  	s5 =	sxor.u32 $0x7FFFFFFF, s14;
	v18 =	vmov v3;
	(pc) =	sbr.rel @!p1 .LBB2_35-.Ltmp23, $4  }
0x167: {  	s0 =	sxor.u32 $0x80000000, s0;
	s15 =	sxor.u32 $0x7FFFFFFF, s15;
	s5 =	sadd.s32 $0x1, s5  }
0x168: {  	s14 =	sadd.s32 $0x1, s15;
	s0 =	sadd.s32 s5, s0  }
0x169: {  	s1 =	sxor.u32 $0x80000000, s1;
	v12 =	vmovc v4;
	v14 =	vmov v5;
	v15 =	vmov v7;
	v16 =	vmov v6;
	s0 =	sadd.s32 s14, s0  }
0x16a: {  	v17 =	vmovc v8;
	v19 =	vmovc v9;
	v20 =	vmov v10;
	v21 =	vmov v11;
	v13 =	vmov v2;
	s15 =	sadd.s32 s1, s0  }
.LBB2_25:
0x16b: {  	s0 =	sshll.u32 s31, $0x5  }
0x16c: {  	v2 =	vld [tilespmem:s0+$0x1DF00];
	_ =	sdelay $0x4  }
0x16d: {  	v4 =	vand.u32 $0x3FFF, v2;
	_ =	sdelay $0x1  }
0x16e: {  	v3 =	vshrl.u32 v2, $0xE;
	_ =	sdelay $0x1  }
0x16f: {  	v5 =	vld [tilespmem:s0+$0x1EC00]  }
0x170: {  	v2 =	vld.idx.msk [tilespmem:v4+s3+$0x0], $0xffff  }
0x171: {  	v6 =	vadd.s32 $0x2710, v4  }
0x172: {  	v7 =	vadd.s32 $0x4E20, v4;
	v8 =	vld.idx.msk [tilespmem:v3+s19+$0x0], $0xffff  }
0x173: {  	v4 =	vadd.s32 $0x7530, v4  }
0x174: {  	v22 =	vld [tilespmem:s0+$0x1DF10]  }
0x175: {  	v23 =	vld [tilespmem:s0+$0x1EC10];
	v11 =	vmul.f32 v2, v5  }
0x176: {  	v2 =	vld.idx.msk [tilespmem:v6+s3+$0x0], $0xffff  }
0x177: {  	v6 =	vld.idx.msk [tilespmem:v7+s3+$0x0], $0xffff;
	v7 =	vmax.f32 v8, v11  }
0x178: {  	v4 =	vld.idx.msk [tilespmem:v4+s3+$0x0], $0xffff;
	[tilespmem:v3+s19+$0x0] =	vst.idx.msk $0xffff, v7  }
0x179: {  	v7 =	vld.idx.msk [tilespmem:v3+s20+$0x0], $0xffff;
	_ =	sdelay $0x2  }
0x17a: {  	v10 =	vmul.f32 v2, v5;
	_ =	sdelay $0x1  }
0x17b: {  	v2 =	vmax.f32 v7, v10  }
0x17c: {  	[tilespmem:v3+s20+$0x0] =	vst.idx.msk $0xffff, v2  }
0x17d: {  	v7 =	vld.idx.msk [tilespmem:v3+s21+$0x0], $0xffff;
	_ =	sdelay $0x1  }
0x17e: {  	(xrf1) =	vunique.msk.u32 $0xffff, v3  }
0x17f: {  	v9 =	vmul.f32 v6, v5;
	v2 =	vshrl.u32 v22, $0xE  }
0x180: {  	(xrf1) =	vunique.msk.u32 $0xffff, v2  }
0x181: {  	v6 =	vmax.f32 v7, v9  }
0x182: {  	[tilespmem:v3+s21+$0x0] =	vst.idx.msk $0xffff, v6  }
0x183: {  	v6 =	vld.idx.msk [tilespmem:v3+s22+$0x0], $0xffff;
	_ =	sdelay $0x1  }
0x184: {  	v7 =	vand.u32 $0x3FFF, v22  }
0x185: {  	v8 =	vmul.f32 v4, v5;
	_ =	sdelay $0x1  }
0x186: {  	v4 =	vmax.f32 v6, v8  }
0x187: {  	[tilespmem:v3+s22+$0x0] =	vst.idx.msk $0xffff, v4  }
0x188: {  	v5 =	vadd.s32 $0x2710, v7;
	v4 =	vld.idx.msk [tilespmem:v7+s3+$0x0], $0xffff;
	_ =	sdelay $0x1  }
0x189: {  	v22 =	vadd.s32 $0x4E20, v7;
	_, v6, _ =	vpop (xrf1);
	v24 =	vld.idx.msk [tilespmem:v2+s23+$0x0], $0xffff  }
0x18a: {  	v6 =	vxor.u32 $0x80000000, v6;
	v7 =	vadd.s32 $0x7530, v7  }
0x18b: {  	(xrf0) =	vmax.scan.msk.u32 $0xffff, v6;
	_, v25, _ =	vpop (xrf1)  }
0x18c: {  	(xrf0) =	vmin.scan.msk.u32 $0xffff, v6;
	v6 =	vmul.f32 v4, v23;
	v4 =	vld.idx.msk [tilespmem:v5+s3+$0x0], $0xffff;
	v5 =	vxor.u32 $0x80000000, v25  }
0x18d: {  	(xrf0) =	vmax.scan.msk.u32 $0xffff, v5  }
0x18e: {  	v22 =	vld.idx.msk [tilespmem:v22+s3+$0x0], $0xffff;
	(xrf0) =	vmin.scan.msk.u32 $0xffff, v5;
	v5 =	vmax.f32 v24, v6  }
0x18f: {  	v62 =	vld.idx.msk [tilespmem:v7+s3+$0x0], $0xffff;
	[tilespmem:v2+s23+$0x0] =	vst.idx.msk $0xffff, v5  }
0x190: {  	v5 =	vld.idx.msk [tilespmem:v2+s24+$0x0], $0xffff  }
0x191: {  	v7, _, _ =	vpop (xrf0)  }
0x192: {  	v63, _, _ =	vpop (xrf0);
	(v2sf) =	vpush v7, $0xF  }
0x193: {  	(v2sf) =	vpush v63, $0xF;
	v7 =	vmul.f32 v4, v23;
	v26, _, _ =	vpop (xrf0)  }
0x194: {  	(v2sf) =	vpush v26, $0xF;
	v4, _, _ =	vpop (xrf0)  }
0x195: {  	(v2sf) =	vpush v4, $0xF;
	v4 =	vmax.f32 v5, v7  }
0x196: {  	[tilespmem:v2+s24+$0x0] =	vst.idx.msk $0xffff, v4  }
0x197: {  	v4 =	vld.idx.msk [tilespmem:v2+s25+$0x0], $0xffff;
	_ =	sdelay $0x2  }
0x198: {  	v5 =	vmul.f32 v22, v23;
	_ =	sdelay $0x1  }
0x199: {  	v4 =	vmax.f32 v4, v5  }
0x19a: {  	[tilespmem:v2+s25+$0x0] =	vst.idx.msk $0xffff, v4  }
0x19b: {  	v22 =	vld.idx.msk [tilespmem:v2+s26+$0x0], $0xffff  }
0x19c: {  	p1 =	slt.s32 s15, $0x1  }
.Ltmp24:
0x19d: {  	_ = 	snop;
	(pc) =	sbr.rel @p1 .LBB2_34-.Ltmp24, $4  }
0x19e: {  	s0 =	spop (v2sf);
	v4 =	vmul.f32 v62, v23  }
0x19f: {  	s14 =	spop (v2sf)  }
0x1a0: {  	s1 =	spop (v2sf);
	v22 =	vmax.f32 v22, v4  }
0x1a1: {  	s15 =	spop (v2sf);
	[tilespmem:v2+s26+$0x0] =	vst.idx.msk $0xffff, v22  }
.LBB2_26:
0x1a2: {  	v22 =	vld.idx.msk [tilespmem:v18+s19+$0x0], $0xffff;
	_ =	sdelay $0x4  }
0x1a3: {  	vm0 =	vgt.f32 v21, v22;
	_ =	sdelay $0x5  }
0x1a4: {  	[tilespmem:v18+s19+$0x0] =	vst.idx.msk vm0, v21  }
0x1a5: {  	v22 =	vld.idx.msk [tilespmem:v18+s19+$0x0], $0xffff;
	_ =	sdelay $0x4  }
0x1a6: {  	vm15 =	vgt.f32 v21, v22  }
0x1a7: {  	v22 =	vsel vm15, $0x1, v1  }
0x1a8: {  	v22 =	vor.u32 $0x80000000, v22  }
0x1a9: {  	(xrf0) =	vmax.scan.msk.u32 $0xffff, v22;
	_ =	sdelay $0x5  }
0x1aa: {  	v22, _, _ =	vpop (xrf0)  }
0x1ab: {  	(v2sf) =	vpush v22, $0xF;
	_ =	sdelay $0xe  }
0x1ac: {  	s5 =	spop (v2sf)  }
0x1ad: {  	p1 =	sgt.u32 s5, $0x80000000  }
.Ltmp25:
0x1ae: {  	_ = 	snop;
	(pc) =	sbr.rel @p1 .LBB2_26-.Ltmp25, $1  }
0x1af: {  	_ =	sdelay $0x3  }
.LBB2_27:
0x1b0: {  	v21 =	vld.idx.msk [tilespmem:v18+s20+$0x0], $0xffff;
	_ =	sdelay $0x4  }
0x1b1: {  	vm0 =	vgt.f32 v20, v21;
	_ =	sdelay $0x5  }
0x1b2: {  	[tilespmem:v18+s20+$0x0] =	vst.idx.msk vm0, v20  }
0x1b3: {  	v21 =	vld.idx.msk [tilespmem:v18+s20+$0x0], $0xffff;
	_ =	sdelay $0x4  }
0x1b4: {  	vm15 =	vgt.f32 v20, v21  }
0x1b5: {  	v21 =	vsel vm15, $0x1, v1  }
0x1b6: {  	v21 =	vor.u32 $0x80000000, v21  }
0x1b7: {  	(xrf0) =	vmax.scan.msk.u32 $0xffff, v21;
	_ =	sdelay $0x5  }
0x1b8: {  	v21, _, _ =	vpop (xrf0)  }
0x1b9: {  	(v2sf) =	vpush v21, $0xF;
	_ =	sdelay $0xe  }
0x1ba: {  	s5 =	spop (v2sf)  }
0x1bb: {  	p1 =	sgt.u32 s5, $0x80000000  }
.Ltmp26:
0x1bc: {  	_ = 	snop;
	(pc) =	sbr.rel @p1 .LBB2_27-.Ltmp26, $1  }
0x1bd: {  	_ =	sdelay $0x3  }
.LBB2_28:
0x1be: {  	v20 =	vld.idx.msk [tilespmem:v18+s21+$0x0], $0xffff;
	_ =	sdelay $0x4  }
0x1bf: {  	vm0 =	vgt.f32 v19, v20;
	_ =	sdelay $0x5  }
0x1c0: {  	[tilespmem:v18+s21+$0x0] =	vst.idx.msk vm0, v19  }
0x1c1: {  	v20 =	vld.idx.msk [tilespmem:v18+s21+$0x0], $0xffff;
	_ =	sdelay $0x4  }
0x1c2: {  	vm15 =	vgt.f32 v19, v20  }
0x1c3: {  	v20 =	vsel vm15, $0x1, v1  }
0x1c4: {  	v20 =	vor.u32 $0x80000000, v20  }
0x1c5: {  	(xrf0) =	vmax.scan.msk.u32 $0xffff, v20;
	_ =	sdelay $0x5  }
0x1c6: {  	v20, _, _ =	vpop (xrf0)  }
0x1c7: {  	(v2sf) =	vpush v20, $0xF;
	_ =	sdelay $0xe  }
0x1c8: {  	s5 =	spop (v2sf)  }
0x1c9: {  	p1 =	sgt.u32 s5, $0x80000000  }
.Ltmp27:
0x1ca: {  	_ = 	snop;
	(pc) =	sbr.rel @p1 .LBB2_28-.Ltmp27, $1  }
0x1cb: {  	_ =	sdelay $0x3  }
.LBB2_29:
0x1cc: {  	v19 =	vld.idx.msk [tilespmem:v18+s22+$0x0], $0xffff;
	_ =	sdelay $0x4  }
0x1cd: {  	vm0 =	vgt.f32 v17, v19;
	_ =	sdelay $0x5  }
0x1ce: {  	[tilespmem:v18+s22+$0x0] =	vst.idx.msk vm0, v17  }
0x1cf: {  	v19 =	vld.idx.msk [tilespmem:v18+s22+$0x0], $0xffff;
	_ =	sdelay $0x4  }
0x1d0: {  	vm15 =	vgt.f32 v17, v19  }
0x1d1: {  	v19 =	vsel vm15, $0x1, v1  }
0x1d2: {  	v19 =	vor.u32 $0x80000000, v19  }
0x1d3: {  	(xrf0) =	vmax.scan.msk.u32 $0xffff, v19;
	_ =	sdelay $0x5  }
0x1d4: {  	v19, _, _ =	vpop (xrf0)  }
0x1d5: {  	(v2sf) =	vpush v19, $0xF;
	_ =	sdelay $0xe  }
0x1d6: {  	s5 =	spop (v2sf)  }
0x1d7: {  	p1 =	sgt.u32 s5, $0x80000000  }
.Ltmp28:
0x1d8: {  	_ = 	snop;
	(pc) =	sbr.rel @p1 .LBB2_29-.Ltmp28, $1  }
0x1d9: {  	_ =	sdelay $0x3  }
.LBB2_30:
0x1da: {  	v17 =	vld.idx.msk [tilespmem:v13+s23+$0x0], $0xffff;
	_ =	sdelay $0x4  }
0x1db: {  	vm0 =	vgt.f32 v16, v17;
	_ =	sdelay $0x5  }
0x1dc: {  	[tilespmem:v13+s23+$0x0] =	vst.idx.msk vm0, v16  }
0x1dd: {  	v17 =	vld.idx.msk [tilespmem:v13+s23+$0x0], $0xffff;
	_ =	sdelay $0x4  }
0x1de: {  	vm15 =	vgt.f32 v16, v17  }
0x1df: {  	v17 =	vsel vm15, $0x1, v1  }
0x1e0: {  	v17 =	vor.u32 $0x80000000, v17  }
0x1e1: {  	(xrf0) =	vmax.scan.msk.u32 $0xffff, v17;
	_ =	sdelay $0x5  }
0x1e2: {  	v17, _, _ =	vpop (xrf0)  }
0x1e3: {  	(v2sf) =	vpush v17, $0xF;
	_ =	sdelay $0xe  }
0x1e4: {  	s5 =	spop (v2sf)  }
0x1e5: {  	p1 =	sgt.u32 s5, $0x80000000  }
.Ltmp29:
0x1e6: {  	_ = 	snop;
	(pc) =	sbr.rel @p1 .LBB2_30-.Ltmp29, $1  }
0x1e7: {  	_ =	sdelay $0x3  }
.LBB2_31:
0x1e8: {  	v16 =	vld.idx.msk [tilespmem:v13+s24+$0x0], $0xffff;
	_ =	sdelay $0x4  }
0x1e9: {  	vm0 =	vgt.f32 v15, v16;
	_ =	sdelay $0x5  }
0x1ea: {  	[tilespmem:v13+s24+$0x0] =	vst.idx.msk vm0, v15  }
0x1eb: {  	v16 =	vld.idx.msk [tilespmem:v13+s24+$0x0], $0xffff;
	_ =	sdelay $0x4  }
0x1ec: {  	vm15 =	vgt.f32 v15, v16  }
0x1ed: {  	v16 =	vsel vm15, $0x1, v1  }
0x1ee: {  	v16 =	vor.u32 $0x80000000, v16  }
0x1ef: {  	(xrf0) =	vmax.scan.msk.u32 $0xffff, v16;
	_ =	sdelay $0x5  }
0x1f0: {  	v16, _, _ =	vpop (xrf0)  }
0x1f1: {  	(v2sf) =	vpush v16, $0xF;
	_ =	sdelay $0xe  }
0x1f2: {  	s5 =	spop (v2sf)  }
0x1f3: {  	p1 =	sgt.u32 s5, $0x80000000  }
.Ltmp30:
0x1f4: {  	_ = 	snop;
	(pc) =	sbr.rel @p1 .LBB2_31-.Ltmp30, $1  }
0x1f5: {  	_ =	sdelay $0x3  }
.LBB2_32:
0x1f6: {  	v15 =	vld.idx.msk [tilespmem:v13+s25+$0x0], $0xffff;
	_ =	sdelay $0x4  }
0x1f7: {  	vm0 =	vgt.f32 v14, v15;
	_ =	sdelay $0x5  }
0x1f8: {  	[tilespmem:v13+s25+$0x0] =	vst.idx.msk vm0, v14  }
0x1f9: {  	v15 =	vld.idx.msk [tilespmem:v13+s25+$0x0], $0xffff;
	_ =	sdelay $0x4  }
0x1fa: {  	vm15 =	vgt.f32 v14, v15  }
0x1fb: {  	v15 =	vsel vm15, $0x1, v1  }
0x1fc: {  	v15 =	vor.u32 $0x80000000, v15  }
0x1fd: {  	(xrf0) =	vmax.scan.msk.u32 $0xffff, v15;
	_ =	sdelay $0x5  }
0x1fe: {  	v15, _, _ =	vpop (xrf0)  }
0x1ff: {  	(v2sf) =	vpush v15, $0xF;
	_ =	sdelay $0xe  }
0x200: {  	s5 =	spop (v2sf)  }
0x201: {  	p1 =	sgt.u32 s5, $0x80000000  }
.Ltmp31:
0x202: {  	_ = 	snop;
	(pc) =	sbr.rel @p1 .LBB2_32-.Ltmp31, $1  }
0x203: {  	_ =	sdelay $0x3  }
.LBB2_33:
0x204: {  	v14 =	vld.idx.msk [tilespmem:v13+s26+$0x0], $0xffff;
	_ =	sdelay $0x4  }
0x205: {  	vm0 =	vgt.f32 v12, v14;
	_ =	sdelay $0x5  }
0x206: {  	[tilespmem:v13+s26+$0x0] =	vst.idx.msk vm0, v12  }
0x207: {  	v14 =	vld.idx.msk [tilespmem:v13+s26+$0x0], $0xffff;
	_ =	sdelay $0x4  }
0x208: {  	vm15 =	vgt.f32 v12, v14  }
0x209: {  	v14 =	vsel vm15, $0x1, v1  }
0x20a: {  	v14 =	vor.u32 $0x80000000, v14  }
0x20b: {  	(xrf0) =	vmax.scan.msk.u32 $0xffff, v14;
	_ =	sdelay $0x5  }
0x20c: {  	v14, _, _ =	vpop (xrf0)  }
0x20d: {  	(v2sf) =	vpush v14, $0xF;
	_ =	sdelay $0xe  }
0x20e: {  	s5 =	spop (v2sf)  }
0x20f: {  	p1 =	sgt.u32 s5, $0x80000000  }
.Ltmp32:
0x210: {  	_ = 	snop;
	(pc) =	sbr.rel @p1 .LBB2_33-.Ltmp32, $1  }
0x211: {  	_ =	sdelay $0x3  }
.Ltmp33:
0x212: {  	_ = 	snop;
	(pc) =	sbr.rel .LBB2_34-.Ltmp33, $1  }
0x213: {  	_ =	sdelay $0x3  }
.LBB2_35:
0x214: {  	p1 =	slt.s32 s15, $0x1  }
.Ltmp34:
0x215: {  	_ = 	snop;
	(pc) =	sbr.rel @p1 .LBB2_44-.Ltmp34, $1  }
0x216: {  	_ =	sdelay $0x3  }
.LBB2_36:
0x217: {  	v12 =	vld.idx.msk [tilespmem:v3+s19+$0x0], $0xffff;
	_ =	sdelay $0x4  }
0x218: {  	vm0 =	vgt.f32 v11, v12;
	_ =	sdelay $0x5  }
0x219: {  	[tilespmem:v3+s19+$0x0] =	vst.idx.msk vm0, v11  }
0x21a: {  	v63 =	vld.idx.msk [tilespmem:v3+s19+$0x0], $0xffff;
	_ =	sdelay $0x4  }
0x21b: {  	vm15 =	vgt.f32 v11, v63  }
0x21c: {  	v12 =	vsel vm15, $0x1, v1  }
0x21d: {  	v12 =	vor.u32 $0x80000000, v12  }
0x21e: {  	(xrf0) =	vmax.scan.msk.u32 $0xffff, v12;
	_ =	sdelay $0x5  }
0x21f: {  	v12, _, _ =	vpop (xrf0)  }
0x220: {  	(v2sf) =	vpush v12, $0xF;
	_ =	sdelay $0xe  }
0x221: {  	s0 =	spop (v2sf)  }
0x222: {  	p1 =	sgt.u32 s0, $0x80000000  }
.Ltmp35:
0x223: {  	_ = 	snop;
	(pc) =	sbr.rel @p1 .LBB2_36-.Ltmp35, $1  }
0x224: {  	_ =	sdelay $0x3  }
.LBB2_37:
0x225: {  	v11 =	vld.idx.msk [tilespmem:v3+s20+$0x0], $0xffff;
	_ =	sdelay $0x4  }
0x226: {  	vm0 =	vgt.f32 v10, v11;
	_ =	sdelay $0x5  }
0x227: {  	[tilespmem:v3+s20+$0x0] =	vst.idx.msk vm0, v10  }
0x228: {  	v11 =	vld.idx.msk [tilespmem:v3+s20+$0x0], $0xffff;
	_ =	sdelay $0x4  }
0x229: {  	vm15 =	vgt.f32 v10, v11  }
0x22a: {  	v11 =	vsel vm15, $0x1, v1  }
0x22b: {  	v11 =	vor.u32 $0x80000000, v11  }
0x22c: {  	(xrf0) =	vmax.scan.msk.u32 $0xffff, v11;
	_ =	sdelay $0x5  }
0x22d: {  	v11, _, _ =	vpop (xrf0)  }
0x22e: {  	(v2sf) =	vpush v11, $0xF;
	_ =	sdelay $0xe  }
0x22f: {  	s0 =	spop (v2sf)  }
0x230: {  	p1 =	sgt.u32 s0, $0x80000000  }
.Ltmp36:
0x231: {  	_ = 	snop;
	(pc) =	sbr.rel @p1 .LBB2_37-.Ltmp36, $1  }
0x232: {  	_ =	sdelay $0x3  }
.LBB2_38:
0x233: {  	v10 =	vld.idx.msk [tilespmem:v3+s21+$0x0], $0xffff;
	_ =	sdelay $0x4  }
0x234: {  	vm0 =	vgt.f32 v9, v10;
	_ =	sdelay $0x5  }
0x235: {  	[tilespmem:v3+s21+$0x0] =	vst.idx.msk vm0, v9  }
0x236: {  	v10 =	vld.idx.msk [tilespmem:v3+s21+$0x0], $0xffff;
	_ =	sdelay $0x4  }
0x237: {  	vm15 =	vgt.f32 v9, v10  }
0x238: {  	v10 =	vsel vm15, $0x1, v1  }
0x239: {  	v10 =	vor.u32 $0x80000000, v10  }
0x23a: {  	(xrf0) =	vmax.scan.msk.u32 $0xffff, v10;
	_ =	sdelay $0x5  }
0x23b: {  	v10, _, _ =	vpop (xrf0)  }
0x23c: {  	(v2sf) =	vpush v10, $0xF;
	_ =	sdelay $0xe  }
0x23d: {  	s0 =	spop (v2sf)  }
0x23e: {  	p1 =	sgt.u32 s0, $0x80000000  }
.Ltmp37:
0x23f: {  	_ = 	snop;
	(pc) =	sbr.rel @p1 .LBB2_38-.Ltmp37, $1  }
0x240: {  	_ =	sdelay $0x3  }
.LBB2_39:
0x241: {  	v9 =	vld.idx.msk [tilespmem:v3+s22+$0x0], $0xffff;
	_ =	sdelay $0x4  }
0x242: {  	vm0 =	vgt.f32 v8, v9;
	_ =	sdelay $0x5  }
0x243: {  	[tilespmem:v3+s22+$0x0] =	vst.idx.msk vm0, v8  }
0x244: {  	v9 =	vld.idx.msk [tilespmem:v3+s22+$0x0], $0xffff;
	_ =	sdelay $0x4  }
0x245: {  	vm15 =	vgt.f32 v8, v9  }
0x246: {  	v9 =	vsel vm15, $0x1, v1  }
0x247: {  	v9 =	vor.u32 $0x80000000, v9  }
0x248: {  	(xrf0) =	vmax.scan.msk.u32 $0xffff, v9;
	_ =	sdelay $0x5  }
0x249: {  	v9, _, _ =	vpop (xrf0)  }
0x24a: {  	(v2sf) =	vpush v9, $0xF;
	_ =	sdelay $0xe  }
0x24b: {  	s0 =	spop (v2sf)  }
0x24c: {  	p1 =	sgt.u32 s0, $0x80000000  }
.Ltmp38:
0x24d: {  	_ = 	snop;
	(pc) =	sbr.rel @p1 .LBB2_39-.Ltmp38, $1  }
0x24e: {  	_ =	sdelay $0x3  }
.LBB2_40:
0x24f: {  	v3 =	vld.idx.msk [tilespmem:v2+s23+$0x0], $0xffff;
	_ =	sdelay $0x4  }
0x250: {  	vm0 =	vgt.f32 v6, v3;
	_ =	sdelay $0x5  }
0x251: {  	[tilespmem:v2+s23+$0x0] =	vst.idx.msk vm0, v6  }
0x252: {  	v3 =	vld.idx.msk [tilespmem:v2+s23+$0x0], $0xffff;
	_ =	sdelay $0x4  }
0x253: {  	vm15 =	vgt.f32 v6, v3  }
0x254: {  	v3 =	vsel vm15, $0x1, v1  }
0x255: {  	v3 =	vor.u32 $0x80000000, v3  }
0x256: {  	(xrf0) =	vmax.scan.msk.u32 $0xffff, v3;
	_ =	sdelay $0x5  }
0x257: {  	v3, _, _ =	vpop (xrf0)  }
0x258: {  	(v2sf) =	vpush v3, $0xF;
	_ =	sdelay $0xe  }
0x259: {  	s0 =	spop (v2sf)  }
0x25a: {  	p1 =	sgt.u32 s0, $0x80000000  }
.Ltmp39:
0x25b: {  	_ = 	snop;
	(pc) =	sbr.rel @p1 .LBB2_40-.Ltmp39, $1  }
0x25c: {  	_ =	sdelay $0x3  }
.LBB2_41:
0x25d: {  	v3 =	vld.idx.msk [tilespmem:v2+s24+$0x0], $0xffff;
	_ =	sdelay $0x4  }
0x25e: {  	vm0 =	vgt.f32 v7, v3;
	_ =	sdelay $0x5  }
0x25f: {  	[tilespmem:v2+s24+$0x0] =	vst.idx.msk vm0, v7  }
0x260: {  	v3 =	vld.idx.msk [tilespmem:v2+s24+$0x0], $0xffff;
	_ =	sdelay $0x4  }
0x261: {  	vm15 =	vgt.f32 v7, v3  }
0x262: {  	v3 =	vsel vm15, $0x1, v1  }
0x263: {  	v3 =	vor.u32 $0x80000000, v3  }
0x264: {  	(xrf0) =	vmax.scan.msk.u32 $0xffff, v3;
	_ =	sdelay $0x5  }
0x265: {  	v3, _, _ =	vpop (xrf0)  }
0x266: {  	(v2sf) =	vpush v3, $0xF;
	_ =	sdelay $0xe  }
0x267: {  	s0 =	spop (v2sf)  }
0x268: {  	p1 =	sgt.u32 s0, $0x80000000  }
.Ltmp40:
0x269: {  	_ = 	snop;
	(pc) =	sbr.rel @p1 .LBB2_41-.Ltmp40, $1  }
0x26a: {  	_ =	sdelay $0x3  }
.LBB2_42:
0x26b: {  	v3 =	vld.idx.msk [tilespmem:v2+s25+$0x0], $0xffff;
	_ =	sdelay $0x4  }
0x26c: {  	vm0 =	vgt.f32 v5, v3;
	_ =	sdelay $0x5  }
0x26d: {  	[tilespmem:v2+s25+$0x0] =	vst.idx.msk vm0, v5  }
0x26e: {  	v3 =	vld.idx.msk [tilespmem:v2+s25+$0x0], $0xffff;
	_ =	sdelay $0x4  }
0x26f: {  	vm15 =	vgt.f32 v5, v3  }
0x270: {  	v3 =	vsel vm15, $0x1, v1  }
0x271: {  	v3 =	vor.u32 $0x80000000, v3  }
0x272: {  	(xrf0) =	vmax.scan.msk.u32 $0xffff, v3;
	_ =	sdelay $0x5  }
0x273: {  	v3, _, _ =	vpop (xrf0)  }
0x274: {  	(v2sf) =	vpush v3, $0xF;
	_ =	sdelay $0xe  }
0x275: {  	s0 =	spop (v2sf)  }
0x276: {  	p1 =	sgt.u32 s0, $0x80000000  }
.Ltmp41:
0x277: {  	_ = 	snop;
	(pc) =	sbr.rel @p1 .LBB2_42-.Ltmp41, $1  }
0x278: {  	_ =	sdelay $0x3  }
.LBB2_43:
0x279: {  	v3 =	vld.idx.msk [tilespmem:v2+s26+$0x0], $0xffff;
	_ =	sdelay $0x4  }
0x27a: {  	vm0 =	vgt.f32 v4, v3;
	_ =	sdelay $0x5  }
0x27b: {  	[tilespmem:v2+s26+$0x0] =	vst.idx.msk vm0, v4  }
0x27c: {  	v3 =	vld.idx.msk [tilespmem:v2+s26+$0x0], $0xffff;
	_ =	sdelay $0x4  }
0x27d: {  	vm15 =	vgt.f32 v4, v3  }
0x27e: {  	v3 =	vsel vm15, $0x1, v1  }
0x27f: {  	v3 =	vor.u32 $0x80000000, v3  }
0x280: {  	(xrf0) =	vmax.scan.msk.u32 $0xffff, v3;
	_ =	sdelay $0x5  }
0x281: {  	v3, _, _ =	vpop (xrf0)  }
0x282: {  	(v2sf) =	vpush v3, $0xF;
	_ =	sdelay $0xe  }
0x283: {  	s0 =	spop (v2sf)  }
0x284: {  	p1 =	sgt.u32 s0, $0x80000000  }
.Ltmp42:
0x285: {  	_ = 	snop;
	(pc) =	sbr.rel @p1 .LBB2_43-.Ltmp42, $1  }
0x286: {  	_ =	sdelay $0x3  }
.LBB2_44:
.Ltmp43:
0x287: {  	(pc) =	sbr.rel @p0 .LBB2_46-.Ltmp43, $1  }
0x288: {  	_ =	sdelay $0x3  }
0x289: {  	s0 =	smul.u32 $0xC80, s30;
	_ =	sdelay $0x1  }
0x28a: {  	s0 =	sshrl.u32 s0, $0x3  }
.Ltmp44:
0x28b: {  	s0 =	sadd.s32 $0x258, s0;
	(pc) =	sbr.rel .LBB2_4-.Ltmp44, $4  }
0x28c: {  	s1 =	sadd.s32 s4, s0  }
0x28d: {  	[tilespmem:s16], [sflag:$0x2] =	stream.linear.gather [hbm4b:s1+s3], $0x640, $0x38;
	[tilespmem:$0x1F280] =	vst v63  }
0x28e: {  	s30 =	sadd.s32 $0x1, s30;
	s0 =	sadd.s32 s2, s0  }
0x28f: {  	[tilespmem:s17], [sflag:$0x2] =	stream.linear.gather [hbm4b:s0+s3], $0x640, $0x38;
	[tilespmem:$0x1F280] =	vst v63  }
.LBB2_46:
0x290: {  	s0 =	simm.s32 $0x0  }
0x291: {  	v7 =	vld [tilespmem:s0+$0x13A80]  }
0x292: {  	v8 =	vld [tilespmem:s0+$0x16200]  }
0x293: {  	v2 =	vld [tilespmem:s0+$0x18980]  }
0x294: {  	v3 =	vld [tilespmem:s0+$0x1B100]  }
0x295: {  	v6 =	vld [tilespmem:s0+$0x9C80]  }
0x296: {  	v4 =	vld [tilespmem:s0+$0xC400]  }
0x297: {  	s1 =	simm.s32 $0x40;
	v5 =	vld [tilespmem:s0+$0xEB80]  }
.LBB2_47:
0x298: {  	s5 =	sshra.s32 s1, $0x2;
	p0 =	sne.s32 s1, $0x9C00;
	v9 =	vld [tilespmem:s0+$0x11300];
	v10 =	vmov v2  }
0x299: {  	v11 =	vld [tilespmem:s5+$0x13A80];
	v12 =	vmov v3  }
0x29a: {  	v13 =	vld [tilespmem:s5+$0x16200];
	v3 =	vmax.f32 v6, v7  }
.Ltmp45:
0x29b: {  	v2 =	vld [tilespmem:s5+$0x18980];
	[tilespmem:s0+$0x9C80] =	vst v3;
	v4 =	vmax.f32 v4, v8;
	(pc) =	sbr.rel @p0 .LBB2_47-.Ltmp45, $4  }
0x29c: {  	v3 =	vld [tilespmem:s5+$0x1B100];
	[tilespmem:s0+$0xC400] =	vst v4;
	v4 =	vmax.f32 v5, v10  }
0x29d: {  	v6 =	vld [tilespmem:s5+$0x9C80];
	[tilespmem:s0+$0xEB80] =	vst v4;
	v5 =	vmax.f32 v9, v12  }
0x29e: {  	v4 =	vld [tilespmem:s5+$0xC400];
	[tilespmem:s0+$0x11300] =	vst v5;
	v7 =	vmov v11;
	s0 =	smov.u32 s5  }
0x29f: {  	s1 =	sadd.s32 $0x40, s1;
	v5 =	vld [tilespmem:s0+$0xEB80];
	v8 =	vmov v13  }
0x2a0: {  	v9 =	vld [tilespmem:s0+$0x11300];
	_ =	sdelay $0x1  }
0x2a1: {  	v6 =	vmax.f32 v6, v7  }
0x2a2: {  	[tilespmem:s0+$0x9C80] =	vst v6;
	v4 =	vmax.f32 v4, v8  }
0x2a3: {  	[tilespmem:s0+$0xC400] =	vst v4;
	v2 =	vmax.f32 v5, v2  }
0x2a4: {  	[tilespmem:s0+$0xEB80] =	vst v2;
	v2 =	vmax.f32 v9, v3  }
0x2a5: {  	[tilespmem:s0+$0x11300] =	vst v2  }
0x2a6: {  	[hbm4b:s7+s3] =	stream.linear.scatter [tilespmem:s19], [sflag:$0x3], $0x2710, $0x38;
	[tilespmem:$0x1F280] =	vst v63  }
0x2a7: {  	_ =	swait.ge [sflag:s13], $0x2710  }
0x2a8: {  	[sflag:s13] =	ssyncset.done $0x0  }
0x2a9: {  	[sflag:s13] =	ssyncadd.s32 $0xFFFFD8F0  }
0x2aa: {  	[hbm4b:s9+s3] =	stream.linear.scatter [tilespmem:s20], [sflag:$0x3], $0x2710, $0x38;
	[tilespmem:$0x1F280] =	vst v63  }
0x2ab: {  	_ =	swait.ge [sflag:s13], $0x2710  }
0x2ac: {  	[sflag:s13] =	ssyncset.done $0x0  }
0x2ad: {  	[sflag:s13] =	ssyncadd.s32 $0xFFFFD8F0  }
0x2ae: {  	[hbm4b:s10+s3] =	stream.linear.scatter [tilespmem:s21], [sflag:$0x3], $0x2710, $0x38;
	[tilespmem:$0x1F280] =	vst v63  }
0x2af: {  	s29 =	sadd.s32 $0x1, s29;
	_ =	swait.ge [sflag:s13], $0x2710  }
0x2b0: {  	p0 =	sne.s32 s29, s12;
	[sflag:s13] =	ssyncset.done $0x0  }
.Ltmp46:
0x2b1: {  	[sflag:s13] =	ssyncadd.s32 $0xFFFFD8F0;
	(pc) =	sbr.rel @p0 .LBB2_1-.Ltmp46, $4  }
0x2b2: {  	[hbm4b:s11+s3] =	stream.linear.scatter [tilespmem:s22], [sflag:$0x3], $0x2710, $0x38;
	[tilespmem:$0x1F280] =	vst v63  }
0x2b3: {  	_ =	swait.ge [sflag:s13], $0x2710  }
0x2b4: {  	[sflag:s13] =	ssyncset.done $0x0  }
0x2b5: {  	[sflag:s13] =	ssyncadd.s32 $0xFFFFD8F0  }
0x2b6: {  	_ =	sfence.sel $0x180000  }
0x2b7: {  	[bflag:$0x0] =	sbarrier.arrive $0xFFFF  }
0x2b8: {  	_ =	strace $0x9000004D  }
0x2b9: {  	s0 =	stileid.u32;
	[bflag:$0x2] =	sbarrier.arrive $0xFFFF  }
0x2ba: {  	p0 =	sne.s32 s0, $0x0;
	s0 =	rddreg [dreg:$0x4]  }
0x2bb: {  	s0 =	sadd.s32 @!p0 $0x100000, s0  }
0x2bc: {  	[sflag:s0] =	ssyncadd.tile.s32 @!p0 $0x1;
	_ =	shalt  }
.Lfunc_end2:
_tile_overlayer_lowered:
.L_overlay_start_2:
0x2bd: {  	(tag) =	ssettag $0x2  }
0x2be: {  	s0 =	rddreg [dreg:$0x0];
	s2 =	stileid.u32  }
0x2bf: {  	s1 =	rddreg [dreg:$0x1];
	p0 =	sne.s32 s2, $0x0  }
0x2c0: {  	s3 =	rddreg [dreg:$0x2];
	[bflag:$0x3] =	sbarrier.arrive $0xFFFF;
	s2 =	simm.s32 @!p0 $0x1C03  }
0x2c1: {  	[timem:s3], [sflag:s2] =	dma.local @!p0 [hbm:s0], s1  }
0x2c2: {  	s0 =	simm.s32 @!p0 $0x3  }
0x2c3: {  	_ =	swait.ge @!p0 [sflag:s0], s1  }
0x2c4: {  	s1 =	ssub.s32 @!p0 $0x0, s1;
	[sflag:s0] =	ssyncset.done @!p0 $0x0  }
0x2c5: {  	[sflag:s0] =	ssyncadd.s32 @!p0 s1  }
0x2c6: {  	[bflag:$0x3] =	sbarrier.arrive $0xFFFF  }
0x2c7: {  	_ =	shalt  }

</sc_bundles>
